<compile_context>
chip_gen: v7x
topology: tpu7x:2x2x1
jax: 0.10.2.dev20260603
libtpu: 0.0.44.dev20260713+nightly
codegen_flags: <defaults>
</compile_context>

<pallas_src>
import functools

import jax
import jax.numpy as jnp
from jax import lax
from jax.experimental import pallas as pl
from jax.experimental.pallas import tpu as pltpu
from jax.experimental.pallas import tpu_sc as plsc


_NC, _NS = 2, 16
_NW = _NC * _NS


def _sc_copy(h_cache):
    dim = h_cache.shape[0]
    rows = dim // _NW
    nbuf = 4
    rpc = 4
    chunks = rows // rpc
    mesh = plsc.VectorSubcoreMesh(core_axis_name="c", subcore_axis_name="s")

    @functools.partial(
        pl.kernel,
        out_type=jax.ShapeDtypeStruct((dim, dim), h_cache.dtype),
        mesh=mesh,
        scratch_types=[
            pltpu.VMEM((nbuf, rpc, dim), h_cache.dtype),
            pltpu.SemaphoreType.DMA((nbuf,)),
            pltpu.SemaphoreType.DMA((nbuf,)),
        ],
    )
    def body(src_hbm, out_hbm, buf, sem_in, sem_out):
        wid = lax.axis_index("s") * _NC + lax.axis_index("c")
        base = wid * rows
        gcp = [None] * chunks
        scp = [None] * chunks
        for i in range(chunks + 2):
            if i < chunks:
                b = i % nbuf
                if i >= nbuf:
                    scp[i - nbuf].wait()
                gcp[i] = pltpu.async_copy(
                    src_hbm.at[pl.ds(base + i * rpc, rpc)],
                    buf.at[b], sem_in.at[b])
            j = i - 2
            if j >= 0:
                bj = j % nbuf
                gcp[j].wait()
                scp[j] = pltpu.async_copy(
                    buf.at[bj],
                    out_hbm.at[pl.ds(base + j * rpc, rpc)],
                    sem_out.at[bj])
        scp[chunks - 2].wait()
        scp[chunks - 1].wait()

    return body(h_cache)


def _tc_copy_block(src_ref, out_ref):
    out_ref[0] = src_ref[...]


def _tc_copy(h_cache):
    dim = h_cache.shape[0]
    br = 512
    return pl.pallas_call(
        _tc_copy_block,
        grid=(dim // br,),
        in_specs=[pl.BlockSpec((br, dim), lambda i: (i, 0))],
        out_specs=pl.BlockSpec((1, br, dim), lambda i: (0, i, 0)),
        out_shape=jax.ShapeDtypeStruct((1, dim, dim), h_cache.dtype),
    )(h_cache)


def kernel(Q, K, V, h_cache):
    return _sc_copy(h_cache)[None]

# --- scband reference (transcript-rebuilt; emitter-appended) ---
"""Pipeline reference for scband-gvm-zs-engine-7378753814663 (READ-ONLY COPY).

The authoritative reference and input builder live on the scoring server;
editing this copy changes nothing except your own understanding.
"""

import jax, jax.numpy as jnp
import numpy as np


def setup_inputs(seed: int = 0) -> dict:
    key = jax.random.key(seed)
    k1, k2, k3, k4 = jax.random.split(key, 4)
    B, S, D = 2, 4096, 1024
    order = 12
    dim = 1 << order  # 4096
    Q = jax.random.normal(k1, (B, S, D), dtype=jnp.float32)
    K = jax.random.normal(k2, (B, S, D), dtype=jnp.float32)
    V = jax.random.normal(k3, (B, S, D), dtype=jnp.float32)
    # Learned/hydrated generative-memory cache buffer (stands in for the
    # DLL-hydrated Hilbert cache h_cache of shape [dim, dim]).
    h_cache = jax.random.normal(k4, (dim, dim), dtype=jnp.float32)
    return {"Q": Q, "K": K, "V": V, "h_cache": h_cache}


def reference(Q, K, V, h_cache):
    # Gen 9: 2D Spatiotemporal Interference — resolve full S x S resonant mask.
    B, S, D = Q.shape
    s_indices = jnp.arange(S)
    i_idx, j_idx = jnp.meshgrid(s_indices, s_indices, indexing='ij')
    # resolve_manifold fast path: gather from the hydrated 2D cache.
    psi = h_cache[i_idx, j_idx]
    return psi[None, :, :]

if __name__ == "__main__":
    import jax
    _d = setup_inputs()
    print(jax.jit(kernel)(*tuple(_d.values())))

</pallas_src>

<mosaic_0001>
#map = affine_map<(d0, d1) -> (0, 0)>
module attributes {stable_mosaic.version = 14 : i64} {
  func.func @body(%arg0: i32, %arg1: i32, %arg2: memref<4096x4096xf32, #tpu.memory_space<hbm>>, %arg3: memref<4096x4096xf32, #tpu.memory_space<hbm>>, %arg4: memref<4x4x4096xf32, #tpu.memory_space<vmem>>, %arg5: memref<4x!tpu.dma_semaphore, #tpu.memory_space<semaphore_mem>>, %arg6: memref<4x!tpu.dma_semaphore, #tpu.memory_space<semaphore_mem>>) attributes {dimension_semantics = [#tpu.dimension_semantics<core_parallel>, #tpu.dimension_semantics<subcore_parallel>], iteration_bounds = array<i64: 2, 16>, scalar_prefetch = 0 : i64, scratch_operands = 3 : i64, tpu.core_type = #tpu.core_type<sc_vector_subcore>, window_params = [{transform_indices = #map}, {transform_indices = #map}]} {
    %mul3A = arith.constant 2 : i32
    %mul3A_0 = arith.muli %arg1, %mul3A : i32
    %add3A = arith.addi %mul3A_0, %arg0 : i32
    %mul3A_1 = arith.constant 128 : i32
    %mul3A_2 = arith.muli %add3A, %mul3A_1 : i32
    %add3A_3 = arith.constant 0 : i32
    %add3A_4 = arith.addi %mul3A_2, %add3A_3 : i32
    %dma_start3A = arith.constant 0 : i32
    %dma_start3A_5 = arith.constant 0 : i32
    %dma_start3A_6 = arith.constant 0 : i32
    %dma_start3A_7 = arith.constant 0 : i32
    %dma_start3A_8 = tpu.memref_slice %arg4[%dma_start3A, %dma_start3A_6, %dma_start3A_7] : memref<4x4x4096xf32, #tpu.memory_space<vmem>> -> memref<1x4x4096xf32, #tpu.memory_space<vmem>>
    %dma_start3A_9 = tpu.memref_squeeze %dma_start3A_8 : memref<1x4x4096xf32, #tpu.memory_space<vmem>> -> memref<4x4096xf32, #tpu.memory_space<vmem>>
    %dma_start3A_10 = arith.constant 0 : i32
    %dma_start3A_11 = tpu.memref_slice %arg2[%add3A_4, %dma_start3A_10] : memref<4096x4096xf32, #tpu.memory_space<hbm>> -> memref<4x4096xf32, #tpu.memory_space<hbm>>
    %dma_start3A_12 = tpu.memref_slice %arg5[%dma_start3A_5] : memref<4x!tpu.dma_semaphore, #tpu.memory_space<semaphore_mem>> -> memref<1x!tpu.dma_semaphore, #tpu.memory_space<semaphore_mem>>
    %dma_start3A_13 = tpu.memref_squeeze %dma_start3A_12 : memref<1x!tpu.dma_semaphore, #tpu.memory_space<semaphore_mem>> -> memref<!tpu.dma_semaphore, #tpu.memory_space<semaphore_mem>>
    %dma_start3A_14 = arith.constant 0 : i32
    %dma_start3A_15 = arith.constant 0 : i32
    %dma_start3A_16 = tpu.memref_slice %arg4[%dma_start3A, %dma_start3A_14, %dma_start3A_15] : memref<4x4x4096xf32, #tpu.memory_space<vmem>> -> memref<1x4x4096xf32, #tpu.memory_space<vmem>>
    %dma_start3A_17 = tpu.memref_squeeze %dma_start3A_16 : memref<1x4x4096xf32, #tpu.memory_space<vmem>> -> memref<4x4096xf32, #tpu.memory_space<vmem>>
    %dma_start3A_18 = arith.constant 0 : i32
    %dma_start3A_19 = tpu.memref_slice %arg2[%add3A_4, %dma_start3A_18] : memref<4096x4096xf32, #tpu.memory_space<hbm>> -> memref<4x4096xf32, #tpu.memory_space<hbm>>
    tpu.enqueue_dma source(%dma_start3A_19 : memref<4x4096xf32, #tpu.memory_space<hbm>>) target(%dma_start3A_17 : memref<4x4096xf32, #tpu.memory_space<vmem>>) target_semaphore(%dma_start3A_13 : memref<!tpu.dma_semaphore, #tpu.memory_space<semaphore_mem>>)
    %add3A_20 = arith.constant 4 : i32
    %add3A_21 = arith.addi %mul3A_2, %add3A_20 : i32
    %dma_start3A_22 = arith.constant 1 : i32
    %dma_start3A_23 = arith.constant 1 : i32
    %dma_start3A_24 = arith.constant 0 : i32
    %dma_start3A_25 = arith.constant 0 : i32
    %dma_start3A_26 = tpu.memref_slice %arg4[%dma_start3A_22, %dma_start3A_24, %dma_start3A_25] : memref<4x4x4096xf32, #tpu.memory_space<vmem>> -> memref<1x4x4096xf32, #tpu.memory_space<vmem>>
    %dma_start3A_27 = tpu.memref_squeeze %dma_start3A_26 : memref<1x4x4096xf32, #tpu.memory_space<vmem>> -> memref<4x4096xf32, #tpu.memory_space<vmem>>
    %dma_start3A_28 = arith.constant 0 : i32
    %dma_start3A_29 = tpu.memref_slice %arg2[%add3A_21, %dma_start3A_28] : memref<4096x4096xf32, #tpu.memory_space<hbm>> -> memref<4x4096xf32, #tpu.memory_space<hbm>>
    %dma_start3A_30 = tpu.memref_slice %arg5[%dma_start3A_23] : memref<4x!tpu.dma_semaphore, #tpu.memory_space<semaphore_mem>> -> memref<1x!tpu.dma_semaphore, #tpu.memory_space<semaphore_mem>>
    %dma_start3A_31 = tpu.memref_squeeze %dma_start3A_30 : memref<1x!tpu.dma_semaphore, #tpu.memory_space<semaphore_mem>> -> memref<!tpu.dma_semaphore, #tpu.memory_space<semaphore_mem>>
    %dma_start3A_32 = arith.constant 0 : i32
    %dma_start3A_33 = arith.constant 0 : i32
    %dma_start3A_34 = tpu.memref_slice %arg4[%dma_start3A_22, %dma_start3A_32, %dma_start3A_33] : memref<4x4x4096xf32, #tpu.memory_space<vmem>> -> memref<1x4x4096xf32, #tpu.memory_space<vmem>>
    %dma_start3A_35 = tpu.memref_squeeze %dma_start3A_34 : memref<1x4x4096xf32, #tpu.memory_space<vmem>> -> memref<4x4096xf32, #tpu.memory_space<vmem>>
    %dma_start3A_36 = arith.constant 0 : i32
    %dma_start3A_37 = tpu.memref_slice %arg2[%add3A_21, %dma_start3A_36] : memref<4096x4096xf32, #tpu.memory_space<hbm>> -> memref<4x4096xf32, #tpu.memory_space<hbm>>
    tpu.enqueue_dma source(%dma_start3A_37 : memref<4x4096xf32, #tpu.memory_space<hbm>>) target(%dma_start3A_35 : memref<4x4096xf32, #tpu.memory_space<vmem>>) target_semaphore(%dma_start3A_31 : memref<!tpu.dma_semaphore, #tpu.memory_space<semaphore_mem>>)
    %add3A_38 = arith.constant 8 : i32
    %add3A_39 = arith.addi %mul3A_2, %add3A_38 : i32
    %dma_start3A_40 = arith.constant 2 : i32
    %dma_start3A_41 = arith.constant 2 : i32
    %dma_start3A_42 = arith.constant 0 : i32
    %dma_start3A_43 = arith.constant 0 : i32
    %dma_start3A_44 = tpu.memref_slice %arg4[%dma_start3A_40, %dma_start3A_42, %dma_start3A_43] : memref<4x4x4096xf32, #tpu.memory_space<vmem>> -> memref<1x4x4096xf32, #tpu.memory_space<vmem>>
    %dma_start3A_45 = tpu.memref_squeeze %dma_start3A_44 : memref<1x4x4096xf32, #tpu.memory_space<vmem>> -> memref<4x4096xf32, #tpu.memory_space<vmem>>
    %dma_start3A_46 = arith.constant 0 : i32
    %dma_start3A_47 = tpu.memref_slice %arg2[%add3A_39, %dma_start3A_46] : memref<4096x4096xf32, #tpu.memory_space<hbm>> -> memref<4x4096xf32, #tpu.memory_space<hbm>>
    %dma_start3A_48 = tpu.memref_slice %arg5[%dma_start3A_41] : memref<4x!tpu.dma_semaphore, #tpu.memory_space<semaphore_mem>> -> memref<1x!tpu.dma_semaphore, #tpu.memory_space<semaphore_mem>>
    %dma_start3A_49 = tpu.memref_squeeze %dma_start3A_48 : memref<1x!tpu.dma_semaphore, #tpu.memory_space<semaphore_mem>> -> memref<!tpu.dma_semaphore, #tpu.memory_space<semaphore_mem>>
    %dma_start3A_50 = arith.constant 0 : i32
    %dma_start3A_51 = arith.constant 0 : i32
    %dma_start3A_52 = tpu.memref_slice %arg4[%dma_start3A_40, %dma_start3A_50, %dma_start3A_51] : memref<4x4x4096xf32, #tpu.memory_space<vmem>> -> memref<1x4x4096xf32, #tpu.memory_space<vmem>>
    %dma_start3A_53 = tpu.memref_squeeze %dma_start3A_52 : memref<1x4x4096xf32, #tpu.memory_space<vmem>> -> memref<4x4096xf32, #tpu.memory_space<vmem>>
    %dma_start3A_54 = arith.constant 0 : i32
    %dma_start3A_55 = tpu.memref_slice %arg2[%add3A_39, %dma_start3A_54] : memref<4096x4096xf32, #tpu.memory_space<hbm>> -> memref<4x4096xf32, #tpu.memory_space<hbm>>
    tpu.enqueue_dma source(%dma_start3A_55 : memref<4x4096xf32, #tpu.memory_space<hbm>>) target(%dma_start3A_53 : memref<4x4096xf32, #tpu.memory_space<vmem>>) target_semaphore(%dma_start3A_49 : memref<!tpu.dma_semaphore, #tpu.memory_space<semaphore_mem>>)
    %dma_wait3A = arith.constant 0 : i32
    %dma_wait3A_56 = arith.constant 0 : i32
    %dma_wait3A_57 = arith.constant 0 : i32
    %dma_wait3A_58 = arith.constant 0 : i32
    %dma_wait3A_59 = tpu.memref_slice %arg4[%dma_wait3A, %dma_wait3A_57, %dma_wait3A_58] : memref<4x4x4096xf32, #tpu.memory_space<vmem>> -> memref<1x4x4096xf32, #tpu.memory_space<vmem>>
    %dma_wait3A_60 = tpu.memref_squeeze %dma_wait3A_59 : memref<1x4x4096xf32, #tpu.memory_space<vmem>> -> memref<4x4096xf32, #tpu.memory_space<vmem>>
    %dma_wait3A_61 = arith.constant 0 : i32
    %dma_wait3A_62 = tpu.memref_slice %arg2[%add3A_4, %dma_wait3A_61] : memref<4096x4096xf32, #tpu.memory_space<hbm>> -> memref<4x4096xf32, #tpu.memory_space<hbm>>
    %dma_wait3A_63 = tpu.memref_slice %arg5[%dma_wait3A_56] : memref<4x!tpu.dma_semaphore, #tpu.memory_space<semaphore_mem>> -> memref<1x!tpu.dma_semaphore, #tpu.memory_space<semaphore_mem>>
    %dma_wait3A_64 = tpu.memref_squeeze %dma_wait3A_63 : memref<1x!tpu.dma_semaphore, #tpu.memory_space<semaphore_mem>> -> memref<!tpu.dma_semaphore, #tpu.memory_space<semaphore_mem>>
    %dma_wait3A_65 = arith.constant 0 : i32
    %dma_wait3A_66 = arith.constant 0 : i32
    %dma_wait3A_67 = tpu.memref_slice %arg4[%dma_wait3A, %dma_wait3A_65, %dma_wait3A_66] : memref<4x4x4096xf32, #tpu.memory_space<vmem>> -> memref<1x4x4096xf32, #tpu.memory_space<vmem>>
    %dma_wait3A_68 = tpu.memref_squeeze %dma_wait3A_67 : memref<1x4x4096xf32, #tpu.memory_space<vmem>> -> memref<4x4096xf32, #tpu.memory_space<vmem>>
    %dma_wait3A_69 = arith.constant 0 : i32
    %dma_wait3A_70 = tpu.memref_slice %arg2[%add3A_4, %dma_wait3A_69] : memref<4096x4096xf32, #tpu.memory_space<hbm>> -> memref<4x4096xf32, #tpu.memory_space<hbm>>
    tpu.wait_dma2 semaphore(%dma_wait3A_64 : memref<!tpu.dma_semaphore, #tpu.memory_space<semaphore_mem>>) src(%dma_wait3A_70 : memref<4x4096xf32, #tpu.memory_space<hbm>>) dst(%dma_wait3A_68 : memref<4x4096xf32, #tpu.memory_space<vmem>>)
    %add3A_71 = arith.constant 0 : i32
    %add3A_72 = arith.addi %mul3A_2, %add3A_71 : i32
    %dma_start3A_73 = arith.constant 0 : i32
    %dma_start3A_74 = arith.constant 0 : i32
    %dma_start3A_75 = arith.constant 0 : i32
    %dma_start3A_76 = arith.constant 0 : i32
    %dma_start3A_77 = tpu.memref_slice %arg4[%dma_start3A_73, %dma_start3A_75, %dma_start3A_76] : memref<4x4x4096xf32, #tpu.memory_space<vmem>> -> memref<1x4x4096xf32, #tpu.memory_space<vmem>>
    %dma_start3A_78 = tpu.memref_squeeze %dma_start3A_77 : memref<1x4x4096xf32, #tpu.memory_space<vmem>> -> memref<4x4096xf32, #tpu.memory_space<vmem>>
    %dma_start3A_79 = arith.constant 0 : i32
    %dma_start3A_80 = tpu.memref_slice %arg3[%add3A_72, %dma_start3A_79] : memref<4096x4096xf32, #tpu.memory_space<hbm>> -> memref<4x4096xf32, #tpu.memory_space<hbm>>
    %dma_start3A_81 = tpu.memref_slice %arg6[%dma_start3A_74] : memref<4x!tpu.dma_semaphore, #tpu.memory_space<semaphore_mem>> -> memref<1x!tpu.dma_semaphore, #tpu.memory_space<semaphore_mem>>
    %dma_start3A_82 = tpu.memref_squeeze %dma_start3A_81 : memref<1x!tpu.dma_semaphore, #tpu.memory_space<semaphore_mem>> -> memref<!tpu.dma_semaphore, #tpu.memory_space<semaphore_mem>>
    %dma_start3A_83 = arith.constant 0 : i32
    %dma_start3A_84 = tpu.memref_slice %arg3[%add3A_72, %dma_start3A_83] : memref<4096x4096xf32, #tpu.memory_space<hbm>> -> memref<4x4096xf32, #tpu.memory_space<hbm>>
    %dma_start3A_85 = arith.constant 0 : i32
    %dma_start3A_86 = arith.constant 0 : i32
    %dma_start3A_87 = tpu.memref_slice %arg4[%dma_start3A_73, %dma_start3A_85, %dma_start3A_86] : memref<4x4x4096xf32, #tpu.memory_space<vmem>> -> memref<1x4x4096xf32, #tpu.memory_space<vmem>>
    %dma_start3A_88 = tpu.memref_squeeze %dma_start3A_87 : memref<1x4x4096xf32, #tpu.memory_space<vmem>> -> memref<4x4096xf32, #tpu.memory_space<vmem>>
    tpu.enqueue_dma source(%dma_start3A_88 : memref<4x4096xf32, #tpu.memory_space<vmem>>) target(%dma_start3A_84 : memref<4x4096xf32, #tpu.memory_space<hbm>>) target_semaphore(%dma_start3A_82 : memref<!tpu.dma_semaphore, #tpu.memory_space<semaphore_mem>>)
    %add3A_89 = arith.constant 12 : i32
    %add3A_90 = arith.addi %mul3A_2, %add3A_89 : i32
    %dma_start3A_91 = arith.constant 3 : i32
    %dma_start3A_92 = arith.constant 3 : i32
    %dma_start3A_93 = arith.constant 0 : i32
    %dma_start3A_94 = arith.constant 0 : i32
    %dma_start3A_95 = tpu.memref_slice %arg4[%dma_start3A_91, %dma_start3A_93, %dma_start3A_94] : memref<4x4x4096xf32, #tpu.memory_space<vmem>> -> memref<1x4x4096xf32, #tpu.memory_space<vmem>>
    %dma_start3A_96 = tpu.memref_squeeze %dma_start3A_95 : memref<1x4x4096xf32, #tpu.memory_space<vmem>> -> memref<4x4096xf32, #tpu.memory_space<vmem>>
    %dma_start3A_97 = arith.constant 0 : i32
    %dma_start3A_98 = tpu.memref_slice %arg2[%add3A_90, %dma_start3A_97] : memref<4096x4096xf32, #tpu.memory_space<hbm>> -> memref<4x4096xf32, #tpu.memory_space<hbm>>
    %dma_start3A_99 = tpu.memref_slice %arg5[%dma_start3A_92] : memref<4x!tpu.dma_semaphore, #tpu.memory_space<semaphore_mem>> -> memref<1x!tpu.dma_semaphore, #tpu.memory_space<semaphore_mem>>
    %dma_start3A_100 = tpu.memref_squeeze %dma_start3A_99 : memref<1x!tpu.dma_semaphore, #tpu.memory_space<semaphore_mem>> -> memref<!tpu.dma_semaphore, #tpu.memory_space<semaphore_mem>>
    %dma_start3A_101 = arith.constant 0 : i32
    %dma_start3A_102 = arith.constant 0 : i32
    %dma_start3A_103 = tpu.memref_slice %arg4[%dma_start3A_91, %dma_start3A_101, %dma_start3A_102] : memref<4x4x4096xf32, #tpu.memory_space<vmem>> -> memref<1x4x4096xf32, #tpu.memory_space<vmem>>
    %dma_start3A_104 = tpu.memref_squeeze %dma_start3A_103 : memref<1x4x4096xf32, #tpu.memory_space<vmem>> -> memref<4x4096xf32, #tpu.memory_space<vmem>>
    %dma_start3A_105 = arith.constant 0 : i32
    %dma_start3A_106 = tpu.memref_slice %arg2[%add3A_90, %dma_start3A_105] : memref<4096x4096xf32, #tpu.memory_space<hbm>> -> memref<4x4096xf32, #tpu.memory_space<hbm>>
    tpu.enqueue_dma source(%dma_start3A_106 : memref<4x4096xf32, #tpu.memory_space<hbm>>) target(%dma_start3A_104 : memref<4x4096xf32, #tpu.memory_space<vmem>>) target_semaphore(%dma_start3A_100 : memref<!tpu.dma_semaphore, #tpu.memory_space<semaphore_mem>>)
    %dma_wait3A_107 = arith.constant 1 : i32
    %dma_wait3A_108 = arith.constant 1 : i32
    %dma_wait3A_109 = arith.constant 0 : i32
    %dma_wait3A_110 = arith.constant 0 : i32
    %dma_wait3A_111 = tpu.memref_slice %arg4[%dma_wait3A_107, %dma_wait3A_109, %dma_wait3A_110] : memref<4x4x4096xf32, #tpu.memory_space<vmem>> -> memref<1x4x4096xf32, #tpu.memory_space<vmem>>
    %dma_wait3A_112 = tpu.memref_squeeze %dma_wait3A_111 : memref<1x4x4096xf32, #tpu.memory_space<vmem>> -> memref<4x4096xf32, #tpu.memory_space<vmem>>
    %dma_wait3A_113 = arith.constant 0 : i32
    %dma_wait3A_114 = tpu.memref_slice %arg2[%add3A_21, %dma_wait3A_113] : memref<4096x4096xf32, #tpu.memory_space<hbm>> -> memref<4x4096xf32, #tpu.memory_space<hbm>>
    %dma_wait3A_115 = tpu.memref_slice %arg5[%dma_wait3A_108] : memref<4x!tpu.dma_semaphore, #tpu.memory_space<semaphore_mem>> -> memref<1x!tpu.dma_semaphore, #tpu.memory_space<semaphore_mem>>
    %dma_wait3A_116 = tpu.memref_squeeze %dma_wait3A_115 : memref<1x!tpu.dma_semaphore, #tpu.memory_space<semaphore_mem>> -> memref<!tpu.dma_semaphore, #tpu.memory_space<semaphore_mem>>
    %dma_wait3A_117 = arith.constant 0 : i32
    %dma_wait3A_118 = arith.constant 0 : i32
    %dma_wait3A_119 = tpu.memref_slice %arg4[%dma_wait3A_107, %dma_wait3A_117, %dma_wait3A_118] : memref<4x4x4096xf32, #tpu.memory_space<vmem>> -> memref<1x4x4096xf32, #tpu.memory_space<vmem>>
    %dma_wait3A_120 = tpu.memref_squeeze %dma_wait3A_119 : memref<1x4x4096xf32, #tpu.memory_space<vmem>> -> memref<4x4096xf32, #tpu.memory_space<vmem>>
    %dma_wait3A_121 = arith.constant 0 : i32
    %dma_wait3A_122 = tpu.memref_slice %arg2[%add3A_21, %dma_wait3A_121] : memref<4096x4096xf32, #tpu.memory_space<hbm>> -> memref<4x4096xf32, #tpu.memory_space<hbm>>
    tpu.wait_dma2 semaphore(%dma_wait3A_116 : memref<!tpu.dma_semaphore, #tpu.memory_space<semaphore_mem>>) src(%dma_wait3A_122 : memref<4x4096xf32, #tpu.memory_space<hbm>>) dst(%dma_wait3A_120 : memref<4x4096xf32, #tpu.memory_space<vmem>>)
    %add3A_123 = arith.constant 4 : i32
    %add3A_124 = arith.addi %mul3A_2, %add3A_123 : i32
    %dma_start3A_125 = arith.constant 1 : i32
    %dma_start3A_126 = arith.constant 1 : i32
    %dma_start3A_127 = arith.constant 0 : i32
    %dma_start3A_128 = arith.constant 0 : i32
    %dma_start3A_129 = tpu.memref_slice %arg4[%dma_start3A_125, %dma_start3A_127, %dma_start3A_128] : memref<4x4x4096xf32, #tpu.memory_space<vmem>> -> memref<1x4x4096xf32, #tpu.memory_space<vmem>>
    %dma_start3A_130 = tpu.memref_squeeze %dma_start3A_129 : memref<1x4x4096xf32, #tpu.memory_space<vmem>> -> memref<4x4096xf32, #tpu.memory_space<vmem>>
    %dma_start3A_131 = arith.constant 0 : i32
    %dma_start3A_132 = tpu.memref_slice %arg3[%add3A_124, %dma_start3A_131] : memref<4096x4096xf32, #tpu.memory_space<hbm>> -> memref<4x4096xf32, #tpu.memory_space<hbm>>
    %dma_start3A_133 = tpu.memref_slice %arg6[%dma_start3A_126] : memref<4x!tpu.dma_semaphore, #tpu.memory_space<semaphore_mem>> -> memref<1x!tpu.dma_semaphore, #tpu.memory_space<semaphore_mem>>
    %dma_start3A_134 = tpu.memref_squeeze %dma_start3A_133 : memref<1x!tpu.dma_semaphore, #tpu.memory_space<semaphore_mem>> -> memref<!tpu.dma_semaphore, #tpu.memory_space<semaphore_mem>>
    %dma_start3A_135 = arith.constant 0 : i32
    %dma_start3A_136 = tpu.memref_slice %arg3[%add3A_124, %dma_start3A_135] : memref<4096x4096xf32, #tpu.memory_space<hbm>> -> memref<4x4096xf32, #tpu.memory_space<hbm>>
    %dma_start3A_137 = arith.constant 0 : i32
    %dma_start3A_138 = arith.constant 0 : i32
    %dma_start3A_139 = tpu.memref_slice %arg4[%dma_start3A_125, %dma_start3A_137, %dma_start3A_138] : memref<4x4x4096xf32, #tpu.memory_space<vmem>> -> memref<1x4x4096xf32, #tpu.memory_space<vmem>>
    %dma_start3A_140 = tpu.memref_squeeze %dma_start3A_139 : memref<1x4x4096xf32, #tpu.memory_space<vmem>> -> memref<4x4096xf32, #tpu.memory_space<vmem>>
    tpu.enqueue_dma source(%dma_start3A_140 : memref<4x4096xf32, #tpu.memory_space<vmem>>) target(%dma_start3A_136 : memref<4x4096xf32, #tpu.memory_space<hbm>>) target_semaphore(%dma_start3A_134 : memref<!tpu.dma_semaphore, #tpu.memory_space<semaphore_mem>>)
    %dma_wait3A_141 = arith.constant 0 : i32
    %dma_wait3A_142 = arith.constant 0 : i32
    %dma_wait3A_143 = arith.constant 0 : i32
    %dma_wait3A_144 = arith.constant 0 : i32
    %dma_wait3A_145 = tpu.memref_slice %arg4[%dma_wait3A_141, %dma_wait3A_143, %dma_wait3A_144] : memref<4x4x4096xf32, #tpu.memory_space<vmem>> -> memref<1x4x4096xf32, #tpu.memory_space<vmem>>
    %dma_wait3A_146 = tpu.memref_squeeze %dma_wait3A_145 : memref<1x4x4096xf32, #tpu.memory_space<vmem>> -> memref<4x4096xf32, #tpu.memory_space<vmem>>
    %dma_wait3A_147 = arith.constant 0 : i32
    %dma_wait3A_148 = tpu.memref_slice %arg3[%add3A_72, %dma_wait3A_147] : memref<4096x4096xf32, #tpu.memory_space<hbm>> -> memref<4x4096xf32, #tpu.memory_space<hbm>>
    %dma_wait3A_149 = tpu.memref_slice %arg6[%dma_wait3A_142] : memref<4x!tpu.dma_semaphore, #tpu.memory_space<semaphore_mem>> -> memref<1x!tpu.dma_semaphore, #tpu.memory_space<semaphore_mem>>
    %dma_wait3A_150 = tpu.memref_squeeze %dma_wait3A_149 : memref<1x!tpu.dma_semaphore, #tpu.memory_space<semaphore_mem>> -> memref<!tpu.dma_semaphore, #tpu.memory_space<semaphore_mem>>
    %dma_wait3A_151 = arith.constant 0 : i32
    %dma_wait3A_152 = tpu.memref_slice %arg3[%add3A_72, %dma_wait3A_151] : memref<4096x4096xf32, #tpu.memory_space<hbm>> -> memref<4x4096xf32, #tpu.memory_space<hbm>>
    %dma_wait3A_153 = arith.constant 0 : i32
    %dma_wait3A_154 = arith.constant 0 : i32
    %dma_wait3A_155 = tpu.memref_slice %arg4[%dma_wait3A_141, %dma_wait3A_153, %dma_wait3A_154] : memref<4x4x4096xf32, #tpu.memory_space<vmem>> -> memref<1x4x4096xf32, #tpu.memory_space<vmem>>
    %dma_wait3A_156 = tpu.memref_squeeze %dma_wait3A_155 : memref<1x4x4096xf32, #tpu.memory_space<vmem>> -> memref<4x4096xf32, #tpu.memory_space<vmem>>
    tpu.wait_dma2 semaphore(%dma_wait3A_150 : memref<!tpu.dma_semaphore, #tpu.memory_space<semaphore_mem>>) src(%dma_wait3A_156 : memref<4x4096xf32, #tpu.memory_space<vmem>>) dst(%dma_wait3A_152 : memref<4x4096xf32, #tpu.memory_space<hbm>>)
    %add3A_157 = arith.constant 16 : i32
    %add3A_158 = arith.addi %mul3A_2, %add3A_157 : i32
    %dma_start3A_159 = arith.constant 0 : i32
    %dma_start3A_160 = arith.constant 0 : i32
    %dma_start3A_161 = arith.constant 0 : i32
    %dma_start3A_162 = arith.constant 0 : i32
    %dma_start3A_163 = tpu.memref_slice %arg4[%dma_start3A_159, %dma_start3A_161, %dma_start3A_162] : memref<4x4x4096xf32, #tpu.memory_space<vmem>> -> memref<1x4x4096xf32, #tpu.memory_space<vmem>>
    %dma_start3A_164 = tpu.memref_squeeze %dma_start3A_163 : memref<1x4x4096xf32, #tpu.memory_space<vmem>> -> memref<4x4096xf32, #tpu.memory_space<vmem>>
    %dma_start3A_165 = arith.constant 0 : i32
    %dma_start3A_166 = tpu.memref_slice %arg2[%add3A_158, %dma_start3A_165] : memref<4096x4096xf32, #tpu.memory_space<hbm>> -> memref<4x4096xf32, #tpu.memory_space<hbm>>
    %dma_start3A_167 = tpu.memref_slice %arg5[%dma_start3A_160] : memref<4x!tpu.dma_semaphore, #tpu.memory_space<semaphore_mem>> -> memref<1x!tpu.dma_semaphore, #tpu.memory_space<semaphore_mem>>
    %dma_start3A_168 = tpu.memref_squeeze %dma_start3A_167 : memref<1x!tpu.dma_semaphore, #tpu.memory_space<semaphore_mem>> -> memref<!tpu.dma_semaphore, #tpu.memory_space<semaphore_mem>>
    %dma_start3A_169 = arith.constant 0 : i32
    %dma_start3A_170 = arith.constant 0 : i32
    %dma_start3A_171 = tpu.memref_slice %arg4[%dma_start3A_159, %dma_start3A_169, %dma_start3A_170] : memref<4x4x4096xf32, #tpu.memory_space<vmem>> -> memref<1x4x4096xf32, #tpu.memory_space<vmem>>
    %dma_start3A_172 = tpu.memref_squeeze %dma_start3A_171 : memref<1x4x4096xf32, #tpu.memory_space<vmem>> -> memref<4x4096xf32, #tpu.memory_space<vmem>>
    %dma_start3A_173 = arith.constant 0 : i32
    %dma_start3A_174 = tpu.memref_slice %arg2[%add3A_158, %dma_start3A_173] : memref<4096x4096xf32, #tpu.memory_space<hbm>> -> memref<4x4096xf32, #tpu.memory_space<hbm>>
    tpu.enqueue_dma source(%dma_start3A_174 : memref<4x4096xf32, #tpu.memory_space<hbm>>) target(%dma_start3A_172 : memref<4x4096xf32, #tpu.memory_space<vmem>>) target_semaphore(%dma_start3A_168 : memref<!tpu.dma_semaphore, #tpu.memory_space<semaphore_mem>>)
    %dma_wait3A_175 = arith.constant 2 : i32
    %dma_wait3A_176 = arith.constant 2 : i32
    %dma_wait3A_177 = arith.constant 0 : i32
    %dma_wait3A_178 = arith.constant 0 : i32
    %dma_wait3A_179 = tpu.memref_slice %arg4[%dma_wait3A_175, %dma_wait3A_177, %dma_wait3A_178] : memref<4x4x4096xf32, #tpu.memory_space<vmem>> -> memref<1x4x4096xf32, #tpu.memory_space<vmem>>
    %dma_wait3A_180 = tpu.memref_squeeze %dma_wait3A_179 : memref<1x4x4096xf32, #tpu.memory_space<vmem>> -> memref<4x4096xf32, #tpu.memory_space<vmem>>
    %dma_wait3A_181 = arith.constant 0 : i32
    %dma_wait3A_182 = tpu.memref_slice %arg2[%add3A_39, %dma_wait3A_181] : memref<4096x4096xf32, #tpu.memory_space<hbm>> -> memref<4x4096xf32, #tpu.memory_space<hbm>>
    %dma_wait3A_183 = tpu.memref_slice %arg5[%dma_wait3A_176] : memref<4x!tpu.dma_semaphore, #tpu.memory_space<semaphore_mem>> -> memref<1x!tpu.dma_semaphore, #tpu.memory_space<semaphore_mem>>
    %dma_wait3A_184 = tpu.memref_squeeze %dma_wait3A_183 : memref<1x!tpu.dma_semaphore, #tpu.memory_space<semaphore_mem>> -> memref<!tpu.dma_semaphore, #tpu.memory_space<semaphore_mem>>
    %dma_wait3A_185 = arith.constant 0 : i32
    %dma_wait3A_186 = arith.constant 0 : i32
    %dma_wait3A_187 = tpu.memref_slice %arg4[%dma_wait3A_175, %dma_wait3A_185, %dma_wait3A_186] : memref<4x4x4096xf32, #tpu.memory_space<vmem>> -> memref<1x4x4096xf32, #tpu.memory_space<vmem>>
    %dma_wait3A_188 = tpu.memref_squeeze %dma_wait3A_187 : memref<1x4x4096xf32, #tpu.memory_space<vmem>> -> memref<4x4096xf32, #tpu.memory_space<vmem>>
    %dma_wait3A_189 = arith.constant 0 : i32
    %dma_wait3A_190 = tpu.memref_slice %arg2[%add3A_39, %dma_wait3A_189] : memref<4096x4096xf32, #tpu.memory_space<hbm>> -> memref<4x4096xf32, #tpu.memory_space<hbm>>
    tpu.wait_dma2 semaphore(%dma_wait3A_184 : memref<!tpu.dma_semaphore, #tpu.memory_space<semaphore_mem>>) src(%dma_wait3A_190 : memref<4x4096xf32, #tpu.memory_space<hbm>>) dst(%dma_wait3A_188 : memref<4x4096xf32, #tpu.memory_space<vmem>>)
    %add3A_191 = arith.constant 8 : i32
    %add3A_192 = arith.addi %mul3A_2, %add3A_191 : i32
    %dma_start3A_193 = arith.constant 2 : i32
    %dma_start3A_194 = arith.constant 2 : i32
    %dma_start3A_195 = arith.constant 0 : i32
    %dma_start3A_196 = arith.constant 0 : i32
    %dma_start3A_197 = tpu.memref_slice %arg4[%dma_start3A_193, %dma_start3A_195, %dma_start3A_196] : memref<4x4x4096xf32, #tpu.memory_space<vmem>> -> memref<1x4x4096xf32, #tpu.memory_space<vmem>>
    %dma_start3A_198 = tpu.memref_squeeze %dma_start3A_197 : memref<1x4x4096xf32, #tpu.memory_space<vmem>> -> memref<4x4096xf32, #tpu.memory_space<vmem>>
    %dma_start3A_199 = arith.constant 0 : i32
    %dma_start3A_200 = tpu.memref_slice %arg3[%add3A_192, %dma_start3A_199] : memref<4096x4096xf32, #tpu.memory_space<hbm>> -> memref<4x4096xf32, #tpu.memory_space<hbm>>
    %dma_start3A_201 = tpu.memref_slice %arg6[%dma_start3A_194] : memref<4x!tpu.dma_semaphore, #tpu.memory_space<semaphore_mem>> -> memref<1x!tpu.dma_semaphore, #tpu.memory_space<semaphore_mem>>
    %dma_start3A_202 = tpu.memref_squeeze %dma_start3A_201 : memref<1x!tpu.dma_semaphore, #tpu.memory_space<semaphore_mem>> -> memref<!tpu.dma_semaphore, #tpu.memory_space<semaphore_mem>>
    %dma_start3A_203 = arith.constant 0 : i32
    %dma_start3A_204 = tpu.memref_slice %arg3[%add3A_192, %dma_start3A_203] : memref<4096x4096xf32, #tpu.memory_space<hbm>> -> memref<4x4096xf32, #tpu.memory_space<hbm>>
    %dma_start3A_205 = arith.constant 0 : i32
    %dma_start3A_206 = arith.constant 0 : i32
    %dma_start3A_207 = tpu.memref_slice %arg4[%dma_start3A_193, %dma_start3A_205, %dma_start3A_206] : memref<4x4x4096xf32, #tpu.memory_space<vmem>> -> memref<1x4x4096xf32, #tpu.memory_space<vmem>>
    %dma_start3A_208 = tpu.memref_squeeze %dma_start3A_207 : memref<1x4x4096xf32, #tpu.memory_space<vmem>> -> memref<4x4096xf32, #tpu.memory_space<vmem>>
    tpu.enqueue_dma source(%dma_start3A_208 : memref<4x4096xf32, #tpu.memory_space<vmem>>) target(%dma_start3A_204 : memref<4x4096xf32, #tpu.memory_space<hbm>>) target_semaphore(%dma_start3A_202 : memref<!tpu.dma_semaphore, #tpu.memory_space<semaphore_mem>>)
    %dma_wait3A_209 = arith.constant 1 : i32
    %dma_wait3A_210 = arith.constant 1 : i32
    %dma_wait3A_211 = arith.constant 0 : i32
    %dma_wait3A_212 = arith.constant 0 : i32
    %dma_wait3A_213 = tpu.memref_slice %arg4[%dma_wait3A_209, %dma_wait3A_211, %dma_wait3A_212] : memref<4x4x4096xf32, #tpu.memory_space<vmem>> -> memref<1x4x4096xf32, #tpu.memory_space<vmem>>
    %dma_wait3A_214 = tpu.memref_squeeze %dma_wait3A_213 : memref<1x4x4096xf32, #tpu.memory_space<vmem>> -> memref<4x4096xf32, #tpu.memory_space<vmem>>
    %dma_wait3A_215 = arith.constant 0 : i32
    %dma_wait3A_216 = tpu.memref_slice %arg3[%add3A_124, %dma_wait3A_215] : memref<4096x4096xf32, #tpu.memory_space<hbm>> -> memref<4x4096xf32, #tpu.memory_space<hbm>>
    %dma_wait3A_217 = tpu.memref_slice %arg6[%dma_wait3A_210] : memref<4x!tpu.dma_semaphore, #tpu.memory_space<semaphore_mem>> -> memref<1x!tpu.dma_semaphore, #tpu.memory_space<semaphore_mem>>
    %dma_wait3A_218 = tpu.memref_squeeze %dma_wait3A_217 : memref<1x!tpu.dma_semaphore, #tpu.memory_space<semaphore_mem>> -> memref<!tpu.dma_semaphore, #tpu.memory_space<semaphore_mem>>
    %dma_wait3A_219 = arith.constant 0 : i32
    %dma_wait3A_220 = tpu.memref_slice %arg3[%add3A_124, %dma_wait3A_219] : memref<4096x4096xf32, #tpu.memory_space<hbm>> -> memref<4x4096xf32, #tpu.memory_space<hbm>>
    %dma_wait3A_221 = arith.constant 0 : i32
    %dma_wait3A_222 = arith.constant 0 : i32
    %dma_wait3A_223 = tpu.memref_slice %arg4[%dma_wait3A_209, %dma_wait3A_221, %dma_wait3A_222] : memref<4x4x4096xf32, #tpu.memory_space<vmem>> -> memref<1x4x4096xf32, #tpu.memory_space<vmem>>
    %dma_wait3A_224 = tpu.memref_squeeze %dma_wait3A_223 : memref<1x4x4096xf32, #tpu.memory_space<vmem>> -> memref<4x4096xf32, #tpu.memory_space<vmem>>
    tpu.wait_dma2 semaphore(%dma_wait3A_218 : memref<!tpu.dma_semaphore, #tpu.memory_space<semaphore_mem>>) src(%dma_wait3A_224 : memref<4x4096xf32, #tpu.memory_space<vmem>>) dst(%dma_wait3A_220 : memref<4x4096xf32, #tpu.memory_space<hbm>>)
    %add3A_225 = arith.constant 20 : i32
    %add3A_226 = arith.addi %mul3A_2, %add3A_225 : i32
    %dma_start3A_227 = arith.constant 1 : i32
    %dma_start3A_228 = arith.constant 1 : i32
    %dma_start3A_229 = arith.constant 0 : i32
    %dma_start3A_230 = arith.constant 0 : i32
    %dma_start3A_231 = tpu.memref_slice %arg4[%dma_start3A_227, %dma_start3A_229, %dma_start3A_230] : memref<4x4x4096xf32, #tpu.memory_space<vmem>> -> memref<1x4x4096xf32, #tpu.memory_space<vmem>>
    %dma_start3A_232 = tpu.memref_squeeze %dma_start3A_231 : memref<1x4x4096xf32, #tpu.memory_space<vmem>> -> memref<4x4096xf32, #tpu.memory_space<vmem>>
    %dma_start3A_233 = arith.constant 0 : i32
    %dma_start3A_234 = tpu.memref_slice %arg2[%add3A_226, %dma_start3A_233] : memref<4096x4096xf32, #tpu.memory_space<hbm>> -> memref<4x4096xf32, #tpu.memory_space<hbm>>
    %dma_start3A_235 = tpu.memref_slice %arg5[%dma_start3A_228] : memref<4x!tpu.dma_semaphore, #tpu.memory_space<semaphore_mem>> -> memref<1x!tpu.dma_semaphore, #tpu.memory_space<semaphore_mem>>
    %dma_start3A_236 = tpu.memref_squeeze %dma_start3A_235 : memref<1x!tpu.dma_semaphore, #tpu.memory_space<semaphore_mem>> -> memref<!tpu.dma_semaphore, #tpu.memory_space<semaphore_mem>>
    %dma_start3A_237 = arith.constant 0 : i32
    %dma_start3A_238 = arith.constant 0 : i32
    %dma_start3A_239 = tpu.memref_slice %arg4[%dma_start3A_227, %dma_start3A_237, %dma_start3A_238] : memref<4x4x4096xf32, #tpu.memory_space<vmem>> -> memref<1x4x4096xf32, #tpu.memory_space<vmem>>
    %dma_start3A_240 = tpu.memref_squeeze %dma_start3A_239 : memref<1x4x4096xf32, #tpu.memory_space<vmem>> -> memref<4x4096xf32, #tpu.memory_space<vmem>>
    %dma_start3A_241 = arith.constant 0 : i32
    %dma_start3A_242 = tpu.memref_slice %arg2[%add3A_226, %dma_start3A_241] : memref<4096x4096xf32, #tpu.memory_space<hbm>> -> memref<4x4096xf32, #tpu.memory_space<hbm>>
    tpu.enqueue_dma source(%dma_start3A_242 : memref<4x4096xf32, #tpu.memory_space<hbm>>) target(%dma_start3A_240 : memref<4x4096xf32, #tpu.memory_space<vmem>>) target_semaphore(%dma_start3A_236 : memref<!tpu.dma_semaphore, #tpu.memory_space<semaphore_mem>>)
    %dma_wait3A_243 = arith.constant 3 : i32
    %dma_wait3A_244 = arith.constant 3 : i32
    %dma_wait3A_245 = arith.constant 0 : i32
    %dma_wait3A_246 = arith.constant 0 : i32
    %dma_wait3A_247 = tpu.memref_slice %arg4[%dma_wait3A_243, %dma_wait3A_245, %dma_wait3A_246] : memref<4x4x4096xf32, #tpu.memory_space<vmem>> -> memref<1x4x4096xf32, #tpu.memory_space<vmem>>
    %dma_wait3A_248 = tpu.memref_squeeze %dma_wait3A_247 : memref<1x4x4096xf32, #tpu.memory_space<vmem>> -> memref<4x4096xf32, #tpu.memory_space<vmem>>
    %dma_wait3A_249 = arith.constant 0 : i32
    %dma_wait3A_250 = tpu.memref_slice %arg2[%add3A_90, %dma_wait3A_249] : memref<4096x4096xf32, #tpu.memory_space<hbm>> -> memref<4x4096xf32, #tpu.memory_space<hbm>>
    %dma_wait3A_251 = tpu.memref_slice %arg5[%dma_wait3A_244] : memref<4x!tpu.dma_semaphore, #tpu.memory_space<semaphore_mem>> -> memref<1x!tpu.dma_semaphore, #tpu.memory_space<semaphore_mem>>
    %dma_wait3A_252 = tpu.memref_squeeze %dma_wait3A_251 : memref<1x!tpu.dma_semaphore, #tpu.memory_space<semaphore_mem>> -> memref<!tpu.dma_semaphore, #tpu.memory_space<semaphore_mem>>
    %dma_wait3A_253 = arith.constant 0 : i32
    %dma_wait3A_254 = arith.constant 0 : i32
    %dma_wait3A_255 = tpu.memref_slice %arg4[%dma_wait3A_243, %dma_wait3A_253, %dma_wait3A_254] : memref<4x4x4096xf32, #tpu.memory_space<vmem>> -> memref<1x4x4096xf32, #tpu.memory_space<vmem>>
    %dma_wait3A_256 = tpu.memref_squeeze %dma_wait3A_255 : memref<1x4x4096xf32, #tpu.memory_space<vmem>> -> memref<4x4096xf32, #tpu.memory_space<vmem>>
    %dma_wait3A_257 = arith.constant 0 : i32
    %dma_wait3A_258 = tpu.memref_slice %arg2[%add3A_90, %dma_wait3A_257] : memref<4096x4096xf32, #tpu.memory_space<hbm>> -> memref<4x4096xf32, #tpu.memory_space<hbm>>
    tpu.wait_dma2 semaphore(%dma_wait3A_252 : memref<!tpu.dma_semaphore, #tpu.memory_space<semaphore_mem>>) src(%dma_wait3A_258 : memref<4x4096xf32, #tpu.memory_space<hbm>>) dst(%dma_wait3A_256 : memref<4x4096xf32, #tpu.memory_space<vmem>>)
    %add3A_259 = arith.constant 12 : i32
    %add3A_260 = arith.addi %mul3A_2, %add3A_259 : i32
    %dma_start3A_261 = arith.constant 3 : i32
    %dma_start3A_262 = arith.constant 3 : i32
    %dma_start3A_263 = arith.constant 0 : i32
    %dma_start3A_264 = arith.constant 0 : i32
    %dma_start3A_265 = tpu.memref_slice %arg4[%dma_start3A_261, %dma_start3A_263, %dma_start3A_264] : memref<4x4x4096xf32, #tpu.memory_space<vmem>> -> memref<1x4x4096xf32, #tpu.memory_space<vmem>>
    %dma_start3A_266 = tpu.memref_squeeze %dma_start3A_265 : memref<1x4x4096xf32, #tpu.memory_space<vmem>> -> memref<4x4096xf32, #tpu.memory_space<vmem>>
    %dma_start3A_267 = arith.constant 0 : i32
    %dma_start3A_268 = tpu.memref_slice %arg3[%add3A_260, %dma_start3A_267] : memref<4096x4096xf32, #tpu.memory_space<hbm>> -> memref<4x4096xf32, #tpu.memory_space<hbm>>
    %dma_start3A_269 = tpu.memref_slice %arg6[%dma_start3A_262] : memref<4x!tpu.dma_semaphore, #tpu.memory_space<semaphore_mem>> -> memref<1x!tpu.dma_semaphore, #tpu.memory_space<semaphore_mem>>
    %dma_start3A_270 = tpu.memref_squeeze %dma_start3A_269 : memref<1x!tpu.dma_semaphore, #tpu.memory_space<semaphore_mem>> -> memref<!tpu.dma_semaphore, #tpu.memory_space<semaphore_mem>>
    %dma_start3A_271 = arith.constant 0 : i32
    %dma_start3A_272 = tpu.memref_slice %arg3[%add3A_260, %dma_start3A_271] : memref<4096x4096xf32, #tpu.memory_space<hbm>> -> memref<4x4096xf32, #tpu.memory_space<hbm>>
    %dma_start3A_273 = arith.constant 0 : i32
    %dma_start3A_274 = arith.constant 0 : i32
    %dma_start3A_275 = tpu.memref_slice %arg4[%dma_start3A_261, %dma_start3A_273, %dma_start3A_274] : memref<4x4x4096xf32, #tpu.memory_space<vmem>> -> memref<1x4x4096xf32, #tpu.memory_space<vmem>>
    %dma_start3A_276 = tpu.memref_squeeze %dma_start3A_275 : memref<1x4x4096xf32, #tpu.memory_space<vmem>> -> memref<4x4096xf32, #tpu.memory_space<vmem>>
    tpu.enqueue_dma source(%dma_start3A_276 : memref<4x4096xf32, #tpu.memory_space<vmem>>) target(%dma_start3A_272 : memref<4x4096xf32, #tpu.memory_space<hbm>>) target_semaphore(%dma_start3A_270 : memref<!tpu.dma_semaphore, #tpu.memory_space<semaphore_mem>>)
    %dma_wait3A_277 = arith.constant 2 : i32
    %dma_wait3A_278 = arith.constant 2 : i32
    %dma_wait3A_279 = arith.constant 0 : i32
    %dma_wait3A_280 = arith.constant 0 : i32
    %dma_wait3A_281 = tpu.memref_slice %arg4[%dma_wait3A_277, %dma_wait3A_279, %dma_wait3A_280] : memref<4x4x4096xf32, #tpu.memory_space<vmem>> -> memref<1x4x4096xf32, #tpu.memory_space<vmem>>
    %dma_wait3A_282 = tpu.memref_squeeze %dma_wait3A_281 : memref<1x4x4096xf32, #tpu.memory_space<vmem>> -> memref<4x4096xf32, #tpu.memory_space<vmem>>
    %dma_wait3A_283 = arith.constant 0 : i32
    %dma_wait3A_284 = tpu.memref_slice %arg3[%add3A_192, %dma_wait3A_283] : memref<4096x4096xf32, #tpu.memory_space<hbm>> -> memref<4x4096xf32, #tpu.memory_space<hbm>>
    %dma_wait3A_285 = tpu.memref_slice %arg6[%dma_wait3A_278] : memref<4x!tpu.dma_semaphore, #tpu.memory_space<semaphore_mem>> -> memref<1x!tpu.dma_semaphore, #tpu.memory_space<semaphore_mem>>
    %dma_wait3A_286 = tpu.memref_squeeze %dma_wait3A_285 : memref<1x!tpu.dma_semaphore, #tpu.memory_space<semaphore_mem>> -> memref<!tpu.dma_semaphore, #tpu.memory_space<semaphore_mem>>
    %dma_wait3A_287 = arith.constant 0 : i32
    %dma_wait3A_288 = tpu.memref_slice %arg3[%add3A_192, %dma_wait3A_287] : memref<4096x4096xf32, #tpu.memory_space<hbm>> -> memref<4x4096xf32, #tpu.memory_space<hbm>>
    %dma_wait3A_289 = arith.constant 0 : i32
    %dma_wait3A_290 = arith.constant 0 : i32
    %dma_wait3A_291 = tpu.memref_slice %arg4[%dma_wait3A_277, %dma_wait3A_289, %dma_wait3A_290] : memref<4x4x4096xf32, #tpu.memory_space<vmem>> -> memref<1x4x4096xf32, #tpu.memory_space<vmem>>
    %dma_wait3A_292 = tpu.memref_squeeze %dma_wait3A_291 : memref<1x4x4096xf32, #tpu.memory_space<vmem>> -> memref<4x4096xf32, #tpu.memory_space<vmem>>
    tpu.wait_dma2 semaphore(%dma_wait3A_286 : memref<!tpu.dma_semaphore, #tpu.memory_space<semaphore_mem>>) src(%dma_wait3A_292 : memref<4x4096xf32, #tpu.memory_space<vmem>>) dst(%dma_wait3A_288 : memref<4x4096xf32, #tpu.memory_space<hbm>>)
    %add3A_293 = arith.constant 24 : i32
    %add3A_294 = arith.addi %mul3A_2, %add3A_293 : i32
    %dma_start3A_295 = arith.constant 2 : i32
    %dma_start3A_296 = arith.constant 2 : i32
    %dma_start3A_297 = arith.constant 0 : i32
    %dma_start3A_298 = arith.constant 0 : i32
    %dma_start3A_299 = tpu.memref_slice %arg4[%dma_start3A_295, %dma_start3A_297, %dma_start3A_298] : memref<4x4x4096xf32, #tpu.memory_space<vmem>> -> memref<1x4x4096xf32, #tpu.memory_space<vmem>>
    %dma_start3A_300 = tpu.memref_squeeze %dma_start3A_299 : memref<1x4x4096xf32, #tpu.memory_space<vmem>> -> memref<4x4096xf32, #tpu.memory_space<vmem>>
    %dma_start3A_301 = arith.constant 0 : i32
    %dma_start3A_302 = tpu.memref_slice %arg2[%add3A_294, %dma_start3A_301] : memref<4096x4096xf32, #tpu.memory_space<hbm>> -> memref<4x4096xf32, #tpu.memory_space<hbm>>
    %dma_start3A_303 = tpu.memref_slice %arg5[%dma_start3A_296] : memref<4x!tpu.dma_semaphore, #tpu.memory_space<semaphore_mem>> -> memref<1x!tpu.dma_semaphore, #tpu.memory_space<semaphore_mem>>
    %dma_start3A_304 = tpu.memref_squeeze %dma_start3A_303 : memref<1x!tpu.dma_semaphore, #tpu.memory_space<semaphore_mem>> -> memref<!tpu.dma_semaphore, #tpu.memory_space<semaphore_mem>>
    %dma_start3A_305 = arith.constant 0 : i32
    %dma_start3A_306 = arith.constant 0 : i32
    %dma_start3A_307 = tpu.memref_slice %arg4[%dma_start3A_295, %dma_start3A_305, %dma_start3A_306] : memref<4x4x4096xf32, #tpu.memory_space<vmem>> -> memref<1x4x4096xf32, #tpu.memory_space<vmem>>
    %dma_start3A_308 = tpu.memref_squeeze %dma_start3A_307 : memref<1x4x4096xf32, #tpu.memory_space<vmem>> -> memref<4x4096xf32, #tpu.memory_space<vmem>>
    %dma_start3A_309 = arith.constant 0 : i32
    %dma_start3A_310 = tpu.memref_slice %arg2[%add3A_294, %dma_start3A_309] : memref<4096x4096xf32, #tpu.memory_space<hbm>> -> memref<4x4096xf32, #tpu.memory_space<hbm>>
    tpu.enqueue_dma source(%dma_start3A_310 : memref<4x4096xf32, #tpu.memory_space<hbm>>) target(%dma_start3A_308 : memref<4x4096xf32, #tpu.memory_space<vmem>>) target_semaphore(%dma_start3A_304 : memref<!tpu.dma_semaphore, #tpu.memory_space<semaphore_mem>>)
    %dma_wait3A_311 = arith.constant 0 : i32
    %dma_wait3A_312 = arith.constant 0 : i32
    %dma_wait3A_313 = arith.constant 0 : i32
    %dma_wait3A_314 = arith.constant 0 : i32
    %dma_wait3A_315 = tpu.memref_slice %arg4[%dma_wait3A_311, %dma_wait3A_313, %dma_wait3A_314] : memref<4x4x4096xf32, #tpu.memory_space<vmem>> -> memref<1x4x4096xf32, #tpu.memory_space<vmem>>
    %dma_wait3A_316 = tpu.memref_squeeze %dma_wait3A_315 : memref<1x4x4096xf32, #tpu.memory_space<vmem>> -> memref<4x4096xf32, #tpu.memory_space<vmem>>
    %dma_wait3A_317 = arith.constant 0 : i32
    %dma_wait3A_318 = tpu.memref_slice %arg2[%add3A_158, %dma_wait3A_317] : memref<4096x4096xf32, #tpu.memory_space<hbm>> -> memref<4x4096xf32, #tpu.memory_space<hbm>>
    %dma_wait3A_319 = tpu.memref_slice %arg5[%dma_wait3A_312] : memref<4x!tpu.dma_semaphore, #tpu.memory_space<semaphore_mem>> -> memref<1x!tpu.dma_semaphore, #tpu.memory_space<semaphore_mem>>
    %dma_wait3A_320 = tpu.memref_squeeze %dma_wait3A_319 : memref<1x!tpu.dma_semaphore, #tpu.memory_space<semaphore_mem>> -> memref<!tpu.dma_semaphore, #tpu.memory_space<semaphore_mem>>
    %dma_wait3A_321 = arith.constant 0 : i32
    %dma_wait3A_322 = arith.constant 0 : i32
    %dma_wait3A_323 = tpu.memref_slice %arg4[%dma_wait3A_311, %dma_wait3A_321, %dma_wait3A_322] : memref<4x4x4096xf32, #tpu.memory_space<vmem>> -> memref<1x4x4096xf32, #tpu.memory_space<vmem>>
    %dma_wait3A_324 = tpu.memref_squeeze %dma_wait3A_323 : memref<1x4x4096xf32, #tpu.memory_space<vmem>> -> memref<4x4096xf32, #tpu.memory_space<vmem>>
    %dma_wait3A_325 = arith.constant 0 : i32
    %dma_wait3A_326 = tpu.memref_slice %arg2[%add3A_158, %dma_wait3A_325] : memref<4096x4096xf32, #tpu.memory_space<hbm>> -> memref<4x4096xf32, #tpu.memory_space<hbm>>
    tpu.wait_dma2 semaphore(%dma_wait3A_320 : memref<!tpu.dma_semaphore, #tpu.memory_space<semaphore_mem>>) src(%dma_wait3A_326 : memref<4x4096xf32, #tpu.memory_space<hbm>>) dst(%dma_wait3A_324 : memref<4x4096xf32, #tpu.memory_space<vmem>>)
    %add3A_327 = arith.constant 16 : i32
    %add3A_328 = arith.addi %mul3A_2, %add3A_327 : i32
    %dma_start3A_329 = arith.constant 0 : i32
    %dma_start3A_330 = arith.constant 0 : i32
    %dma_start3A_331 = arith.constant 0 : i32
    %dma_start3A_332 = arith.constant 0 : i32
    %dma_start3A_333 = tpu.memref_slice %arg4[%dma_start3A_329, %dma_start3A_331, %dma_start3A_332] : memref<4x4x4096xf32, #tpu.memory_space<vmem>> -> memref<1x4x4096xf32, #tpu.memory_space<vmem>>
    %dma_start3A_334 = tpu.memref_squeeze %dma_start3A_333 : memref<1x4x4096xf32, #tpu.memory_space<vmem>> -> memref<4x4096xf32, #tpu.memory_space<vmem>>
    %dma_start3A_335 = arith.constant 0 : i32
    %dma_start3A_336 = tpu.memref_slice %arg3[%add3A_328, %dma_start3A_335] : memref<4096x4096xf32, #tpu.memory_space<hbm>> -> memref<4x4096xf32, #tpu.memory_space<hbm>>
    %dma_start3A_337 = tpu.memref_slice %arg6[%dma_start3A_330] : memref<4x!tpu.dma_semaphore, #tpu.memory_space<semaphore_mem>> -> memref<1x!tpu.dma_semaphore, #tpu.memory_space<semaphore_mem>>
    %dma_start3A_338 = tpu.memref_squeeze %dma_start3A_337 : memref<1x!tpu.dma_semaphore, #tpu.memory_space<semaphore_mem>> -> memref<!tpu.dma_semaphore, #tpu.memory_space<semaphore_mem>>
    %dma_start3A_339 = arith.constant 0 : i32
    %dma_start3A_340 = tpu.memref_slice %arg3[%add3A_328, %dma_start3A_339] : memref<4096x4096xf32, #tpu.memory_space<hbm>> -> memref<4x4096xf32, #tpu.memory_space<hbm>>
    %dma_start3A_341 = arith.constant 0 : i32
    %dma_start3A_342 = arith.constant 0 : i32
    %dma_start3A_343 = tpu.memref_slice %arg4[%dma_start3A_329, %dma_start3A_341, %dma_start3A_342] : memref<4x4x4096xf32, #tpu.memory_space<vmem>> -> memref<1x4x4096xf32, #tpu.memory_space<vmem>>
    %dma_start3A_344 = tpu.memref_squeeze %dma_start3A_343 : memref<1x4x4096xf32, #tpu.memory_space<vmem>> -> memref<4x4096xf32, #tpu.memory_space<vmem>>
    tpu.enqueue_dma source(%dma_start3A_344 : memref<4x4096xf32, #tpu.memory_space<vmem>>) target(%dma_start3A_340 : memref<4x4096xf32, #tpu.memory_space<hbm>>) target_semaphore(%dma_start3A_338 : memref<!tpu.dma_semaphore, #tpu.memory_space<semaphore_mem>>)
    %dma_wait3A_345 = arith.constant 3 : i32
    %dma_wait3A_346 = arith.constant 3 : i32
    %dma_wait3A_347 = arith.constant 0 : i32
    %dma_wait3A_348 = arith.constant 0 : i32
    %dma_wait3A_349 = tpu.memref_slice %arg4[%dma_wait3A_345, %dma_wait3A_347, %dma_wait3A_348] : memref<4x4x4096xf32, #tpu.memory_space<vmem>> -> memref<1x4x4096xf32, #tpu.memory_space<vmem>>
    %dma_wait3A_350 = tpu.memref_squeeze %dma_wait3A_349 : memref<1x4x4096xf32, #tpu.memory_space<vmem>> -> memref<4x4096xf32, #tpu.memory_space<vmem>>
    %dma_wait3A_351 = arith.constant 0 : i32
    %dma_wait3A_352 = tpu.memref_slice %arg3[%add3A_260, %dma_wait3A_351] : memref<4096x4096xf32, #tpu.memory_space<hbm>> -> memref<4x4096xf32, #tpu.memory_space<hbm>>
    %dma_wait3A_353 = tpu.memref_slice %arg6[%dma_wait3A_346] : memref<4x!tpu.dma_semaphore, #tpu.memory_space<semaphore_mem>> -> memref<1x!tpu.dma_semaphore, #tpu.memory_space<semaphore_mem>>
    %dma_wait3A_354 = tpu.memref_squeeze %dma_wait3A_353 : memref<1x!tpu.dma_semaphore, #tpu.memory_space<semaphore_mem>> -> memref<!tpu.dma_semaphore, #tpu.memory_space<semaphore_mem>>
    %dma_wait3A_355 = arith.constant 0 : i32
    %dma_wait3A_356 = tpu.memref_slice %arg3[%add3A_260, %dma_wait3A_355] : memref<4096x4096xf32, #tpu.memory_space<hbm>> -> memref<4x4096xf32, #tpu.memory_space<hbm>>
    %dma_wait3A_357 = arith.constant 0 : i32
    %dma_wait3A_358 = arith.constant 0 : i32
    %dma_wait3A_359 = tpu.memref_slice %arg4[%dma_wait3A_345, %dma_wait3A_357, %dma_wait3A_358] : memref<4x4x4096xf32, #tpu.memory_space<vmem>> -> memref<1x4x4096xf32, #tpu.memory_space<vmem>>
    %dma_wait3A_360 = tpu.memref_squeeze %dma_wait3A_359 : memref<1x4x4096xf32, #tpu.memory_space<vmem>> -> memref<4x4096xf32, #tpu.memory_space<vmem>>
    tpu.wait_dma2 semaphore(%dma_wait3A_354 : memref<!tpu.dma_semaphore, #tpu.memory_space<semaphore_mem>>) src(%dma_wait3A_360 : memref<4x4096xf32, #tpu.memory_space<vmem>>) dst(%dma_wait3A_356 : memref<4x4096xf32, #tpu.memory_space<hbm>>)
    %add3A_361 = arith.constant 28 : i32
    %add3A_362 = arith.addi %mul3A_2, %add3A_361 : i32
    %dma_start3A_363 = arith.constant 3 : i32
    %dma_start3A_364 = arith.constant 3 : i32
    %dma_start3A_365 = arith.constant 0 : i32
    %dma_start3A_366 = arith.constant 0 : i32
    %dma_start3A_367 = tpu.memref_slice %arg4[%dma_start3A_363, %dma_start3A_365, %dma_start3A_366] : memref<4x4x4096xf32, #tpu.memory_space<vmem>> -> memref<1x4x4096xf32, #tpu.memory_space<vmem>>
    %dma_start3A_368 = tpu.memref_squeeze %dma_start3A_367 : memref<1x4x4096xf32, #tpu.memory_space<vmem>> -> memref<4x4096xf32, #tpu.memory_space<vmem>>
    %dma_start3A_369 = arith.constant 0 : i32
    %dma_start3A_370 = tpu.memref_slice %arg2[%add3A_362, %dma_start3A_369] : memref<4096x4096xf32, #tpu.memory_space<hbm>> -> memref<4x4096xf32, #tpu.memory_space<hbm>>
    %dma_start3A_371 = tpu.memref_slice %arg5[%dma_start3A_364] : memref<4x!tpu.dma_semaphore, #tpu.memory_space<semaphore_mem>> -> memref<1x!tpu.dma_semaphore, #tpu.memory_space<semaphore_mem>>
    %dma_start3A_372 = tpu.memref_squeeze %dma_start3A_371 : memref<1x!tpu.dma_semaphore, #tpu.memory_space<semaphore_mem>> -> memref<!tpu.dma_semaphore, #tpu.memory_space<semaphore_mem>>
    %dma_start3A_373 = arith.constant 0 : i32
    %dma_start3A_374 = arith.constant 0 : i32
    %dma_start3A_375 = tpu.memref_slice %arg4[%dma_start3A_363, %dma_start3A_373, %dma_start3A_374] : memref<4x4x4096xf32, #tpu.memory_space<vmem>> -> memref<1x4x4096xf32, #tpu.memory_space<vmem>>
    %dma_start3A_376 = tpu.memref_squeeze %dma_start3A_375 : memref<1x4x4096xf32, #tpu.memory_space<vmem>> -> memref<4x4096xf32, #tpu.memory_space<vmem>>
    %dma_start3A_377 = arith.constant 0 : i32
    %dma_start3A_378 = tpu.memref_slice %arg2[%add3A_362, %dma_start3A_377] : memref<4096x4096xf32, #tpu.memory_space<hbm>> -> memref<4x4096xf32, #tpu.memory_space<hbm>>
    tpu.enqueue_dma source(%dma_start3A_378 : memref<4x4096xf32, #tpu.memory_space<hbm>>) target(%dma_start3A_376 : memref<4x4096xf32, #tpu.memory_space<vmem>>) target_semaphore(%dma_start3A_372 : memref<!tpu.dma_semaphore, #tpu.memory_space<semaphore_mem>>)
    %dma_wait3A_379 = arith.constant 1 : i32
    %dma_wait3A_380 = arith.constant 1 : i32
    %dma_wait3A_381 = arith.constant 0 : i32
    %dma_wait3A_382 = arith.constant 0 : i32
    %dma_wait3A_383 = tpu.memref_slice %arg4[%dma_wait3A_379, %dma_wait3A_381, %dma_wait3A_382] : memref<4x4x4096xf32, #tpu.memory_space<vmem>> -> memref<1x4x4096xf32, #tpu.memory_space<vmem>>
    %dma_wait3A_384 = tpu.memref_squeeze %dma_wait3A_383 : memref<1x4x4096xf32, #tpu.memory_space<vmem>> -> memref<4x4096xf32, #tpu.memory_space<vmem>>
    %dma_wait3A_385 = arith.constant 0 : i32
    %dma_wait3A_386 = tpu.memref_slice %arg2[%add3A_226, %dma_wait3A_385] : memref<4096x4096xf32, #tpu.memory_space<hbm>> -> memref<4x4096xf32, #tpu.memory_space<hbm>>
    %dma_wait3A_387 = tpu.memref_slice %arg5[%dma_wait3A_380] : memref<4x!tpu.dma_semaphore, #tpu.memory_space<semaphore_mem>> -> memref<1x!tpu.dma_semaphore, #tpu.memory_space<semaphore_mem>>
    %dma_wait3A_388 = tpu.memref_squeeze %dma_wait3A_387 : memref<1x!tpu.dma_semaphore, #tpu.memory_space<semaphore_mem>> -> memref<!tpu.dma_semaphore, #tpu.memory_space<semaphore_mem>>
    %dma_wait3A_389 = arith.constant 0 : i32
    %dma_wait3A_390 = arith.constant 0 : i32
    %dma_wait3A_391 = tpu.memref_slice %arg4[%dma_wait3A_379, %dma_wait3A_389, %dma_wait3A_390] : memref<4x4x4096xf32, #tpu.memory_space<vmem>> -> memref<1x4x4096xf32, #tpu.memory_space<vmem>>
    %dma_wait3A_392 = tpu.memref_squeeze %dma_wait3A_391 : memref<1x4x4096xf32, #tpu.memory_space<vmem>> -> memref<4x4096xf32, #tpu.memory_space<vmem>>
    %dma_wait3A_393 = arith.constant 0 : i32
    %dma_wait3A_394 = tpu.memref_slice %arg2[%add3A_226, %dma_wait3A_393] : memref<4096x4096xf32, #tpu.memory_space<hbm>> -> memref<4x4096xf32, #tpu.memory_space<hbm>>
    tpu.wait_dma2 semaphore(%dma_wait3A_388 : memref<!tpu.dma_semaphore, #tpu.memory_space<semaphore_mem>>) src(%dma_wait3A_394 : memref<4x4096xf32, #tpu.memory_space<hbm>>) dst(%dma_wait3A_392 : memref<4x4096xf32, #tpu.memory_space<vmem>>)
    %add3A_395 = arith.constant 20 : i32
    %add3A_396 = arith.addi %mul3A_2, %add3A_395 : i32
    %dma_start3A_397 = arith.constant 1 : i32
    %dma_start3A_398 = arith.constant 1 : i32
    %dma_start3A_399 = arith.constant 0 : i32
    %dma_start3A_400 = arith.constant 0 : i32
    %dma_start3A_401 = tpu.memref_slice %arg4[%dma_start3A_397, %dma_start3A_399, %dma_start3A_400] : memref<4x4x4096xf32, #tpu.memory_space<vmem>> -> memref<1x4x4096xf32, #tpu.memory_space<vmem>>
    %dma_start3A_402 = tpu.memref_squeeze %dma_start3A_401 : memref<1x4x4096xf32, #tpu.memory_space<vmem>> -> memref<4x4096xf32, #tpu.memory_space<vmem>>
    %dma_start3A_403 = arith.constant 0 : i32
    %dma_start3A_404 = tpu.memref_slice %arg3[%add3A_396, %dma_start3A_403] : memref<4096x4096xf32, #tpu.memory_space<hbm>> -> memref<4x4096xf32, #tpu.memory_space<hbm>>
    %dma_start3A_405 = tpu.memref_slice %arg6[%dma_start3A_398] : memref<4x!tpu.dma_semaphore, #tpu.memory_space<semaphore_mem>> -> memref<1x!tpu.dma_semaphore, #tpu.memory_space<semaphore_mem>>
    %dma_start3A_406 = tpu.memref_squeeze %dma_start3A_405 : memref<1x!tpu.dma_semaphore, #tpu.memory_space<semaphore_mem>> -> memref<!tpu.dma_semaphore, #tpu.memory_space<semaphore_mem>>
    %dma_start3A_407 = arith.constant 0 : i32
    %dma_start3A_408 = tpu.memref_slice %arg3[%add3A_396, %dma_start3A_407] : memref<4096x4096xf32, #tpu.memory_space<hbm>> -> memref<4x4096xf32, #tpu.memory_space<hbm>>
    %dma_start3A_409 = arith.constant 0 : i32
    %dma_start3A_410 = arith.constant 0 : i32
    %dma_start3A_411 = tpu.memref_slice %arg4[%dma_start3A_397, %dma_start3A_409, %dma_start3A_410] : memref<4x4x4096xf32, #tpu.memory_space<vmem>> -> memref<1x4x4096xf32, #tpu.memory_space<vmem>>
    %dma_start3A_412 = tpu.memref_squeeze %dma_start3A_411 : memref<1x4x4096xf32, #tpu.memory_space<vmem>> -> memref<4x4096xf32, #tpu.memory_space<vmem>>
    tpu.enqueue_dma source(%dma_start3A_412 : memref<4x4096xf32, #tpu.memory_space<vmem>>) target(%dma_start3A_408 : memref<4x4096xf32, #tpu.memory_space<hbm>>) target_semaphore(%dma_start3A_406 : memref<!tpu.dma_semaphore, #tpu.memory_space<semaphore_mem>>)
    %dma_wait3A_413 = arith.constant 0 : i32
    %dma_wait3A_414 = arith.constant 0 : i32
    %dma_wait3A_415 = arith.constant 0 : i32
    %dma_wait3A_416 = arith.constant 0 : i32
    %dma_wait3A_417 = tpu.memref_slice %arg4[%dma_wait3A_413, %dma_wait3A_415, %dma_wait3A_416] : memref<4x4x4096xf32, #tpu.memory_space<vmem>> -> memref<1x4x4096xf32, #tpu.memory_space<vmem>>
    %dma_wait3A_418 = tpu.memref_squeeze %dma_wait3A_417 : memref<1x4x4096xf32, #tpu.memory_space<vmem>> -> memref<4x4096xf32, #tpu.memory_space<vmem>>
    %dma_wait3A_419 = arith.constant 0 : i32
    %dma_wait3A_420 = tpu.memref_slice %arg3[%add3A_328, %dma_wait3A_419] : memref<4096x4096xf32, #tpu.memory_space<hbm>> -> memref<4x4096xf32, #tpu.memory_space<hbm>>
    %dma_wait3A_421 = tpu.memref_slice %arg6[%dma_wait3A_414] : memref<4x!tpu.dma_semaphore, #tpu.memory_space<semaphore_mem>> -> memref<1x!tpu.dma_semaphore, #tpu.memory_space<semaphore_mem>>
    %dma_wait3A_422 = tpu.memref_squeeze %dma_wait3A_421 : memref<1x!tpu.dma_semaphore, #tpu.memory_space<semaphore_mem>> -> memref<!tpu.dma_semaphore, #tpu.memory_space<semaphore_mem>>
    %dma_wait3A_423 = arith.constant 0 : i32
    %dma_wait3A_424 = tpu.memref_slice %arg3[%add3A_328, %dma_wait3A_423] : memref<4096x4096xf32, #tpu.memory_space<hbm>> -> memref<4x4096xf32, #tpu.memory_space<hbm>>
    %dma_wait3A_425 = arith.constant 0 : i32
    %dma_wait3A_426 = arith.constant 0 : i32
    %dma_wait3A_427 = tpu.memref_slice %arg4[%dma_wait3A_413, %dma_wait3A_425, %dma_wait3A_426] : memref<4x4x4096xf32, #tpu.memory_space<vmem>> -> memref<1x4x4096xf32, #tpu.memory_space<vmem>>
    %dma_wait3A_428 = tpu.memref_squeeze %dma_wait3A_427 : memref<1x4x4096xf32, #tpu.memory_space<vmem>> -> memref<4x4096xf32, #tpu.memory_space<vmem>>
    tpu.wait_dma2 semaphore(%dma_wait3A_422 : memref<!tpu.dma_semaphore, #tpu.memory_space<semaphore_mem>>) src(%dma_wait3A_428 : memref<4x4096xf32, #tpu.memory_space<vmem>>) dst(%dma_wait3A_424 : memref<4x4096xf32, #tpu.memory_space<hbm>>)
    %add3A_429 = arith.constant 32 : i32
    %add3A_430 = arith.addi %mul3A_2, %add3A_429 : i32
    %dma_start3A_431 = arith.constant 0 : i32
    %dma_start3A_432 = arith.constant 0 : i32
    %dma_start3A_433 = arith.constant 0 : i32
    %dma_start3A_434 = arith.constant 0 : i32
    %dma_start3A_435 = tpu.memref_slice %arg4[%dma_start3A_431, %dma_start3A_433, %dma_start3A_434] : memref<4x4x4096xf32, #tpu.memory_space<vmem>> -> memref<1x4x4096xf32, #tpu.memory_space<vmem>>
    %dma_start3A_436 = tpu.memref_squeeze %dma_start3A_435 : memref<1x4x4096xf32, #tpu.memory_space<vmem>> -> memref<4x4096xf32, #tpu.memory_space<vmem>>
    %dma_start3A_437 = arith.constant 0 : i32
    %dma_start3A_438 = tpu.memref_slice %arg2[%add3A_430, %dma_start3A_437] : memref<4096x4096xf32, #tpu.memory_space<hbm>> -> memref<4x4096xf32, #tpu.memory_space<hbm>>
    %dma_start3A_439 = tpu.memref_slice %arg5[%dma_start3A_432] : memref<4x!tpu.dma_semaphore, #tpu.memory_space<semaphore_mem>> -> memref<1x!tpu.dma_semaphore, #tpu.memory_space<semaphore_mem>>
    %dma_start3A_440 = tpu.memref_squeeze %dma_start3A_439 : memref<1x!tpu.dma_semaphore, #tpu.memory_space<semaphore_mem>> -> memref<!tpu.dma_semaphore, #tpu.memory_space<semaphore_mem>>
    %dma_start3A_441 = arith.constant 0 : i32
    %dma_start3A_442 = arith.constant 0 : i32
    %dma_start3A_443 = tpu.memref_slice %arg4[%dma_start3A_431, %dma_start3A_441, %dma_start3A_442] : memref<4x4x4096xf32, #tpu.memory_space<vmem>> -> memref<1x4x4096xf32, #tpu.memory_space<vmem>>
    %dma_start3A_444 = tpu.memref_squeeze %dma_start3A_443 : memref<1x4x4096xf32, #tpu.memory_space<vmem>> -> memref<4x4096xf32, #tpu.memory_space<vmem>>
    %dma_start3A_445 = arith.constant 0 : i32
    %dma_start3A_446 = tpu.memref_slice %arg2[%add3A_430, %dma_start3A_445] : memref<4096x4096xf32, #tpu.memory_space<hbm>> -> memref<4x4096xf32, #tpu.memory_space<hbm>>
    tpu.enqueue_dma source(%dma_start3A_446 : memref<4x4096xf32, #tpu.memory_space<hbm>>) target(%dma_start3A_444 : memref<4x4096xf32, #tpu.memory_space<vmem>>) target_semaphore(%dma_start3A_440 : memref<!tpu.dma_semaphore, #tpu.memory_space<semaphore_mem>>)
    %dma_wait3A_447 = arith.constant 2 : i32
    %dma_wait3A_448 = arith.constant 2 : i32
    %dma_wait3A_449 = arith.constant 0 : i32
    %dma_wait3A_450 = arith.constant 0 : i32
    %dma_wait3A_451 = tpu.memref_slice %arg4[%dma_wait3A_447, %dma_wait3A_449, %dma_wait3A_450] : memref<4x4x4096xf32, #tpu.memory_space<vmem>> -> memref<1x4x4096xf32, #tpu.memory_space<vmem>>
    %dma_wait3A_452 = tpu.memref_squeeze %dma_wait3A_451 : memref<1x4x4096xf32, #tpu.memory_space<vmem>> -> memref<4x4096xf32, #tpu.memory_space<vmem>>
    %dma_wait3A_453 = arith.constant 0 : i32
    %dma_wait3A_454 = tpu.memref_slice %arg2[%add3A_294, %dma_wait3A_453] : memref<4096x4096xf32, #tpu.memory_space<hbm>> -> memref<4x4096xf32, #tpu.memory_space<hbm>>
    %dma_wait3A_455 = tpu.memref_slice %arg5[%dma_wait3A_448] : memref<4x!tpu.dma_semaphore, #tpu.memory_space<semaphore_mem>> -> memref<1x!tpu.dma_semaphore, #tpu.memory_space<semaphore_mem>>
    %dma_wait3A_456 = tpu.memref_squeeze %dma_wait3A_455 : memref<1x!tpu.dma_semaphore, #tpu.memory_space<semaphore_mem>> -> memref<!tpu.dma_semaphore, #tpu.memory_space<semaphore_mem>>
    %dma_wait3A_457 = arith.constant 0 : i32
    %dma_wait3A_458 = arith.constant 0 : i32
    %dma_wait3A_459 = tpu.memref_slice %arg4[%dma_wait3A_447, %dma_wait3A_457, %dma_wait3A_458] : memref<4x4x4096xf32, #tpu.memory_space<vmem>> -> memref<1x4x4096xf32, #tpu.memory_space<vmem>>
    %dma_wait3A_460 = tpu.memref_squeeze %dma_wait3A_459 : memref<1x4x4096xf32, #tpu.memory_space<vmem>> -> memref<4x4096xf32, #tpu.memory_space<vmem>>
    %dma_wait3A_461 = arith.constant 0 : i32
    %dma_wait3A_462 = tpu.memref_slice %arg2[%add3A_294, %dma_wait3A_461] : memref<4096x4096xf32, #tpu.memory_space<hbm>> -> memref<4x4096xf32, #tpu.memory_space<hbm>>
    tpu.wait_dma2 semaphore(%dma_wait3A_456 : memref<!tpu.dma_semaphore, #tpu.memory_space<semaphore_mem>>) src(%dma_wait3A_462 : memref<4x4096xf32, #tpu.memory_space<hbm>>) dst(%dma_wait3A_460 : memref<4x4096xf32, #tpu.memory_space<vmem>>)
    %add3A_463 = arith.constant 24 : i32
    %add3A_464 = arith.addi %mul3A_2, %add3A_463 : i32
    %dma_start3A_465 = arith.constant 2 : i32
    %dma_start3A_466 = arith.constant 2 : i32
    %dma_start3A_467 = arith.constant 0 : i32
    %dma_start3A_468 = arith.constant 0 : i32
    %dma_start3A_469 = tpu.memref_slice %arg4[%dma_start3A_465, %dma_start3A_467, %dma_start3A_468] : memref<4x4x4096xf32, #tpu.memory_space<vmem>> -> memref<1x4x4096xf32, #tpu.memory_space<vmem>>
    %dma_start3A_470 = tpu.memref_squeeze %dma_start3A_469 : memref<1x4x4096xf32, #tpu.memory_space<vmem>> -> memref<4x4096xf32, #tpu.memory_space<vmem>>
    %dma_start3A_471 = arith.constant 0 : i32
    %dma_start3A_472 = tpu.memref_slice %arg3[%add3A_464, %dma_start3A_471] : memref<4096x4096xf32, #tpu.memory_space<hbm>> -> memref<4x4096xf32, #tpu.memory_space<hbm>>
    %dma_start3A_473 = tpu.memref_slice %arg6[%dma_start3A_466] : memref<4x!tpu.dma_semaphore, #tpu.memory_space<semaphore_mem>> -> memref<1x!tpu.dma_semaphore, #tpu.memory_space<semaphore_mem>>
    %dma_start3A_474 = tpu.memref_squeeze %dma_start3A_473 : memref<1x!tpu.dma_semaphore, #tpu.memory_space<semaphore_mem>> -> memref<!tpu.dma_semaphore, #tpu.memory_space<semaphore_mem>>
    %dma_start3A_475 = arith.constant 0 : i32
    %dma_start3A_476 = tpu.memref_slice %arg3[%add3A_464, %dma_start3A_475] : memref<4096x4096xf32, #tpu.memory_space<hbm>> -> memref<4x4096xf32, #tpu.memory_space<hbm>>
    %dma_start3A_477 = arith.constant 0 : i32
    %dma_start3A_478 = arith.constant 0 : i32
    %dma_start3A_479 = tpu.memref_slice %arg4[%dma_start3A_465, %dma_start3A_477, %dma_start3A_478] : memref<4x4x4096xf32, #tpu.memory_space<vmem>> -> memref<1x4x4096xf32, #tpu.memory_space<vmem>>
    %dma_start3A_480 = tpu.memref_squeeze %dma_start3A_479 : memref<1x4x4096xf32, #tpu.memory_space<vmem>> -> memref<4x4096xf32, #tpu.memory_space<vmem>>
    tpu.enqueue_dma source(%dma_start3A_480 : memref<4x4096xf32, #tpu.memory_space<vmem>>) target(%dma_start3A_476 : memref<4x4096xf32, #tpu.memory_space<hbm>>) target_semaphore(%dma_start3A_474 : memref<!tpu.dma_semaphore, #tpu.memory_space<semaphore_mem>>)
    %dma_wait3A_481 = arith.constant 1 : i32
    %dma_wait3A_482 = arith.constant 1 : i32
    %dma_wait3A_483 = arith.constant 0 : i32
    %dma_wait3A_484 = arith.constant 0 : i32
    %dma_wait3A_485 = tpu.memref_slice %arg4[%dma_wait3A_481, %dma_wait3A_483, %dma_wait3A_484] : memref<4x4x4096xf32, #tpu.memory_space<vmem>> -> memref<1x4x4096xf32, #tpu.memory_space<vmem>>
    %dma_wait3A_486 = tpu.memref_squeeze %dma_wait3A_485 : memref<1x4x4096xf32, #tpu.memory_space<vmem>> -> memref<4x4096xf32, #tpu.memory_space<vmem>>
    %dma_wait3A_487 = arith.constant 0 : i32
    %dma_wait3A_488 = tpu.memref_slice %arg3[%add3A_396, %dma_wait3A_487] : memref<4096x4096xf32, #tpu.memory_space<hbm>> -> memref<4x4096xf32, #tpu.memory_space<hbm>>
    %dma_wait3A_489 = tpu.memref_slice %arg6[%dma_wait3A_482] : memref<4x!tpu.dma_semaphore, #tpu.memory_space<semaphore_mem>> -> memref<1x!tpu.dma_semaphore, #tpu.memory_space<semaphore_mem>>
    %dma_wait3A_490 = tpu.memref_squeeze %dma_wait3A_489 : memref<1x!tpu.dma_semaphore, #tpu.memory_space<semaphore_mem>> -> memref<!tpu.dma_semaphore, #tpu.memory_space<semaphore_mem>>
    %dma_wait3A_491 = arith.constant 0 : i32
    %dma_wait3A_492 = tpu.memref_slice %arg3[%add3A_396, %dma_wait3A_491] : memref<4096x4096xf32, #tpu.memory_space<hbm>> -> memref<4x4096xf32, #tpu.memory_space<hbm>>
    %dma_wait3A_493 = arith.constant 0 : i32
    %dma_wait3A_494 = arith.constant 0 : i32
    %dma_wait3A_495 = tpu.memref_slice %arg4[%dma_wait3A_481, %dma_wait3A_493, %dma_wait3A_494] : memref<4x4x4096xf32, #tpu.memory_space<vmem>> -> memref<1x4x4096xf32, #tpu.memory_space<vmem>>
    %dma_wait3A_496 = tpu.memref_squeeze %dma_wait3A_495 : memref<1x4x4096xf32, #tpu.memory_space<vmem>> -> memref<4x4096xf32, #tpu.memory_space<vmem>>
    tpu.wait_dma2 semaphore(%dma_wait3A_490 : memref<!tpu.dma_semaphore, #tpu.memory_space<semaphore_mem>>) src(%dma_wait3A_496 : memref<4x4096xf32, #tpu.memory_space<vmem>>) dst(%dma_wait3A_492 : memref<4x4096xf32, #tpu.memory_space<hbm>>)
    %add3A_497 = arith.constant 36 : i32
    %add3A_498 = arith.addi %mul3A_2, %add3A_497 : i32
    %dma_start3A_499 = arith.constant 1 : i32
    %dma_start3A_500 = arith.constant 1 : i32
    %dma_start3A_501 = arith.constant 0 : i32
    %dma_start3A_502 = arith.constant 0 : i32
    %dma_start3A_503 = tpu.memref_slice %arg4[%dma_start3A_499, %dma_start3A_501, %dma_start3A_502] : memref<4x4x4096xf32, #tpu.memory_space<vmem>> -> memref<1x4x4096xf32, #tpu.memory_space<vmem>>
    %dma_start3A_504 = tpu.memref_squeeze %dma_start3A_503 : memref<1x4x4096xf32, #tpu.memory_space<vmem>> -> memref<4x4096xf32, #tpu.memory_space<vmem>>
    %dma_start3A_505 = arith.constant 0 : i32
    %dma_start3A_506 = tpu.memref_slice %arg2[%add3A_498, %dma_start3A_505] : memref<4096x4096xf32, #tpu.memory_space<hbm>> -> memref<4x4096xf32, #tpu.memory_space<hbm>>
    %dma_start3A_507 = tpu.memref_slice %arg5[%dma_start3A_500] : memref<4x!tpu.dma_semaphore, #tpu.memory_space<semaphore_mem>> -> memref<1x!tpu.dma_semaphore, #tpu.memory_space<semaphore_mem>>
    %dma_start3A_508 = tpu.memref_squeeze %dma_start3A_507 : memref<1x!tpu.dma_semaphore, #tpu.memory_space<semaphore_mem>> -> memref<!tpu.dma_semaphore, #tpu.memory_space<semaphore_mem>>
    %dma_start3A_509 = arith.constant 0 : i32
    %dma_start3A_510 = arith.constant 0 : i32
    %dma_start3A_511 = tpu.memref_slice %arg4[%dma_start3A_499, %dma_start3A_509, %dma_start3A_510] : memref<4x4x4096xf32, #tpu.memory_space<vmem>> -> memref<1x4x4096xf32, #tpu.memory_space<vmem>>
    %dma_start3A_512 = tpu.memref_squeeze %dma_start3A_511 : memref<1x4x4096xf32, #tpu.memory_space<vmem>> -> memref<4x4096xf32, #tpu.memory_space<vmem>>
    %dma_start3A_513 = arith.constant 0 : i32
    %dma_start3A_514 = tpu.memref_slice %arg2[%add3A_498, %dma_start3A_513] : memref<4096x4096xf32, #tpu.memory_space<hbm>> -> memref<4x4096xf32, #tpu.memory_space<hbm>>
    tpu.enqueue_dma source(%dma_start3A_514 : memref<4x4096xf32, #tpu.memory_space<hbm>>) target(%dma_start3A_512 : memref<4x4096xf32, #tpu.memory_space<vmem>>) target_semaphore(%dma_start3A_508 : memref<!tpu.dma_semaphore, #tpu.memory_space<semaphore_mem>>)
    %dma_wait3A_515 = arith.constant 3 : i32
    %dma_wait3A_516 = arith.constant 3 : i32
    %dma_wait3A_517 = arith.constant 0 : i32
    %dma_wait3A_518 = arith.constant 0 : i32
    %dma_wait3A_519 = tpu.memref_slice %arg4[%dma_wait3A_515, %dma_wait3A_517, %dma_wait3A_518] : memref<4x4x4096xf32, #tpu.memory_space<vmem>> -> memref<1x4x4096xf32, #tpu.memory_space<vmem>>
    %dma_wait3A_520 = tpu.memref_squeeze %dma_wait3A_519 : memref<1x4x4096xf32, #tpu.memory_space<vmem>> -> memref<4x4096xf32, #tpu.memory_space<vmem>>
    %dma_wait3A_521 = arith.constant 0 : i32
    %dma_wait3A_522 = tpu.memref_slice %arg2[%add3A_362, %dma_wait3A_521] : memref<4096x4096xf32, #tpu.memory_space<hbm>> -> memref<4x4096xf32, #tpu.memory_space<hbm>>
    %dma_wait3A_523 = tpu.memref_slice %arg5[%dma_wait3A_516] : memref<4x!tpu.dma_semaphore, #tpu.memory_space<semaphore_mem>> -> memref<1x!tpu.dma_semaphore, #tpu.memory_space<semaphore_mem>>
    %dma_wait3A_524 = tpu.memref_squeeze %dma_wait3A_523 : memref<1x!tpu.dma_semaphore, #tpu.memory_space<semaphore_mem>> -> memref<!tpu.dma_semaphore, #tpu.memory_space<semaphore_mem>>
    %dma_wait3A_525 = arith.constant 0 : i32
    %dma_wait3A_526 = arith.constant 0 : i32
    %dma_wait3A_527 = tpu.memref_slice %arg4[%dma_wait3A_515, %dma_wait3A_525, %dma_wait3A_526] : memref<4x4x4096xf32, #tpu.memory_space<vmem>> -> memref<1x4x4096xf32, #tpu.memory_space<vmem>>
    %dma_wait3A_528 = tpu.memref_squeeze %dma_wait3A_527 : memref<1x4x4096xf32, #tpu.memory_space<vmem>> -> memref<4x4096xf32, #tpu.memory_space<vmem>>
    %dma_wait3A_529 = arith.constant 0 : i32
    %dma_wait3A_530 = tpu.memref_slice %arg2[%add3A_362, %dma_wait3A_529] : memref<4096x4096xf32, #tpu.memory_space<hbm>> -> memref<4x4096xf32, #tpu.memory_space<hbm>>
    tpu.wait_dma2 semaphore(%dma_wait3A_524 : memref<!tpu.dma_semaphore, #tpu.memory_space<semaphore_mem>>) src(%dma_wait3A_530 : memref<4x4096xf32, #tpu.memory_space<hbm>>) dst(%dma_wait3A_528 : memref<4x4096xf32, #tpu.memory_space<vmem>>)
    %add3A_531 = arith.constant 28 : i32
    %add3A_532 = arith.addi %mul3A_2, %add3A_531 : i32
    %dma_start3A_533 = arith.constant 3 : i32
    %dma_start3A_534 = arith.constant 3 : i32
    %dma_start3A_535 = arith.constant 0 : i32
    %dma_start3A_536 = arith.constant 0 : i32
    %dma_start3A_537 = tpu.memref_slice %arg4[%dma_start3A_533, %dma_start3A_535, %dma_start3A_536] : memref<4x4x4096xf32, #tpu.memory_space<vmem>> -> memref<1x4x4096xf32, #tpu.memory_space<vmem>>
    %dma_start3A_538 = tpu.memref_squeeze %dma_start3A_537 : memref<1x4x4096xf32, #tpu.memory_space<vmem>> -> memref<4x4096xf32, #tpu.memory_space<vmem>>
    %dma_start3A_539 = arith.constant 0 : i32
    %dma_start3A_540 = tpu.memref_slice %arg3[%add3A_532, %dma_start3A_539] : memref<4096x4096xf32, #tpu.memory_space<hbm>> -> memref<4x4096xf32, #tpu.memory_space<hbm>>
    %dma_start3A_541 = tpu.memref_slice %arg6[%dma_start3A_534] : memref<4x!tpu.dma_semaphore, #tpu.memory_space<semaphore_mem>> -> memref<1x!tpu.dma_semaphore, #tpu.memory_space<semaphore_mem>>
    %dma_start3A_542 = tpu.memref_squeeze %dma_start3A_541 : memref<1x!tpu.dma_semaphore, #tpu.memory_space<semaphore_mem>> -> memref<!tpu.dma_semaphore, #tpu.memory_space<semaphore_mem>>
    %dma_start3A_543 = arith.constant 0 : i32
    %dma_start3A_544 = tpu.memref_slice %arg3[%add3A_532, %dma_start3A_543] : memref<4096x4096xf32, #tpu.memory_space<hbm>> -> memref<4x4096xf32, #tpu.memory_space<hbm>>
    %dma_start3A_545 = arith.constant 0 : i32
    %dma_start3A_546 = arith.constant 0 : i32
    %dma_start3A_547 = tpu.memref_slice %arg4[%dma_start3A_533, %dma_start3A_545, %dma_start3A_546] : memref<4x4x4096xf32, #tpu.memory_space<vmem>> -> memref<1x4x4096xf32, #tpu.memory_space<vmem>>
    %dma_start3A_548 = tpu.memref_squeeze %dma_start3A_547 : memref<1x4x4096xf32, #tpu.memory_space<vmem>> -> memref<4x4096xf32, #tpu.memory_space<vmem>>
    tpu.enqueue_dma source(%dma_start3A_548 : memref<4x4096xf32, #tpu.memory_space<vmem>>) target(%dma_start3A_544 : memref<4x4096xf32, #tpu.memory_space<hbm>>) target_semaphore(%dma_start3A_542 : memref<!tpu.dma_semaphore, #tpu.memory_space<semaphore_mem>>)
    %dma_wait3A_549 = arith.constant 2 : i32
    %dma_wait3A_550 = arith.constant 2 : i32
    %dma_wait3A_551 = arith.constant 0 : i32
    %dma_wait3A_552 = arith.constant 0 : i32
    %dma_wait3A_553 = tpu.memref_slice %arg4[%dma_wait3A_549, %dma_wait3A_551, %dma_wait3A_552] : memref<4x4x4096xf32, #tpu.memory_space<vmem>> -> memref<1x4x4096xf32, #tpu.memory_space<vmem>>
    %dma_wait3A_554 = tpu.memref_squeeze %dma_wait3A_553 : memref<1x4x4096xf32, #tpu.memory_space<vmem>> -> memref<4x4096xf32, #tpu.memory_space<vmem>>
    %dma_wait3A_555 = arith.constant 0 : i32
    %dma_wait3A_556 = tpu.memref_slice %arg3[%add3A_464, %dma_wait3A_555] : memref<4096x4096xf32, #tpu.memory_space<hbm>> -> memref<4x4096xf32, #tpu.memory_space<hbm>>
    %dma_wait3A_557 = tpu.memref_slice %arg6[%dma_wait3A_550] : memref<4x!tpu.dma_semaphore, #tpu.memory_space<semaphore_mem>> -> memref<1x!tpu.dma_semaphore, #tpu.memory_space<semaphore_mem>>
    %dma_wait3A_558 = tpu.memref_squeeze %dma_wait3A_557 : memref<1x!tpu.dma_semaphore, #tpu.memory_space<semaphore_mem>> -> memref<!tpu.dma_semaphore, #tpu.memory_space<semaphore_mem>>
    %dma_wait3A_559 = arith.constant 0 : i32
    %dma_wait3A_560 = tpu.memref_slice %arg3[%add3A_464, %dma_wait3A_559] : memref<4096x4096xf32, #tpu.memory_space<hbm>> -> memref<4x4096xf32, #tpu.memory_space<hbm>>
    %dma_wait3A_561 = arith.constant 0 : i32
    %dma_wait3A_562 = arith.constant 0 : i32
    %dma_wait3A_563 = tpu.memref_slice %arg4[%dma_wait3A_549, %dma_wait3A_561, %dma_wait3A_562] : memref<4x4x4096xf32, #tpu.memory_space<vmem>> -> memref<1x4x4096xf32, #tpu.memory_space<vmem>>
    %dma_wait3A_564 = tpu.memref_squeeze %dma_wait3A_563 : memref<1x4x4096xf32, #tpu.memory_space<vmem>> -> memref<4x4096xf32, #tpu.memory_space<vmem>>
    tpu.wait_dma2 semaphore(%dma_wait3A_558 : memref<!tpu.dma_semaphore, #tpu.memory_space<semaphore_mem>>) src(%dma_wait3A_564 : memref<4x4096xf32, #tpu.memory_space<vmem>>) dst(%dma_wait3A_560 : memref<4x4096xf32, #tpu.memory_space<hbm>>)
    %add3A_565 = arith.constant 40 : i32
    %add3A_566 = arith.addi %mul3A_2, %add3A_565 : i32
    %dma_start3A_567 = arith.constant 2 : i32
    %dma_start3A_568 = arith.constant 2 : i32
    %dma_start3A_569 = arith.constant 0 : i32
    %dma_start3A_570 = arith.constant 0 : i32
    %dma_start3A_571 = tpu.memref_slice %arg4[%dma_start3A_567, %dma_start3A_569, %dma_start3A_570] : memref<4x4x4096xf32, #tpu.memory_space<vmem>> -> memref<1x4x4096xf32, #tpu.memory_space<vmem>>
    %dma_start3A_572 = tpu.memref_squeeze %dma_start3A_571 : memref<1x4x4096xf32, #tpu.memory_space<vmem>> -> memref<4x4096xf32, #tpu.memory_space<vmem>>
    %dma_start3A_573 = arith.constant 0 : i32
    %dma_start3A_574 = tpu.memref_slice %arg2[%add3A_566, %dma_start3A_573] : memref<4096x4096xf32, #tpu.memory_space<hbm>> -> memref<4x4096xf32, #tpu.memory_space<hbm>>
    %dma_start3A_575 = tpu.memref_slice %arg5[%dma_start3A_568] : memref<4x!tpu.dma_semaphore, #tpu.memory_space<semaphore_mem>> -> memref<1x!tpu.dma_semaphore, #tpu.memory_space<semaphore_mem>>
    %dma_start3A_576 = tpu.memref_squeeze %dma_start3A_575 : memref<1x!tpu.dma_semaphore, #tpu.memory_space<semaphore_mem>> -> memref<!tpu.dma_semaphore, #tpu.memory_space<semaphore_mem>>
    %dma_start3A_577 = arith.constant 0 : i32
    %dma_start3A_578 = arith.constant 0 : i32
    %dma_start3A_579 = tpu.memref_slice %arg4[%dma_start3A_567, %dma_start3A_577, %dma_start3A_578] : memref<4x4x4096xf32, #tpu.memory_space<vmem>> -> memref<1x4x4096xf32, #tpu.memory_space<vmem>>
    %dma_start3A_580 = tpu.memref_squeeze %dma_start3A_579 : memref<1x4x4096xf32, #tpu.memory_space<vmem>> -> memref<4x4096xf32, #tpu.memory_space<vmem>>
    %dma_start3A_581 = arith.constant 0 : i32
    %dma_start3A_582 = tpu.memref_slice %arg2[%add3A_566, %dma_start3A_581] : memref<4096x4096xf32, #tpu.memory_space<hbm>> -> memref<4x4096xf32, #tpu.memory_space<hbm>>
    tpu.enqueue_dma source(%dma_start3A_582 : memref<4x4096xf32, #tpu.memory_space<hbm>>) target(%dma_start3A_580 : memref<4x4096xf32, #tpu.memory_space<vmem>>) target_semaphore(%dma_start3A_576 : memref<!tpu.dma_semaphore, #tpu.memory_space<semaphore_mem>>)
    %dma_wait3A_583 = arith.constant 0 : i32
    %dma_wait3A_584 = arith.constant 0 : i32
    %dma_wait3A_585 = arith.constant 0 : i32
    %dma_wait3A_586 = arith.constant 0 : i32
    %dma_wait3A_587 = tpu.memref_slice %arg4[%dma_wait3A_583, %dma_wait3A_585, %dma_wait3A_586] : memref<4x4x4096xf32, #tpu.memory_space<vmem>> -> memref<1x4x4096xf32, #tpu.memory_space<vmem>>
    %dma_wait3A_588 = tpu.memref_squeeze %dma_wait3A_587 : memref<1x4x4096xf32, #tpu.memory_space<vmem>> -> memref<4x4096xf32, #tpu.memory_space<vmem>>
    %dma_wait3A_589 = arith.constant 0 : i32
    %dma_wait3A_590 = tpu.memref_slice %arg2[%add3A_430, %dma_wait3A_589] : memref<4096x4096xf32, #tpu.memory_space<hbm>> -> memref<4x4096xf32, #tpu.memory_space<hbm>>
    %dma_wait3A_591 = tpu.memref_slice %arg5[%dma_wait3A_584] : memref<4x!tpu.dma_semaphore, #tpu.memory_space<semaphore_mem>> -> memref<1x!tpu.dma_semaphore, #tpu.memory_space<semaphore_mem>>
    %dma_wait3A_592 = tpu.memref_squeeze %dma_wait3A_591 : memref<1x!tpu.dma_semaphore, #tpu.memory_space<semaphore_mem>> -> memref<!tpu.dma_semaphore, #tpu.memory_space<semaphore_mem>>
    %dma_wait3A_593 = arith.constant 0 : i32
    %dma_wait3A_594 = arith.constant 0 : i32
    %dma_wait3A_595 = tpu.memref_slice %arg4[%dma_wait3A_583, %dma_wait3A_593, %dma_wait3A_594] : memref<4x4x4096xf32, #tpu.memory_space<vmem>> -> memref<1x4x4096xf32, #tpu.memory_space<vmem>>
    %dma_wait3A_596 = tpu.memref_squeeze %dma_wait3A_595 : memref<1x4x4096xf32, #tpu.memory_space<vmem>> -> memref<4x4096xf32, #tpu.memory_space<vmem>>
    %dma_wait3A_597 = arith.constant 0 : i32
    %dma_wait3A_598 = tpu.memref_slice %arg2[%add3A_430, %dma_wait3A_597] : memref<4096x4096xf32, #tpu.memory_space<hbm>> -> memref<4x4096xf32, #tpu.memory_space<hbm>>
    tpu.wait_dma2 semaphore(%dma_wait3A_592 : memref<!tpu.dma_semaphore, #tpu.memory_space<semaphore_mem>>) src(%dma_wait3A_598 : memref<4x4096xf32, #tpu.memory_space<hbm>>) dst(%dma_wait3A_596 : memref<4x4096xf32, #tpu.memory_space<vmem>>)
    %add3A_599 = arith.constant 32 : i32
    %add3A_600 = arith.addi %mul3A_2, %add3A_599 : i32
    %dma_start3A_601 = arith.constant 0 : i32
    %dma_start3A_602 = arith.constant 0 : i32
    %dma_start3A_603 = arith.constant 0 : i32
    %dma_start3A_604 = arith.constant 0 : i32
    %dma_start3A_605 = tpu.memref_slice %arg4[%dma_start3A_601, %dma_start3A_603, %dma_start3A_604] : memref<4x4x4096xf32, #tpu.memory_space<vmem>> -> memref<1x4x4096xf32, #tpu.memory_space<vmem>>
    %dma_start3A_606 = tpu.memref_squeeze %dma_start3A_605 : memref<1x4x4096xf32, #tpu.memory_space<vmem>> -> memref<4x4096xf32, #tpu.memory_space<vmem>>
    %dma_start3A_607 = arith.constant 0 : i32
    %dma_start3A_608 = tpu.memref_slice %arg3[%add3A_600, %dma_start3A_607] : memref<4096x4096xf32, #tpu.memory_space<hbm>> -> memref<4x4096xf32, #tpu.memory_space<hbm>>
    %dma_start3A_609 = tpu.memref_slice %arg6[%dma_start3A_602] : memref<4x!tpu.dma_semaphore, #tpu.memory_space<semaphore_mem>> -> memref<1x!tpu.dma_semaphore, #tpu.memory_space<semaphore_mem>>
    %dma_start3A_610 = tpu.memref_squeeze %dma_start3A_609 : memref<1x!tpu.dma_semaphore, #tpu.memory_space<semaphore_mem>> -> memref<!tpu.dma_semaphore, #tpu.memory_space<semaphore_mem>>
    %dma_start3A_611 = arith.constant 0 : i32
    %dma_start3A_612 = tpu.memref_slice %arg3[%add3A_600, %dma_start3A_611] : memref<4096x4096xf32, #tpu.memory_space<hbm>> -> memref<4x4096xf32, #tpu.memory_space<hbm>>
    %dma_start3A_613 = arith.constant 0 : i32
    %dma_start3A_614 = arith.constant 0 : i32
    %dma_start3A_615 = tpu.memref_slice %arg4[%dma_start3A_601, %dma_start3A_613, %dma_start3A_614] : memref<4x4x4096xf32, #tpu.memory_space<vmem>> -> memref<1x4x4096xf32, #tpu.memory_space<vmem>>
    %dma_start3A_616 = tpu.memref_squeeze %dma_start3A_615 : memref<1x4x4096xf32, #tpu.memory_space<vmem>> -> memref<4x4096xf32, #tpu.memory_space<vmem>>
    tpu.enqueue_dma source(%dma_start3A_616 : memref<4x4096xf32, #tpu.memory_space<vmem>>) target(%dma_start3A_612 : memref<4x4096xf32, #tpu.memory_space<hbm>>) target_semaphore(%dma_start3A_610 : memref<!tpu.dma_semaphore, #tpu.memory_space<semaphore_mem>>)
    %dma_wait3A_617 = arith.constant 3 : i32
    %dma_wait3A_618 = arith.constant 3 : i32
    %dma_wait3A_619 = arith.constant 0 : i32
    %dma_wait3A_620 = arith.constant 0 : i32
    %dma_wait3A_621 = tpu.memref_slice %arg4[%dma_wait3A_617, %dma_wait3A_619, %dma_wait3A_620] : memref<4x4x4096xf32, #tpu.memory_space<vmem>> -> memref<1x4x4096xf32, #tpu.memory_space<vmem>>
    %dma_wait3A_622 = tpu.memref_squeeze %dma_wait3A_621 : memref<1x4x4096xf32, #tpu.memory_space<vmem>> -> memref<4x4096xf32, #tpu.memory_space<vmem>>
    %dma_wait3A_623 = arith.constant 0 : i32
    %dma_wait3A_624 = tpu.memref_slice %arg3[%add3A_532, %dma_wait3A_623] : memref<4096x4096xf32, #tpu.memory_space<hbm>> -> memref<4x4096xf32, #tpu.memory_space<hbm>>
    %dma_wait3A_625 = tpu.memref_slice %arg6[%dma_wait3A_618] : memref<4x!tpu.dma_semaphore, #tpu.memory_space<semaphore_mem>> -> memref<1x!tpu.dma_semaphore, #tpu.memory_space<semaphore_mem>>
    %dma_wait3A_626 = tpu.memref_squeeze %dma_wait3A_625 : memref<1x!tpu.dma_semaphore, #tpu.memory_space<semaphore_mem>> -> memref<!tpu.dma_semaphore, #tpu.memory_space<semaphore_mem>>
    %dma_wait3A_627 = arith.constant 0 : i32
    %dma_wait3A_628 = tpu.memref_slice %arg3[%add3A_532, %dma_wait3A_627] : memref<4096x4096xf32, #tpu.memory_space<hbm>> -> memref<4x4096xf32, #tpu.memory_space<hbm>>
    %dma_wait3A_629 = arith.constant 0 : i32
    %dma_wait3A_630 = arith.constant 0 : i32
    %dma_wait3A_631 = tpu.memref_slice %arg4[%dma_wait3A_617, %dma_wait3A_629, %dma_wait3A_630] : memref<4x4x4096xf32, #tpu.memory_space<vmem>> -> memref<1x4x4096xf32, #tpu.memory_space<vmem>>
    %dma_wait3A_632 = tpu.memref_squeeze %dma_wait3A_631 : memref<1x4x4096xf32, #tpu.memory_space<vmem>> -> memref<4x4096xf32, #tpu.memory_space<vmem>>
    tpu.wait_dma2 semaphore(%dma_wait3A_626 : memref<!tpu.dma_semaphore, #tpu.memory_space<semaphore_mem>>) src(%dma_wait3A_632 : memref<4x4096xf32, #tpu.memory_space<vmem>>) dst(%dma_wait3A_628 : memref<4x4096xf32, #tpu.memory_space<hbm>>)
    %add3A_633 = arith.constant 44 : i32
    %add3A_634 = arith.addi %mul3A_2, %add3A_633 : i32
    %dma_start3A_635 = arith.constant 3 : i32
    %dma_start3A_636 = arith.constant 3 : i32
    %dma_start3A_637 = arith.constant 0 : i32
    %dma_start3A_638 = arith.constant 0 : i32
    %dma_start3A_639 = tpu.memref_slice %arg4[%dma_start3A_635, %dma_start3A_637, %dma_start3A_638] : memref<4x4x4096xf32, #tpu.memory_space<vmem>> -> memref<1x4x4096xf32, #tpu.memory_space<vmem>>
    %dma_start3A_640 = tpu.memref_squeeze %dma_start3A_639 : memref<1x4x4096xf32, #tpu.memory_space<vmem>> -> memref<4x4096xf32, #tpu.memory_space<vmem>>
    %dma_start3A_641 = arith.constant 0 : i32
    %dma_start3A_642 = tpu.memref_slice %arg2[%add3A_634, %dma_start3A_641] : memref<4096x4096xf32, #tpu.memory_space<hbm>> -> memref<4x4096xf32, #tpu.memory_space<hbm>>
    %dma_start3A_643 = tpu.memref_slice %arg5[%dma_start3A_636] : memref<4x!tpu.dma_semaphore, #tpu.memory_space<semaphore_mem>> -> memref<1x!tpu.dma_semaphore, #tpu.memory_space<semaphore_mem>>
    %dma_start3A_644 = tpu.memref_squeeze %dma_start3A_643 : memref<1x!tpu.dma_semaphore, #tpu.memory_space<semaphore_mem>> -> memref<!tpu.dma_semaphore, #tpu.memory_space<semaphore_mem>>
    %dma_start3A_645 = arith.constant 0 : i32
    %dma_start3A_646 = arith.constant 0 : i32
    %dma_start3A_647 = tpu.memref_slice %arg4[%dma_start3A_635, %dma_start3A_645, %dma_start3A_646] : memref<4x4x4096xf32, #tpu.memory_space<vmem>> -> memref<1x4x4096xf32, #tpu.memory_space<vmem>>
    %dma_start3A_648 = tpu.memref_squeeze %dma_start3A_647 : memref<1x4x4096xf32, #tpu.memory_space<vmem>> -> memref<4x4096xf32, #tpu.memory_space<vmem>>
    %dma_start3A_649 = arith.constant 0 : i32
    %dma_start3A_650 = tpu.memref_slice %arg2[%add3A_634, %dma_start3A_649] : memref<4096x4096xf32, #tpu.memory_space<hbm>> -> memref<4x4096xf32, #tpu.memory_space<hbm>>
    tpu.enqueue_dma source(%dma_start3A_650 : memref<4x4096xf32, #tpu.memory_space<hbm>>) target(%dma_start3A_648 : memref<4x4096xf32, #tpu.memory_space<vmem>>) target_semaphore(%dma_start3A_644 : memref<!tpu.dma_semaphore, #tpu.memory_space<semaphore_mem>>)
    %dma_wait3A_651 = arith.constant 1 : i32
    %dma_wait3A_652 = arith.constant 1 : i32
    %dma_wait3A_653 = arith.constant 0 : i32
    %dma_wait3A_654 = arith.constant 0 : i32
    %dma_wait3A_655 = tpu.memref_slice %arg4[%dma_wait3A_651, %dma_wait3A_653, %dma_wait3A_654] : memref<4x4x4096xf32, #tpu.memory_space<vmem>> -> memref<1x4x4096xf32, #tpu.memory_space<vmem>>
    %dma_wait3A_656 = tpu.memref_squeeze %dma_wait3A_655 : memref<1x4x4096xf32, #tpu.memory_space<vmem>> -> memref<4x4096xf32, #tpu.memory_space<vmem>>
    %dma_wait3A_657 = arith.constant 0 : i32
    %dma_wait3A_658 = tpu.memref_slice %arg2[%add3A_498, %dma_wait3A_657] : memref<4096x4096xf32, #tpu.memory_space<hbm>> -> memref<4x4096xf32, #tpu.memory_space<hbm>>
    %dma_wait3A_659 = tpu.memref_slice %arg5[%dma_wait3A_652] : memref<4x!tpu.dma_semaphore, #tpu.memory_space<semaphore_mem>> -> memref<1x!tpu.dma_semaphore, #tpu.memory_space<semaphore_mem>>
    %dma_wait3A_660 = tpu.memref_squeeze %dma_wait3A_659 : memref<1x!tpu.dma_semaphore, #tpu.memory_space<semaphore_mem>> -> memref<!tpu.dma_semaphore, #tpu.memory_space<semaphore_mem>>
    %dma_wait3A_661 = arith.constant 0 : i32
    %dma_wait3A_662 = arith.constant 0 : i32
    %dma_wait3A_663 = tpu.memref_slice %arg4[%dma_wait3A_651, %dma_wait3A_661, %dma_wait3A_662] : memref<4x4x4096xf32, #tpu.memory_space<vmem>> -> memref<1x4x4096xf32, #tpu.memory_space<vmem>>
    %dma_wait3A_664 = tpu.memref_squeeze %dma_wait3A_663 : memref<1x4x4096xf32, #tpu.memory_space<vmem>> -> memref<4x4096xf32, #tpu.memory_space<vmem>>
    %dma_wait3A_665 = arith.constant 0 : i32
    %dma_wait3A_666 = tpu.memref_slice %arg2[%add3A_498, %dma_wait3A_665] : memref<4096x4096xf32, #tpu.memory_space<hbm>> -> memref<4x4096xf32, #tpu.memory_space<hbm>>
    tpu.wait_dma2 semaphore(%dma_wait3A_660 : memref<!tpu.dma_semaphore, #tpu.memory_space<semaphore_mem>>) src(%dma_wait3A_666 : memref<4x4096xf32, #tpu.memory_space<hbm>>) dst(%dma_wait3A_664 : memref<4x4096xf32, #tpu.memory_space<vmem>>)
    %add3A_667 = arith.constant 36 : i32
    %add3A_668 = arith.addi %mul3A_2, %add3A_667 : i32
    %dma_start3A_669 = arith.constant 1 : i32
    %dma_start3A_670 = arith.constant 1 : i32
    %dma_start3A_671 = arith.constant 0 : i32
    %dma_start3A_672 = arith.constant 0 : i32
    %dma_start3A_673 = tpu.memref_slice %arg4[%dma_start3A_669, %dma_start3A_671, %dma_start3A_672] : memref<4x4x4096xf32, #tpu.memory_space<vmem>> -> memref<1x4x4096xf32, #tpu.memory_space<vmem>>
    %dma_start3A_674 = tpu.memref_squeeze %dma_start3A_673 : memref<1x4x4096xf32, #tpu.memory_space<vmem>> -> memref<4x4096xf32, #tpu.memory_space<vmem>>
    %dma_start3A_675 = arith.constant 0 : i32
    %dma_start3A_676 = tpu.memref_slice %arg3[%add3A_668, %dma_start3A_675] : memref<4096x4096xf32, #tpu.memory_space<hbm>> -> memref<4x4096xf32, #tpu.memory_space<hbm>>
    %dma_start3A_677 = tpu.memref_slice %arg6[%dma_start3A_670] : memref<4x!tpu.dma_semaphore, #tpu.memory_space<semaphore_mem>> -> memref<1x!tpu.dma_semaphore, #tpu.memory_space<semaphore_mem>>
    %dma_start3A_678 = tpu.memref_squeeze %dma_start3A_677 : memref<1x!tpu.dma_semaphore, #tpu.memory_space<semaphore_mem>> -> memref<!tpu.dma_semaphore, #tpu.memory_space<semaphore_mem>>
    %dma_start3A_679 = arith.constant 0 : i32
    %dma_start3A_680 = tpu.memref_slice %arg3[%add3A_668, %dma_start3A_679] : memref<4096x4096xf32, #tpu.memory_space<hbm>> -> memref<4x4096xf32, #tpu.memory_space<hbm>>
    %dma_start3A_681 = arith.constant 0 : i32
    %dma_start3A_682 = arith.constant 0 : i32
    %dma_start3A_683 = tpu.memref_slice %arg4[%dma_start3A_669, %dma_start3A_681, %dma_start3A_682] : memref<4x4x4096xf32, #tpu.memory_space<vmem>> -> memref<1x4x4096xf32, #tpu.memory_space<vmem>>
    %dma_start3A_684 = tpu.memref_squeeze %dma_start3A_683 : memref<1x4x4096xf32, #tpu.memory_space<vmem>> -> memref<4x4096xf32, #tpu.memory_space<vmem>>
    tpu.enqueue_dma source(%dma_start3A_684 : memref<4x4096xf32, #tpu.memory_space<vmem>>) target(%dma_start3A_680 : memref<4x4096xf32, #tpu.memory_space<hbm>>) target_semaphore(%dma_start3A_678 : memref<!tpu.dma_semaphore, #tpu.memory_space<semaphore_mem>>)
    %dma_wait3A_685 = arith.constant 0 : i32
    %dma_wait3A_686 = arith.constant 0 : i32
    %dma_wait3A_687 = arith.constant 0 : i32
    %dma_wait3A_688 = arith.constant 0 : i32
    %dma_wait3A_689 = tpu.memref_slice %arg4[%dma_wait3A_685, %dma_wait3A_687, %dma_wait3A_688] : memref<4x4x4096xf32, #tpu.memory_space<vmem>> -> memref<1x4x4096xf32, #tpu.memory_space<vmem>>
    %dma_wait3A_690 = tpu.memref_squeeze %dma_wait3A_689 : memref<1x4x4096xf32, #tpu.memory_space<vmem>> -> memref<4x4096xf32, #tpu.memory_space<vmem>>
    %dma_wait3A_691 = arith.constant 0 : i32
    %dma_wait3A_692 = tpu.memref_slice %arg3[%add3A_600, %dma_wait3A_691] : memref<4096x4096xf32, #tpu.memory_space<hbm>> -> memref<4x4096xf32, #tpu.memory_space<hbm>>
    %dma_wait3A_693 = tpu.memref_slice %arg6[%dma_wait3A_686] : memref<4x!tpu.dma_semaphore, #tpu.memory_space<semaphore_mem>> -> memref<1x!tpu.dma_semaphore, #tpu.memory_space<semaphore_mem>>
    %dma_wait3A_694 = tpu.memref_squeeze %dma_wait3A_693 : memref<1x!tpu.dma_semaphore, #tpu.memory_space<semaphore_mem>> -> memref<!tpu.dma_semaphore, #tpu.memory_space<semaphore_mem>>
    %dma_wait3A_695 = arith.constant 0 : i32
    %dma_wait3A_696 = tpu.memref_slice %arg3[%add3A_600, %dma_wait3A_695] : memref<4096x4096xf32, #tpu.memory_space<hbm>> -> memref<4x4096xf32, #tpu.memory_space<hbm>>
    %dma_wait3A_697 = arith.constant 0 : i32
    %dma_wait3A_698 = arith.constant 0 : i32
    %dma_wait3A_699 = tpu.memref_slice %arg4[%dma_wait3A_685, %dma_wait3A_697, %dma_wait3A_698] : memref<4x4x4096xf32, #tpu.memory_space<vmem>> -> memref<1x4x4096xf32, #tpu.memory_space<vmem>>
    %dma_wait3A_700 = tpu.memref_squeeze %dma_wait3A_699 : memref<1x4x4096xf32, #tpu.memory_space<vmem>> -> memref<4x4096xf32, #tpu.memory_space<vmem>>
    tpu.wait_dma2 semaphore(%dma_wait3A_694 : memref<!tpu.dma_semaphore, #tpu.memory_space<semaphore_mem>>) src(%dma_wait3A_700 : memref<4x4096xf32, #tpu.memory_space<vmem>>) dst(%dma_wait3A_696 : memref<4x4096xf32, #tpu.memory_space<hbm>>)
    %add3A_701 = arith.constant 48 : i32
    %add3A_702 = arith.addi %mul3A_2, %add3A_701 : i32
    %dma_start3A_703 = arith.constant 0 : i32
    %dma_start3A_704 = arith.constant 0 : i32
    %dma_start3A_705 = arith.constant 0 : i32
    %dma_start3A_706 = arith.constant 0 : i32
    %dma_start3A_707 = tpu.memref_slice %arg4[%dma_start3A_703, %dma_start3A_705, %dma_start3A_706] : memref<4x4x4096xf32, #tpu.memory_space<vmem>> -> memref<1x4x4096xf32, #tpu.memory_space<vmem>>
    %dma_start3A_708 = tpu.memref_squeeze %dma_start3A_707 : memref<1x4x4096xf32, #tpu.memory_space<vmem>> -> memref<4x4096xf32, #tpu.memory_space<vmem>>
    %dma_start3A_709 = arith.constant 0 : i32
    %dma_start3A_710 = tpu.memref_slice %arg2[%add3A_702, %dma_start3A_709] : memref<4096x4096xf32, #tpu.memory_space<hbm>> -> memref<4x4096xf32, #tpu.memory_space<hbm>>
    %dma_start3A_711 = tpu.memref_slice %arg5[%dma_start3A_704] : memref<4x!tpu.dma_semaphore, #tpu.memory_space<semaphore_mem>> -> memref<1x!tpu.dma_semaphore, #tpu.memory_space<semaphore_mem>>
    %dma_start3A_712 = tpu.memref_squeeze %dma_start3A_711 : memref<1x!tpu.dma_semaphore, #tpu.memory_space<semaphore_mem>> -> memref<!tpu.dma_semaphore, #tpu.memory_space<semaphore_mem>>
    %dma_start3A_713 = arith.constant 0 : i32
    %dma_start3A_714 = arith.constant 0 : i32
    %dma_start3A_715 = tpu.memref_slice %arg4[%dma_start3A_703, %dma_start3A_713, %dma_start3A_714] : memref<4x4x4096xf32, #tpu.memory_space<vmem>> -> memref<1x4x4096xf32, #tpu.memory_space<vmem>>
    %dma_start3A_716 = tpu.memref_squeeze %dma_start3A_715 : memref<1x4x4096xf32, #tpu.memory_space<vmem>> -> memref<4x4096xf32, #tpu.memory_space<vmem>>
    %dma_start3A_717 = arith.constant 0 : i32
    %dma_start3A_718 = tpu.memref_slice %arg2[%add3A_702, %dma_start3A_717] : memref<4096x4096xf32, #tpu.memory_space<hbm>> -> memref<4x4096xf32, #tpu.memory_space<hbm>>
    tpu.enqueue_dma source(%dma_start3A_718 : memref<4x4096xf32, #tpu.memory_space<hbm>>) target(%dma_start3A_716 : memref<4x4096xf32, #tpu.memory_space<vmem>>) target_semaphore(%dma_start3A_712 : memref<!tpu.dma_semaphore, #tpu.memory_space<semaphore_mem>>)
    %dma_wait3A_719 = arith.constant 2 : i32
    %dma_wait3A_720 = arith.constant 2 : i32
    %dma_wait3A_721 = arith.constant 0 : i32
    %dma_wait3A_722 = arith.constant 0 : i32
    %dma_wait3A_723 = tpu.memref_slice %arg4[%dma_wait3A_719, %dma_wait3A_721, %dma_wait3A_722] : memref<4x4x4096xf32, #tpu.memory_space<vmem>> -> memref<1x4x4096xf32, #tpu.memory_space<vmem>>
    %dma_wait3A_724 = tpu.memref_squeeze %dma_wait3A_723 : memref<1x4x4096xf32, #tpu.memory_space<vmem>> -> memref<4x4096xf32, #tpu.memory_space<vmem>>
    %dma_wait3A_725 = arith.constant 0 : i32
    %dma_wait3A_726 = tpu.memref_slice %arg2[%add3A_566, %dma_wait3A_725] : memref<4096x4096xf32, #tpu.memory_space<hbm>> -> memref<4x4096xf32, #tpu.memory_space<hbm>>
    %dma_wait3A_727 = tpu.memref_slice %arg5[%dma_wait3A_720] : memref<4x!tpu.dma_semaphore, #tpu.memory_space<semaphore_mem>> -> memref<1x!tpu.dma_semaphore, #tpu.memory_space<semaphore_mem>>
    %dma_wait3A_728 = tpu.memref_squeeze %dma_wait3A_727 : memref<1x!tpu.dma_semaphore, #tpu.memory_space<semaphore_mem>> -> memref<!tpu.dma_semaphore, #tpu.memory_space<semaphore_mem>>
    %dma_wait3A_729 = arith.constant 0 : i32
    %dma_wait3A_730 = arith.constant 0 : i32
    %dma_wait3A_731 = tpu.memref_slice %arg4[%dma_wait3A_719, %dma_wait3A_729, %dma_wait3A_730] : memref<4x4x4096xf32, #tpu.memory_space<vmem>> -> memref<1x4x4096xf32, #tpu.memory_space<vmem>>
    %dma_wait3A_732 = tpu.memref_squeeze %dma_wait3A_731 : memref<1x4x4096xf32, #tpu.memory_space<vmem>> -> memref<4x4096xf32, #tpu.memory_space<vmem>>
    %dma_wait3A_733 = arith.constant 0 : i32
    %dma_wait3A_734 = tpu.memref_slice %arg2[%add3A_566, %dma_wait3A_733] : memref<4096x4096xf32, #tpu.memory_space<hbm>> -> memref<4x4096xf32, #tpu.memory_space<hbm>>
    tpu.wait_dma2 semaphore(%dma_wait3A_728 : memref<!tpu.dma_semaphore, #tpu.memory_space<semaphore_mem>>) src(%dma_wait3A_734 : memref<4x4096xf32, #tpu.memory_space<hbm>>) dst(%dma_wait3A_732 : memref<4x4096xf32, #tpu.memory_space<vmem>>)
    %add3A_735 = arith.constant 40 : i32
    %add3A_736 = arith.addi %mul3A_2, %add3A_735 : i32
    %dma_start3A_737 = arith.constant 2 : i32
    %dma_start3A_738 = arith.constant 2 : i32
    %dma_start3A_739 = arith.constant 0 : i32
    %dma_start3A_740 = arith.constant 0 : i32
    %dma_start3A_741 = tpu.memref_slice %arg4[%dma_start3A_737, %dma_start3A_739, %dma_start3A_740] : memref<4x4x4096xf32, #tpu.memory_space<vmem>> -> memref<1x4x4096xf32, #tpu.memory_space<vmem>>
    %dma_start3A_742 = tpu.memref_squeeze %dma_start3A_741 : memref<1x4x4096xf32, #tpu.memory_space<vmem>> -> memref<4x4096xf32, #tpu.memory_space<vmem>>
    %dma_start3A_743 = arith.constant 0 : i32
    %dma_start3A_744 = tpu.memref_slice %arg3[%add3A_736, %dma_start3A_743] : memref<4096x4096xf32, #tpu.memory_space<hbm>> -> memref<4x4096xf32, #tpu.memory_space<hbm>>
    %dma_start3A_745 = tpu.memref_slice %arg6[%dma_start3A_738] : memref<4x!tpu.dma_semaphore, #tpu.memory_space<semaphore_mem>> -> memref<1x!tpu.dma_semaphore, #tpu.memory_space<semaphore_mem>>
    %dma_start3A_746 = tpu.memref_squeeze %dma_start3A_745 : memref<1x!tpu.dma_semaphore, #tpu.memory_space<semaphore_mem>> -> memref<!tpu.dma_semaphore, #tpu.memory_space<semaphore_mem>>
    %dma_start3A_747 = arith.constant 0 : i32
    %dma_start3A_748 = tpu.memref_slice %arg3[%add3A_736, %dma_start3A_747] : memref<4096x4096xf32, #tpu.memory_space<hbm>> -> memref<4x4096xf32, #tpu.memory_space<hbm>>
    %dma_start3A_749 = arith.constant 0 : i32
    %dma_start3A_750 = arith.constant 0 : i32
    %dma_start3A_751 = tpu.memref_slice %arg4[%dma_start3A_737, %dma_start3A_749, %dma_start3A_750] : memref<4x4x4096xf32, #tpu.memory_space<vmem>> -> memref<1x4x4096xf32, #tpu.memory_space<vmem>>
    %dma_start3A_752 = tpu.memref_squeeze %dma_start3A_751 : memref<1x4x4096xf32, #tpu.memory_space<vmem>> -> memref<4x4096xf32, #tpu.memory_space<vmem>>
    tpu.enqueue_dma source(%dma_start3A_752 : memref<4x4096xf32, #tpu.memory_space<vmem>>) target(%dma_start3A_748 : memref<4x4096xf32, #tpu.memory_space<hbm>>) target_semaphore(%dma_start3A_746 : memref<!tpu.dma_semaphore, #tpu.memory_space<semaphore_mem>>)
    %dma_wait3A_753 = arith.constant 1 : i32
    %dma_wait3A_754 = arith.constant 1 : i32
    %dma_wait3A_755 = arith.constant 0 : i32
    %dma_wait3A_756 = arith.constant 0 : i32
    %dma_wait3A_757 = tpu.memref_slice %arg4[%dma_wait3A_753, %dma_wait3A_755, %dma_wait3A_756] : memref<4x4x4096xf32, #tpu.memory_space<vmem>> -> memref<1x4x4096xf32, #tpu.memory_space<vmem>>
    %dma_wait3A_758 = tpu.memref_squeeze %dma_wait3A_757 : memref<1x4x4096xf32, #tpu.memory_space<vmem>> -> memref<4x4096xf32, #tpu.memory_space<vmem>>
    %dma_wait3A_759 = arith.constant 0 : i32
    %dma_wait3A_760 = tpu.memref_slice %arg3[%add3A_668, %dma_wait3A_759] : memref<4096x4096xf32, #tpu.memory_space<hbm>> -> memref<4x4096xf32, #tpu.memory_space<hbm>>
    %dma_wait3A_761 = tpu.memref_slice %arg6[%dma_wait3A_754] : memref<4x!tpu.dma_semaphore, #tpu.memory_space<semaphore_mem>> -> memref<1x!tpu.dma_semaphore, #tpu.memory_space<semaphore_mem>>
    %dma_wait3A_762 = tpu.memref_squeeze %dma_wait3A_761 : memref<1x!tpu.dma_semaphore, #tpu.memory_space<semaphore_mem>> -> memref<!tpu.dma_semaphore, #tpu.memory_space<semaphore_mem>>
    %dma_wait3A_763 = arith.constant 0 : i32
    %dma_wait3A_764 = tpu.memref_slice %arg3[%add3A_668, %dma_wait3A_763] : memref<4096x4096xf32, #tpu.memory_space<hbm>> -> memref<4x4096xf32, #tpu.memory_space<hbm>>
    %dma_wait3A_765 = arith.constant 0 : i32
    %dma_wait3A_766 = arith.constant 0 : i32
    %dma_wait3A_767 = tpu.memref_slice %arg4[%dma_wait3A_753, %dma_wait3A_765, %dma_wait3A_766] : memref<4x4x4096xf32, #tpu.memory_space<vmem>> -> memref<1x4x4096xf32, #tpu.memory_space<vmem>>
    %dma_wait3A_768 = tpu.memref_squeeze %dma_wait3A_767 : memref<1x4x4096xf32, #tpu.memory_space<vmem>> -> memref<4x4096xf32, #tpu.memory_space<vmem>>
    tpu.wait_dma2 semaphore(%dma_wait3A_762 : memref<!tpu.dma_semaphore, #tpu.memory_space<semaphore_mem>>) src(%dma_wait3A_768 : memref<4x4096xf32, #tpu.memory_space<vmem>>) dst(%dma_wait3A_764 : memref<4x4096xf32, #tpu.memory_space<hbm>>)
    %add3A_769 = arith.constant 52 : i32
    %add3A_770 = arith.addi %mul3A_2, %add3A_769 : i32
    %dma_start3A_771 = arith.constant 1 : i32
    %dma_start3A_772 = arith.constant 1 : i32
    %dma_start3A_773 = arith.constant 0 : i32
    %dma_start3A_774 = arith.constant 0 : i32
    %dma_start3A_775 = tpu.memref_slice %arg4[%dma_start3A_771, %dma_start3A_773, %dma_start3A_774] : memref<4x4x4096xf32, #tpu.memory_space<vmem>> -> memref<1x4x4096xf32, #tpu.memory_space<vmem>>
    %dma_start3A_776 = tpu.memref_squeeze %dma_start3A_775 : memref<1x4x4096xf32, #tpu.memory_space<vmem>> -> memref<4x4096xf32, #tpu.memory_space<vmem>>
    %dma_start3A_777 = arith.constant 0 : i32
    %dma_start3A_778 = tpu.memref_slice %arg2[%add3A_770, %dma_start3A_777] : memref<4096x4096xf32, #tpu.memory_space<hbm>> -> memref<4x4096xf32, #tpu.memory_space<hbm>>
    %dma_start3A_779 = tpu.memref_slice %arg5[%dma_start3A_772] : memref<4x!tpu.dma_semaphore, #tpu.memory_space<semaphore_mem>> -> memref<1x!tpu.dma_semaphore, #tpu.memory_space<semaphore_mem>>
    %dma_start3A_780 = tpu.memref_squeeze %dma_start3A_779 : memref<1x!tpu.dma_semaphore, #tpu.memory_space<semaphore_mem>> -> memref<!tpu.dma_semaphore, #tpu.memory_space<semaphore_mem>>
    %dma_start3A_781 = arith.constant 0 : i32
    %dma_start3A_782 = arith.constant 0 : i32
    %dma_start3A_783 = tpu.memref_slice %arg4[%dma_start3A_771, %dma_start3A_781, %dma_start3A_782] : memref<4x4x4096xf32, #tpu.memory_space<vmem>> -> memref<1x4x4096xf32, #tpu.memory_space<vmem>>
    %dma_start3A_784 = tpu.memref_squeeze %dma_start3A_783 : memref<1x4x4096xf32, #tpu.memory_space<vmem>> -> memref<4x4096xf32, #tpu.memory_space<vmem>>
    %dma_start3A_785 = arith.constant 0 : i32
    %dma_start3A_786 = tpu.memref_slice %arg2[%add3A_770, %dma_start3A_785] : memref<4096x4096xf32, #tpu.memory_space<hbm>> -> memref<4x4096xf32, #tpu.memory_space<hbm>>
    tpu.enqueue_dma source(%dma_start3A_786 : memref<4x4096xf32, #tpu.memory_space<hbm>>) target(%dma_start3A_784 : memref<4x4096xf32, #tpu.memory_space<vmem>>) target_semaphore(%dma_start3A_780 : memref<!tpu.dma_semaphore, #tpu.memory_space<semaphore_mem>>)
    %dma_wait3A_787 = arith.constant 3 : i32
    %dma_wait3A_788 = arith.constant 3 : i32
    %dma_wait3A_789 = arith.constant 0 : i32
    %dma_wait3A_790 = arith.constant 0 : i32
    %dma_wait3A_791 = tpu.memref_slice %arg4[%dma_wait3A_787, %dma_wait3A_789, %dma_wait3A_790] : memref<4x4x4096xf32, #tpu.memory_space<vmem>> -> memref<1x4x4096xf32, #tpu.memory_space<vmem>>
    %dma_wait3A_792 = tpu.memref_squeeze %dma_wait3A_791 : memref<1x4x4096xf32, #tpu.memory_space<vmem>> -> memref<4x4096xf32, #tpu.memory_space<vmem>>
    %dma_wait3A_793 = arith.constant 0 : i32
    %dma_wait3A_794 = tpu.memref_slice %arg2[%add3A_634, %dma_wait3A_793] : memref<4096x4096xf32, #tpu.memory_space<hbm>> -> memref<4x4096xf32, #tpu.memory_space<hbm>>
    %dma_wait3A_795 = tpu.memref_slice %arg5[%dma_wait3A_788] : memref<4x!tpu.dma_semaphore, #tpu.memory_space<semaphore_mem>> -> memref<1x!tpu.dma_semaphore, #tpu.memory_space<semaphore_mem>>
    %dma_wait3A_796 = tpu.memref_squeeze %dma_wait3A_795 : memref<1x!tpu.dma_semaphore, #tpu.memory_space<semaphore_mem>> -> memref<!tpu.dma_semaphore, #tpu.memory_space<semaphore_mem>>
    %dma_wait3A_797 = arith.constant 0 : i32
    %dma_wait3A_798 = arith.constant 0 : i32
    %dma_wait3A_799 = tpu.memref_slice %arg4[%dma_wait3A_787, %dma_wait3A_797, %dma_wait3A_798] : memref<4x4x4096xf32, #tpu.memory_space<vmem>> -> memref<1x4x4096xf32, #tpu.memory_space<vmem>>
    %dma_wait3A_800 = tpu.memref_squeeze %dma_wait3A_799 : memref<1x4x4096xf32, #tpu.memory_space<vmem>> -> memref<4x4096xf32, #tpu.memory_space<vmem>>
    %dma_wait3A_801 = arith.constant 0 : i32
    %dma_wait3A_802 = tpu.memref_slice %arg2[%add3A_634, %dma_wait3A_801] : memref<4096x4096xf32, #tpu.memory_space<hbm>> -> memref<4x4096xf32, #tpu.memory_space<hbm>>
    tpu.wait_dma2 semaphore(%dma_wait3A_796 : memref<!tpu.dma_semaphore, #tpu.memory_space<semaphore_mem>>) src(%dma_wait3A_802 : memref<4x4096xf32, #tpu.memory_space<hbm>>) dst(%dma_wait3A_800 : memref<4x4096xf32, #tpu.memory_space<vmem>>)
    %add3A_803 = arith.constant 44 : i32
    %add3A_804 = arith.addi %mul3A_2, %add3A_803 : i32
    %dma_start3A_805 = arith.constant 3 : i32
    %dma_start3A_806 = arith.constant 3 : i32
    %dma_start3A_807 = arith.constant 0 : i32
    %dma_start3A_808 = arith.constant 0 : i32
    %dma_start3A_809 = tpu.memref_slice %arg4[%dma_start3A_805, %dma_start3A_807, %dma_start3A_808] : memref<4x4x4096xf32, #tpu.memory_space<vmem>> -> memref<1x4x4096xf32, #tpu.memory_space<vmem>>
    %dma_start3A_810 = tpu.memref_squeeze %dma_start3A_809 : memref<1x4x4096xf32, #tpu.memory_space<vmem>> -> memref<4x4096xf32, #tpu.memory_space<vmem>>
    %dma_start3A_811 = arith.constant 0 : i32
    %dma_start3A_812 = tpu.memref_slice %arg3[%add3A_804, %dma_start3A_811] : memref<4096x4096xf32, #tpu.memory_space<hbm>> -> memref<4x4096xf32, #tpu.memory_space<hbm>>
    %dma_start3A_813 = tpu.memref_slice %arg6[%dma_start3A_806] : memref<4x!tpu.dma_semaphore, #tpu.memory_space<semaphore_mem>> -> memref<1x!tpu.dma_semaphore, #tpu.memory_space<semaphore_mem>>
    %dma_start3A_814 = tpu.memref_squeeze %dma_start3A_813 : memref<1x!tpu.dma_semaphore, #tpu.memory_space<semaphore_mem>> -> memref<!tpu.dma_semaphore, #tpu.memory_space<semaphore_mem>>
    %dma_start3A_815 = arith.constant 0 : i32
    %dma_start3A_816 = tpu.memref_slice %arg3[%add3A_804, %dma_start3A_815] : memref<4096x4096xf32, #tpu.memory_space<hbm>> -> memref<4x4096xf32, #tpu.memory_space<hbm>>
    %dma_start3A_817 = arith.constant 0 : i32
    %dma_start3A_818 = arith.constant 0 : i32
    %dma_start3A_819 = tpu.memref_slice %arg4[%dma_start3A_805, %dma_start3A_817, %dma_start3A_818] : memref<4x4x4096xf32, #tpu.memory_space<vmem>> -> memref<1x4x4096xf32, #tpu.memory_space<vmem>>
    %dma_start3A_820 = tpu.memref_squeeze %dma_start3A_819 : memref<1x4x4096xf32, #tpu.memory_space<vmem>> -> memref<4x4096xf32, #tpu.memory_space<vmem>>
    tpu.enqueue_dma source(%dma_start3A_820 : memref<4x4096xf32, #tpu.memory_space<vmem>>) target(%dma_start3A_816 : memref<4x4096xf32, #tpu.memory_space<hbm>>) target_semaphore(%dma_start3A_814 : memref<!tpu.dma_semaphore, #tpu.memory_space<semaphore_mem>>)
    %dma_wait3A_821 = arith.constant 2 : i32
    %dma_wait3A_822 = arith.constant 2 : i32
    %dma_wait3A_823 = arith.constant 0 : i32
    %dma_wait3A_824 = arith.constant 0 : i32
    %dma_wait3A_825 = tpu.memref_slice %arg4[%dma_wait3A_821, %dma_wait3A_823, %dma_wait3A_824] : memref<4x4x4096xf32, #tpu.memory_space<vmem>> -> memref<1x4x4096xf32, #tpu.memory_space<vmem>>
    %dma_wait3A_826 = tpu.memref_squeeze %dma_wait3A_825 : memref<1x4x4096xf32, #tpu.memory_space<vmem>> -> memref<4x4096xf32, #tpu.memory_space<vmem>>
    %dma_wait3A_827 = arith.constant 0 : i32
    %dma_wait3A_828 = tpu.memref_slice %arg3[%add3A_736, %dma_wait3A_827] : memref<4096x4096xf32, #tpu.memory_space<hbm>> -> memref<4x4096xf32, #tpu.memory_space<hbm>>
    %dma_wait3A_829 = tpu.memref_slice %arg6[%dma_wait3A_822] : memref<4x!tpu.dma_semaphore, #tpu.memory_space<semaphore_mem>> -> memref<1x!tpu.dma_semaphore, #tpu.memory_space<semaphore_mem>>
    %dma_wait3A_830 = tpu.memref_squeeze %dma_wait3A_829 : memref<1x!tpu.dma_semaphore, #tpu.memory_space<semaphore_mem>> -> memref<!tpu.dma_semaphore, #tpu.memory_space<semaphore_mem>>
    %dma_wait3A_831 = arith.constant 0 : i32
    %dma_wait3A_832 = tpu.memref_slice %arg3[%add3A_736, %dma_wait3A_831] : memref<4096x4096xf32, #tpu.memory_space<hbm>> -> memref<4x4096xf32, #tpu.memory_space<hbm>>
    %dma_wait3A_833 = arith.constant 0 : i32
    %dma_wait3A_834 = arith.constant 0 : i32
    %dma_wait3A_835 = tpu.memref_slice %arg4[%dma_wait3A_821, %dma_wait3A_833, %dma_wait3A_834] : memref<4x4x4096xf32, #tpu.memory_space<vmem>> -> memref<1x4x4096xf32, #tpu.memory_space<vmem>>
    %dma_wait3A_836 = tpu.memref_squeeze %dma_wait3A_835 : memref<1x4x4096xf32, #tpu.memory_space<vmem>> -> memref<4x4096xf32, #tpu.memory_space<vmem>>
    tpu.wait_dma2 semaphore(%dma_wait3A_830 : memref<!tpu.dma_semaphore, #tpu.memory_space<semaphore_mem>>) src(%dma_wait3A_836 : memref<4x4096xf32, #tpu.memory_space<vmem>>) dst(%dma_wait3A_832 : memref<4x4096xf32, #tpu.memory_space<hbm>>)
    %add3A_837 = arith.constant 56 : i32
    %add3A_838 = arith.addi %mul3A_2, %add3A_837 : i32
    %dma_start3A_839 = arith.constant 2 : i32
    %dma_start3A_840 = arith.constant 2 : i32
    %dma_start3A_841 = arith.constant 0 : i32
    %dma_start3A_842 = arith.constant 0 : i32
    %dma_start3A_843 = tpu.memref_slice %arg4[%dma_start3A_839, %dma_start3A_841, %dma_start3A_842] : memref<4x4x4096xf32, #tpu.memory_space<vmem>> -> memref<1x4x4096xf32, #tpu.memory_space<vmem>>
    %dma_start3A_844 = tpu.memref_squeeze %dma_start3A_843 : memref<1x4x4096xf32, #tpu.memory_space<vmem>> -> memref<4x4096xf32, #tpu.memory_space<vmem>>
    %dma_start3A_845 = arith.constant 0 : i32
    %dma_start3A_846 = tpu.memref_slice %arg2[%add3A_838, %dma_start3A_845] : memref<4096x4096xf32, #tpu.memory_space<hbm>> -> memref<4x4096xf32, #tpu.memory_space<hbm>>
    %dma_start3A_847 = tpu.memref_slice %arg5[%dma_start3A_840] : memref<4x!tpu.dma_semaphore, #tpu.memory_space<semaphore_mem>> -> memref<1x!tpu.dma_semaphore, #tpu.memory_space<semaphore_mem>>
    %dma_start3A_848 = tpu.memref_squeeze %dma_start3A_847 : memref<1x!tpu.dma_semaphore, #tpu.memory_space<semaphore_mem>> -> memref<!tpu.dma_semaphore, #tpu.memory_space<semaphore_mem>>
    %dma_start3A_849 = arith.constant 0 : i32
    %dma_start3A_850 = arith.constant 0 : i32
    %dma_start3A_851 = tpu.memref_slice %arg4[%dma_start3A_839, %dma_start3A_849, %dma_start3A_850] : memref<4x4x4096xf32, #tpu.memory_space<vmem>> -> memref<1x4x4096xf32, #tpu.memory_space<vmem>>
    %dma_start3A_852 = tpu.memref_squeeze %dma_start3A_851 : memref<1x4x4096xf32, #tpu.memory_space<vmem>> -> memref<4x4096xf32, #tpu.memory_space<vmem>>
    %dma_start3A_853 = arith.constant 0 : i32
    %dma_start3A_854 = tpu.memref_slice %arg2[%add3A_838, %dma_start3A_853] : memref<4096x4096xf32, #tpu.memory_space<hbm>> -> memref<4x4096xf32, #tpu.memory_space<hbm>>
    tpu.enqueue_dma source(%dma_start3A_854 : memref<4x4096xf32, #tpu.memory_space<hbm>>) target(%dma_start3A_852 : memref<4x4096xf32, #tpu.memory_space<vmem>>) target_semaphore(%dma_start3A_848 : memref<!tpu.dma_semaphore, #tpu.memory_space<semaphore_mem>>)
    %dma_wait3A_855 = arith.constant 0 : i32
    %dma_wait3A_856 = arith.constant 0 : i32
    %dma_wait3A_857 = arith.constant 0 : i32
    %dma_wait3A_858 = arith.constant 0 : i32
    %dma_wait3A_859 = tpu.memref_slice %arg4[%dma_wait3A_855, %dma_wait3A_857, %dma_wait3A_858] : memref<4x4x4096xf32, #tpu.memory_space<vmem>> -> memref<1x4x4096xf32, #tpu.memory_space<vmem>>
    %dma_wait3A_860 = tpu.memref_squeeze %dma_wait3A_859 : memref<1x4x4096xf32, #tpu.memory_space<vmem>> -> memref<4x4096xf32, #tpu.memory_space<vmem>>
    %dma_wait3A_861 = arith.constant 0 : i32
    %dma_wait3A_862 = tpu.memref_slice %arg2[%add3A_702, %dma_wait3A_861] : memref<4096x4096xf32, #tpu.memory_space<hbm>> -> memref<4x4096xf32, #tpu.memory_space<hbm>>
    %dma_wait3A_863 = tpu.memref_slice %arg5[%dma_wait3A_856] : memref<4x!tpu.dma_semaphore, #tpu.memory_space<semaphore_mem>> -> memref<1x!tpu.dma_semaphore, #tpu.memory_space<semaphore_mem>>
    %dma_wait3A_864 = tpu.memref_squeeze %dma_wait3A_863 : memref<1x!tpu.dma_semaphore, #tpu.memory_space<semaphore_mem>> -> memref<!tpu.dma_semaphore, #tpu.memory_space<semaphore_mem>>
    %dma_wait3A_865 = arith.constant 0 : i32
    %dma_wait3A_866 = arith.constant 0 : i32
    %dma_wait3A_867 = tpu.memref_slice %arg4[%dma_wait3A_855, %dma_wait3A_865, %dma_wait3A_866] : memref<4x4x4096xf32, #tpu.memory_space<vmem>> -> memref<1x4x4096xf32, #tpu.memory_space<vmem>>
    %dma_wait3A_868 = tpu.memref_squeeze %dma_wait3A_867 : memref<1x4x4096xf32, #tpu.memory_space<vmem>> -> memref<4x4096xf32, #tpu.memory_space<vmem>>
    %dma_wait3A_869 = arith.constant 0 : i32
    %dma_wait3A_870 = tpu.memref_slice %arg2[%add3A_702, %dma_wait3A_869] : memref<4096x4096xf32, #tpu.memory_space<hbm>> -> memref<4x4096xf32, #tpu.memory_space<hbm>>
    tpu.wait_dma2 semaphore(%dma_wait3A_864 : memref<!tpu.dma_semaphore, #tpu.memory_space<semaphore_mem>>) src(%dma_wait3A_870 : memref<4x4096xf32, #tpu.memory_space<hbm>>) dst(%dma_wait3A_868 : memref<4x4096xf32, #tpu.memory_space<vmem>>)
    %add3A_871 = arith.constant 48 : i32
    %add3A_872 = arith.addi %mul3A_2, %add3A_871 : i32
    %dma_start3A_873 = arith.constant 0 : i32
    %dma_start3A_874 = arith.constant 0 : i32
    %dma_start3A_875 = arith.constant 0 : i32
    %dma_start3A_876 = arith.constant 0 : i32
    %dma_start3A_877 = tpu.memref_slice %arg4[%dma_start3A_873, %dma_start3A_875, %dma_start3A_876] : memref<4x4x4096xf32, #tpu.memory_space<vmem>> -> memref<1x4x4096xf32, #tpu.memory_space<vmem>>
    %dma_start3A_878 = tpu.memref_squeeze %dma_start3A_877 : memref<1x4x4096xf32, #tpu.memory_space<vmem>> -> memref<4x4096xf32, #tpu.memory_space<vmem>>
    %dma_start3A_879 = arith.constant 0 : i32
    %dma_start3A_880 = tpu.memref_slice %arg3[%add3A_872, %dma_start3A_879] : memref<4096x4096xf32, #tpu.memory_space<hbm>> -> memref<4x4096xf32, #tpu.memory_space<hbm>>
    %dma_start3A_881 = tpu.memref_slice %arg6[%dma_start3A_874] : memref<4x!tpu.dma_semaphore, #tpu.memory_space<semaphore_mem>> -> memref<1x!tpu.dma_semaphore, #tpu.memory_space<semaphore_mem>>
    %dma_start3A_882 = tpu.memref_squeeze %dma_start3A_881 : memref<1x!tpu.dma_semaphore, #tpu.memory_space<semaphore_mem>> -> memref<!tpu.dma_semaphore, #tpu.memory_space<semaphore_mem>>
    %dma_start3A_883 = arith.constant 0 : i32
    %dma_start3A_884 = tpu.memref_slice %arg3[%add3A_872, %dma_start3A_883] : memref<4096x4096xf32, #tpu.memory_space<hbm>> -> memref<4x4096xf32, #tpu.memory_space<hbm>>
    %dma_start3A_885 = arith.constant 0 : i32
    %dma_start3A_886 = arith.constant 0 : i32
    %dma_start3A_887 = tpu.memref_slice %arg4[%dma_start3A_873, %dma_start3A_885, %dma_start3A_886] : memref<4x4x4096xf32, #tpu.memory_space<vmem>> -> memref<1x4x4096xf32, #tpu.memory_space<vmem>>
    %dma_start3A_888 = tpu.memref_squeeze %dma_start3A_887 : memref<1x4x4096xf32, #tpu.memory_space<vmem>> -> memref<4x4096xf32, #tpu.memory_space<vmem>>
    tpu.enqueue_dma source(%dma_start3A_888 : memref<4x4096xf32, #tpu.memory_space<vmem>>) target(%dma_start3A_884 : memref<4x4096xf32, #tpu.memory_space<hbm>>) target_semaphore(%dma_start3A_882 : memref<!tpu.dma_semaphore, #tpu.memory_space<semaphore_mem>>)
    %dma_wait3A_889 = arith.constant 3 : i32
    %dma_wait3A_890 = arith.constant 3 : i32
    %dma_wait3A_891 = arith.constant 0 : i32
    %dma_wait3A_892 = arith.constant 0 : i32
    %dma_wait3A_893 = tpu.memref_slice %arg4[%dma_wait3A_889, %dma_wait3A_891, %dma_wait3A_892] : memref<4x4x4096xf32, #tpu.memory_space<vmem>> -> memref<1x4x4096xf32, #tpu.memory_space<vmem>>
    %dma_wait3A_894 = tpu.memref_squeeze %dma_wait3A_893 : memref<1x4x4096xf32, #tpu.memory_space<vmem>> -> memref<4x4096xf32, #tpu.memory_space<vmem>>
    %dma_wait3A_895 = arith.constant 0 : i32
    %dma_wait3A_896 = tpu.memref_slice %arg3[%add3A_804, %dma_wait3A_895] : memref<4096x4096xf32, #tpu.memory_space<hbm>> -> memref<4x4096xf32, #tpu.memory_space<hbm>>
    %dma_wait3A_897 = tpu.memref_slice %arg6[%dma_wait3A_890] : memref<4x!tpu.dma_semaphore, #tpu.memory_space<semaphore_mem>> -> memref<1x!tpu.dma_semaphore, #tpu.memory_space<semaphore_mem>>
    %dma_wait3A_898 = tpu.memref_squeeze %dma_wait3A_897 : memref<1x!tpu.dma_semaphore, #tpu.memory_space<semaphore_mem>> -> memref<!tpu.dma_semaphore, #tpu.memory_space<semaphore_mem>>
    %dma_wait3A_899 = arith.constant 0 : i32
    %dma_wait3A_900 = tpu.memref_slice %arg3[%add3A_804, %dma_wait3A_899] : memref<4096x4096xf32, #tpu.memory_space<hbm>> -> memref<4x4096xf32, #tpu.memory_space<hbm>>
    %dma_wait3A_901 = arith.constant 0 : i32
    %dma_wait3A_902 = arith.constant 0 : i32
    %dma_wait3A_903 = tpu.memref_slice %arg4[%dma_wait3A_889, %dma_wait3A_901, %dma_wait3A_902] : memref<4x4x4096xf32, #tpu.memory_space<vmem>> -> memref<1x4x4096xf32, #tpu.memory_space<vmem>>
    %dma_wait3A_904 = tpu.memref_squeeze %dma_wait3A_903 : memref<1x4x4096xf32, #tpu.memory_space<vmem>> -> memref<4x4096xf32, #tpu.memory_space<vmem>>
    tpu.wait_dma2 semaphore(%dma_wait3A_898 : memref<!tpu.dma_semaphore, #tpu.memory_space<semaphore_mem>>) src(%dma_wait3A_904 : memref<4x4096xf32, #tpu.memory_space<vmem>>) dst(%dma_wait3A_900 : memref<4x4096xf32, #tpu.memory_space<hbm>>)
    %add3A_905 = arith.constant 60 : i32
    %add3A_906 = arith.addi %mul3A_2, %add3A_905 : i32
    %dma_start3A_907 = arith.constant 3 : i32
    %dma_start3A_908 = arith.constant 3 : i32
    %dma_start3A_909 = arith.constant 0 : i32
    %dma_start3A_910 = arith.constant 0 : i32
    %dma_start3A_911 = tpu.memref_slice %arg4[%dma_start3A_907, %dma_start3A_909, %dma_start3A_910] : memref<4x4x4096xf32, #tpu.memory_space<vmem>> -> memref<1x4x4096xf32, #tpu.memory_space<vmem>>
    %dma_start3A_912 = tpu.memref_squeeze %dma_start3A_911 : memref<1x4x4096xf32, #tpu.memory_space<vmem>> -> memref<4x4096xf32, #tpu.memory_space<vmem>>
    %dma_start3A_913 = arith.constant 0 : i32
    %dma_start3A_914 = tpu.memref_slice %arg2[%add3A_906, %dma_start3A_913] : memref<4096x4096xf32, #tpu.memory_space<hbm>> -> memref<4x4096xf32, #tpu.memory_space<hbm>>
    %dma_start3A_915 = tpu.memref_slice %arg5[%dma_start3A_908] : memref<4x!tpu.dma_semaphore, #tpu.memory_space<semaphore_mem>> -> memref<1x!tpu.dma_semaphore, #tpu.memory_space<semaphore_mem>>
    %dma_start3A_916 = tpu.memref_squeeze %dma_start3A_915 : memref<1x!tpu.dma_semaphore, #tpu.memory_space<semaphore_mem>> -> memref<!tpu.dma_semaphore, #tpu.memory_space<semaphore_mem>>
    %dma_start3A_917 = arith.constant 0 : i32
    %dma_start3A_918 = arith.constant 0 : i32
    %dma_start3A_919 = tpu.memref_slice %arg4[%dma_start3A_907, %dma_start3A_917, %dma_start3A_918] : memref<4x4x4096xf32, #tpu.memory_space<vmem>> -> memref<1x4x4096xf32, #tpu.memory_space<vmem>>
    %dma_start3A_920 = tpu.memref_squeeze %dma_start3A_919 : memref<1x4x4096xf32, #tpu.memory_space<vmem>> -> memref<4x4096xf32, #tpu.memory_space<vmem>>
    %dma_start3A_921 = arith.constant 0 : i32
    %dma_start3A_922 = tpu.memref_slice %arg2[%add3A_906, %dma_start3A_921] : memref<4096x4096xf32, #tpu.memory_space<hbm>> -> memref<4x4096xf32, #tpu.memory_space<hbm>>
    tpu.enqueue_dma source(%dma_start3A_922 : memref<4x4096xf32, #tpu.memory_space<hbm>>) target(%dma_start3A_920 : memref<4x4096xf32, #tpu.memory_space<vmem>>) target_semaphore(%dma_start3A_916 : memref<!tpu.dma_semaphore, #tpu.memory_space<semaphore_mem>>)
    %dma_wait3A_923 = arith.constant 1 : i32
    %dma_wait3A_924 = arith.constant 1 : i32
    %dma_wait3A_925 = arith.constant 0 : i32
    %dma_wait3A_926 = arith.constant 0 : i32
    %dma_wait3A_927 = tpu.memref_slice %arg4[%dma_wait3A_923, %dma_wait3A_925, %dma_wait3A_926] : memref<4x4x4096xf32, #tpu.memory_space<vmem>> -> memref<1x4x4096xf32, #tpu.memory_space<vmem>>
    %dma_wait3A_928 = tpu.memref_squeeze %dma_wait3A_927 : memref<1x4x4096xf32, #tpu.memory_space<vmem>> -> memref<4x4096xf32, #tpu.memory_space<vmem>>
    %dma_wait3A_929 = arith.constant 0 : i32
    %dma_wait3A_930 = tpu.memref_slice %arg2[%add3A_770, %dma_wait3A_929] : memref<4096x4096xf32, #tpu.memory_space<hbm>> -> memref<4x4096xf32, #tpu.memory_space<hbm>>
    %dma_wait3A_931 = tpu.memref_slice %arg5[%dma_wait3A_924] : memref<4x!tpu.dma_semaphore, #tpu.memory_space<semaphore_mem>> -> memref<1x!tpu.dma_semaphore, #tpu.memory_space<semaphore_mem>>
    %dma_wait3A_932 = tpu.memref_squeeze %dma_wait3A_931 : memref<1x!tpu.dma_semaphore, #tpu.memory_space<semaphore_mem>> -> memref<!tpu.dma_semaphore, #tpu.memory_space<semaphore_mem>>
    %dma_wait3A_933 = arith.constant 0 : i32
    %dma_wait3A_934 = arith.constant 0 : i32
    %dma_wait3A_935 = tpu.memref_slice %arg4[%dma_wait3A_923, %dma_wait3A_933, %dma_wait3A_934] : memref<4x4x4096xf32, #tpu.memory_space<vmem>> -> memref<1x4x4096xf32, #tpu.memory_space<vmem>>
    %dma_wait3A_936 = tpu.memref_squeeze %dma_wait3A_935 : memref<1x4x4096xf32, #tpu.memory_space<vmem>> -> memref<4x4096xf32, #tpu.memory_space<vmem>>
    %dma_wait3A_937 = arith.constant 0 : i32
    %dma_wait3A_938 = tpu.memref_slice %arg2[%add3A_770, %dma_wait3A_937] : memref<4096x4096xf32, #tpu.memory_space<hbm>> -> memref<4x4096xf32, #tpu.memory_space<hbm>>
    tpu.wait_dma2 semaphore(%dma_wait3A_932 : memref<!tpu.dma_semaphore, #tpu.memory_space<semaphore_mem>>) src(%dma_wait3A_938 : memref<4x4096xf32, #tpu.memory_space<hbm>>) dst(%dma_wait3A_936 : memref<4x4096xf32, #tpu.memory_space<vmem>>)
    %add3A_939 = arith.constant 52 : i32
    %add3A_940 = arith.addi %mul3A_2, %add3A_939 : i32
    %dma_start3A_941 = arith.constant 1 : i32
    %dma_start3A_942 = arith.constant 1 : i32
    %dma_start3A_943 = arith.constant 0 : i32
    %dma_start3A_944 = arith.constant 0 : i32
    %dma_start3A_945 = tpu.memref_slice %arg4[%dma_start3A_941, %dma_start3A_943, %dma_start3A_944] : memref<4x4x4096xf32, #tpu.memory_space<vmem>> -> memref<1x4x4096xf32, #tpu.memory_space<vmem>>
    %dma_start3A_946 = tpu.memref_squeeze %dma_start3A_945 : memref<1x4x4096xf32, #tpu.memory_space<vmem>> -> memref<4x4096xf32, #tpu.memory_space<vmem>>
    %dma_start3A_947 = arith.constant 0 : i32
    %dma_start3A_948 = tpu.memref_slice %arg3[%add3A_940, %dma_start3A_947] : memref<4096x4096xf32, #tpu.memory_space<hbm>> -> memref<4x4096xf32, #tpu.memory_space<hbm>>
    %dma_start3A_949 = tpu.memref_slice %arg6[%dma_start3A_942] : memref<4x!tpu.dma_semaphore, #tpu.memory_space<semaphore_mem>> -> memref<1x!tpu.dma_semaphore, #tpu.memory_space<semaphore_mem>>
    %dma_start3A_950 = tpu.memref_squeeze %dma_start3A_949 : memref<1x!tpu.dma_semaphore, #tpu.memory_space<semaphore_mem>> -> memref<!tpu.dma_semaphore, #tpu.memory_space<semaphore_mem>>
    %dma_start3A_951 = arith.constant 0 : i32
    %dma_start3A_952 = tpu.memref_slice %arg3[%add3A_940, %dma_start3A_951] : memref<4096x4096xf32, #tpu.memory_space<hbm>> -> memref<4x4096xf32, #tpu.memory_space<hbm>>
    %dma_start3A_953 = arith.constant 0 : i32
    %dma_start3A_954 = arith.constant 0 : i32
    %dma_start3A_955 = tpu.memref_slice %arg4[%dma_start3A_941, %dma_start3A_953, %dma_start3A_954] : memref<4x4x4096xf32, #tpu.memory_space<vmem>> -> memref<1x4x4096xf32, #tpu.memory_space<vmem>>
    %dma_start3A_956 = tpu.memref_squeeze %dma_start3A_955 : memref<1x4x4096xf32, #tpu.memory_space<vmem>> -> memref<4x4096xf32, #tpu.memory_space<vmem>>
    tpu.enqueue_dma source(%dma_start3A_956 : memref<4x4096xf32, #tpu.memory_space<vmem>>) target(%dma_start3A_952 : memref<4x4096xf32, #tpu.memory_space<hbm>>) target_semaphore(%dma_start3A_950 : memref<!tpu.dma_semaphore, #tpu.memory_space<semaphore_mem>>)
    %dma_wait3A_957 = arith.constant 0 : i32
    %dma_wait3A_958 = arith.constant 0 : i32
    %dma_wait3A_959 = arith.constant 0 : i32
    %dma_wait3A_960 = arith.constant 0 : i32
    %dma_wait3A_961 = tpu.memref_slice %arg4[%dma_wait3A_957, %dma_wait3A_959, %dma_wait3A_960] : memref<4x4x4096xf32, #tpu.memory_space<vmem>> -> memref<1x4x4096xf32, #tpu.memory_space<vmem>>
    %dma_wait3A_962 = tpu.memref_squeeze %dma_wait3A_961 : memref<1x4x4096xf32, #tpu.memory_space<vmem>> -> memref<4x4096xf32, #tpu.memory_space<vmem>>
    %dma_wait3A_963 = arith.constant 0 : i32
    %dma_wait3A_964 = tpu.memref_slice %arg3[%add3A_872, %dma_wait3A_963] : memref<4096x4096xf32, #tpu.memory_space<hbm>> -> memref<4x4096xf32, #tpu.memory_space<hbm>>
    %dma_wait3A_965 = tpu.memref_slice %arg6[%dma_wait3A_958] : memref<4x!tpu.dma_semaphore, #tpu.memory_space<semaphore_mem>> -> memref<1x!tpu.dma_semaphore, #tpu.memory_space<semaphore_mem>>
    %dma_wait3A_966 = tpu.memref_squeeze %dma_wait3A_965 : memref<1x!tpu.dma_semaphore, #tpu.memory_space<semaphore_mem>> -> memref<!tpu.dma_semaphore, #tpu.memory_space<semaphore_mem>>
    %dma_wait3A_967 = arith.constant 0 : i32
    %dma_wait3A_968 = tpu.memref_slice %arg3[%add3A_872, %dma_wait3A_967] : memref<4096x4096xf32, #tpu.memory_space<hbm>> -> memref<4x4096xf32, #tpu.memory_space<hbm>>
    %dma_wait3A_969 = arith.constant 0 : i32
    %dma_wait3A_970 = arith.constant 0 : i32
    %dma_wait3A_971 = tpu.memref_slice %arg4[%dma_wait3A_957, %dma_wait3A_969, %dma_wait3A_970] : memref<4x4x4096xf32, #tpu.memory_space<vmem>> -> memref<1x4x4096xf32, #tpu.memory_space<vmem>>
    %dma_wait3A_972 = tpu.memref_squeeze %dma_wait3A_971 : memref<1x4x4096xf32, #tpu.memory_space<vmem>> -> memref<4x4096xf32, #tpu.memory_space<vmem>>
    tpu.wait_dma2 semaphore(%dma_wait3A_966 : memref<!tpu.dma_semaphore, #tpu.memory_space<semaphore_mem>>) src(%dma_wait3A_972 : memref<4x4096xf32, #tpu.memory_space<vmem>>) dst(%dma_wait3A_968 : memref<4x4096xf32, #tpu.memory_space<hbm>>)
    %add3A_973 = arith.constant 64 : i32
    %add3A_974 = arith.addi %mul3A_2, %add3A_973 : i32
    %dma_start3A_975 = arith.constant 0 : i32
    %dma_start3A_976 = arith.constant 0 : i32
    %dma_start3A_977 = arith.constant 0 : i32
    %dma_start3A_978 = arith.constant 0 : i32
    %dma_start3A_979 = tpu.memref_slice %arg4[%dma_start3A_975, %dma_start3A_977, %dma_start3A_978] : memref<4x4x4096xf32, #tpu.memory_space<vmem>> -> memref<1x4x4096xf32, #tpu.memory_space<vmem>>
    %dma_start3A_980 = tpu.memref_squeeze %dma_start3A_979 : memref<1x4x4096xf32, #tpu.memory_space<vmem>> -> memref<4x4096xf32, #tpu.memory_space<vmem>>
    %dma_start3A_981 = arith.constant 0 : i32
    %dma_start3A_982 = tpu.memref_slice %arg2[%add3A_974, %dma_start3A_981] : memref<4096x4096xf32, #tpu.memory_space<hbm>> -> memref<4x4096xf32, #tpu.memory_space<hbm>>
    %dma_start3A_983 = tpu.memref_slice %arg5[%dma_start3A_976] : memref<4x!tpu.dma_semaphore, #tpu.memory_space<semaphore_mem>> -> memref<1x!tpu.dma_semaphore, #tpu.memory_space<semaphore_mem>>
    %dma_start3A_984 = tpu.memref_squeeze %dma_start3A_983 : memref<1x!tpu.dma_semaphore, #tpu.memory_space<semaphore_mem>> -> memref<!tpu.dma_semaphore, #tpu.memory_space<semaphore_mem>>
    %dma_start3A_985 = arith.constant 0 : i32
    %dma_start3A_986 = arith.constant 0 : i32
    %dma_start3A_987 = tpu.memref_slice %arg4[%dma_start3A_975, %dma_start3A_985, %dma_start3A_986] : memref<4x4x4096xf32, #tpu.memory_space<vmem>> -> memref<1x4x4096xf32, #tpu.memory_space<vmem>>
    %dma_start3A_988 = tpu.memref_squeeze %dma_start3A_987 : memref<1x4x4096xf32, #tpu.memory_space<vmem>> -> memref<4x4096xf32, #tpu.memory_space<vmem>>
    %dma_start3A_989 = arith.constant 0 : i32
    %dma_start3A_990 = tpu.memref_slice %arg2[%add3A_974, %dma_start3A_989] : memref<4096x4096xf32, #tpu.memory_space<hbm>> -> memref<4x4096xf32, #tpu.memory_space<hbm>>
    tpu.enqueue_dma source(%dma_start3A_990 : memref<4x4096xf32, #tpu.memory_space<hbm>>) target(%dma_start3A_988 : memref<4x4096xf32, #tpu.memory_space<vmem>>) target_semaphore(%dma_start3A_984 : memref<!tpu.dma_semaphore, #tpu.memory_space<semaphore_mem>>)
    %dma_wait3A_991 = arith.constant 2 : i32
    %dma_wait3A_992 = arith.constant 2 : i32
    %dma_wait3A_993 = arith.constant 0 : i32
    %dma_wait3A_994 = arith.constant 0 : i32
    %dma_wait3A_995 = tpu.memref_slice %arg4[%dma_wait3A_991, %dma_wait3A_993, %dma_wait3A_994] : memref<4x4x4096xf32, #tpu.memory_space<vmem>> -> memref<1x4x4096xf32, #tpu.memory_space<vmem>>
    %dma_wait3A_996 = tpu.memref_squeeze %dma_wait3A_995 : memref<1x4x4096xf32, #tpu.memory_space<vmem>> -> memref<4x4096xf32, #tpu.memory_space<vmem>>
    %dma_wait3A_997 = arith.constant 0 : i32
    %dma_wait3A_998 = tpu.memref_slice %arg2[%add3A_838, %dma_wait3A_997] : memref<4096x4096xf32, #tpu.memory_space<hbm>> -> memref<4x4096xf32, #tpu.memory_space<hbm>>
    %dma_wait3A_999 = tpu.memref_slice %arg5[%dma_wait3A_992] : memref<4x!tpu.dma_semaphore, #tpu.memory_space<semaphore_mem>> -> memref<1x!tpu.dma_semaphore, #tpu.memory_space<semaphore_mem>>
    %dma_wait3A_1000 = tpu.memref_squeeze %dma_wait3A_999 : memref<1x!tpu.dma_semaphore, #tpu.memory_space<semaphore_mem>> -> memref<!tpu.dma_semaphore, #tpu.memory_space<semaphore_mem>>
    %dma_wait3A_1001 = arith.constant 0 : i32
    %dma_wait3A_1002 = arith.constant 0 : i32
    %dma_wait3A_1003 = tpu.memref_slice %arg4[%dma_wait3A_991, %dma_wait3A_1001, %dma_wait3A_1002] : memref<4x4x4096xf32, #tpu.memory_space<vmem>> -> memref<1x4x4096xf32, #tpu.memory_space<vmem>>
    %dma_wait3A_1004 = tpu.memref_squeeze %dma_wait3A_1003 : memref<1x4x4096xf32, #tpu.memory_space<vmem>> -> memref<4x4096xf32, #tpu.memory_space<vmem>>
    %dma_wait3A_1005 = arith.constant 0 : i32
    %dma_wait3A_1006 = tpu.memref_slice %arg2[%add3A_838, %dma_wait3A_1005] : memref<4096x4096xf32, #tpu.memory_space<hbm>> -> memref<4x4096xf32, #tpu.memory_space<hbm>>
    tpu.wait_dma2 semaphore(%dma_wait3A_1000 : memref<!tpu.dma_semaphore, #tpu.memory_space<semaphore_mem>>) src(%dma_wait3A_1006 : memref<4x4096xf32, #tpu.memory_space<hbm>>) dst(%dma_wait3A_1004 : memref<4x4096xf32, #tpu.memory_space<vmem>>)
    %add3A_1007 = arith.constant 56 : i32
    %add3A_1008 = arith.addi %mul3A_2, %add3A_1007 : i32
    %dma_start3A_1009 = arith.constant 2 : i32
    %dma_start3A_1010 = arith.constant 2 : i32
    %dma_start3A_1011 = arith.constant 0 : i32
    %dma_start3A_1012 = arith.constant 0 : i32
    %dma_start3A_1013 = tpu.memref_slice %arg4[%dma_start3A_1009, %dma_start3A_1011, %dma_start3A_1012] : memref<4x4x4096xf32, #tpu.memory_space<vmem>> -> memref<1x4x4096xf32, #tpu.memory_space<vmem>>
    %dma_start3A_1014 = tpu.memref_squeeze %dma_start3A_1013 : memref<1x4x4096xf32, #tpu.memory_space<vmem>> -> memref<4x4096xf32, #tpu.memory_space<vmem>>
    %dma_start3A_1015 = arith.constant 0 : i32
    %dma_start3A_1016 = tpu.memref_slice %arg3[%add3A_1008, %dma_start3A_1015] : memref<4096x4096xf32, #tpu.memory_space<hbm>> -> memref<4x4096xf32, #tpu.memory_space<hbm>>
    %dma_start3A_1017 = tpu.memref_slice %arg6[%dma_start3A_1010] : memref<4x!tpu.dma_semaphore, #tpu.memory_space<semaphore_mem>> -> memref<1x!tpu.dma_semaphore, #tpu.memory_space<semaphore_mem>>
    %dma_start3A_1018 = tpu.memref_squeeze %dma_start3A_1017 : memref<1x!tpu.dma_semaphore, #tpu.memory_space<semaphore_mem>> -> memref<!tpu.dma_semaphore, #tpu.memory_space<semaphore_mem>>
    %dma_start3A_1019 = arith.constant 0 : i32
    %dma_start3A_1020 = tpu.memref_slice %arg3[%add3A_1008, %dma_start3A_1019] : memref<4096x4096xf32, #tpu.memory_space<hbm>> -> memref<4x4096xf32, #tpu.memory_space<hbm>>
    %dma_start3A_1021 = arith.constant 0 : i32
    %dma_start3A_1022 = arith.constant 0 : i32
    %dma_start3A_1023 = tpu.memref_slice %arg4[%dma_start3A_1009, %dma_start3A_1021, %dma_start3A_1022] : memref<4x4x4096xf32, #tpu.memory_space<vmem>> -> memref<1x4x4096xf32, #tpu.memory_space<vmem>>
    %dma_start3A_1024 = tpu.memref_squeeze %dma_start3A_1023 : memref<1x4x4096xf32, #tpu.memory_space<vmem>> -> memref<4x4096xf32, #tpu.memory_space<vmem>>
    tpu.enqueue_dma source(%dma_start3A_1024 : memref<4x4096xf32, #tpu.memory_space<vmem>>) target(%dma_start3A_1020 : memref<4x4096xf32, #tpu.memory_space<hbm>>) target_semaphore(%dma_start3A_1018 : memref<!tpu.dma_semaphore, #tpu.memory_space<semaphore_mem>>)
    %dma_wait3A_1025 = arith.constant 1 : i32
    %dma_wait3A_1026 = arith.constant 1 : i32
    %dma_wait3A_1027 = arith.constant 0 : i32
    %dma_wait3A_1028 = arith.constant 0 : i32
    %dma_wait3A_1029 = tpu.memref_slice %arg4[%dma_wait3A_1025, %dma_wait3A_1027, %dma_wait3A_1028] : memref<4x4x4096xf32, #tpu.memory_space<vmem>> -> memref<1x4x4096xf32, #tpu.memory_space<vmem>>
    %dma_wait3A_1030 = tpu.memref_squeeze %dma_wait3A_1029 : memref<1x4x4096xf32, #tpu.memory_space<vmem>> -> memref<4x4096xf32, #tpu.memory_space<vmem>>
    %dma_wait3A_1031 = arith.constant 0 : i32
    %dma_wait3A_1032 = tpu.memref_slice %arg3[%add3A_940, %dma_wait3A_1031] : memref<4096x4096xf32, #tpu.memory_space<hbm>> -> memref<4x4096xf32, #tpu.memory_space<hbm>>
    %dma_wait3A_1033 = tpu.memref_slice %arg6[%dma_wait3A_1026] : memref<4x!tpu.dma_semaphore, #tpu.memory_space<semaphore_mem>> -> memref<1x!tpu.dma_semaphore, #tpu.memory_space<semaphore_mem>>
    %dma_wait3A_1034 = tpu.memref_squeeze %dma_wait3A_1033 : memref<1x!tpu.dma_semaphore, #tpu.memory_space<semaphore_mem>> -> memref<!tpu.dma_semaphore, #tpu.memory_space<semaphore_mem>>
    %dma_wait3A_1035 = arith.constant 0 : i32
    %dma_wait3A_1036 = tpu.memref_slice %arg3[%add3A_940, %dma_wait3A_1035] : memref<4096x4096xf32, #tpu.memory_space<hbm>> -> memref<4x4096xf32, #tpu.memory_space<hbm>>
    %dma_wait3A_1037 = arith.constant 0 : i32
    %dma_wait3A_1038 = arith.constant 0 : i32
    %dma_wait3A_1039 = tpu.memref_slice %arg4[%dma_wait3A_1025, %dma_wait3A_1037, %dma_wait3A_1038] : memref<4x4x4096xf32, #tpu.memory_space<vmem>> -> memref<1x4x4096xf32, #tpu.memory_space<vmem>>
    %dma_wait3A_1040 = tpu.memref_squeeze %dma_wait3A_1039 : memref<1x4x4096xf32, #tpu.memory_space<vmem>> -> memref<4x4096xf32, #tpu.memory_space<vmem>>
    tpu.wait_dma2 semaphore(%dma_wait3A_1034 : memref<!tpu.dma_semaphore, #tpu.memory_space<semaphore_mem>>) src(%dma_wait3A_1040 : memref<4x4096xf32, #tpu.memory_space<vmem>>) dst(%dma_wait3A_1036 : memref<4x4096xf32, #tpu.memory_space<hbm>>)
    %add3A_1041 = arith.constant 68 : i32
    %add3A_1042 = arith.addi %mul3A_2, %add3A_1041 : i32
    %dma_start3A_1043 = arith.constant 1 : i32
    %dma_start3A_1044 = arith.constant 1 : i32
    %dma_start3A_1045 = arith.constant 0 : i32
    %dma_start3A_1046 = arith.constant 0 : i32
    %dma_start3A_1047 = tpu.memref_slice %arg4[%dma_start3A_1043, %dma_start3A_1045, %dma_start3A_1046] : memref<4x4x4096xf32, #tpu.memory_space<vmem>> -> memref<1x4x4096xf32, #tpu.memory_space<vmem>>
    %dma_start3A_1048 = tpu.memref_squeeze %dma_start3A_1047 : memref<1x4x4096xf32, #tpu.memory_space<vmem>> -> memref<4x4096xf32, #tpu.memory_space<vmem>>
    %dma_start3A_1049 = arith.constant 0 : i32
    %dma_start3A_1050 = tpu.memref_slice %arg2[%add3A_1042, %dma_start3A_1049] : memref<4096x4096xf32, #tpu.memory_space<hbm>> -> memref<4x4096xf32, #tpu.memory_space<hbm>>
    %dma_start3A_1051 = tpu.memref_slice %arg5[%dma_start3A_1044] : memref<4x!tpu.dma_semaphore, #tpu.memory_space<semaphore_mem>> -> memref<1x!tpu.dma_semaphore, #tpu.memory_space<semaphore_mem>>
    %dma_start3A_1052 = tpu.memref_squeeze %dma_start3A_1051 : memref<1x!tpu.dma_semaphore, #tpu.memory_space<semaphore_mem>> -> memref<!tpu.dma_semaphore, #tpu.memory_space<semaphore_mem>>
    %dma_start3A_1053 = arith.constant 0 : i32
    %dma_start3A_1054 = arith.constant 0 : i32
    %dma_start3A_1055 = tpu.memref_slice %arg4[%dma_start3A_1043, %dma_start3A_1053, %dma_start3A_1054] : memref<4x4x4096xf32, #tpu.memory_space<vmem>> -> memref<1x4x4096xf32, #tpu.memory_space<vmem>>
    %dma_start3A_1056 = tpu.memref_squeeze %dma_start3A_1055 : memref<1x4x4096xf32, #tpu.memory_space<vmem>> -> memref<4x4096xf32, #tpu.memory_space<vmem>>
    %dma_start3A_1057 = arith.constant 0 : i32
    %dma_start3A_1058 = tpu.memref_slice %arg2[%add3A_1042, %dma_start3A_1057] : memref<4096x4096xf32, #tpu.memory_space<hbm>> -> memref<4x4096xf32, #tpu.memory_space<hbm>>
    tpu.enqueue_dma source(%dma_start3A_1058 : memref<4x4096xf32, #tpu.memory_space<hbm>>) target(%dma_start3A_1056 : memref<4x4096xf32, #tpu.memory_space<vmem>>) target_semaphore(%dma_start3A_1052 : memref<!tpu.dma_semaphore, #tpu.memory_space<semaphore_mem>>)
    %dma_wait3A_1059 = arith.constant 3 : i32
    %dma_wait3A_1060 = arith.constant 3 : i32
    %dma_wait3A_1061 = arith.constant 0 : i32
    %dma_wait3A_1062 = arith.constant 0 : i32
    %dma_wait3A_1063 = tpu.memref_slice %arg4[%dma_wait3A_1059, %dma_wait3A_1061, %dma_wait3A_1062] : memref<4x4x4096xf32, #tpu.memory_space<vmem>> -> memref<1x4x4096xf32, #tpu.memory_space<vmem>>
    %dma_wait3A_1064 = tpu.memref_squeeze %dma_wait3A_1063 : memref<1x4x4096xf32, #tpu.memory_space<vmem>> -> memref<4x4096xf32, #tpu.memory_space<vmem>>
    %dma_wait3A_1065 = arith.constant 0 : i32
    %dma_wait3A_1066 = tpu.memref_slice %arg2[%add3A_906, %dma_wait3A_1065] : memref<4096x4096xf32, #tpu.memory_space<hbm>> -> memref<4x4096xf32, #tpu.memory_space<hbm>>
    %dma_wait3A_1067 = tpu.memref_slice %arg5[%dma_wait3A_1060] : memref<4x!tpu.dma_semaphore, #tpu.memory_space<semaphore_mem>> -> memref<1x!tpu.dma_semaphore, #tpu.memory_space<semaphore_mem>>
    %dma_wait3A_1068 = tpu.memref_squeeze %dma_wait3A_1067 : memref<1x!tpu.dma_semaphore, #tpu.memory_space<semaphore_mem>> -> memref<!tpu.dma_semaphore, #tpu.memory_space<semaphore_mem>>
    %dma_wait3A_1069 = arith.constant 0 : i32
    %dma_wait3A_1070 = arith.constant 0 : i32
    %dma_wait3A_1071 = tpu.memref_slice %arg4[%dma_wait3A_1059, %dma_wait3A_1069, %dma_wait3A_1070] : memref<4x4x4096xf32, #tpu.memory_space<vmem>> -> memref<1x4x4096xf32, #tpu.memory_space<vmem>>
    %dma_wait3A_1072 = tpu.memref_squeeze %dma_wait3A_1071 : memref<1x4x4096xf32, #tpu.memory_space<vmem>> -> memref<4x4096xf32, #tpu.memory_space<vmem>>
    %dma_wait3A_1073 = arith.constant 0 : i32
    %dma_wait3A_1074 = tpu.memref_slice %arg2[%add3A_906, %dma_wait3A_1073] : memref<4096x4096xf32, #tpu.memory_space<hbm>> -> memref<4x4096xf32, #tpu.memory_space<hbm>>
    tpu.wait_dma2 semaphore(%dma_wait3A_1068 : memref<!tpu.dma_semaphore, #tpu.memory_space<semaphore_mem>>) src(%dma_wait3A_1074 : memref<4x4096xf32, #tpu.memory_space<hbm>>) dst(%dma_wait3A_1072 : memref<4x4096xf32, #tpu.memory_space<vmem>>)
    %add3A_1075 = arith.constant 60 : i32
    %add3A_1076 = arith.addi %mul3A_2, %add3A_1075 : i32
    %dma_start3A_1077 = arith.constant 3 : i32
    %dma_start3A_1078 = arith.constant 3 : i32
    %dma_start3A_1079 = arith.constant 0 : i32
    %dma_start3A_1080 = arith.constant 0 : i32
    %dma_start3A_1081 = tpu.memref_slice %arg4[%dma_start3A_1077, %dma_start3A_1079, %dma_start3A_1080] : memref<4x4x4096xf32, #tpu.memory_space<vmem>> -> memref<1x4x4096xf32, #tpu.memory_space<vmem>>
    %dma_start3A_1082 = tpu.memref_squeeze %dma_start3A_1081 : memref<1x4x4096xf32, #tpu.memory_space<vmem>> -> memref<4x4096xf32, #tpu.memory_space<vmem>>
    %dma_start3A_1083 = arith.constant 0 : i32
    %dma_start3A_1084 = tpu.memref_slice %arg3[%add3A_1076, %dma_start3A_1083] : memref<4096x4096xf32, #tpu.memory_space<hbm>> -> memref<4x4096xf32, #tpu.memory_space<hbm>>
    %dma_start3A_1085 = tpu.memref_slice %arg6[%dma_start3A_1078] : memref<4x!tpu.dma_semaphore, #tpu.memory_space<semaphore_mem>> -> memref<1x!tpu.dma_semaphore, #tpu.memory_space<semaphore_mem>>
    %dma_start3A_1086 = tpu.memref_squeeze %dma_start3A_1085 : memref<1x!tpu.dma_semaphore, #tpu.memory_space<semaphore_mem>> -> memref<!tpu.dma_semaphore, #tpu.memory_space<semaphore_mem>>
    %dma_start3A_1087 = arith.constant 0 : i32
    %dma_start3A_1088 = tpu.memref_slice %arg3[%add3A_1076, %dma_start3A_1087] : memref<4096x4096xf32, #tpu.memory_space<hbm>> -> memref<4x4096xf32, #tpu.memory_space<hbm>>
    %dma_start3A_1089 = arith.constant 0 : i32
    %dma_start3A_1090 = arith.constant 0 : i32
    %dma_start3A_1091 = tpu.memref_slice %arg4[%dma_start3A_1077, %dma_start3A_1089, %dma_start3A_1090] : memref<4x4x4096xf32, #tpu.memory_space<vmem>> -> memref<1x4x4096xf32, #tpu.memory_space<vmem>>
    %dma_start3A_1092 = tpu.memref_squeeze %dma_start3A_1091 : memref<1x4x4096xf32, #tpu.memory_space<vmem>> -> memref<4x4096xf32, #tpu.memory_space<vmem>>
    tpu.enqueue_dma source(%dma_start3A_1092 : memref<4x4096xf32, #tpu.memory_space<vmem>>) target(%dma_start3A_1088 : memref<4x4096xf32, #tpu.memory_space<hbm>>) target_semaphore(%dma_start3A_1086 : memref<!tpu.dma_semaphore, #tpu.memory_space<semaphore_mem>>)
    %dma_wait3A_1093 = arith.constant 2 : i32
    %dma_wait3A_1094 = arith.constant 2 : i32
    %dma_wait3A_1095 = arith.constant 0 : i32
    %dma_wait3A_1096 = arith.constant 0 : i32
    %dma_wait3A_1097 = tpu.memref_slice %arg4[%dma_wait3A_1093, %dma_wait3A_1095, %dma_wait3A_1096] : memref<4x4x4096xf32, #tpu.memory_space<vmem>> -> memref<1x4x4096xf32, #tpu.memory_space<vmem>>
    %dma_wait3A_1098 = tpu.memref_squeeze %dma_wait3A_1097 : memref<1x4x4096xf32, #tpu.memory_space<vmem>> -> memref<4x4096xf32, #tpu.memory_space<vmem>>
    %dma_wait3A_1099 = arith.constant 0 : i32
    %dma_wait3A_1100 = tpu.memref_slice %arg3[%add3A_1008, %dma_wait3A_1099] : memref<4096x4096xf32, #tpu.memory_space<hbm>> -> memref<4x4096xf32, #tpu.memory_space<hbm>>
    %dma_wait3A_1101 = tpu.memref_slice %arg6[%dma_wait3A_1094] : memref<4x!tpu.dma_semaphore, #tpu.memory_space<semaphore_mem>> -> memref<1x!tpu.dma_semaphore, #tpu.memory_space<semaphore_mem>>
    %dma_wait3A_1102 = tpu.memref_squeeze %dma_wait3A_1101 : memref<1x!tpu.dma_semaphore, #tpu.memory_space<semaphore_mem>> -> memref<!tpu.dma_semaphore, #tpu.memory_space<semaphore_mem>>
    %dma_wait3A_1103 = arith.constant 0 : i32
    %dma_wait3A_1104 = tpu.memref_slice %arg3[%add3A_1008, %dma_wait3A_1103] : memref<4096x4096xf32, #tpu.memory_space<hbm>> -> memref<4x4096xf32, #tpu.memory_space<hbm>>
    %dma_wait3A_1105 = arith.constant 0 : i32
    %dma_wait3A_1106 = arith.constant 0 : i32
    %dma_wait3A_1107 = tpu.memref_slice %arg4[%dma_wait3A_1093, %dma_wait3A_1105, %dma_wait3A_1106] : memref<4x4x4096xf32, #tpu.memory_space<vmem>> -> memref<1x4x4096xf32, #tpu.memory_space<vmem>>
    %dma_wait3A_1108 = tpu.memref_squeeze %dma_wait3A_1107 : memref<1x4x4096xf32, #tpu.memory_space<vmem>> -> memref<4x4096xf32, #tpu.memory_space<vmem>>
    tpu.wait_dma2 semaphore(%dma_wait3A_1102 : memref<!tpu.dma_semaphore, #tpu.memory_space<semaphore_mem>>) src(%dma_wait3A_1108 : memref<4x4096xf32, #tpu.memory_space<vmem>>) dst(%dma_wait3A_1104 : memref<4x4096xf32, #tpu.memory_space<hbm>>)
    %add3A_1109 = arith.constant 72 : i32
    %add3A_1110 = arith.addi %mul3A_2, %add3A_1109 : i32
    %dma_start3A_1111 = arith.constant 2 : i32
    %dma_start3A_1112 = arith.constant 2 : i32
    %dma_start3A_1113 = arith.constant 0 : i32
    %dma_start3A_1114 = arith.constant 0 : i32
    %dma_start3A_1115 = tpu.memref_slice %arg4[%dma_start3A_1111, %dma_start3A_1113, %dma_start3A_1114] : memref<4x4x4096xf32, #tpu.memory_space<vmem>> -> memref<1x4x4096xf32, #tpu.memory_space<vmem>>
    %dma_start3A_1116 = tpu.memref_squeeze %dma_start3A_1115 : memref<1x4x4096xf32, #tpu.memory_space<vmem>> -> memref<4x4096xf32, #tpu.memory_space<vmem>>
    %dma_start3A_1117 = arith.constant 0 : i32
    %dma_start3A_1118 = tpu.memref_slice %arg2[%add3A_1110, %dma_start3A_1117] : memref<4096x4096xf32, #tpu.memory_space<hbm>> -> memref<4x4096xf32, #tpu.memory_space<hbm>>
    %dma_start3A_1119 = tpu.memref_slice %arg5[%dma_start3A_1112] : memref<4x!tpu.dma_semaphore, #tpu.memory_space<semaphore_mem>> -> memref<1x!tpu.dma_semaphore, #tpu.memory_space<semaphore_mem>>
    %dma_start3A_1120 = tpu.memref_squeeze %dma_start3A_1119 : memref<1x!tpu.dma_semaphore, #tpu.memory_space<semaphore_mem>> -> memref<!tpu.dma_semaphore, #tpu.memory_space<semaphore_mem>>
    %dma_start3A_1121 = arith.constant 0 : i32
    %dma_start3A_1122 = arith.constant 0 : i32
    %dma_start3A_1123 = tpu.memref_slice %arg4[%dma_start3A_1111, %dma_start3A_1121, %dma_start3A_1122] : memref<4x4x4096xf32, #tpu.memory_space<vmem>> -> memref<1x4x4096xf32, #tpu.memory_space<vmem>>
    %dma_start3A_1124 = tpu.memref_squeeze %dma_start3A_1123 : memref<1x4x4096xf32, #tpu.memory_space<vmem>> -> memref<4x4096xf32, #tpu.memory_space<vmem>>
    %dma_start3A_1125 = arith.constant 0 : i32
    %dma_start3A_1126 = tpu.memref_slice %arg2[%add3A_1110, %dma_start3A_1125] : memref<4096x4096xf32, #tpu.memory_space<hbm>> -> memref<4x4096xf32, #tpu.memory_space<hbm>>
    tpu.enqueue_dma source(%dma_start3A_1126 : memref<4x4096xf32, #tpu.memory_space<hbm>>) target(%dma_start3A_1124 : memref<4x4096xf32, #tpu.memory_space<vmem>>) target_semaphore(%dma_start3A_1120 : memref<!tpu.dma_semaphore, #tpu.memory_space<semaphore_mem>>)
    %dma_wait3A_1127 = arith.constant 0 : i32
    %dma_wait3A_1128 = arith.constant 0 : i32
    %dma_wait3A_1129 = arith.constant 0 : i32
    %dma_wait3A_1130 = arith.constant 0 : i32
    %dma_wait3A_1131 = tpu.memref_slice %arg4[%dma_wait3A_1127, %dma_wait3A_1129, %dma_wait3A_1130] : memref<4x4x4096xf32, #tpu.memory_space<vmem>> -> memref<1x4x4096xf32, #tpu.memory_space<vmem>>
    %dma_wait3A_1132 = tpu.memref_squeeze %dma_wait3A_1131 : memref<1x4x4096xf32, #tpu.memory_space<vmem>> -> memref<4x4096xf32, #tpu.memory_space<vmem>>
    %dma_wait3A_1133 = arith.constant 0 : i32
    %dma_wait3A_1134 = tpu.memref_slice %arg2[%add3A_974, %dma_wait3A_1133] : memref<4096x4096xf32, #tpu.memory_space<hbm>> -> memref<4x4096xf32, #tpu.memory_space<hbm>>
    %dma_wait3A_1135 = tpu.memref_slice %arg5[%dma_wait3A_1128] : memref<4x!tpu.dma_semaphore, #tpu.memory_space<semaphore_mem>> -> memref<1x!tpu.dma_semaphore, #tpu.memory_space<semaphore_mem>>
    %dma_wait3A_1136 = tpu.memref_squeeze %dma_wait3A_1135 : memref<1x!tpu.dma_semaphore, #tpu.memory_space<semaphore_mem>> -> memref<!tpu.dma_semaphore, #tpu.memory_space<semaphore_mem>>
    %dma_wait3A_1137 = arith.constant 0 : i32
    %dma_wait3A_1138 = arith.constant 0 : i32
    %dma_wait3A_1139 = tpu.memref_slice %arg4[%dma_wait3A_1127, %dma_wait3A_1137, %dma_wait3A_1138] : memref<4x4x4096xf32, #tpu.memory_space<vmem>> -> memref<1x4x4096xf32, #tpu.memory_space<vmem>>
    %dma_wait3A_1140 = tpu.memref_squeeze %dma_wait3A_1139 : memref<1x4x4096xf32, #tpu.memory_space<vmem>> -> memref<4x4096xf32, #tpu.memory_space<vmem>>
    %dma_wait3A_1141 = arith.constant 0 : i32
    %dma_wait3A_1142 = tpu.memref_slice %arg2[%add3A_974, %dma_wait3A_1141] : memref<4096x4096xf32, #tpu.memory_space<hbm>> -> memref<4x4096xf32, #tpu.memory_space<hbm>>
    tpu.wait_dma2 semaphore(%dma_wait3A_1136 : memref<!tpu.dma_semaphore, #tpu.memory_space<semaphore_mem>>) src(%dma_wait3A_1142 : memref<4x4096xf32, #tpu.memory_space<hbm>>) dst(%dma_wait3A_1140 : memref<4x4096xf32, #tpu.memory_space<vmem>>)
    %add3A_1143 = arith.constant 64 : i32
    %add3A_1144 = arith.addi %mul3A_2, %add3A_1143 : i32
    %dma_start3A_1145 = arith.constant 0 : i32
    %dma_start3A_1146 = arith.constant 0 : i32
    %dma_start3A_1147 = arith.constant 0 : i32
    %dma_start3A_1148 = arith.constant 0 : i32
    %dma_start3A_1149 = tpu.memref_slice %arg4[%dma_start3A_1145, %dma_start3A_1147, %dma_start3A_1148] : memref<4x4x4096xf32, #tpu.memory_space<vmem>> -> memref<1x4x4096xf32, #tpu.memory_space<vmem>>
    %dma_start3A_1150 = tpu.memref_squeeze %dma_start3A_1149 : memref<1x4x4096xf32, #tpu.memory_space<vmem>> -> memref<4x4096xf32, #tpu.memory_space<vmem>>
    %dma_start3A_1151 = arith.constant 0 : i32
    %dma_start3A_1152 = tpu.memref_slice %arg3[%add3A_1144, %dma_start3A_1151] : memref<4096x4096xf32, #tpu.memory_space<hbm>> -> memref<4x4096xf32, #tpu.memory_space<hbm>>
    %dma_start3A_1153 = tpu.memref_slice %arg6[%dma_start3A_1146] : memref<4x!tpu.dma_semaphore, #tpu.memory_space<semaphore_mem>> -> memref<1x!tpu.dma_semaphore, #tpu.memory_space<semaphore_mem>>
    %dma_start3A_1154 = tpu.memref_squeeze %dma_start3A_1153 : memref<1x!tpu.dma_semaphore, #tpu.memory_space<semaphore_mem>> -> memref<!tpu.dma_semaphore, #tpu.memory_space<semaphore_mem>>
    %dma_start3A_1155 = arith.constant 0 : i32
    %dma_start3A_1156 = tpu.memref_slice %arg3[%add3A_1144, %dma_start3A_1155] : memref<4096x4096xf32, #tpu.memory_space<hbm>> -> memref<4x4096xf32, #tpu.memory_space<hbm>>
    %dma_start3A_1157 = arith.constant 0 : i32
    %dma_start3A_1158 = arith.constant 0 : i32
    %dma_start3A_1159 = tpu.memref_slice %arg4[%dma_start3A_1145, %dma_start3A_1157, %dma_start3A_1158] : memref<4x4x4096xf32, #tpu.memory_space<vmem>> -> memref<1x4x4096xf32, #tpu.memory_space<vmem>>
    %dma_start3A_1160 = tpu.memref_squeeze %dma_start3A_1159 : memref<1x4x4096xf32, #tpu.memory_space<vmem>> -> memref<4x4096xf32, #tpu.memory_space<vmem>>
    tpu.enqueue_dma source(%dma_start3A_1160 : memref<4x4096xf32, #tpu.memory_space<vmem>>) target(%dma_start3A_1156 : memref<4x4096xf32, #tpu.memory_space<hbm>>) target_semaphore(%dma_start3A_1154 : memref<!tpu.dma_semaphore, #tpu.memory_space<semaphore_mem>>)
    %dma_wait3A_1161 = arith.constant 3 : i32
    %dma_wait3A_1162 = arith.constant 3 : i32
    %dma_wait3A_1163 = arith.constant 0 : i32
    %dma_wait3A_1164 = arith.constant 0 : i32
    %dma_wait3A_1165 = tpu.memref_slice %arg4[%dma_wait3A_1161, %dma_wait3A_1163, %dma_wait3A_1164] : memref<4x4x4096xf32, #tpu.memory_space<vmem>> -> memref<1x4x4096xf32, #tpu.memory_space<vmem>>
    %dma_wait3A_1166 = tpu.memref_squeeze %dma_wait3A_1165 : memref<1x4x4096xf32, #tpu.memory_space<vmem>> -> memref<4x4096xf32, #tpu.memory_space<vmem>>
    %dma_wait3A_1167 = arith.constant 0 : i32
    %dma_wait3A_1168 = tpu.memref_slice %arg3[%add3A_1076, %dma_wait3A_1167] : memref<4096x4096xf32, #tpu.memory_space<hbm>> -> memref<4x4096xf32, #tpu.memory_space<hbm>>
    %dma_wait3A_1169 = tpu.memref_slice %arg6[%dma_wait3A_1162] : memref<4x!tpu.dma_semaphore, #tpu.memory_space<semaphore_mem>> -> memref<1x!tpu.dma_semaphore, #tpu.memory_space<semaphore_mem>>
    %dma_wait3A_1170 = tpu.memref_squeeze %dma_wait3A_1169 : memref<1x!tpu.dma_semaphore, #tpu.memory_space<semaphore_mem>> -> memref<!tpu.dma_semaphore, #tpu.memory_space<semaphore_mem>>
    %dma_wait3A_1171 = arith.constant 0 : i32
    %dma_wait3A_1172 = tpu.memref_slice %arg3[%add3A_1076, %dma_wait3A_1171] : memref<4096x4096xf32, #tpu.memory_space<hbm>> -> memref<4x4096xf32, #tpu.memory_space<hbm>>
    %dma_wait3A_1173 = arith.constant 0 : i32
    %dma_wait3A_1174 = arith.constant 0 : i32
    %dma_wait3A_1175 = tpu.memref_slice %arg4[%dma_wait3A_1161, %dma_wait3A_1173, %dma_wait3A_1174] : memref<4x4x4096xf32, #tpu.memory_space<vmem>> -> memref<1x4x4096xf32, #tpu.memory_space<vmem>>
    %dma_wait3A_1176 = tpu.memref_squeeze %dma_wait3A_1175 : memref<1x4x4096xf32, #tpu.memory_space<vmem>> -> memref<4x4096xf32, #tpu.memory_space<vmem>>
    tpu.wait_dma2 semaphore(%dma_wait3A_1170 : memref<!tpu.dma_semaphore, #tpu.memory_space<semaphore_mem>>) src(%dma_wait3A_1176 : memref<4x4096xf32, #tpu.memory_space<vmem>>) dst(%dma_wait3A_1172 : memref<4x4096xf32, #tpu.memory_space<hbm>>)
    %add3A_1177 = arith.constant 76 : i32
    %add3A_1178 = arith.addi %mul3A_2, %add3A_1177 : i32
    %dma_start3A_1179 = arith.constant 3 : i32
    %dma_start3A_1180 = arith.constant 3 : i32
    %dma_start3A_1181 = arith.constant 0 : i32
    %dma_start3A_1182 = arith.constant 0 : i32
    %dma_start3A_1183 = tpu.memref_slice %arg4[%dma_start3A_1179, %dma_start3A_1181, %dma_start3A_1182] : memref<4x4x4096xf32, #tpu.memory_space<vmem>> -> memref<1x4x4096xf32, #tpu.memory_space<vmem>>
    %dma_start3A_1184 = tpu.memref_squeeze %dma_start3A_1183 : memref<1x4x4096xf32, #tpu.memory_space<vmem>> -> memref<4x4096xf32, #tpu.memory_space<vmem>>
    %dma_start3A_1185 = arith.constant 0 : i32
    %dma_start3A_1186 = tpu.memref_slice %arg2[%add3A_1178, %dma_start3A_1185] : memref<4096x4096xf32, #tpu.memory_space<hbm>> -> memref<4x4096xf32, #tpu.memory_space<hbm>>
    %dma_start3A_1187 = tpu.memref_slice %arg5[%dma_start3A_1180] : memref<4x!tpu.dma_semaphore, #tpu.memory_space<semaphore_mem>> -> memref<1x!tpu.dma_semaphore, #tpu.memory_space<semaphore_mem>>
    %dma_start3A_1188 = tpu.memref_squeeze %dma_start3A_1187 : memref<1x!tpu.dma_semaphore, #tpu.memory_space<semaphore_mem>> -> memref<!tpu.dma_semaphore, #tpu.memory_space<semaphore_mem>>
    %dma_start3A_1189 = arith.constant 0 : i32
    %dma_start3A_1190 = arith.constant 0 : i32
    %dma_start3A_1191 = tpu.memref_slice %arg4[%dma_start3A_1179, %dma_start3A_1189, %dma_start3A_1190] : memref<4x4x4096xf32, #tpu.memory_space<vmem>> -> memref<1x4x4096xf32, #tpu.memory_space<vmem>>
    %dma_start3A_1192 = tpu.memref_squeeze %dma_start3A_1191 : memref<1x4x4096xf32, #tpu.memory_space<vmem>> -> memref<4x4096xf32, #tpu.memory_space<vmem>>
    %dma_start3A_1193 = arith.constant 0 : i32
    %dma_start3A_1194 = tpu.memref_slice %arg2[%add3A_1178, %dma_start3A_1193] : memref<4096x4096xf32, #tpu.memory_space<hbm>> -> memref<4x4096xf32, #tpu.memory_space<hbm>>
    tpu.enqueue_dma source(%dma_start3A_1194 : memref<4x4096xf32, #tpu.memory_space<hbm>>) target(%dma_start3A_1192 : memref<4x4096xf32, #tpu.memory_space<vmem>>) target_semaphore(%dma_start3A_1188 : memref<!tpu.dma_semaphore, #tpu.memory_space<semaphore_mem>>)
    %dma_wait3A_1195 = arith.constant 1 : i32
    %dma_wait3A_1196 = arith.constant 1 : i32
    %dma_wait3A_1197 = arith.constant 0 : i32
    %dma_wait3A_1198 = arith.constant 0 : i32
    %dma_wait3A_1199 = tpu.memref_slice %arg4[%dma_wait3A_1195, %dma_wait3A_1197, %dma_wait3A_1198] : memref<4x4x4096xf32, #tpu.memory_space<vmem>> -> memref<1x4x4096xf32, #tpu.memory_space<vmem>>
    %dma_wait3A_1200 = tpu.memref_squeeze %dma_wait3A_1199 : memref<1x4x4096xf32, #tpu.memory_space<vmem>> -> memref<4x4096xf32, #tpu.memory_space<vmem>>
    %dma_wait3A_1201 = arith.constant 0 : i32
    %dma_wait3A_1202 = tpu.memref_slice %arg2[%add3A_1042, %dma_wait3A_1201] : memref<4096x4096xf32, #tpu.memory_space<hbm>> -> memref<4x4096xf32, #tpu.memory_space<hbm>>
    %dma_wait3A_1203 = tpu.memref_slice %arg5[%dma_wait3A_1196] : memref<4x!tpu.dma_semaphore, #tpu.memory_space<semaphore_mem>> -> memref<1x!tpu.dma_semaphore, #tpu.memory_space<semaphore_mem>>
    %dma_wait3A_1204 = tpu.memref_squeeze %dma_wait3A_1203 : memref<1x!tpu.dma_semaphore, #tpu.memory_space<semaphore_mem>> -> memref<!tpu.dma_semaphore, #tpu.memory_space<semaphore_mem>>
    %dma_wait3A_1205 = arith.constant 0 : i32
    %dma_wait3A_1206 = arith.constant 0 : i32
    %dma_wait3A_1207 = tpu.memref_slice %arg4[%dma_wait3A_1195, %dma_wait3A_1205, %dma_wait3A_1206] : memref<4x4x4096xf32, #tpu.memory_space<vmem>> -> memref<1x4x4096xf32, #tpu.memory_space<vmem>>
    %dma_wait3A_1208 = tpu.memref_squeeze %dma_wait3A_1207 : memref<1x4x4096xf32, #tpu.memory_space<vmem>> -> memref<4x4096xf32, #tpu.memory_space<vmem>>
    %dma_wait3A_1209 = arith.constant 0 : i32
    %dma_wait3A_1210 = tpu.memref_slice %arg2[%add3A_1042, %dma_wait3A_1209] : memref<4096x4096xf32, #tpu.memory_space<hbm>> -> memref<4x4096xf32, #tpu.memory_space<hbm>>
    tpu.wait_dma2 semaphore(%dma_wait3A_1204 : memref<!tpu.dma_semaphore, #tpu.memory_space<semaphore_mem>>) src(%dma_wait3A_1210 : memref<4x4096xf32, #tpu.memory_space<hbm>>) dst(%dma_wait3A_1208 : memref<4x4096xf32, #tpu.memory_space<vmem>>)
    %add3A_1211 = arith.constant 68 : i32
    %add3A_1212 = arith.addi %mul3A_2, %add3A_1211 : i32
    %dma_start3A_1213 = arith.constant 1 : i32
    %dma_start3A_1214 = arith.constant 1 : i32
    %dma_start3A_1215 = arith.constant 0 : i32
    %dma_start3A_1216 = arith.constant 0 : i32
    %dma_start3A_1217 = tpu.memref_slice %arg4[%dma_start3A_1213, %dma_start3A_1215, %dma_start3A_1216] : memref<4x4x4096xf32, #tpu.memory_space<vmem>> -> memref<1x4x4096xf32, #tpu.memory_space<vmem>>
    %dma_start3A_1218 = tpu.memref_squeeze %dma_start3A_1217 : memref<1x4x4096xf32, #tpu.memory_space<vmem>> -> memref<4x4096xf32, #tpu.memory_space<vmem>>
    %dma_start3A_1219 = arith.constant 0 : i32
    %dma_start3A_1220 = tpu.memref_slice %arg3[%add3A_1212, %dma_start3A_1219] : memref<4096x4096xf32, #tpu.memory_space<hbm>> -> memref<4x4096xf32, #tpu.memory_space<hbm>>
    %dma_start3A_1221 = tpu.memref_slice %arg6[%dma_start3A_1214] : memref<4x!tpu.dma_semaphore, #tpu.memory_space<semaphore_mem>> -> memref<1x!tpu.dma_semaphore, #tpu.memory_space<semaphore_mem>>
    %dma_start3A_1222 = tpu.memref_squeeze %dma_start3A_1221 : memref<1x!tpu.dma_semaphore, #tpu.memory_space<semaphore_mem>> -> memref<!tpu.dma_semaphore, #tpu.memory_space<semaphore_mem>>
    %dma_start3A_1223 = arith.constant 0 : i32
    %dma_start3A_1224 = tpu.memref_slice %arg3[%add3A_1212, %dma_start3A_1223] : memref<4096x4096xf32, #tpu.memory_space<hbm>> -> memref<4x4096xf32, #tpu.memory_space<hbm>>
    %dma_start3A_1225 = arith.constant 0 : i32
    %dma_start3A_1226 = arith.constant 0 : i32
    %dma_start3A_1227 = tpu.memref_slice %arg4[%dma_start3A_1213, %dma_start3A_1225, %dma_start3A_1226] : memref<4x4x4096xf32, #tpu.memory_space<vmem>> -> memref<1x4x4096xf32, #tpu.memory_space<vmem>>
    %dma_start3A_1228 = tpu.memref_squeeze %dma_start3A_1227 : memref<1x4x4096xf32, #tpu.memory_space<vmem>> -> memref<4x4096xf32, #tpu.memory_space<vmem>>
    tpu.enqueue_dma source(%dma_start3A_1228 : memref<4x4096xf32, #tpu.memory_space<vmem>>) target(%dma_start3A_1224 : memref<4x4096xf32, #tpu.memory_space<hbm>>) target_semaphore(%dma_start3A_1222 : memref<!tpu.dma_semaphore, #tpu.memory_space<semaphore_mem>>)
    %dma_wait3A_1229 = arith.constant 0 : i32
    %dma_wait3A_1230 = arith.constant 0 : i32
    %dma_wait3A_1231 = arith.constant 0 : i32
    %dma_wait3A_1232 = arith.constant 0 : i32
    %dma_wait3A_1233 = tpu.memref_slice %arg4[%dma_wait3A_1229, %dma_wait3A_1231, %dma_wait3A_1232] : memref<4x4x4096xf32, #tpu.memory_space<vmem>> -> memref<1x4x4096xf32, #tpu.memory_space<vmem>>
    %dma_wait3A_1234 = tpu.memref_squeeze %dma_wait3A_1233 : memref<1x4x4096xf32, #tpu.memory_space<vmem>> -> memref<4x4096xf32, #tpu.memory_space<vmem>>
    %dma_wait3A_1235 = arith.constant 0 : i32
    %dma_wait3A_1236 = tpu.memref_slice %arg3[%add3A_1144, %dma_wait3A_1235] : memref<4096x4096xf32, #tpu.memory_space<hbm>> -> memref<4x4096xf32, #tpu.memory_space<hbm>>
    %dma_wait3A_1237 = tpu.memref_slice %arg6[%dma_wait3A_1230] : memref<4x!tpu.dma_semaphore, #tpu.memory_space<semaphore_mem>> -> memref<1x!tpu.dma_semaphore, #tpu.memory_space<semaphore_mem>>
    %dma_wait3A_1238 = tpu.memref_squeeze %dma_wait3A_1237 : memref<1x!tpu.dma_semaphore, #tpu.memory_space<semaphore_mem>> -> memref<!tpu.dma_semaphore, #tpu.memory_space<semaphore_mem>>
    %dma_wait3A_1239 = arith.constant 0 : i32
    %dma_wait3A_1240 = tpu.memref_slice %arg3[%add3A_1144, %dma_wait3A_1239] : memref<4096x4096xf32, #tpu.memory_space<hbm>> -> memref<4x4096xf32, #tpu.memory_space<hbm>>
    %dma_wait3A_1241 = arith.constant 0 : i32
    %dma_wait3A_1242 = arith.constant 0 : i32
    %dma_wait3A_1243 = tpu.memref_slice %arg4[%dma_wait3A_1229, %dma_wait3A_1241, %dma_wait3A_1242] : memref<4x4x4096xf32, #tpu.memory_space<vmem>> -> memref<1x4x4096xf32, #tpu.memory_space<vmem>>
    %dma_wait3A_1244 = tpu.memref_squeeze %dma_wait3A_1243 : memref<1x4x4096xf32, #tpu.memory_space<vmem>> -> memref<4x4096xf32, #tpu.memory_space<vmem>>
    tpu.wait_dma2 semaphore(%dma_wait3A_1238 : memref<!tpu.dma_semaphore, #tpu.memory_space<semaphore_mem>>) src(%dma_wait3A_1244 : memref<4x4096xf32, #tpu.memory_space<vmem>>) dst(%dma_wait3A_1240 : memref<4x4096xf32, #tpu.memory_space<hbm>>)
    %add3A_1245 = arith.constant 80 : i32
    %add3A_1246 = arith.addi %mul3A_2, %add3A_1245 : i32
    %dma_start3A_1247 = arith.constant 0 : i32
    %dma_start3A_1248 = arith.constant 0 : i32
    %dma_start3A_1249 = arith.constant 0 : i32
    %dma_start3A_1250 = arith.constant 0 : i32
    %dma_start3A_1251 = tpu.memref_slice %arg4[%dma_start3A_1247, %dma_start3A_1249, %dma_start3A_1250] : memref<4x4x4096xf32, #tpu.memory_space<vmem>> -> memref<1x4x4096xf32, #tpu.memory_space<vmem>>
    %dma_start3A_1252 = tpu.memref_squeeze %dma_start3A_1251 : memref<1x4x4096xf32, #tpu.memory_space<vmem>> -> memref<4x4096xf32, #tpu.memory_space<vmem>>
    %dma_start3A_1253 = arith.constant 0 : i32
    %dma_start3A_1254 = tpu.memref_slice %arg2[%add3A_1246, %dma_start3A_1253] : memref<4096x4096xf32, #tpu.memory_space<hbm>> -> memref<4x4096xf32, #tpu.memory_space<hbm>>
    %dma_start3A_1255 = tpu.memref_slice %arg5[%dma_start3A_1248] : memref<4x!tpu.dma_semaphore, #tpu.memory_space<semaphore_mem>> -> memref<1x!tpu.dma_semaphore, #tpu.memory_space<semaphore_mem>>
    %dma_start3A_1256 = tpu.memref_squeeze %dma_start3A_1255 : memref<1x!tpu.dma_semaphore, #tpu.memory_space<semaphore_mem>> -> memref<!tpu.dma_semaphore, #tpu.memory_space<semaphore_mem>>
    %dma_start3A_1257 = arith.constant 0 : i32
    %dma_start3A_1258 = arith.constant 0 : i32
    %dma_start3A_1259 = tpu.memref_slice %arg4[%dma_start3A_1247, %dma_start3A_1257, %dma_start3A_1258] : memref<4x4x4096xf32, #tpu.memory_space<vmem>> -> memref<1x4x4096xf32, #tpu.memory_space<vmem>>
    %dma_start3A_1260 = tpu.memref_squeeze %dma_start3A_1259 : memref<1x4x4096xf32, #tpu.memory_space<vmem>> -> memref<4x4096xf32, #tpu.memory_space<vmem>>
    %dma_start3A_1261 = arith.constant 0 : i32
    %dma_start3A_1262 = tpu.memref_slice %arg2[%add3A_1246, %dma_start3A_1261] : memref<4096x4096xf32, #tpu.memory_space<hbm>> -> memref<4x4096xf32, #tpu.memory_space<hbm>>
    tpu.enqueue_dma source(%dma_start3A_1262 : memref<4x4096xf32, #tpu.memory_space<hbm>>) target(%dma_start3A_1260 : memref<4x4096xf32, #tpu.memory_space<vmem>>) target_semaphore(%dma_start3A_1256 : memref<!tpu.dma_semaphore, #tpu.memory_space<semaphore_mem>>)
    %dma_wait3A_1263 = arith.constant 2 : i32
    %dma_wait3A_1264 = arith.constant 2 : i32
    %dma_wait3A_1265 = arith.constant 0 : i32
    %dma_wait3A_1266 = arith.constant 0 : i32
    %dma_wait3A_1267 = tpu.memref_slice %arg4[%dma_wait3A_1263, %dma_wait3A_1265, %dma_wait3A_1266] : memref<4x4x4096xf32, #tpu.memory_space<vmem>> -> memref<1x4x4096xf32, #tpu.memory_space<vmem>>
    %dma_wait3A_1268 = tpu.memref_squeeze %dma_wait3A_1267 : memref<1x4x4096xf32, #tpu.memory_space<vmem>> -> memref<4x4096xf32, #tpu.memory_space<vmem>>
    %dma_wait3A_1269 = arith.constant 0 : i32
    %dma_wait3A_1270 = tpu.memref_slice %arg2[%add3A_1110, %dma_wait3A_1269] : memref<4096x4096xf32, #tpu.memory_space<hbm>> -> memref<4x4096xf32, #tpu.memory_space<hbm>>
    %dma_wait3A_1271 = tpu.memref_slice %arg5[%dma_wait3A_1264] : memref<4x!tpu.dma_semaphore, #tpu.memory_space<semaphore_mem>> -> memref<1x!tpu.dma_semaphore, #tpu.memory_space<semaphore_mem>>
    %dma_wait3A_1272 = tpu.memref_squeeze %dma_wait3A_1271 : memref<1x!tpu.dma_semaphore, #tpu.memory_space<semaphore_mem>> -> memref<!tpu.dma_semaphore, #tpu.memory_space<semaphore_mem>>
    %dma_wait3A_1273 = arith.constant 0 : i32
    %dma_wait3A_1274 = arith.constant 0 : i32
    %dma_wait3A_1275 = tpu.memref_slice %arg4[%dma_wait3A_1263, %dma_wait3A_1273, %dma_wait3A_1274] : memref<4x4x4096xf32, #tpu.memory_space<vmem>> -> memref<1x4x4096xf32, #tpu.memory_space<vmem>>
    %dma_wait3A_1276 = tpu.memref_squeeze %dma_wait3A_1275 : memref<1x4x4096xf32, #tpu.memory_space<vmem>> -> memref<4x4096xf32, #tpu.memory_space<vmem>>
    %dma_wait3A_1277 = arith.constant 0 : i32
    %dma_wait3A_1278 = tpu.memref_slice %arg2[%add3A_1110, %dma_wait3A_1277] : memref<4096x4096xf32, #tpu.memory_space<hbm>> -> memref<4x4096xf32, #tpu.memory_space<hbm>>
    tpu.wait_dma2 semaphore(%dma_wait3A_1272 : memref<!tpu.dma_semaphore, #tpu.memory_space<semaphore_mem>>) src(%dma_wait3A_1278 : memref<4x4096xf32, #tpu.memory_space<hbm>>) dst(%dma_wait3A_1276 : memref<4x4096xf32, #tpu.memory_space<vmem>>)
    %add3A_1279 = arith.constant 72 : i32
    %add3A_1280 = arith.addi %mul3A_2, %add3A_1279 : i32
    %dma_start3A_1281 = arith.constant 2 : i32
    %dma_start3A_1282 = arith.constant 2 : i32
    %dma_start3A_1283 = arith.constant 0 : i32
    %dma_start3A_1284 = arith.constant 0 : i32
    %dma_start3A_1285 = tpu.memref_slice %arg4[%dma_start3A_1281, %dma_start3A_1283, %dma_start3A_1284] : memref<4x4x4096xf32, #tpu.memory_space<vmem>> -> memref<1x4x4096xf32, #tpu.memory_space<vmem>>
    %dma_start3A_1286 = tpu.memref_squeeze %dma_start3A_1285 : memref<1x4x4096xf32, #tpu.memory_space<vmem>> -> memref<4x4096xf32, #tpu.memory_space<vmem>>
    %dma_start3A_1287 = arith.constant 0 : i32
    %dma_start3A_1288 = tpu.memref_slice %arg3[%add3A_1280, %dma_start3A_1287] : memref<4096x4096xf32, #tpu.memory_space<hbm>> -> memref<4x4096xf32, #tpu.memory_space<hbm>>
    %dma_start3A_1289 = tpu.memref_slice %arg6[%dma_start3A_1282] : memref<4x!tpu.dma_semaphore, #tpu.memory_space<semaphore_mem>> -> memref<1x!tpu.dma_semaphore, #tpu.memory_space<semaphore_mem>>
    %dma_start3A_1290 = tpu.memref_squeeze %dma_start3A_1289 : memref<1x!tpu.dma_semaphore, #tpu.memory_space<semaphore_mem>> -> memref<!tpu.dma_semaphore, #tpu.memory_space<semaphore_mem>>
    %dma_start3A_1291 = arith.constant 0 : i32
    %dma_start3A_1292 = tpu.memref_slice %arg3[%add3A_1280, %dma_start3A_1291] : memref<4096x4096xf32, #tpu.memory_space<hbm>> -> memref<4x4096xf32, #tpu.memory_space<hbm>>
    %dma_start3A_1293 = arith.constant 0 : i32
    %dma_start3A_1294 = arith.constant 0 : i32
    %dma_start3A_1295 = tpu.memref_slice %arg4[%dma_start3A_1281, %dma_start3A_1293, %dma_start3A_1294] : memref<4x4x4096xf32, #tpu.memory_space<vmem>> -> memref<1x4x4096xf32, #tpu.memory_space<vmem>>
    %dma_start3A_1296 = tpu.memref_squeeze %dma_start3A_1295 : memref<1x4x4096xf32, #tpu.memory_space<vmem>> -> memref<4x4096xf32, #tpu.memory_space<vmem>>
    tpu.enqueue_dma source(%dma_start3A_1296 : memref<4x4096xf32, #tpu.memory_space<vmem>>) target(%dma_start3A_1292 : memref<4x4096xf32, #tpu.memory_space<hbm>>) target_semaphore(%dma_start3A_1290 : memref<!tpu.dma_semaphore, #tpu.memory_space<semaphore_mem>>)
    %dma_wait3A_1297 = arith.constant 1 : i32
    %dma_wait3A_1298 = arith.constant 1 : i32
    %dma_wait3A_1299 = arith.constant 0 : i32
    %dma_wait3A_1300 = arith.constant 0 : i32
    %dma_wait3A_1301 = tpu.memref_slice %arg4[%dma_wait3A_1297, %dma_wait3A_1299, %dma_wait3A_1300] : memref<4x4x4096xf32, #tpu.memory_space<vmem>> -> memref<1x4x4096xf32, #tpu.memory_space<vmem>>
    %dma_wait3A_1302 = tpu.memref_squeeze %dma_wait3A_1301 : memref<1x4x4096xf32, #tpu.memory_space<vmem>> -> memref<4x4096xf32, #tpu.memory_space<vmem>>
    %dma_wait3A_1303 = arith.constant 0 : i32
    %dma_wait3A_1304 = tpu.memref_slice %arg3[%add3A_1212, %dma_wait3A_1303] : memref<4096x4096xf32, #tpu.memory_space<hbm>> -> memref<4x4096xf32, #tpu.memory_space<hbm>>
    %dma_wait3A_1305 = tpu.memref_slice %arg6[%dma_wait3A_1298] : memref<4x!tpu.dma_semaphore, #tpu.memory_space<semaphore_mem>> -> memref<1x!tpu.dma_semaphore, #tpu.memory_space<semaphore_mem>>
    %dma_wait3A_1306 = tpu.memref_squeeze %dma_wait3A_1305 : memref<1x!tpu.dma_semaphore, #tpu.memory_space<semaphore_mem>> -> memref<!tpu.dma_semaphore, #tpu.memory_space<semaphore_mem>>
    %dma_wait3A_1307 = arith.constant 0 : i32
    %dma_wait3A_1308 = tpu.memref_slice %arg3[%add3A_1212, %dma_wait3A_1307] : memref<4096x4096xf32, #tpu.memory_space<hbm>> -> memref<4x4096xf32, #tpu.memory_space<hbm>>
    %dma_wait3A_1309 = arith.constant 0 : i32
    %dma_wait3A_1310 = arith.constant 0 : i32
    %dma_wait3A_1311 = tpu.memref_slice %arg4[%dma_wait3A_1297, %dma_wait3A_1309, %dma_wait3A_1310] : memref<4x4x4096xf32, #tpu.memory_space<vmem>> -> memref<1x4x4096xf32, #tpu.memory_space<vmem>>
    %dma_wait3A_1312 = tpu.memref_squeeze %dma_wait3A_1311 : memref<1x4x4096xf32, #tpu.memory_space<vmem>> -> memref<4x4096xf32, #tpu.memory_space<vmem>>
    tpu.wait_dma2 semaphore(%dma_wait3A_1306 : memref<!tpu.dma_semaphore, #tpu.memory_space<semaphore_mem>>) src(%dma_wait3A_1312 : memref<4x4096xf32, #tpu.memory_space<vmem>>) dst(%dma_wait3A_1308 : memref<4x4096xf32, #tpu.memory_space<hbm>>)
    %add3A_1313 = arith.constant 84 : i32
    %add3A_1314 = arith.addi %mul3A_2, %add3A_1313 : i32
    %dma_start3A_1315 = arith.constant 1 : i32
    %dma_start3A_1316 = arith.constant 1 : i32
    %dma_start3A_1317 = arith.constant 0 : i32
    %dma_start3A_1318 = arith.constant 0 : i32
    %dma_start3A_1319 = tpu.memref_slice %arg4[%dma_start3A_1315, %dma_start3A_1317, %dma_start3A_1318] : memref<4x4x4096xf32, #tpu.memory_space<vmem>> -> memref<1x4x4096xf32, #tpu.memory_space<vmem>>
    %dma_start3A_1320 = tpu.memref_squeeze %dma_start3A_1319 : memref<1x4x4096xf32, #tpu.memory_space<vmem>> -> memref<4x4096xf32, #tpu.memory_space<vmem>>
    %dma_start3A_1321 = arith.constant 0 : i32
    %dma_start3A_1322 = tpu.memref_slice %arg2[%add3A_1314, %dma_start3A_1321] : memref<4096x4096xf32, #tpu.memory_space<hbm>> -> memref<4x4096xf32, #tpu.memory_space<hbm>>
    %dma_start3A_1323 = tpu.memref_slice %arg5[%dma_start3A_1316] : memref<4x!tpu.dma_semaphore, #tpu.memory_space<semaphore_mem>> -> memref<1x!tpu.dma_semaphore, #tpu.memory_space<semaphore_mem>>
    %dma_start3A_1324 = tpu.memref_squeeze %dma_start3A_1323 : memref<1x!tpu.dma_semaphore, #tpu.memory_space<semaphore_mem>> -> memref<!tpu.dma_semaphore, #tpu.memory_space<semaphore_mem>>
    %dma_start3A_1325 = arith.constant 0 : i32
    %dma_start3A_1326 = arith.constant 0 : i32
    %dma_start3A_1327 = tpu.memref_slice %arg4[%dma_start3A_1315, %dma_start3A_1325, %dma_start3A_1326] : memref<4x4x4096xf32, #tpu.memory_space<vmem>> -> memref<1x4x4096xf32, #tpu.memory_space<vmem>>
    %dma_start3A_1328 = tpu.memref_squeeze %dma_start3A_1327 : memref<1x4x4096xf32, #tpu.memory_space<vmem>> -> memref<4x4096xf32, #tpu.memory_space<vmem>>
    %dma_start3A_1329 = arith.constant 0 : i32
    %dma_start3A_1330 = tpu.memref_slice %arg2[%add3A_1314, %dma_start3A_1329] : memref<4096x4096xf32, #tpu.memory_space<hbm>> -> memref<4x4096xf32, #tpu.memory_space<hbm>>
    tpu.enqueue_dma source(%dma_start3A_1330 : memref<4x4096xf32, #tpu.memory_space<hbm>>) target(%dma_start3A_1328 : memref<4x4096xf32, #tpu.memory_space<vmem>>) target_semaphore(%dma_start3A_1324 : memref<!tpu.dma_semaphore, #tpu.memory_space<semaphore_mem>>)
    %dma_wait3A_1331 = arith.constant 3 : i32
    %dma_wait3A_1332 = arith.constant 3 : i32
    %dma_wait3A_1333 = arith.constant 0 : i32
    %dma_wait3A_1334 = arith.constant 0 : i32
    %dma_wait3A_1335 = tpu.memref_slice %arg4[%dma_wait3A_1331, %dma_wait3A_1333, %dma_wait3A_1334] : memref<4x4x4096xf32, #tpu.memory_space<vmem>> -> memref<1x4x4096xf32, #tpu.memory_space<vmem>>
    %dma_wait3A_1336 = tpu.memref_squeeze %dma_wait3A_1335 : memref<1x4x4096xf32, #tpu.memory_space<vmem>> -> memref<4x4096xf32, #tpu.memory_space<vmem>>
    %dma_wait3A_1337 = arith.constant 0 : i32
    %dma_wait3A_1338 = tpu.memref_slice %arg2[%add3A_1178, %dma_wait3A_1337] : memref<4096x4096xf32, #tpu.memory_space<hbm>> -> memref<4x4096xf32, #tpu.memory_space<hbm>>
    %dma_wait3A_1339 = tpu.memref_slice %arg5[%dma_wait3A_1332] : memref<4x!tpu.dma_semaphore, #tpu.memory_space<semaphore_mem>> -> memref<1x!tpu.dma_semaphore, #tpu.memory_space<semaphore_mem>>
    %dma_wait3A_1340 = tpu.memref_squeeze %dma_wait3A_1339 : memref<1x!tpu.dma_semaphore, #tpu.memory_space<semaphore_mem>> -> memref<!tpu.dma_semaphore, #tpu.memory_space<semaphore_mem>>
    %dma_wait3A_1341 = arith.constant 0 : i32
    %dma_wait3A_1342 = arith.constant 0 : i32
    %dma_wait3A_1343 = tpu.memref_slice %arg4[%dma_wait3A_1331, %dma_wait3A_1341, %dma_wait3A_1342] : memref<4x4x4096xf32, #tpu.memory_space<vmem>> -> memref<1x4x4096xf32, #tpu.memory_space<vmem>>
    %dma_wait3A_1344 = tpu.memref_squeeze %dma_wait3A_1343 : memref<1x4x4096xf32, #tpu.memory_space<vmem>> -> memref<4x4096xf32, #tpu.memory_space<vmem>>
    %dma_wait3A_1345 = arith.constant 0 : i32
    %dma_wait3A_1346 = tpu.memref_slice %arg2[%add3A_1178, %dma_wait3A_1345] : memref<4096x4096xf32, #tpu.memory_space<hbm>> -> memref<4x4096xf32, #tpu.memory_space<hbm>>
    tpu.wait_dma2 semaphore(%dma_wait3A_1340 : memref<!tpu.dma_semaphore, #tpu.memory_space<semaphore_mem>>) src(%dma_wait3A_1346 : memref<4x4096xf32, #tpu.memory_space<hbm>>) dst(%dma_wait3A_1344 : memref<4x4096xf32, #tpu.memory_space<vmem>>)
    %add3A_1347 = arith.constant 76 : i32
    %add3A_1348 = arith.addi %mul3A_2, %add3A_1347 : i32
    %dma_start3A_1349 = arith.constant 3 : i32
    %dma_start3A_1350 = arith.constant 3 : i32
    %dma_start3A_1351 = arith.constant 0 : i32
    %dma_start3A_1352 = arith.constant 0 : i32
    %dma_start3A_1353 = tpu.memref_slice %arg4[%dma_start3A_1349, %dma_start3A_1351, %dma_start3A_1352] : memref<4x4x4096xf32, #tpu.memory_space<vmem>> -> memref<1x4x4096xf32, #tpu.memory_space<vmem>>
    %dma_start3A_1354 = tpu.memref_squeeze %dma_start3A_1353 : memref<1x4x4096xf32, #tpu.memory_space<vmem>> -> memref<4x4096xf32, #tpu.memory_space<vmem>>
    %dma_start3A_1355 = arith.constant 0 : i32
    %dma_start3A_1356 = tpu.memref_slice %arg3[%add3A_1348, %dma_start3A_1355] : memref<4096x4096xf32, #tpu.memory_space<hbm>> -> memref<4x4096xf32, #tpu.memory_space<hbm>>
    %dma_start3A_1357 = tpu.memref_slice %arg6[%dma_start3A_1350] : memref<4x!tpu.dma_semaphore, #tpu.memory_space<semaphore_mem>> -> memref<1x!tpu.dma_semaphore, #tpu.memory_space<semaphore_mem>>
    %dma_start3A_1358 = tpu.memref_squeeze %dma_start3A_1357 : memref<1x!tpu.dma_semaphore, #tpu.memory_space<semaphore_mem>> -> memref<!tpu.dma_semaphore, #tpu.memory_space<semaphore_mem>>
    %dma_start3A_1359 = arith.constant 0 : i32
    %dma_start3A_1360 = tpu.memref_slice %arg3[%add3A_1348, %dma_start3A_1359] : memref<4096x4096xf32, #tpu.memory_space<hbm>> -> memref<4x4096xf32, #tpu.memory_space<hbm>>
    %dma_start3A_1361 = arith.constant 0 : i32
    %dma_start3A_1362 = arith.constant 0 : i32
    %dma_start3A_1363 = tpu.memref_slice %arg4[%dma_start3A_1349, %dma_start3A_1361, %dma_start3A_1362] : memref<4x4x4096xf32, #tpu.memory_space<vmem>> -> memref<1x4x4096xf32, #tpu.memory_space<vmem>>
    %dma_start3A_1364 = tpu.memref_squeeze %dma_start3A_1363 : memref<1x4x4096xf32, #tpu.memory_space<vmem>> -> memref<4x4096xf32, #tpu.memory_space<vmem>>
    tpu.enqueue_dma source(%dma_start3A_1364 : memref<4x4096xf32, #tpu.memory_space<vmem>>) target(%dma_start3A_1360 : memref<4x4096xf32, #tpu.memory_space<hbm>>) target_semaphore(%dma_start3A_1358 : memref<!tpu.dma_semaphore, #tpu.memory_space<semaphore_mem>>)
    %dma_wait3A_1365 = arith.constant 2 : i32
    %dma_wait3A_1366 = arith.constant 2 : i32
    %dma_wait3A_1367 = arith.constant 0 : i32
    %dma_wait3A_1368 = arith.constant 0 : i32
    %dma_wait3A_1369 = tpu.memref_slice %arg4[%dma_wait3A_1365, %dma_wait3A_1367, %dma_wait3A_1368] : memref<4x4x4096xf32, #tpu.memory_space<vmem>> -> memref<1x4x4096xf32, #tpu.memory_space<vmem>>
    %dma_wait3A_1370 = tpu.memref_squeeze %dma_wait3A_1369 : memref<1x4x4096xf32, #tpu.memory_space<vmem>> -> memref<4x4096xf32, #tpu.memory_space<vmem>>
    %dma_wait3A_1371 = arith.constant 0 : i32
    %dma_wait3A_1372 = tpu.memref_slice %arg3[%add3A_1280, %dma_wait3A_1371] : memref<4096x4096xf32, #tpu.memory_space<hbm>> -> memref<4x4096xf32, #tpu.memory_space<hbm>>
    %dma_wait3A_1373 = tpu.memref_slice %arg6[%dma_wait3A_1366] : memref<4x!tpu.dma_semaphore, #tpu.memory_space<semaphore_mem>> -> memref<1x!tpu.dma_semaphore, #tpu.memory_space<semaphore_mem>>
    %dma_wait3A_1374 = tpu.memref_squeeze %dma_wait3A_1373 : memref<1x!tpu.dma_semaphore, #tpu.memory_space<semaphore_mem>> -> memref<!tpu.dma_semaphore, #tpu.memory_space<semaphore_mem>>
    %dma_wait3A_1375 = arith.constant 0 : i32
    %dma_wait3A_1376 = tpu.memref_slice %arg3[%add3A_1280, %dma_wait3A_1375] : memref<4096x4096xf32, #tpu.memory_space<hbm>> -> memref<4x4096xf32, #tpu.memory_space<hbm>>
    %dma_wait3A_1377 = arith.constant 0 : i32
    %dma_wait3A_1378 = arith.constant 0 : i32
    %dma_wait3A_1379 = tpu.memref_slice %arg4[%dma_wait3A_1365, %dma_wait3A_1377, %dma_wait3A_1378] : memref<4x4x4096xf32, #tpu.memory_space<vmem>> -> memref<1x4x4096xf32, #tpu.memory_space<vmem>>
    %dma_wait3A_1380 = tpu.memref_squeeze %dma_wait3A_1379 : memref<1x4x4096xf32, #tpu.memory_space<vmem>> -> memref<4x4096xf32, #tpu.memory_space<vmem>>
    tpu.wait_dma2 semaphore(%dma_wait3A_1374 : memref<!tpu.dma_semaphore, #tpu.memory_space<semaphore_mem>>) src(%dma_wait3A_1380 : memref<4x4096xf32, #tpu.memory_space<vmem>>) dst(%dma_wait3A_1376 : memref<4x4096xf32, #tpu.memory_space<hbm>>)
    %add3A_1381 = arith.constant 88 : i32
    %add3A_1382 = arith.addi %mul3A_2, %add3A_1381 : i32
    %dma_start3A_1383 = arith.constant 2 : i32
    %dma_start3A_1384 = arith.constant 2 : i32
    %dma_start3A_1385 = arith.constant 0 : i32
    %dma_start3A_1386 = arith.constant 0 : i32
    %dma_start3A_1387 = tpu.memref_slice %arg4[%dma_start3A_1383, %dma_start3A_1385, %dma_start3A_1386] : memref<4x4x4096xf32, #tpu.memory_space<vmem>> -> memref<1x4x4096xf32, #tpu.memory_space<vmem>>
    %dma_start3A_1388 = tpu.memref_squeeze %dma_start3A_1387 : memref<1x4x4096xf32, #tpu.memory_space<vmem>> -> memref<4x4096xf32, #tpu.memory_space<vmem>>
    %dma_start3A_1389 = arith.constant 0 : i32
    %dma_start3A_1390 = tpu.memref_slice %arg2[%add3A_1382, %dma_start3A_1389] : memref<4096x4096xf32, #tpu.memory_space<hbm>> -> memref<4x4096xf32, #tpu.memory_space<hbm>>
    %dma_start3A_1391 = tpu.memref_slice %arg5[%dma_start3A_1384] : memref<4x!tpu.dma_semaphore, #tpu.memory_space<semaphore_mem>> -> memref<1x!tpu.dma_semaphore, #tpu.memory_space<semaphore_mem>>
    %dma_start3A_1392 = tpu.memref_squeeze %dma_start3A_1391 : memref<1x!tpu.dma_semaphore, #tpu.memory_space<semaphore_mem>> -> memref<!tpu.dma_semaphore, #tpu.memory_space<semaphore_mem>>
    %dma_start3A_1393 = arith.constant 0 : i32
    %dma_start3A_1394 = arith.constant 0 : i32
    %dma_start3A_1395 = tpu.memref_slice %arg4[%dma_start3A_1383, %dma_start3A_1393, %dma_start3A_1394] : memref<4x4x4096xf32, #tpu.memory_space<vmem>> -> memref<1x4x4096xf32, #tpu.memory_space<vmem>>
    %dma_start3A_1396 = tpu.memref_squeeze %dma_start3A_1395 : memref<1x4x4096xf32, #tpu.memory_space<vmem>> -> memref<4x4096xf32, #tpu.memory_space<vmem>>
    %dma_start3A_1397 = arith.constant 0 : i32
    %dma_start3A_1398 = tpu.memref_slice %arg2[%add3A_1382, %dma_start3A_1397] : memref<4096x4096xf32, #tpu.memory_space<hbm>> -> memref<4x4096xf32, #tpu.memory_space<hbm>>
    tpu.enqueue_dma source(%dma_start3A_1398 : memref<4x4096xf32, #tpu.memory_space<hbm>>) target(%dma_start3A_1396 : memref<4x4096xf32, #tpu.memory_space<vmem>>) target_semaphore(%dma_start3A_1392 : memref<!tpu.dma_semaphore, #tpu.memory_space<semaphore_mem>>)
    %dma_wait3A_1399 = arith.constant 0 : i32
    %dma_wait3A_1400 = arith.constant 0 : i32
    %dma_wait3A_1401 = arith.constant 0 : i32
    %dma_wait3A_1402 = arith.constant 0 : i32
    %dma_wait3A_1403 = tpu.memref_slice %arg4[%dma_wait3A_1399, %dma_wait3A_1401, %dma_wait3A_1402] : memref<4x4x4096xf32, #tpu.memory_space<vmem>> -> memref<1x4x4096xf32, #tpu.memory_space<vmem>>
    %dma_wait3A_1404 = tpu.memref_squeeze %dma_wait3A_1403 : memref<1x4x4096xf32, #tpu.memory_space<vmem>> -> memref<4x4096xf32, #tpu.memory_space<vmem>>
    %dma_wait3A_1405 = arith.constant 0 : i32
    %dma_wait3A_1406 = tpu.memref_slice %arg2[%add3A_1246, %dma_wait3A_1405] : memref<4096x4096xf32, #tpu.memory_space<hbm>> -> memref<4x4096xf32, #tpu.memory_space<hbm>>
    %dma_wait3A_1407 = tpu.memref_slice %arg5[%dma_wait3A_1400] : memref<4x!tpu.dma_semaphore, #tpu.memory_space<semaphore_mem>> -> memref<1x!tpu.dma_semaphore, #tpu.memory_space<semaphore_mem>>
    %dma_wait3A_1408 = tpu.memref_squeeze %dma_wait3A_1407 : memref<1x!tpu.dma_semaphore, #tpu.memory_space<semaphore_mem>> -> memref<!tpu.dma_semaphore, #tpu.memory_space<semaphore_mem>>
    %dma_wait3A_1409 = arith.constant 0 : i32
    %dma_wait3A_1410 = arith.constant 0 : i32
    %dma_wait3A_1411 = tpu.memref_slice %arg4[%dma_wait3A_1399, %dma_wait3A_1409, %dma_wait3A_1410] : memref<4x4x4096xf32, #tpu.memory_space<vmem>> -> memref<1x4x4096xf32, #tpu.memory_space<vmem>>
    %dma_wait3A_1412 = tpu.memref_squeeze %dma_wait3A_1411 : memref<1x4x4096xf32, #tpu.memory_space<vmem>> -> memref<4x4096xf32, #tpu.memory_space<vmem>>
    %dma_wait3A_1413 = arith.constant 0 : i32
    %dma_wait3A_1414 = tpu.memref_slice %arg2[%add3A_1246, %dma_wait3A_1413] : memref<4096x4096xf32, #tpu.memory_space<hbm>> -> memref<4x4096xf32, #tpu.memory_space<hbm>>
    tpu.wait_dma2 semaphore(%dma_wait3A_1408 : memref<!tpu.dma_semaphore, #tpu.memory_space<semaphore_mem>>) src(%dma_wait3A_1414 : memref<4x4096xf32, #tpu.memory_space<hbm>>) dst(%dma_wait3A_1412 : memref<4x4096xf32, #tpu.memory_space<vmem>>)
    %add3A_1415 = arith.constant 80 : i32
    %add3A_1416 = arith.addi %mul3A_2, %add3A_1415 : i32
    %dma_start3A_1417 = arith.constant 0 : i32
    %dma_start3A_1418 = arith.constant 0 : i32
    %dma_start3A_1419 = arith.constant 0 : i32
    %dma_start3A_1420 = arith.constant 0 : i32
    %dma_start3A_1421 = tpu.memref_slice %arg4[%dma_start3A_1417, %dma_start3A_1419, %dma_start3A_1420] : memref<4x4x4096xf32, #tpu.memory_space<vmem>> -> memref<1x4x4096xf32, #tpu.memory_space<vmem>>
    %dma_start3A_1422 = tpu.memref_squeeze %dma_start3A_1421 : memref<1x4x4096xf32, #tpu.memory_space<vmem>> -> memref<4x4096xf32, #tpu.memory_space<vmem>>
    %dma_start3A_1423 = arith.constant 0 : i32
    %dma_start3A_1424 = tpu.memref_slice %arg3[%add3A_1416, %dma_start3A_1423] : memref<4096x4096xf32, #tpu.memory_space<hbm>> -> memref<4x4096xf32, #tpu.memory_space<hbm>>
    %dma_start3A_1425 = tpu.memref_slice %arg6[%dma_start3A_1418] : memref<4x!tpu.dma_semaphore, #tpu.memory_space<semaphore_mem>> -> memref<1x!tpu.dma_semaphore, #tpu.memory_space<semaphore_mem>>
    %dma_start3A_1426 = tpu.memref_squeeze %dma_start3A_1425 : memref<1x!tpu.dma_semaphore, #tpu.memory_space<semaphore_mem>> -> memref<!tpu.dma_semaphore, #tpu.memory_space<semaphore_mem>>
    %dma_start3A_1427 = arith.constant 0 : i32
    %dma_start3A_1428 = tpu.memref_slice %arg3[%add3A_1416, %dma_start3A_1427] : memref<4096x4096xf32, #tpu.memory_space<hbm>> -> memref<4x4096xf32, #tpu.memory_space<hbm>>
    %dma_start3A_1429 = arith.constant 0 : i32
    %dma_start3A_1430 = arith.constant 0 : i32
    %dma_start3A_1431 = tpu.memref_slice %arg4[%dma_start3A_1417, %dma_start3A_1429, %dma_start3A_1430] : memref<4x4x4096xf32, #tpu.memory_space<vmem>> -> memref<1x4x4096xf32, #tpu.memory_space<vmem>>
    %dma_start3A_1432 = tpu.memref_squeeze %dma_start3A_1431 : memref<1x4x4096xf32, #tpu.memory_space<vmem>> -> memref<4x4096xf32, #tpu.memory_space<vmem>>
    tpu.enqueue_dma source(%dma_start3A_1432 : memref<4x4096xf32, #tpu.memory_space<vmem>>) target(%dma_start3A_1428 : memref<4x4096xf32, #tpu.memory_space<hbm>>) target_semaphore(%dma_start3A_1426 : memref<!tpu.dma_semaphore, #tpu.memory_space<semaphore_mem>>)
    %dma_wait3A_1433 = arith.constant 3 : i32
    %dma_wait3A_1434 = arith.constant 3 : i32
    %dma_wait3A_1435 = arith.constant 0 : i32
    %dma_wait3A_1436 = arith.constant 0 : i32
    %dma_wait3A_1437 = tpu.memref_slice %arg4[%dma_wait3A_1433, %dma_wait3A_1435, %dma_wait3A_1436] : memref<4x4x4096xf32, #tpu.memory_space<vmem>> -> memref<1x4x4096xf32, #tpu.memory_space<vmem>>
    %dma_wait3A_1438 = tpu.memref_squeeze %dma_wait3A_1437 : memref<1x4x4096xf32, #tpu.memory_space<vmem>> -> memref<4x4096xf32, #tpu.memory_space<vmem>>
    %dma_wait3A_1439 = arith.constant 0 : i32
    %dma_wait3A_1440 = tpu.memref_slice %arg3[%add3A_1348, %dma_wait3A_1439] : memref<4096x4096xf32, #tpu.memory_space<hbm>> -> memref<4x4096xf32, #tpu.memory_space<hbm>>
    %dma_wait3A_1441 = tpu.memref_slice %arg6[%dma_wait3A_1434] : memref<4x!tpu.dma_semaphore, #tpu.memory_space<semaphore_mem>> -> memref<1x!tpu.dma_semaphore, #tpu.memory_space<semaphore_mem>>
    %dma_wait3A_1442 = tpu.memref_squeeze %dma_wait3A_1441 : memref<1x!tpu.dma_semaphore, #tpu.memory_space<semaphore_mem>> -> memref<!tpu.dma_semaphore, #tpu.memory_space<semaphore_mem>>
    %dma_wait3A_1443 = arith.constant 0 : i32
    %dma_wait3A_1444 = tpu.memref_slice %arg3[%add3A_1348, %dma_wait3A_1443] : memref<4096x4096xf32, #tpu.memory_space<hbm>> -> memref<4x4096xf32, #tpu.memory_space<hbm>>
    %dma_wait3A_1445 = arith.constant 0 : i32
    %dma_wait3A_1446 = arith.constant 0 : i32
    %dma_wait3A_1447 = tpu.memref_slice %arg4[%dma_wait3A_1433, %dma_wait3A_1445, %dma_wait3A_1446] : memref<4x4x4096xf32, #tpu.memory_space<vmem>> -> memref<1x4x4096xf32, #tpu.memory_space<vmem>>
    %dma_wait3A_1448 = tpu.memref_squeeze %dma_wait3A_1447 : memref<1x4x4096xf32, #tpu.memory_space<vmem>> -> memref<4x4096xf32, #tpu.memory_space<vmem>>
    tpu.wait_dma2 semaphore(%dma_wait3A_1442 : memref<!tpu.dma_semaphore, #tpu.memory_space<semaphore_mem>>) src(%dma_wait3A_1448 : memref<4x4096xf32, #tpu.memory_space<vmem>>) dst(%dma_wait3A_1444 : memref<4x4096xf32, #tpu.memory_space<hbm>>)
    %add3A_1449 = arith.constant 92 : i32
    %add3A_1450 = arith.addi %mul3A_2, %add3A_1449 : i32
    %dma_start3A_1451 = arith.constant 3 : i32
    %dma_start3A_1452 = arith.constant 3 : i32
    %dma_start3A_1453 = arith.constant 0 : i32
    %dma_start3A_1454 = arith.constant 0 : i32
    %dma_start3A_1455 = tpu.memref_slice %arg4[%dma_start3A_1451, %dma_start3A_1453, %dma_start3A_1454] : memref<4x4x4096xf32, #tpu.memory_space<vmem>> -> memref<1x4x4096xf32, #tpu.memory_space<vmem>>
    %dma_start3A_1456 = tpu.memref_squeeze %dma_start3A_1455 : memref<1x4x4096xf32, #tpu.memory_space<vmem>> -> memref<4x4096xf32, #tpu.memory_space<vmem>>
    %dma_start3A_1457 = arith.constant 0 : i32
    %dma_start3A_1458 = tpu.memref_slice %arg2[%add3A_1450, %dma_start3A_1457] : memref<4096x4096xf32, #tpu.memory_space<hbm>> -> memref<4x4096xf32, #tpu.memory_space<hbm>>
    %dma_start3A_1459 = tpu.memref_slice %arg5[%dma_start3A_1452] : memref<4x!tpu.dma_semaphore, #tpu.memory_space<semaphore_mem>> -> memref<1x!tpu.dma_semaphore, #tpu.memory_space<semaphore_mem>>
    %dma_start3A_1460 = tpu.memref_squeeze %dma_start3A_1459 : memref<1x!tpu.dma_semaphore, #tpu.memory_space<semaphore_mem>> -> memref<!tpu.dma_semaphore, #tpu.memory_space<semaphore_mem>>
    %dma_start3A_1461 = arith.constant 0 : i32
    %dma_start3A_1462 = arith.constant 0 : i32
    %dma_start3A_1463 = tpu.memref_slice %arg4[%dma_start3A_1451, %dma_start3A_1461, %dma_start3A_1462] : memref<4x4x4096xf32, #tpu.memory_space<vmem>> -> memref<1x4x4096xf32, #tpu.memory_space<vmem>>
    %dma_start3A_1464 = tpu.memref_squeeze %dma_start3A_1463 : memref<1x4x4096xf32, #tpu.memory_space<vmem>> -> memref<4x4096xf32, #tpu.memory_space<vmem>>
    %dma_start3A_1465 = arith.constant 0 : i32
    %dma_start3A_1466 = tpu.memref_slice %arg2[%add3A_1450, %dma_start3A_1465] : memref<4096x4096xf32, #tpu.memory_space<hbm>> -> memref<4x4096xf32, #tpu.memory_space<hbm>>
    tpu.enqueue_dma source(%dma_start3A_1466 : memref<4x4096xf32, #tpu.memory_space<hbm>>) target(%dma_start3A_1464 : memref<4x4096xf32, #tpu.memory_space<vmem>>) target_semaphore(%dma_start3A_1460 : memref<!tpu.dma_semaphore, #tpu.memory_space<semaphore_mem>>)
    %dma_wait3A_1467 = arith.constant 1 : i32
    %dma_wait3A_1468 = arith.constant 1 : i32
    %dma_wait3A_1469 = arith.constant 0 : i32
    %dma_wait3A_1470 = arith.constant 0 : i32
    %dma_wait3A_1471 = tpu.memref_slice %arg4[%dma_wait3A_1467, %dma_wait3A_1469, %dma_wait3A_1470] : memref<4x4x4096xf32, #tpu.memory_space<vmem>> -> memref<1x4x4096xf32, #tpu.memory_space<vmem>>
    %dma_wait3A_1472 = tpu.memref_squeeze %dma_wait3A_1471 : memref<1x4x4096xf32, #tpu.memory_space<vmem>> -> memref<4x4096xf32, #tpu.memory_space<vmem>>
    %dma_wait3A_1473 = arith.constant 0 : i32
    %dma_wait3A_1474 = tpu.memref_slice %arg2[%add3A_1314, %dma_wait3A_1473] : memref<4096x4096xf32, #tpu.memory_space<hbm>> -> memref<4x4096xf32, #tpu.memory_space<hbm>>
    %dma_wait3A_1475 = tpu.memref_slice %arg5[%dma_wait3A_1468] : memref<4x!tpu.dma_semaphore, #tpu.memory_space<semaphore_mem>> -> memref<1x!tpu.dma_semaphore, #tpu.memory_space<semaphore_mem>>
    %dma_wait3A_1476 = tpu.memref_squeeze %dma_wait3A_1475 : memref<1x!tpu.dma_semaphore, #tpu.memory_space<semaphore_mem>> -> memref<!tpu.dma_semaphore, #tpu.memory_space<semaphore_mem>>
    %dma_wait3A_1477 = arith.constant 0 : i32
    %dma_wait3A_1478 = arith.constant 0 : i32
    %dma_wait3A_1479 = tpu.memref_slice %arg4[%dma_wait3A_1467, %dma_wait3A_1477, %dma_wait3A_1478] : memref<4x4x4096xf32, #tpu.memory_space<vmem>> -> memref<1x4x4096xf32, #tpu.memory_space<vmem>>
    %dma_wait3A_1480 = tpu.memref_squeeze %dma_wait3A_1479 : memref<1x4x4096xf32, #tpu.memory_space<vmem>> -> memref<4x4096xf32, #tpu.memory_space<vmem>>
    %dma_wait3A_1481 = arith.constant 0 : i32
    %dma_wait3A_1482 = tpu.memref_slice %arg2[%add3A_1314, %dma_wait3A_1481] : memref<4096x4096xf32, #tpu.memory_space<hbm>> -> memref<4x4096xf32, #tpu.memory_space<hbm>>
    tpu.wait_dma2 semaphore(%dma_wait3A_1476 : memref<!tpu.dma_semaphore, #tpu.memory_space<semaphore_mem>>) src(%dma_wait3A_1482 : memref<4x4096xf32, #tpu.memory_space<hbm>>) dst(%dma_wait3A_1480 : memref<4x4096xf32, #tpu.memory_space<vmem>>)
    %add3A_1483 = arith.constant 84 : i32
    %add3A_1484 = arith.addi %mul3A_2, %add3A_1483 : i32
    %dma_start3A_1485 = arith.constant 1 : i32
    %dma_start3A_1486 = arith.constant 1 : i32
    %dma_start3A_1487 = arith.constant 0 : i32
    %dma_start3A_1488 = arith.constant 0 : i32
    %dma_start3A_1489 = tpu.memref_slice %arg4[%dma_start3A_1485, %dma_start3A_1487, %dma_start3A_1488] : memref<4x4x4096xf32, #tpu.memory_space<vmem>> -> memref<1x4x4096xf32, #tpu.memory_space<vmem>>
    %dma_start3A_1490 = tpu.memref_squeeze %dma_start3A_1489 : memref<1x4x4096xf32, #tpu.memory_space<vmem>> -> memref<4x4096xf32, #tpu.memory_space<vmem>>
    %dma_start3A_1491 = arith.constant 0 : i32
    %dma_start3A_1492 = tpu.memref_slice %arg3[%add3A_1484, %dma_start3A_1491] : memref<4096x4096xf32, #tpu.memory_space<hbm>> -> memref<4x4096xf32, #tpu.memory_space<hbm>>
    %dma_start3A_1493 = tpu.memref_slice %arg6[%dma_start3A_1486] : memref<4x!tpu.dma_semaphore, #tpu.memory_space<semaphore_mem>> -> memref<1x!tpu.dma_semaphore, #tpu.memory_space<semaphore_mem>>
    %dma_start3A_1494 = tpu.memref_squeeze %dma_start3A_1493 : memref<1x!tpu.dma_semaphore, #tpu.memory_space<semaphore_mem>> -> memref<!tpu.dma_semaphore, #tpu.memory_space<semaphore_mem>>
    %dma_start3A_1495 = arith.constant 0 : i32
    %dma_start3A_1496 = tpu.memref_slice %arg3[%add3A_1484, %dma_start3A_1495] : memref<4096x4096xf32, #tpu.memory_space<hbm>> -> memref<4x4096xf32, #tpu.memory_space<hbm>>
    %dma_start3A_1497 = arith.constant 0 : i32
    %dma_start3A_1498 = arith.constant 0 : i32
    %dma_start3A_1499 = tpu.memref_slice %arg4[%dma_start3A_1485, %dma_start3A_1497, %dma_start3A_1498] : memref<4x4x4096xf32, #tpu.memory_space<vmem>> -> memref<1x4x4096xf32, #tpu.memory_space<vmem>>
    %dma_start3A_1500 = tpu.memref_squeeze %dma_start3A_1499 : memref<1x4x4096xf32, #tpu.memory_space<vmem>> -> memref<4x4096xf32, #tpu.memory_space<vmem>>
    tpu.enqueue_dma source(%dma_start3A_1500 : memref<4x4096xf32, #tpu.memory_space<vmem>>) target(%dma_start3A_1496 : memref<4x4096xf32, #tpu.memory_space<hbm>>) target_semaphore(%dma_start3A_1494 : memref<!tpu.dma_semaphore, #tpu.memory_space<semaphore_mem>>)
    %dma_wait3A_1501 = arith.constant 0 : i32
    %dma_wait3A_1502 = arith.constant 0 : i32
    %dma_wait3A_1503 = arith.constant 0 : i32
    %dma_wait3A_1504 = arith.constant 0 : i32
    %dma_wait3A_1505 = tpu.memref_slice %arg4[%dma_wait3A_1501, %dma_wait3A_1503, %dma_wait3A_1504] : memref<4x4x4096xf32, #tpu.memory_space<vmem>> -> memref<1x4x4096xf32, #tpu.memory_space<vmem>>
    %dma_wait3A_1506 = tpu.memref_squeeze %dma_wait3A_1505 : memref<1x4x4096xf32, #tpu.memory_space<vmem>> -> memref<4x4096xf32, #tpu.memory_space<vmem>>
    %dma_wait3A_1507 = arith.constant 0 : i32
    %dma_wait3A_1508 = tpu.memref_slice %arg3[%add3A_1416, %dma_wait3A_1507] : memref<4096x4096xf32, #tpu.memory_space<hbm>> -> memref<4x4096xf32, #tpu.memory_space<hbm>>
    %dma_wait3A_1509 = tpu.memref_slice %arg6[%dma_wait3A_1502] : memref<4x!tpu.dma_semaphore, #tpu.memory_space<semaphore_mem>> -> memref<1x!tpu.dma_semaphore, #tpu.memory_space<semaphore_mem>>
    %dma_wait3A_1510 = tpu.memref_squeeze %dma_wait3A_1509 : memref<1x!tpu.dma_semaphore, #tpu.memory_space<semaphore_mem>> -> memref<!tpu.dma_semaphore, #tpu.memory_space<semaphore_mem>>
    %dma_wait3A_1511 = arith.constant 0 : i32
    %dma_wait3A_1512 = tpu.memref_slice %arg3[%add3A_1416, %dma_wait3A_1511] : memref<4096x4096xf32, #tpu.memory_space<hbm>> -> memref<4x4096xf32, #tpu.memory_space<hbm>>
    %dma_wait3A_1513 = arith.constant 0 : i32
    %dma_wait3A_1514 = arith.constant 0 : i32
    %dma_wait3A_1515 = tpu.memref_slice %arg4[%dma_wait3A_1501, %dma_wait3A_1513, %dma_wait3A_1514] : memref<4x4x4096xf32, #tpu.memory_space<vmem>> -> memref<1x4x4096xf32, #tpu.memory_space<vmem>>
    %dma_wait3A_1516 = tpu.memref_squeeze %dma_wait3A_1515 : memref<1x4x4096xf32, #tpu.memory_space<vmem>> -> memref<4x4096xf32, #tpu.memory_space<vmem>>
    tpu.wait_dma2 semaphore(%dma_wait3A_1510 : memref<!tpu.dma_semaphore, #tpu.memory_space<semaphore_mem>>) src(%dma_wait3A_1516 : memref<4x4096xf32, #tpu.memory_space<vmem>>) dst(%dma_wait3A_1512 : memref<4x4096xf32, #tpu.memory_space<hbm>>)
    %add3A_1517 = arith.constant 96 : i32
    %add3A_1518 = arith.addi %mul3A_2, %add3A_1517 : i32
    %dma_start3A_1519 = arith.constant 0 : i32
    %dma_start3A_1520 = arith.constant 0 : i32
    %dma_start3A_1521 = arith.constant 0 : i32
    %dma_start3A_1522 = arith.constant 0 : i32
    %dma_start3A_1523 = tpu.memref_slice %arg4[%dma_start3A_1519, %dma_start3A_1521, %dma_start3A_1522] : memref<4x4x4096xf32, #tpu.memory_space<vmem>> -> memref<1x4x4096xf32, #tpu.memory_space<vmem>>
    %dma_start3A_1524 = tpu.memref_squeeze %dma_start3A_1523 : memref<1x4x4096xf32, #tpu.memory_space<vmem>> -> memref<4x4096xf32, #tpu.memory_space<vmem>>
    %dma_start3A_1525 = arith.constant 0 : i32
    %dma_start3A_1526 = tpu.memref_slice %arg2[%add3A_1518, %dma_start3A_1525] : memref<4096x4096xf32, #tpu.memory_space<hbm>> -> memref<4x4096xf32, #tpu.memory_space<hbm>>
    %dma_start3A_1527 = tpu.memref_slice %arg5[%dma_start3A_1520] : memref<4x!tpu.dma_semaphore, #tpu.memory_space<semaphore_mem>> -> memref<1x!tpu.dma_semaphore, #tpu.memory_space<semaphore_mem>>
    %dma_start3A_1528 = tpu.memref_squeeze %dma_start3A_1527 : memref<1x!tpu.dma_semaphore, #tpu.memory_space<semaphore_mem>> -> memref<!tpu.dma_semaphore, #tpu.memory_space<semaphore_mem>>
    %dma_start3A_1529 = arith.constant 0 : i32
    %dma_start3A_1530 = arith.constant 0 : i32
    %dma_start3A_1531 = tpu.memref_slice %arg4[%dma_start3A_1519, %dma_start3A_1529, %dma_start3A_1530] : memref<4x4x4096xf32, #tpu.memory_space<vmem>> -> memref<1x4x4096xf32, #tpu.memory_space<vmem>>
    %dma_start3A_1532 = tpu.memref_squeeze %dma_start3A_1531 : memref<1x4x4096xf32, #tpu.memory_space<vmem>> -> memref<4x4096xf32, #tpu.memory_space<vmem>>
    %dma_start3A_1533 = arith.constant 0 : i32
    %dma_start3A_1534 = tpu.memref_slice %arg2[%add3A_1518, %dma_start3A_1533] : memref<4096x4096xf32, #tpu.memory_space<hbm>> -> memref<4x4096xf32, #tpu.memory_space<hbm>>
    tpu.enqueue_dma source(%dma_start3A_1534 : memref<4x4096xf32, #tpu.memory_space<hbm>>) target(%dma_start3A_1532 : memref<4x4096xf32, #tpu.memory_space<vmem>>) target_semaphore(%dma_start3A_1528 : memref<!tpu.dma_semaphore, #tpu.memory_space<semaphore_mem>>)
    %dma_wait3A_1535 = arith.constant 2 : i32
    %dma_wait3A_1536 = arith.constant 2 : i32
    %dma_wait3A_1537 = arith.constant 0 : i32
    %dma_wait3A_1538 = arith.constant 0 : i32
    %dma_wait3A_1539 = tpu.memref_slice %arg4[%dma_wait3A_1535, %dma_wait3A_1537, %dma_wait3A_1538] : memref<4x4x4096xf32, #tpu.memory_space<vmem>> -> memref<1x4x4096xf32, #tpu.memory_space<vmem>>
    %dma_wait3A_1540 = tpu.memref_squeeze %dma_wait3A_1539 : memref<1x4x4096xf32, #tpu.memory_space<vmem>> -> memref<4x4096xf32, #tpu.memory_space<vmem>>
    %dma_wait3A_1541 = arith.constant 0 : i32
    %dma_wait3A_1542 = tpu.memref_slice %arg2[%add3A_1382, %dma_wait3A_1541] : memref<4096x4096xf32, #tpu.memory_space<hbm>> -> memref<4x4096xf32, #tpu.memory_space<hbm>>
    %dma_wait3A_1543 = tpu.memref_slice %arg5[%dma_wait3A_1536] : memref<4x!tpu.dma_semaphore, #tpu.memory_space<semaphore_mem>> -> memref<1x!tpu.dma_semaphore, #tpu.memory_space<semaphore_mem>>
    %dma_wait3A_1544 = tpu.memref_squeeze %dma_wait3A_1543 : memref<1x!tpu.dma_semaphore, #tpu.memory_space<semaphore_mem>> -> memref<!tpu.dma_semaphore, #tpu.memory_space<semaphore_mem>>
    %dma_wait3A_1545 = arith.constant 0 : i32
    %dma_wait3A_1546 = arith.constant 0 : i32
    %dma_wait3A_1547 = tpu.memref_slice %arg4[%dma_wait3A_1535, %dma_wait3A_1545, %dma_wait3A_1546] : memref<4x4x4096xf32, #tpu.memory_space<vmem>> -> memref<1x4x4096xf32, #tpu.memory_space<vmem>>
    %dma_wait3A_1548 = tpu.memref_squeeze %dma_wait3A_1547 : memref<1x4x4096xf32, #tpu.memory_space<vmem>> -> memref<4x4096xf32, #tpu.memory_space<vmem>>
    %dma_wait3A_1549 = arith.constant 0 : i32
    %dma_wait3A_1550 = tpu.memref_slice %arg2[%add3A_1382, %dma_wait3A_1549] : memref<4096x4096xf32, #tpu.memory_space<hbm>> -> memref<4x4096xf32, #tpu.memory_space<hbm>>
    tpu.wait_dma2 semaphore(%dma_wait3A_1544 : memref<!tpu.dma_semaphore, #tpu.memory_space<semaphore_mem>>) src(%dma_wait3A_1550 : memref<4x4096xf32, #tpu.memory_space<hbm>>) dst(%dma_wait3A_1548 : memref<4x4096xf32, #tpu.memory_space<vmem>>)
    %add3A_1551 = arith.constant 88 : i32
    %add3A_1552 = arith.addi %mul3A_2, %add3A_1551 : i32
    %dma_start3A_1553 = arith.constant 2 : i32
    %dma_start3A_1554 = arith.constant 2 : i32
    %dma_start3A_1555 = arith.constant 0 : i32
    %dma_start3A_1556 = arith.constant 0 : i32
    %dma_start3A_1557 = tpu.memref_slice %arg4[%dma_start3A_1553, %dma_start3A_1555, %dma_start3A_1556] : memref<4x4x4096xf32, #tpu.memory_space<vmem>> -> memref<1x4x4096xf32, #tpu.memory_space<vmem>>
    %dma_start3A_1558 = tpu.memref_squeeze %dma_start3A_1557 : memref<1x4x4096xf32, #tpu.memory_space<vmem>> -> memref<4x4096xf32, #tpu.memory_space<vmem>>
    %dma_start3A_1559 = arith.constant 0 : i32
    %dma_start3A_1560 = tpu.memref_slice %arg3[%add3A_1552, %dma_start3A_1559] : memref<4096x4096xf32, #tpu.memory_space<hbm>> -> memref<4x4096xf32, #tpu.memory_space<hbm>>
    %dma_start3A_1561 = tpu.memref_slice %arg6[%dma_start3A_1554] : memref<4x!tpu.dma_semaphore, #tpu.memory_space<semaphore_mem>> -> memref<1x!tpu.dma_semaphore, #tpu.memory_space<semaphore_mem>>
    %dma_start3A_1562 = tpu.memref_squeeze %dma_start3A_1561 : memref<1x!tpu.dma_semaphore, #tpu.memory_space<semaphore_mem>> -> memref<!tpu.dma_semaphore, #tpu.memory_space<semaphore_mem>>
    %dma_start3A_1563 = arith.constant 0 : i32
    %dma_start3A_1564 = tpu.memref_slice %arg3[%add3A_1552, %dma_start3A_1563] : memref<4096x4096xf32, #tpu.memory_space<hbm>> -> memref<4x4096xf32, #tpu.memory_space<hbm>>
    %dma_start3A_1565 = arith.constant 0 : i32
    %dma_start3A_1566 = arith.constant 0 : i32
    %dma_start3A_1567 = tpu.memref_slice %arg4[%dma_start3A_1553, %dma_start3A_1565, %dma_start3A_1566] : memref<4x4x4096xf32, #tpu.memory_space<vmem>> -> memref<1x4x4096xf32, #tpu.memory_space<vmem>>
    %dma_start3A_1568 = tpu.memref_squeeze %dma_start3A_1567 : memref<1x4x4096xf32, #tpu.memory_space<vmem>> -> memref<4x4096xf32, #tpu.memory_space<vmem>>
    tpu.enqueue_dma source(%dma_start3A_1568 : memref<4x4096xf32, #tpu.memory_space<vmem>>) target(%dma_start3A_1564 : memref<4x4096xf32, #tpu.memory_space<hbm>>) target_semaphore(%dma_start3A_1562 : memref<!tpu.dma_semaphore, #tpu.memory_space<semaphore_mem>>)
    %dma_wait3A_1569 = arith.constant 1 : i32
    %dma_wait3A_1570 = arith.constant 1 : i32
    %dma_wait3A_1571 = arith.constant 0 : i32
    %dma_wait3A_1572 = arith.constant 0 : i32
    %dma_wait3A_1573 = tpu.memref_slice %arg4[%dma_wait3A_1569, %dma_wait3A_1571, %dma_wait3A_1572] : memref<4x4x4096xf32, #tpu.memory_space<vmem>> -> memref<1x4x4096xf32, #tpu.memory_space<vmem>>
    %dma_wait3A_1574 = tpu.memref_squeeze %dma_wait3A_1573 : memref<1x4x4096xf32, #tpu.memory_space<vmem>> -> memref<4x4096xf32, #tpu.memory_space<vmem>>
    %dma_wait3A_1575 = arith.constant 0 : i32
    %dma_wait3A_1576 = tpu.memref_slice %arg3[%add3A_1484, %dma_wait3A_1575] : memref<4096x4096xf32, #tpu.memory_space<hbm>> -> memref<4x4096xf32, #tpu.memory_space<hbm>>
    %dma_wait3A_1577 = tpu.memref_slice %arg6[%dma_wait3A_1570] : memref<4x!tpu.dma_semaphore, #tpu.memory_space<semaphore_mem>> -> memref<1x!tpu.dma_semaphore, #tpu.memory_space<semaphore_mem>>
    %dma_wait3A_1578 = tpu.memref_squeeze %dma_wait3A_1577 : memref<1x!tpu.dma_semaphore, #tpu.memory_space<semaphore_mem>> -> memref<!tpu.dma_semaphore, #tpu.memory_space<semaphore_mem>>
    %dma_wait3A_1579 = arith.constant 0 : i32
    %dma_wait3A_1580 = tpu.memref_slice %arg3[%add3A_1484, %dma_wait3A_1579] : memref<4096x4096xf32, #tpu.memory_space<hbm>> -> memref<4x4096xf32, #tpu.memory_space<hbm>>
    %dma_wait3A_1581 = arith.constant 0 : i32
    %dma_wait3A_1582 = arith.constant 0 : i32
    %dma_wait3A_1583 = tpu.memref_slice %arg4[%dma_wait3A_1569, %dma_wait3A_1581, %dma_wait3A_1582] : memref<4x4x4096xf32, #tpu.memory_space<vmem>> -> memref<1x4x4096xf32, #tpu.memory_space<vmem>>
    %dma_wait3A_1584 = tpu.memref_squeeze %dma_wait3A_1583 : memref<1x4x4096xf32, #tpu.memory_space<vmem>> -> memref<4x4096xf32, #tpu.memory_space<vmem>>
    tpu.wait_dma2 semaphore(%dma_wait3A_1578 : memref<!tpu.dma_semaphore, #tpu.memory_space<semaphore_mem>>) src(%dma_wait3A_1584 : memref<4x4096xf32, #tpu.memory_space<vmem>>) dst(%dma_wait3A_1580 : memref<4x4096xf32, #tpu.memory_space<hbm>>)
    %add3A_1585 = arith.constant 100 : i32
    %add3A_1586 = arith.addi %mul3A_2, %add3A_1585 : i32
    %dma_start3A_1587 = arith.constant 1 : i32
    %dma_start3A_1588 = arith.constant 1 : i32
    %dma_start3A_1589 = arith.constant 0 : i32
    %dma_start3A_1590 = arith.constant 0 : i32
    %dma_start3A_1591 = tpu.memref_slice %arg4[%dma_start3A_1587, %dma_start3A_1589, %dma_start3A_1590] : memref<4x4x4096xf32, #tpu.memory_space<vmem>> -> memref<1x4x4096xf32, #tpu.memory_space<vmem>>
    %dma_start3A_1592 = tpu.memref_squeeze %dma_start3A_1591 : memref<1x4x4096xf32, #tpu.memory_space<vmem>> -> memref<4x4096xf32, #tpu.memory_space<vmem>>
    %dma_start3A_1593 = arith.constant 0 : i32
    %dma_start3A_1594 = tpu.memref_slice %arg2[%add3A_1586, %dma_start3A_1593] : memref<4096x4096xf32, #tpu.memory_space<hbm>> -> memref<4x4096xf32, #tpu.memory_space<hbm>>
    %dma_start3A_1595 = tpu.memref_slice %arg5[%dma_start3A_1588] : memref<4x!tpu.dma_semaphore, #tpu.memory_space<semaphore_mem>> -> memref<1x!tpu.dma_semaphore, #tpu.memory_space<semaphore_mem>>
    %dma_start3A_1596 = tpu.memref_squeeze %dma_start3A_1595 : memref<1x!tpu.dma_semaphore, #tpu.memory_space<semaphore_mem>> -> memref<!tpu.dma_semaphore, #tpu.memory_space<semaphore_mem>>
    %dma_start3A_1597 = arith.constant 0 : i32
    %dma_start3A_1598 = arith.constant 0 : i32
    %dma_start3A_1599 = tpu.memref_slice %arg4[%dma_start3A_1587, %dma_start3A_1597, %dma_start3A_1598] : memref<4x4x4096xf32, #tpu.memory_space<vmem>> -> memref<1x4x4096xf32, #tpu.memory_space<vmem>>
    %dma_start3A_1600 = tpu.memref_squeeze %dma_start3A_1599 : memref<1x4x4096xf32, #tpu.memory_space<vmem>> -> memref<4x4096xf32, #tpu.memory_space<vmem>>
    %dma_start3A_1601 = arith.constant 0 : i32
    %dma_start3A_1602 = tpu.memref_slice %arg2[%add3A_1586, %dma_start3A_1601] : memref<4096x4096xf32, #tpu.memory_space<hbm>> -> memref<4x4096xf32, #tpu.memory_space<hbm>>
    tpu.enqueue_dma source(%dma_start3A_1602 : memref<4x4096xf32, #tpu.memory_space<hbm>>) target(%dma_start3A_1600 : memref<4x4096xf32, #tpu.memory_space<vmem>>) target_semaphore(%dma_start3A_1596 : memref<!tpu.dma_semaphore, #tpu.memory_space<semaphore_mem>>)
    %dma_wait3A_1603 = arith.constant 3 : i32
    %dma_wait3A_1604 = arith.constant 3 : i32
    %dma_wait3A_1605 = arith.constant 0 : i32
    %dma_wait3A_1606 = arith.constant 0 : i32
    %dma_wait3A_1607 = tpu.memref_slice %arg4[%dma_wait3A_1603, %dma_wait3A_1605, %dma_wait3A_1606] : memref<4x4x4096xf32, #tpu.memory_space<vmem>> -> memref<1x4x4096xf32, #tpu.memory_space<vmem>>
    %dma_wait3A_1608 = tpu.memref_squeeze %dma_wait3A_1607 : memref<1x4x4096xf32, #tpu.memory_space<vmem>> -> memref<4x4096xf32, #tpu.memory_space<vmem>>
    %dma_wait3A_1609 = arith.constant 0 : i32
    %dma_wait3A_1610 = tpu.memref_slice %arg2[%add3A_1450, %dma_wait3A_1609] : memref<4096x4096xf32, #tpu.memory_space<hbm>> -> memref<4x4096xf32, #tpu.memory_space<hbm>>
    %dma_wait3A_1611 = tpu.memref_slice %arg5[%dma_wait3A_1604] : memref<4x!tpu.dma_semaphore, #tpu.memory_space<semaphore_mem>> -> memref<1x!tpu.dma_semaphore, #tpu.memory_space<semaphore_mem>>
    %dma_wait3A_1612 = tpu.memref_squeeze %dma_wait3A_1611 : memref<1x!tpu.dma_semaphore, #tpu.memory_space<semaphore_mem>> -> memref<!tpu.dma_semaphore, #tpu.memory_space<semaphore_mem>>
    %dma_wait3A_1613 = arith.constant 0 : i32
    %dma_wait3A_1614 = arith.constant 0 : i32
    %dma_wait3A_1615 = tpu.memref_slice %arg4[%dma_wait3A_1603, %dma_wait3A_1613, %dma_wait3A_1614] : memref<4x4x4096xf32, #tpu.memory_space<vmem>> -> memref<1x4x4096xf32, #tpu.memory_space<vmem>>
    %dma_wait3A_1616 = tpu.memref_squeeze %dma_wait3A_1615 : memref<1x4x4096xf32, #tpu.memory_space<vmem>> -> memref<4x4096xf32, #tpu.memory_space<vmem>>
    %dma_wait3A_1617 = arith.constant 0 : i32
    %dma_wait3A_1618 = tpu.memref_slice %arg2[%add3A_1450, %dma_wait3A_1617] : memref<4096x4096xf32, #tpu.memory_space<hbm>> -> memref<4x4096xf32, #tpu.memory_space<hbm>>
    tpu.wait_dma2 semaphore(%dma_wait3A_1612 : memref<!tpu.dma_semaphore, #tpu.memory_space<semaphore_mem>>) src(%dma_wait3A_1618 : memref<4x4096xf32, #tpu.memory_space<hbm>>) dst(%dma_wait3A_1616 : memref<4x4096xf32, #tpu.memory_space<vmem>>)
    %add3A_1619 = arith.constant 92 : i32
    %add3A_1620 = arith.addi %mul3A_2, %add3A_1619 : i32
    %dma_start3A_1621 = arith.constant 3 : i32
    %dma_start3A_1622 = arith.constant 3 : i32
    %dma_start3A_1623 = arith.constant 0 : i32
    %dma_start3A_1624 = arith.constant 0 : i32
    %dma_start3A_1625 = tpu.memref_slice %arg4[%dma_start3A_1621, %dma_start3A_1623, %dma_start3A_1624] : memref<4x4x4096xf32, #tpu.memory_space<vmem>> -> memref<1x4x4096xf32, #tpu.memory_space<vmem>>
    %dma_start3A_1626 = tpu.memref_squeeze %dma_start3A_1625 : memref<1x4x4096xf32, #tpu.memory_space<vmem>> -> memref<4x4096xf32, #tpu.memory_space<vmem>>
    %dma_start3A_1627 = arith.constant 0 : i32
    %dma_start3A_1628 = tpu.memref_slice %arg3[%add3A_1620, %dma_start3A_1627] : memref<4096x4096xf32, #tpu.memory_space<hbm>> -> memref<4x4096xf32, #tpu.memory_space<hbm>>
    %dma_start3A_1629 = tpu.memref_slice %arg6[%dma_start3A_1622] : memref<4x!tpu.dma_semaphore, #tpu.memory_space<semaphore_mem>> -> memref<1x!tpu.dma_semaphore, #tpu.memory_space<semaphore_mem>>
    %dma_start3A_1630 = tpu.memref_squeeze %dma_start3A_1629 : memref<1x!tpu.dma_semaphore, #tpu.memory_space<semaphore_mem>> -> memref<!tpu.dma_semaphore, #tpu.memory_space<semaphore_mem>>
    %dma_start3A_1631 = arith.constant 0 : i32
    %dma_start3A_1632 = tpu.memref_slice %arg3[%add3A_1620, %dma_start3A_1631] : memref<4096x4096xf32, #tpu.memory_space<hbm>> -> memref<4x4096xf32, #tpu.memory_space<hbm>>
    %dma_start3A_1633 = arith.constant 0 : i32
    %dma_start3A_1634 = arith.constant 0 : i32
    %dma_start3A_1635 = tpu.memref_slice %arg4[%dma_start3A_1621, %dma_start3A_1633, %dma_start3A_1634] : memref<4x4x4096xf32, #tpu.memory_space<vmem>> -> memref<1x4x4096xf32, #tpu.memory_space<vmem>>
    %dma_start3A_1636 = tpu.memref_squeeze %dma_start3A_1635 : memref<1x4x4096xf32, #tpu.memory_space<vmem>> -> memref<4x4096xf32, #tpu.memory_space<vmem>>
    tpu.enqueue_dma source(%dma_start3A_1636 : memref<4x4096xf32, #tpu.memory_space<vmem>>) target(%dma_start3A_1632 : memref<4x4096xf32, #tpu.memory_space<hbm>>) target_semaphore(%dma_start3A_1630 : memref<!tpu.dma_semaphore, #tpu.memory_space<semaphore_mem>>)
    %dma_wait3A_1637 = arith.constant 2 : i32
    %dma_wait3A_1638 = arith.constant 2 : i32
    %dma_wait3A_1639 = arith.constant 0 : i32
    %dma_wait3A_1640 = arith.constant 0 : i32
    %dma_wait3A_1641 = tpu.memref_slice %arg4[%dma_wait3A_1637, %dma_wait3A_1639, %dma_wait3A_1640] : memref<4x4x4096xf32, #tpu.memory_space<vmem>> -> memref<1x4x4096xf32, #tpu.memory_space<vmem>>
    %dma_wait3A_1642 = tpu.memref_squeeze %dma_wait3A_1641 : memref<1x4x4096xf32, #tpu.memory_space<vmem>> -> memref<4x4096xf32, #tpu.memory_space<vmem>>
    %dma_wait3A_1643 = arith.constant 0 : i32
    %dma_wait3A_1644 = tpu.memref_slice %arg3[%add3A_1552, %dma_wait3A_1643] : memref<4096x4096xf32, #tpu.memory_space<hbm>> -> memref<4x4096xf32, #tpu.memory_space<hbm>>
    %dma_wait3A_1645 = tpu.memref_slice %arg6[%dma_wait3A_1638] : memref<4x!tpu.dma_semaphore, #tpu.memory_space<semaphore_mem>> -> memref<1x!tpu.dma_semaphore, #tpu.memory_space<semaphore_mem>>
    %dma_wait3A_1646 = tpu.memref_squeeze %dma_wait3A_1645 : memref<1x!tpu.dma_semaphore, #tpu.memory_space<semaphore_mem>> -> memref<!tpu.dma_semaphore, #tpu.memory_space<semaphore_mem>>
    %dma_wait3A_1647 = arith.constant 0 : i32
    %dma_wait3A_1648 = tpu.memref_slice %arg3[%add3A_1552, %dma_wait3A_1647] : memref<4096x4096xf32, #tpu.memory_space<hbm>> -> memref<4x4096xf32, #tpu.memory_space<hbm>>
    %dma_wait3A_1649 = arith.constant 0 : i32
    %dma_wait3A_1650 = arith.constant 0 : i32
    %dma_wait3A_1651 = tpu.memref_slice %arg4[%dma_wait3A_1637, %dma_wait3A_1649, %dma_wait3A_1650] : memref<4x4x4096xf32, #tpu.memory_space<vmem>> -> memref<1x4x4096xf32, #tpu.memory_space<vmem>>
    %dma_wait3A_1652 = tpu.memref_squeeze %dma_wait3A_1651 : memref<1x4x4096xf32, #tpu.memory_space<vmem>> -> memref<4x4096xf32, #tpu.memory_space<vmem>>
    tpu.wait_dma2 semaphore(%dma_wait3A_1646 : memref<!tpu.dma_semaphore, #tpu.memory_space<semaphore_mem>>) src(%dma_wait3A_1652 : memref<4x4096xf32, #tpu.memory_space<vmem>>) dst(%dma_wait3A_1648 : memref<4x4096xf32, #tpu.memory_space<hbm>>)
    %add3A_1653 = arith.constant 104 : i32
    %add3A_1654 = arith.addi %mul3A_2, %add3A_1653 : i32
    %dma_start3A_1655 = arith.constant 2 : i32
    %dma_start3A_1656 = arith.constant 2 : i32
    %dma_start3A_1657 = arith.constant 0 : i32
    %dma_start3A_1658 = arith.constant 0 : i32
    %dma_start3A_1659 = tpu.memref_slice %arg4[%dma_start3A_1655, %dma_start3A_1657, %dma_start3A_1658] : memref<4x4x4096xf32, #tpu.memory_space<vmem>> -> memref<1x4x4096xf32, #tpu.memory_space<vmem>>
    %dma_start3A_1660 = tpu.memref_squeeze %dma_start3A_1659 : memref<1x4x4096xf32, #tpu.memory_space<vmem>> -> memref<4x4096xf32, #tpu.memory_space<vmem>>
    %dma_start3A_1661 = arith.constant 0 : i32
    %dma_start3A_1662 = tpu.memref_slice %arg2[%add3A_1654, %dma_start3A_1661] : memref<4096x4096xf32, #tpu.memory_space<hbm>> -> memref<4x4096xf32, #tpu.memory_space<hbm>>
    %dma_start3A_1663 = tpu.memref_slice %arg5[%dma_start3A_1656] : memref<4x!tpu.dma_semaphore, #tpu.memory_space<semaphore_mem>> -> memref<1x!tpu.dma_semaphore, #tpu.memory_space<semaphore_mem>>
    %dma_start3A_1664 = tpu.memref_squeeze %dma_start3A_1663 : memref<1x!tpu.dma_semaphore, #tpu.memory_space<semaphore_mem>> -> memref<!tpu.dma_semaphore, #tpu.memory_space<semaphore_mem>>
    %dma_start3A_1665 = arith.constant 0 : i32
    %dma_start3A_1666 = arith.constant 0 : i32
    %dma_start3A_1667 = tpu.memref_slice %arg4[%dma_start3A_1655, %dma_start3A_1665, %dma_start3A_1666] : memref<4x4x4096xf32, #tpu.memory_space<vmem>> -> memref<1x4x4096xf32, #tpu.memory_space<vmem>>
    %dma_start3A_1668 = tpu.memref_squeeze %dma_start3A_1667 : memref<1x4x4096xf32, #tpu.memory_space<vmem>> -> memref<4x4096xf32, #tpu.memory_space<vmem>>
    %dma_start3A_1669 = arith.constant 0 : i32
    %dma_start3A_1670 = tpu.memref_slice %arg2[%add3A_1654, %dma_start3A_1669] : memref<4096x4096xf32, #tpu.memory_space<hbm>> -> memref<4x4096xf32, #tpu.memory_space<hbm>>
    tpu.enqueue_dma source(%dma_start3A_1670 : memref<4x4096xf32, #tpu.memory_space<hbm>>) target(%dma_start3A_1668 : memref<4x4096xf32, #tpu.memory_space<vmem>>) target_semaphore(%dma_start3A_1664 : memref<!tpu.dma_semaphore, #tpu.memory_space<semaphore_mem>>)
    %dma_wait3A_1671 = arith.constant 0 : i32
    %dma_wait3A_1672 = arith.constant 0 : i32
    %dma_wait3A_1673 = arith.constant 0 : i32
    %dma_wait3A_1674 = arith.constant 0 : i32
    %dma_wait3A_1675 = tpu.memref_slice %arg4[%dma_wait3A_1671, %dma_wait3A_1673, %dma_wait3A_1674] : memref<4x4x4096xf32, #tpu.memory_space<vmem>> -> memref<1x4x4096xf32, #tpu.memory_space<vmem>>
    %dma_wait3A_1676 = tpu.memref_squeeze %dma_wait3A_1675 : memref<1x4x4096xf32, #tpu.memory_space<vmem>> -> memref<4x4096xf32, #tpu.memory_space<vmem>>
    %dma_wait3A_1677 = arith.constant 0 : i32
    %dma_wait3A_1678 = tpu.memref_slice %arg2[%add3A_1518, %dma_wait3A_1677] : memref<4096x4096xf32, #tpu.memory_space<hbm>> -> memref<4x4096xf32, #tpu.memory_space<hbm>>
    %dma_wait3A_1679 = tpu.memref_slice %arg5[%dma_wait3A_1672] : memref<4x!tpu.dma_semaphore, #tpu.memory_space<semaphore_mem>> -> memref<1x!tpu.dma_semaphore, #tpu.memory_space<semaphore_mem>>
    %dma_wait3A_1680 = tpu.memref_squeeze %dma_wait3A_1679 : memref<1x!tpu.dma_semaphore, #tpu.memory_space<semaphore_mem>> -> memref<!tpu.dma_semaphore, #tpu.memory_space<semaphore_mem>>
    %dma_wait3A_1681 = arith.constant 0 : i32
    %dma_wait3A_1682 = arith.constant 0 : i32
    %dma_wait3A_1683 = tpu.memref_slice %arg4[%dma_wait3A_1671, %dma_wait3A_1681, %dma_wait3A_1682] : memref<4x4x4096xf32, #tpu.memory_space<vmem>> -> memref<1x4x4096xf32, #tpu.memory_space<vmem>>
    %dma_wait3A_1684 = tpu.memref_squeeze %dma_wait3A_1683 : memref<1x4x4096xf32, #tpu.memory_space<vmem>> -> memref<4x4096xf32, #tpu.memory_space<vmem>>
    %dma_wait3A_1685 = arith.constant 0 : i32
    %dma_wait3A_1686 = tpu.memref_slice %arg2[%add3A_1518, %dma_wait3A_1685] : memref<4096x4096xf32, #tpu.memory_space<hbm>> -> memref<4x4096xf32, #tpu.memory_space<hbm>>
    tpu.wait_dma2 semaphore(%dma_wait3A_1680 : memref<!tpu.dma_semaphore, #tpu.memory_space<semaphore_mem>>) src(%dma_wait3A_1686 : memref<4x4096xf32, #tpu.memory_space<hbm>>) dst(%dma_wait3A_1684 : memref<4x4096xf32, #tpu.memory_space<vmem>>)
    %add3A_1687 = arith.constant 96 : i32
    %add3A_1688 = arith.addi %mul3A_2, %add3A_1687 : i32
    %dma_start3A_1689 = arith.constant 0 : i32
    %dma_start3A_1690 = arith.constant 0 : i32
    %dma_start3A_1691 = arith.constant 0 : i32
    %dma_start3A_1692 = arith.constant 0 : i32
    %dma_start3A_1693 = tpu.memref_slice %arg4[%dma_start3A_1689, %dma_start3A_1691, %dma_start3A_1692] : memref<4x4x4096xf32, #tpu.memory_space<vmem>> -> memref<1x4x4096xf32, #tpu.memory_space<vmem>>
    %dma_start3A_1694 = tpu.memref_squeeze %dma_start3A_1693 : memref<1x4x4096xf32, #tpu.memory_space<vmem>> -> memref<4x4096xf32, #tpu.memory_space<vmem>>
    %dma_start3A_1695 = arith.constant 0 : i32
    %dma_start3A_1696 = tpu.memref_slice %arg3[%add3A_1688, %dma_start3A_1695] : memref<4096x4096xf32, #tpu.memory_space<hbm>> -> memref<4x4096xf32, #tpu.memory_space<hbm>>
    %dma_start3A_1697 = tpu.memref_slice %arg6[%dma_start3A_1690] : memref<4x!tpu.dma_semaphore, #tpu.memory_space<semaphore_mem>> -> memref<1x!tpu.dma_semaphore, #tpu.memory_space<semaphore_mem>>
    %dma_start3A_1698 = tpu.memref_squeeze %dma_start3A_1697 : memref<1x!tpu.dma_semaphore, #tpu.memory_space<semaphore_mem>> -> memref<!tpu.dma_semaphore, #tpu.memory_space<semaphore_mem>>
    %dma_start3A_1699 = arith.constant 0 : i32
    %dma_start3A_1700 = tpu.memref_slice %arg3[%add3A_1688, %dma_start3A_1699] : memref<4096x4096xf32, #tpu.memory_space<hbm>> -> memref<4x4096xf32, #tpu.memory_space<hbm>>
    %dma_start3A_1701 = arith.constant 0 : i32
    %dma_start3A_1702 = arith.constant 0 : i32
    %dma_start3A_1703 = tpu.memref_slice %arg4[%dma_start3A_1689, %dma_start3A_1701, %dma_start3A_1702] : memref<4x4x4096xf32, #tpu.memory_space<vmem>> -> memref<1x4x4096xf32, #tpu.memory_space<vmem>>
    %dma_start3A_1704 = tpu.memref_squeeze %dma_start3A_1703 : memref<1x4x4096xf32, #tpu.memory_space<vmem>> -> memref<4x4096xf32, #tpu.memory_space<vmem>>
    tpu.enqueue_dma source(%dma_start3A_1704 : memref<4x4096xf32, #tpu.memory_space<vmem>>) target(%dma_start3A_1700 : memref<4x4096xf32, #tpu.memory_space<hbm>>) target_semaphore(%dma_start3A_1698 : memref<!tpu.dma_semaphore, #tpu.memory_space<semaphore_mem>>)
    %dma_wait3A_1705 = arith.constant 3 : i32
    %dma_wait3A_1706 = arith.constant 3 : i32
    %dma_wait3A_1707 = arith.constant 0 : i32
    %dma_wait3A_1708 = arith.constant 0 : i32
    %dma_wait3A_1709 = tpu.memref_slice %arg4[%dma_wait3A_1705, %dma_wait3A_1707, %dma_wait3A_1708] : memref<4x4x4096xf32, #tpu.memory_space<vmem>> -> memref<1x4x4096xf32, #tpu.memory_space<vmem>>
    %dma_wait3A_1710 = tpu.memref_squeeze %dma_wait3A_1709 : memref<1x4x4096xf32, #tpu.memory_space<vmem>> -> memref<4x4096xf32, #tpu.memory_space<vmem>>
    %dma_wait3A_1711 = arith.constant 0 : i32
    %dma_wait3A_1712 = tpu.memref_slice %arg3[%add3A_1620, %dma_wait3A_1711] : memref<4096x4096xf32, #tpu.memory_space<hbm>> -> memref<4x4096xf32, #tpu.memory_space<hbm>>
    %dma_wait3A_1713 = tpu.memref_slice %arg6[%dma_wait3A_1706] : memref<4x!tpu.dma_semaphore, #tpu.memory_space<semaphore_mem>> -> memref<1x!tpu.dma_semaphore, #tpu.memory_space<semaphore_mem>>
    %dma_wait3A_1714 = tpu.memref_squeeze %dma_wait3A_1713 : memref<1x!tpu.dma_semaphore, #tpu.memory_space<semaphore_mem>> -> memref<!tpu.dma_semaphore, #tpu.memory_space<semaphore_mem>>
    %dma_wait3A_1715 = arith.constant 0 : i32
    %dma_wait3A_1716 = tpu.memref_slice %arg3[%add3A_1620, %dma_wait3A_1715] : memref<4096x4096xf32, #tpu.memory_space<hbm>> -> memref<4x4096xf32, #tpu.memory_space<hbm>>
    %dma_wait3A_1717 = arith.constant 0 : i32
    %dma_wait3A_1718 = arith.constant 0 : i32
    %dma_wait3A_1719 = tpu.memref_slice %arg4[%dma_wait3A_1705, %dma_wait3A_1717, %dma_wait3A_1718] : memref<4x4x4096xf32, #tpu.memory_space<vmem>> -> memref<1x4x4096xf32, #tpu.memory_space<vmem>>
    %dma_wait3A_1720 = tpu.memref_squeeze %dma_wait3A_1719 : memref<1x4x4096xf32, #tpu.memory_space<vmem>> -> memref<4x4096xf32, #tpu.memory_space<vmem>>
    tpu.wait_dma2 semaphore(%dma_wait3A_1714 : memref<!tpu.dma_semaphore, #tpu.memory_space<semaphore_mem>>) src(%dma_wait3A_1720 : memref<4x4096xf32, #tpu.memory_space<vmem>>) dst(%dma_wait3A_1716 : memref<4x4096xf32, #tpu.memory_space<hbm>>)
    %add3A_1721 = arith.constant 108 : i32
    %add3A_1722 = arith.addi %mul3A_2, %add3A_1721 : i32
    %dma_start3A_1723 = arith.constant 3 : i32
    %dma_start3A_1724 = arith.constant 3 : i32
    %dma_start3A_1725 = arith.constant 0 : i32
    %dma_start3A_1726 = arith.constant 0 : i32
    %dma_start3A_1727 = tpu.memref_slice %arg4[%dma_start3A_1723, %dma_start3A_1725, %dma_start3A_1726] : memref<4x4x4096xf32, #tpu.memory_space<vmem>> -> memref<1x4x4096xf32, #tpu.memory_space<vmem>>
    %dma_start3A_1728 = tpu.memref_squeeze %dma_start3A_1727 : memref<1x4x4096xf32, #tpu.memory_space<vmem>> -> memref<4x4096xf32, #tpu.memory_space<vmem>>
    %dma_start3A_1729 = arith.constant 0 : i32
    %dma_start3A_1730 = tpu.memref_slice %arg2[%add3A_1722, %dma_start3A_1729] : memref<4096x4096xf32, #tpu.memory_space<hbm>> -> memref<4x4096xf32, #tpu.memory_space<hbm>>
    %dma_start3A_1731 = tpu.memref_slice %arg5[%dma_start3A_1724] : memref<4x!tpu.dma_semaphore, #tpu.memory_space<semaphore_mem>> -> memref<1x!tpu.dma_semaphore, #tpu.memory_space<semaphore_mem>>
    %dma_start3A_1732 = tpu.memref_squeeze %dma_start3A_1731 : memref<1x!tpu.dma_semaphore, #tpu.memory_space<semaphore_mem>> -> memref<!tpu.dma_semaphore, #tpu.memory_space<semaphore_mem>>
    %dma_start3A_1733 = arith.constant 0 : i32
    %dma_start3A_1734 = arith.constant 0 : i32
    %dma_start3A_1735 = tpu.memref_slice %arg4[%dma_start3A_1723, %dma_start3A_1733, %dma_start3A_1734] : memref<4x4x4096xf32, #tpu.memory_space<vmem>> -> memref<1x4x4096xf32, #tpu.memory_space<vmem>>
    %dma_start3A_1736 = tpu.memref_squeeze %dma_start3A_1735 : memref<1x4x4096xf32, #tpu.memory_space<vmem>> -> memref<4x4096xf32, #tpu.memory_space<vmem>>
    %dma_start3A_1737 = arith.constant 0 : i32
    %dma_start3A_1738 = tpu.memref_slice %arg2[%add3A_1722, %dma_start3A_1737] : memref<4096x4096xf32, #tpu.memory_space<hbm>> -> memref<4x4096xf32, #tpu.memory_space<hbm>>
    tpu.enqueue_dma source(%dma_start3A_1738 : memref<4x4096xf32, #tpu.memory_space<hbm>>) target(%dma_start3A_1736 : memref<4x4096xf32, #tpu.memory_space<vmem>>) target_semaphore(%dma_start3A_1732 : memref<!tpu.dma_semaphore, #tpu.memory_space<semaphore_mem>>)
    %dma_wait3A_1739 = arith.constant 1 : i32
    %dma_wait3A_1740 = arith.constant 1 : i32
    %dma_wait3A_1741 = arith.constant 0 : i32
    %dma_wait3A_1742 = arith.constant 0 : i32
    %dma_wait3A_1743 = tpu.memref_slice %arg4[%dma_wait3A_1739, %dma_wait3A_1741, %dma_wait3A_1742] : memref<4x4x4096xf32, #tpu.memory_space<vmem>> -> memref<1x4x4096xf32, #tpu.memory_space<vmem>>
    %dma_wait3A_1744 = tpu.memref_squeeze %dma_wait3A_1743 : memref<1x4x4096xf32, #tpu.memory_space<vmem>> -> memref<4x4096xf32, #tpu.memory_space<vmem>>
    %dma_wait3A_1745 = arith.constant 0 : i32
    %dma_wait3A_1746 = tpu.memref_slice %arg2[%add3A_1586, %dma_wait3A_1745] : memref<4096x4096xf32, #tpu.memory_space<hbm>> -> memref<4x4096xf32, #tpu.memory_space<hbm>>
    %dma_wait3A_1747 = tpu.memref_slice %arg5[%dma_wait3A_1740] : memref<4x!tpu.dma_semaphore, #tpu.memory_space<semaphore_mem>> -> memref<1x!tpu.dma_semaphore, #tpu.memory_space<semaphore_mem>>
    %dma_wait3A_1748 = tpu.memref_squeeze %dma_wait3A_1747 : memref<1x!tpu.dma_semaphore, #tpu.memory_space<semaphore_mem>> -> memref<!tpu.dma_semaphore, #tpu.memory_space<semaphore_mem>>
    %dma_wait3A_1749 = arith.constant 0 : i32
    %dma_wait3A_1750 = arith.constant 0 : i32
    %dma_wait3A_1751 = tpu.memref_slice %arg4[%dma_wait3A_1739, %dma_wait3A_1749, %dma_wait3A_1750] : memref<4x4x4096xf32, #tpu.memory_space<vmem>> -> memref<1x4x4096xf32, #tpu.memory_space<vmem>>
    %dma_wait3A_1752 = tpu.memref_squeeze %dma_wait3A_1751 : memref<1x4x4096xf32, #tpu.memory_space<vmem>> -> memref<4x4096xf32, #tpu.memory_space<vmem>>
    %dma_wait3A_1753 = arith.constant 0 : i32
    %dma_wait3A_1754 = tpu.memref_slice %arg2[%add3A_1586, %dma_wait3A_1753] : memref<4096x4096xf32, #tpu.memory_space<hbm>> -> memref<4x4096xf32, #tpu.memory_space<hbm>>
    tpu.wait_dma2 semaphore(%dma_wait3A_1748 : memref<!tpu.dma_semaphore, #tpu.memory_space<semaphore_mem>>) src(%dma_wait3A_1754 : memref<4x4096xf32, #tpu.memory_space<hbm>>) dst(%dma_wait3A_1752 : memref<4x4096xf32, #tpu.memory_space<vmem>>)
    %add3A_1755 = arith.constant 100 : i32
    %add3A_1756 = arith.addi %mul3A_2, %add3A_1755 : i32
    %dma_start3A_1757 = arith.constant 1 : i32
    %dma_start3A_1758 = arith.constant 1 : i32
    %dma_start3A_1759 = arith.constant 0 : i32
    %dma_start3A_1760 = arith.constant 0 : i32
    %dma_start3A_1761 = tpu.memref_slice %arg4[%dma_start3A_1757, %dma_start3A_1759, %dma_start3A_1760] : memref<4x4x4096xf32, #tpu.memory_space<vmem>> -> memref<1x4x4096xf32, #tpu.memory_space<vmem>>
    %dma_start3A_1762 = tpu.memref_squeeze %dma_start3A_1761 : memref<1x4x4096xf32, #tpu.memory_space<vmem>> -> memref<4x4096xf32, #tpu.memory_space<vmem>>
    %dma_start3A_1763 = arith.constant 0 : i32
    %dma_start3A_1764 = tpu.memref_slice %arg3[%add3A_1756, %dma_start3A_1763] : memref<4096x4096xf32, #tpu.memory_space<hbm>> -> memref<4x4096xf32, #tpu.memory_space<hbm>>
    %dma_start3A_1765 = tpu.memref_slice %arg6[%dma_start3A_1758] : memref<4x!tpu.dma_semaphore, #tpu.memory_space<semaphore_mem>> -> memref<1x!tpu.dma_semaphore, #tpu.memory_space<semaphore_mem>>
    %dma_start3A_1766 = tpu.memref_squeeze %dma_start3A_1765 : memref<1x!tpu.dma_semaphore, #tpu.memory_space<semaphore_mem>> -> memref<!tpu.dma_semaphore, #tpu.memory_space<semaphore_mem>>
    %dma_start3A_1767 = arith.constant 0 : i32
    %dma_start3A_1768 = tpu.memref_slice %arg3[%add3A_1756, %dma_start3A_1767] : memref<4096x4096xf32, #tpu.memory_space<hbm>> -> memref<4x4096xf32, #tpu.memory_space<hbm>>
    %dma_start3A_1769 = arith.constant 0 : i32
    %dma_start3A_1770 = arith.constant 0 : i32
    %dma_start3A_1771 = tpu.memref_slice %arg4[%dma_start3A_1757, %dma_start3A_1769, %dma_start3A_1770] : memref<4x4x4096xf32, #tpu.memory_space<vmem>> -> memref<1x4x4096xf32, #tpu.memory_space<vmem>>
    %dma_start3A_1772 = tpu.memref_squeeze %dma_start3A_1771 : memref<1x4x4096xf32, #tpu.memory_space<vmem>> -> memref<4x4096xf32, #tpu.memory_space<vmem>>
    tpu.enqueue_dma source(%dma_start3A_1772 : memref<4x4096xf32, #tpu.memory_space<vmem>>) target(%dma_start3A_1768 : memref<4x4096xf32, #tpu.memory_space<hbm>>) target_semaphore(%dma_start3A_1766 : memref<!tpu.dma_semaphore, #tpu.memory_space<semaphore_mem>>)
    %dma_wait3A_1773 = arith.constant 0 : i32
    %dma_wait3A_1774 = arith.constant 0 : i32
    %dma_wait3A_1775 = arith.constant 0 : i32
    %dma_wait3A_1776 = arith.constant 0 : i32
    %dma_wait3A_1777 = tpu.memref_slice %arg4[%dma_wait3A_1773, %dma_wait3A_1775, %dma_wait3A_1776] : memref<4x4x4096xf32, #tpu.memory_space<vmem>> -> memref<1x4x4096xf32, #tpu.memory_space<vmem>>
    %dma_wait3A_1778 = tpu.memref_squeeze %dma_wait3A_1777 : memref<1x4x4096xf32, #tpu.memory_space<vmem>> -> memref<4x4096xf32, #tpu.memory_space<vmem>>
    %dma_wait3A_1779 = arith.constant 0 : i32
    %dma_wait3A_1780 = tpu.memref_slice %arg3[%add3A_1688, %dma_wait3A_1779] : memref<4096x4096xf32, #tpu.memory_space<hbm>> -> memref<4x4096xf32, #tpu.memory_space<hbm>>
    %dma_wait3A_1781 = tpu.memref_slice %arg6[%dma_wait3A_1774] : memref<4x!tpu.dma_semaphore, #tpu.memory_space<semaphore_mem>> -> memref<1x!tpu.dma_semaphore, #tpu.memory_space<semaphore_mem>>
    %dma_wait3A_1782 = tpu.memref_squeeze %dma_wait3A_1781 : memref<1x!tpu.dma_semaphore, #tpu.memory_space<semaphore_mem>> -> memref<!tpu.dma_semaphore, #tpu.memory_space<semaphore_mem>>
    %dma_wait3A_1783 = arith.constant 0 : i32
    %dma_wait3A_1784 = tpu.memref_slice %arg3[%add3A_1688, %dma_wait3A_1783] : memref<4096x4096xf32, #tpu.memory_space<hbm>> -> memref<4x4096xf32, #tpu.memory_space<hbm>>
    %dma_wait3A_1785 = arith.constant 0 : i32
    %dma_wait3A_1786 = arith.constant 0 : i32
    %dma_wait3A_1787 = tpu.memref_slice %arg4[%dma_wait3A_1773, %dma_wait3A_1785, %dma_wait3A_1786] : memref<4x4x4096xf32, #tpu.memory_space<vmem>> -> memref<1x4x4096xf32, #tpu.memory_space<vmem>>
    %dma_wait3A_1788 = tpu.memref_squeeze %dma_wait3A_1787 : memref<1x4x4096xf32, #tpu.memory_space<vmem>> -> memref<4x4096xf32, #tpu.memory_space<vmem>>
    tpu.wait_dma2 semaphore(%dma_wait3A_1782 : memref<!tpu.dma_semaphore, #tpu.memory_space<semaphore_mem>>) src(%dma_wait3A_1788 : memref<4x4096xf32, #tpu.memory_space<vmem>>) dst(%dma_wait3A_1784 : memref<4x4096xf32, #tpu.memory_space<hbm>>)
    %add3A_1789 = arith.constant 112 : i32
    %add3A_1790 = arith.addi %mul3A_2, %add3A_1789 : i32
    %dma_start3A_1791 = arith.constant 0 : i32
    %dma_start3A_1792 = arith.constant 0 : i32
    %dma_start3A_1793 = arith.constant 0 : i32
    %dma_start3A_1794 = arith.constant 0 : i32
    %dma_start3A_1795 = tpu.memref_slice %arg4[%dma_start3A_1791, %dma_start3A_1793, %dma_start3A_1794] : memref<4x4x4096xf32, #tpu.memory_space<vmem>> -> memref<1x4x4096xf32, #tpu.memory_space<vmem>>
    %dma_start3A_1796 = tpu.memref_squeeze %dma_start3A_1795 : memref<1x4x4096xf32, #tpu.memory_space<vmem>> -> memref<4x4096xf32, #tpu.memory_space<vmem>>
    %dma_start3A_1797 = arith.constant 0 : i32
    %dma_start3A_1798 = tpu.memref_slice %arg2[%add3A_1790, %dma_start3A_1797] : memref<4096x4096xf32, #tpu.memory_space<hbm>> -> memref<4x4096xf32, #tpu.memory_space<hbm>>
    %dma_start3A_1799 = tpu.memref_slice %arg5[%dma_start3A_1792] : memref<4x!tpu.dma_semaphore, #tpu.memory_space<semaphore_mem>> -> memref<1x!tpu.dma_semaphore, #tpu.memory_space<semaphore_mem>>
    %dma_start3A_1800 = tpu.memref_squeeze %dma_start3A_1799 : memref<1x!tpu.dma_semaphore, #tpu.memory_space<semaphore_mem>> -> memref<!tpu.dma_semaphore, #tpu.memory_space<semaphore_mem>>
    %dma_start3A_1801 = arith.constant 0 : i32
    %dma_start3A_1802 = arith.constant 0 : i32
    %dma_start3A_1803 = tpu.memref_slice %arg4[%dma_start3A_1791, %dma_start3A_1801, %dma_start3A_1802] : memref<4x4x4096xf32, #tpu.memory_space<vmem>> -> memref<1x4x4096xf32, #tpu.memory_space<vmem>>
    %dma_start3A_1804 = tpu.memref_squeeze %dma_start3A_1803 : memref<1x4x4096xf32, #tpu.memory_space<vmem>> -> memref<4x4096xf32, #tpu.memory_space<vmem>>
    %dma_start3A_1805 = arith.constant 0 : i32
    %dma_start3A_1806 = tpu.memref_slice %arg2[%add3A_1790, %dma_start3A_1805] : memref<4096x4096xf32, #tpu.memory_space<hbm>> -> memref<4x4096xf32, #tpu.memory_space<hbm>>
    tpu.enqueue_dma source(%dma_start3A_1806 : memref<4x4096xf32, #tpu.memory_space<hbm>>) target(%dma_start3A_1804 : memref<4x4096xf32, #tpu.memory_space<vmem>>) target_semaphore(%dma_start3A_1800 : memref<!tpu.dma_semaphore, #tpu.memory_space<semaphore_mem>>)
    %dma_wait3A_1807 = arith.constant 2 : i32
    %dma_wait3A_1808 = arith.constant 2 : i32
    %dma_wait3A_1809 = arith.constant 0 : i32
    %dma_wait3A_1810 = arith.constant 0 : i32
    %dma_wait3A_1811 = tpu.memref_slice %arg4[%dma_wait3A_1807, %dma_wait3A_1809, %dma_wait3A_1810] : memref<4x4x4096xf32, #tpu.memory_space<vmem>> -> memref<1x4x4096xf32, #tpu.memory_space<vmem>>
    %dma_wait3A_1812 = tpu.memref_squeeze %dma_wait3A_1811 : memref<1x4x4096xf32, #tpu.memory_space<vmem>> -> memref<4x4096xf32, #tpu.memory_space<vmem>>
    %dma_wait3A_1813 = arith.constant 0 : i32
    %dma_wait3A_1814 = tpu.memref_slice %arg2[%add3A_1654, %dma_wait3A_1813] : memref<4096x4096xf32, #tpu.memory_space<hbm>> -> memref<4x4096xf32, #tpu.memory_space<hbm>>
    %dma_wait3A_1815 = tpu.memref_slice %arg5[%dma_wait3A_1808] : memref<4x!tpu.dma_semaphore, #tpu.memory_space<semaphore_mem>> -> memref<1x!tpu.dma_semaphore, #tpu.memory_space<semaphore_mem>>
    %dma_wait3A_1816 = tpu.memref_squeeze %dma_wait3A_1815 : memref<1x!tpu.dma_semaphore, #tpu.memory_space<semaphore_mem>> -> memref<!tpu.dma_semaphore, #tpu.memory_space<semaphore_mem>>
    %dma_wait3A_1817 = arith.constant 0 : i32
    %dma_wait3A_1818 = arith.constant 0 : i32
    %dma_wait3A_1819 = tpu.memref_slice %arg4[%dma_wait3A_1807, %dma_wait3A_1817, %dma_wait3A_1818] : memref<4x4x4096xf32, #tpu.memory_space<vmem>> -> memref<1x4x4096xf32, #tpu.memory_space<vmem>>
    %dma_wait3A_1820 = tpu.memref_squeeze %dma_wait3A_1819 : memref<1x4x4096xf32, #tpu.memory_space<vmem>> -> memref<4x4096xf32, #tpu.memory_space<vmem>>
    %dma_wait3A_1821 = arith.constant 0 : i32
    %dma_wait3A_1822 = tpu.memref_slice %arg2[%add3A_1654, %dma_wait3A_1821] : memref<4096x4096xf32, #tpu.memory_space<hbm>> -> memref<4x4096xf32, #tpu.memory_space<hbm>>
    tpu.wait_dma2 semaphore(%dma_wait3A_1816 : memref<!tpu.dma_semaphore, #tpu.memory_space<semaphore_mem>>) src(%dma_wait3A_1822 : memref<4x4096xf32, #tpu.memory_space<hbm>>) dst(%dma_wait3A_1820 : memref<4x4096xf32, #tpu.memory_space<vmem>>)
    %add3A_1823 = arith.constant 104 : i32
    %add3A_1824 = arith.addi %mul3A_2, %add3A_1823 : i32
    %dma_start3A_1825 = arith.constant 2 : i32
    %dma_start3A_1826 = arith.constant 2 : i32
    %dma_start3A_1827 = arith.constant 0 : i32
    %dma_start3A_1828 = arith.constant 0 : i32
    %dma_start3A_1829 = tpu.memref_slice %arg4[%dma_start3A_1825, %dma_start3A_1827, %dma_start3A_1828] : memref<4x4x4096xf32, #tpu.memory_space<vmem>> -> memref<1x4x4096xf32, #tpu.memory_space<vmem>>
    %dma_start3A_1830 = tpu.memref_squeeze %dma_start3A_1829 : memref<1x4x4096xf32, #tpu.memory_space<vmem>> -> memref<4x4096xf32, #tpu.memory_space<vmem>>
    %dma_start3A_1831 = arith.constant 0 : i32
    %dma_start3A_1832 = tpu.memref_slice %arg3[%add3A_1824, %dma_start3A_1831] : memref<4096x4096xf32, #tpu.memory_space<hbm>> -> memref<4x4096xf32, #tpu.memory_space<hbm>>
    %dma_start3A_1833 = tpu.memref_slice %arg6[%dma_start3A_1826] : memref<4x!tpu.dma_semaphore, #tpu.memory_space<semaphore_mem>> -> memref<1x!tpu.dma_semaphore, #tpu.memory_space<semaphore_mem>>
    %dma_start3A_1834 = tpu.memref_squeeze %dma_start3A_1833 : memref<1x!tpu.dma_semaphore, #tpu.memory_space<semaphore_mem>> -> memref<!tpu.dma_semaphore, #tpu.memory_space<semaphore_mem>>
    %dma_start3A_1835 = arith.constant 0 : i32
    %dma_start3A_1836 = tpu.memref_slice %arg3[%add3A_1824, %dma_start3A_1835] : memref<4096x4096xf32, #tpu.memory_space<hbm>> -> memref<4x4096xf32, #tpu.memory_space<hbm>>
    %dma_start3A_1837 = arith.constant 0 : i32
    %dma_start3A_1838 = arith.constant 0 : i32
    %dma_start3A_1839 = tpu.memref_slice %arg4[%dma_start3A_1825, %dma_start3A_1837, %dma_start3A_1838] : memref<4x4x4096xf32, #tpu.memory_space<vmem>> -> memref<1x4x4096xf32, #tpu.memory_space<vmem>>
    %dma_start3A_1840 = tpu.memref_squeeze %dma_start3A_1839 : memref<1x4x4096xf32, #tpu.memory_space<vmem>> -> memref<4x4096xf32, #tpu.memory_space<vmem>>
    tpu.enqueue_dma source(%dma_start3A_1840 : memref<4x4096xf32, #tpu.memory_space<vmem>>) target(%dma_start3A_1836 : memref<4x4096xf32, #tpu.memory_space<hbm>>) target_semaphore(%dma_start3A_1834 : memref<!tpu.dma_semaphore, #tpu.memory_space<semaphore_mem>>)
    %dma_wait3A_1841 = arith.constant 1 : i32
    %dma_wait3A_1842 = arith.constant 1 : i32
    %dma_wait3A_1843 = arith.constant 0 : i32
    %dma_wait3A_1844 = arith.constant 0 : i32
    %dma_wait3A_1845 = tpu.memref_slice %arg4[%dma_wait3A_1841, %dma_wait3A_1843, %dma_wait3A_1844] : memref<4x4x4096xf32, #tpu.memory_space<vmem>> -> memref<1x4x4096xf32, #tpu.memory_space<vmem>>
    %dma_wait3A_1846 = tpu.memref_squeeze %dma_wait3A_1845 : memref<1x4x4096xf32, #tpu.memory_space<vmem>> -> memref<4x4096xf32, #tpu.memory_space<vmem>>
    %dma_wait3A_1847 = arith.constant 0 : i32
    %dma_wait3A_1848 = tpu.memref_slice %arg3[%add3A_1756, %dma_wait3A_1847] : memref<4096x4096xf32, #tpu.memory_space<hbm>> -> memref<4x4096xf32, #tpu.memory_space<hbm>>
    %dma_wait3A_1849 = tpu.memref_slice %arg6[%dma_wait3A_1842] : memref<4x!tpu.dma_semaphore, #tpu.memory_space<semaphore_mem>> -> memref<1x!tpu.dma_semaphore, #tpu.memory_space<semaphore_mem>>
    %dma_wait3A_1850 = tpu.memref_squeeze %dma_wait3A_1849 : memref<1x!tpu.dma_semaphore, #tpu.memory_space<semaphore_mem>> -> memref<!tpu.dma_semaphore, #tpu.memory_space<semaphore_mem>>
    %dma_wait3A_1851 = arith.constant 0 : i32
    %dma_wait3A_1852 = tpu.memref_slice %arg3[%add3A_1756, %dma_wait3A_1851] : memref<4096x4096xf32, #tpu.memory_space<hbm>> -> memref<4x4096xf32, #tpu.memory_space<hbm>>
    %dma_wait3A_1853 = arith.constant 0 : i32
    %dma_wait3A_1854 = arith.constant 0 : i32
    %dma_wait3A_1855 = tpu.memref_slice %arg4[%dma_wait3A_1841, %dma_wait3A_1853, %dma_wait3A_1854] : memref<4x4x4096xf32, #tpu.memory_space<vmem>> -> memref<1x4x4096xf32, #tpu.memory_space<vmem>>
    %dma_wait3A_1856 = tpu.memref_squeeze %dma_wait3A_1855 : memref<1x4x4096xf32, #tpu.memory_space<vmem>> -> memref<4x4096xf32, #tpu.memory_space<vmem>>
    tpu.wait_dma2 semaphore(%dma_wait3A_1850 : memref<!tpu.dma_semaphore, #tpu.memory_space<semaphore_mem>>) src(%dma_wait3A_1856 : memref<4x4096xf32, #tpu.memory_space<vmem>>) dst(%dma_wait3A_1852 : memref<4x4096xf32, #tpu.memory_space<hbm>>)
    %add3A_1857 = arith.constant 116 : i32
    %add3A_1858 = arith.addi %mul3A_2, %add3A_1857 : i32
    %dma_start3A_1859 = arith.constant 1 : i32
    %dma_start3A_1860 = arith.constant 1 : i32
    %dma_start3A_1861 = arith.constant 0 : i32
    %dma_start3A_1862 = arith.constant 0 : i32
    %dma_start3A_1863 = tpu.memref_slice %arg4[%dma_start3A_1859, %dma_start3A_1861, %dma_start3A_1862] : memref<4x4x4096xf32, #tpu.memory_space<vmem>> -> memref<1x4x4096xf32, #tpu.memory_space<vmem>>
    %dma_start3A_1864 = tpu.memref_squeeze %dma_start3A_1863 : memref<1x4x4096xf32, #tpu.memory_space<vmem>> -> memref<4x4096xf32, #tpu.memory_space<vmem>>
    %dma_start3A_1865 = arith.constant 0 : i32
    %dma_start3A_1866 = tpu.memref_slice %arg2[%add3A_1858, %dma_start3A_1865] : memref<4096x4096xf32, #tpu.memory_space<hbm>> -> memref<4x4096xf32, #tpu.memory_space<hbm>>
    %dma_start3A_1867 = tpu.memref_slice %arg5[%dma_start3A_1860] : memref<4x!tpu.dma_semaphore, #tpu.memory_space<semaphore_mem>> -> memref<1x!tpu.dma_semaphore, #tpu.memory_space<semaphore_mem>>
    %dma_start3A_1868 = tpu.memref_squeeze %dma_start3A_1867 : memref<1x!tpu.dma_semaphore, #tpu.memory_space<semaphore_mem>> -> memref<!tpu.dma_semaphore, #tpu.memory_space<semaphore_mem>>
    %dma_start3A_1869 = arith.constant 0 : i32
    %dma_start3A_1870 = arith.constant 0 : i32
    %dma_start3A_1871 = tpu.memref_slice %arg4[%dma_start3A_1859, %dma_start3A_1869, %dma_start3A_1870] : memref<4x4x4096xf32, #tpu.memory_space<vmem>> -> memref<1x4x4096xf32, #tpu.memory_space<vmem>>
    %dma_start3A_1872 = tpu.memref_squeeze %dma_start3A_1871 : memref<1x4x4096xf32, #tpu.memory_space<vmem>> -> memref<4x4096xf32, #tpu.memory_space<vmem>>
    %dma_start3A_1873 = arith.constant 0 : i32
    %dma_start3A_1874 = tpu.memref_slice %arg2[%add3A_1858, %dma_start3A_1873] : memref<4096x4096xf32, #tpu.memory_space<hbm>> -> memref<4x4096xf32, #tpu.memory_space<hbm>>
    tpu.enqueue_dma source(%dma_start3A_1874 : memref<4x4096xf32, #tpu.memory_space<hbm>>) target(%dma_start3A_1872 : memref<4x4096xf32, #tpu.memory_space<vmem>>) target_semaphore(%dma_start3A_1868 : memref<!tpu.dma_semaphore, #tpu.memory_space<semaphore_mem>>)
    %dma_wait3A_1875 = arith.constant 3 : i32
    %dma_wait3A_1876 = arith.constant 3 : i32
    %dma_wait3A_1877 = arith.constant 0 : i32
    %dma_wait3A_1878 = arith.constant 0 : i32
    %dma_wait3A_1879 = tpu.memref_slice %arg4[%dma_wait3A_1875, %dma_wait3A_1877, %dma_wait3A_1878] : memref<4x4x4096xf32, #tpu.memory_space<vmem>> -> memref<1x4x4096xf32, #tpu.memory_space<vmem>>
    %dma_wait3A_1880 = tpu.memref_squeeze %dma_wait3A_1879 : memref<1x4x4096xf32, #tpu.memory_space<vmem>> -> memref<4x4096xf32, #tpu.memory_space<vmem>>
    %dma_wait3A_1881 = arith.constant 0 : i32
    %dma_wait3A_1882 = tpu.memref_slice %arg2[%add3A_1722, %dma_wait3A_1881] : memref<4096x4096xf32, #tpu.memory_space<hbm>> -> memref<4x4096xf32, #tpu.memory_space<hbm>>
    %dma_wait3A_1883 = tpu.memref_slice %arg5[%dma_wait3A_1876] : memref<4x!tpu.dma_semaphore, #tpu.memory_space<semaphore_mem>> -> memref<1x!tpu.dma_semaphore, #tpu.memory_space<semaphore_mem>>
    %dma_wait3A_1884 = tpu.memref_squeeze %dma_wait3A_1883 : memref<1x!tpu.dma_semaphore, #tpu.memory_space<semaphore_mem>> -> memref<!tpu.dma_semaphore, #tpu.memory_space<semaphore_mem>>
    %dma_wait3A_1885 = arith.constant 0 : i32
    %dma_wait3A_1886 = arith.constant 0 : i32
    %dma_wait3A_1887 = tpu.memref_slice %arg4[%dma_wait3A_1875, %dma_wait3A_1885, %dma_wait3A_1886] : memref<4x4x4096xf32, #tpu.memory_space<vmem>> -> memref<1x4x4096xf32, #tpu.memory_space<vmem>>
    %dma_wait3A_1888 = tpu.memref_squeeze %dma_wait3A_1887 : memref<1x4x4096xf32, #tpu.memory_space<vmem>> -> memref<4x4096xf32, #tpu.memory_space<vmem>>
    %dma_wait3A_1889 = arith.constant 0 : i32
    %dma_wait3A_1890 = tpu.memref_slice %arg2[%add3A_1722, %dma_wait3A_1889] : memref<4096x4096xf32, #tpu.memory_space<hbm>> -> memref<4x4096xf32, #tpu.memory_space<hbm>>
    tpu.wait_dma2 semaphore(%dma_wait3A_1884 : memref<!tpu.dma_semaphore, #tpu.memory_space<semaphore_mem>>) src(%dma_wait3A_1890 : memref<4x4096xf32, #tpu.memory_space<hbm>>) dst(%dma_wait3A_1888 : memref<4x4096xf32, #tpu.memory_space<vmem>>)
    %add3A_1891 = arith.constant 108 : i32
    %add3A_1892 = arith.addi %mul3A_2, %add3A_1891 : i32
    %dma_start3A_1893 = arith.constant 3 : i32
    %dma_start3A_1894 = arith.constant 3 : i32
    %dma_start3A_1895 = arith.constant 0 : i32
    %dma_start3A_1896 = arith.constant 0 : i32
    %dma_start3A_1897 = tpu.memref_slice %arg4[%dma_start3A_1893, %dma_start3A_1895, %dma_start3A_1896] : memref<4x4x4096xf32, #tpu.memory_space<vmem>> -> memref<1x4x4096xf32, #tpu.memory_space<vmem>>
    %dma_start3A_1898 = tpu.memref_squeeze %dma_start3A_1897 : memref<1x4x4096xf32, #tpu.memory_space<vmem>> -> memref<4x4096xf32, #tpu.memory_space<vmem>>
    %dma_start3A_1899 = arith.constant 0 : i32
    %dma_start3A_1900 = tpu.memref_slice %arg3[%add3A_1892, %dma_start3A_1899] : memref<4096x4096xf32, #tpu.memory_space<hbm>> -> memref<4x4096xf32, #tpu.memory_space<hbm>>
    %dma_start3A_1901 = tpu.memref_slice %arg6[%dma_start3A_1894] : memref<4x!tpu.dma_semaphore, #tpu.memory_space<semaphore_mem>> -> memref<1x!tpu.dma_semaphore, #tpu.memory_space<semaphore_mem>>
    %dma_start3A_1902 = tpu.memref_squeeze %dma_start3A_1901 : memref<1x!tpu.dma_semaphore, #tpu.memory_space<semaphore_mem>> -> memref<!tpu.dma_semaphore, #tpu.memory_space<semaphore_mem>>
    %dma_start3A_1903 = arith.constant 0 : i32
    %dma_start3A_1904 = tpu.memref_slice %arg3[%add3A_1892, %dma_start3A_1903] : memref<4096x4096xf32, #tpu.memory_space<hbm>> -> memref<4x4096xf32, #tpu.memory_space<hbm>>
    %dma_start3A_1905 = arith.constant 0 : i32
    %dma_start3A_1906 = arith.constant 0 : i32
    %dma_start3A_1907 = tpu.memref_slice %arg4[%dma_start3A_1893, %dma_start3A_1905, %dma_start3A_1906] : memref<4x4x4096xf32, #tpu.memory_space<vmem>> -> memref<1x4x4096xf32, #tpu.memory_space<vmem>>
    %dma_start3A_1908 = tpu.memref_squeeze %dma_start3A_1907 : memref<1x4x4096xf32, #tpu.memory_space<vmem>> -> memref<4x4096xf32, #tpu.memory_space<vmem>>
    tpu.enqueue_dma source(%dma_start3A_1908 : memref<4x4096xf32, #tpu.memory_space<vmem>>) target(%dma_start3A_1904 : memref<4x4096xf32, #tpu.memory_space<hbm>>) target_semaphore(%dma_start3A_1902 : memref<!tpu.dma_semaphore, #tpu.memory_space<semaphore_mem>>)
    %dma_wait3A_1909 = arith.constant 2 : i32
    %dma_wait3A_1910 = arith.constant 2 : i32
    %dma_wait3A_1911 = arith.constant 0 : i32
    %dma_wait3A_1912 = arith.constant 0 : i32
    %dma_wait3A_1913 = tpu.memref_slice %arg4[%dma_wait3A_1909, %dma_wait3A_1911, %dma_wait3A_1912] : memref<4x4x4096xf32, #tpu.memory_space<vmem>> -> memref<1x4x4096xf32, #tpu.memory_space<vmem>>
    %dma_wait3A_1914 = tpu.memref_squeeze %dma_wait3A_1913 : memref<1x4x4096xf32, #tpu.memory_space<vmem>> -> memref<4x4096xf32, #tpu.memory_space<vmem>>
    %dma_wait3A_1915 = arith.constant 0 : i32
    %dma_wait3A_1916 = tpu.memref_slice %arg3[%add3A_1824, %dma_wait3A_1915] : memref<4096x4096xf32, #tpu.memory_space<hbm>> -> memref<4x4096xf32, #tpu.memory_space<hbm>>
    %dma_wait3A_1917 = tpu.memref_slice %arg6[%dma_wait3A_1910] : memref<4x!tpu.dma_semaphore, #tpu.memory_space<semaphore_mem>> -> memref<1x!tpu.dma_semaphore, #tpu.memory_space<semaphore_mem>>
    %dma_wait3A_1918 = tpu.memref_squeeze %dma_wait3A_1917 : memref<1x!tpu.dma_semaphore, #tpu.memory_space<semaphore_mem>> -> memref<!tpu.dma_semaphore, #tpu.memory_space<semaphore_mem>>
    %dma_wait3A_1919 = arith.constant 0 : i32
    %dma_wait3A_1920 = tpu.memref_slice %arg3[%add3A_1824, %dma_wait3A_1919] : memref<4096x4096xf32, #tpu.memory_space<hbm>> -> memref<4x4096xf32, #tpu.memory_space<hbm>>
    %dma_wait3A_1921 = arith.constant 0 : i32
    %dma_wait3A_1922 = arith.constant 0 : i32
    %dma_wait3A_1923 = tpu.memref_slice %arg4[%dma_wait3A_1909, %dma_wait3A_1921, %dma_wait3A_1922] : memref<4x4x4096xf32, #tpu.memory_space<vmem>> -> memref<1x4x4096xf32, #tpu.memory_space<vmem>>
    %dma_wait3A_1924 = tpu.memref_squeeze %dma_wait3A_1923 : memref<1x4x4096xf32, #tpu.memory_space<vmem>> -> memref<4x4096xf32, #tpu.memory_space<vmem>>
    tpu.wait_dma2 semaphore(%dma_wait3A_1918 : memref<!tpu.dma_semaphore, #tpu.memory_space<semaphore_mem>>) src(%dma_wait3A_1924 : memref<4x4096xf32, #tpu.memory_space<vmem>>) dst(%dma_wait3A_1920 : memref<4x4096xf32, #tpu.memory_space<hbm>>)
    %add3A_1925 = arith.constant 120 : i32
    %add3A_1926 = arith.addi %mul3A_2, %add3A_1925 : i32
    %dma_start3A_1927 = arith.constant 2 : i32
    %dma_start3A_1928 = arith.constant 2 : i32
    %dma_start3A_1929 = arith.constant 0 : i32
    %dma_start3A_1930 = arith.constant 0 : i32
    %dma_start3A_1931 = tpu.memref_slice %arg4[%dma_start3A_1927, %dma_start3A_1929, %dma_start3A_1930] : memref<4x4x4096xf32, #tpu.memory_space<vmem>> -> memref<1x4x4096xf32, #tpu.memory_space<vmem>>
    %dma_start3A_1932 = tpu.memref_squeeze %dma_start3A_1931 : memref<1x4x4096xf32, #tpu.memory_space<vmem>> -> memref<4x4096xf32, #tpu.memory_space<vmem>>
    %dma_start3A_1933 = arith.constant 0 : i32
    %dma_start3A_1934 = tpu.memref_slice %arg2[%add3A_1926, %dma_start3A_1933] : memref<4096x4096xf32, #tpu.memory_space<hbm>> -> memref<4x4096xf32, #tpu.memory_space<hbm>>
    %dma_start3A_1935 = tpu.memref_slice %arg5[%dma_start3A_1928] : memref<4x!tpu.dma_semaphore, #tpu.memory_space<semaphore_mem>> -> memref<1x!tpu.dma_semaphore, #tpu.memory_space<semaphore_mem>>
    %dma_start3A_1936 = tpu.memref_squeeze %dma_start3A_1935 : memref<1x!tpu.dma_semaphore, #tpu.memory_space<semaphore_mem>> -> memref<!tpu.dma_semaphore, #tpu.memory_space<semaphore_mem>>
    %dma_start3A_1937 = arith.constant 0 : i32
    %dma_start3A_1938 = arith.constant 0 : i32
    %dma_start3A_1939 = tpu.memref_slice %arg4[%dma_start3A_1927, %dma_start3A_1937, %dma_start3A_1938] : memref<4x4x4096xf32, #tpu.memory_space<vmem>> -> memref<1x4x4096xf32, #tpu.memory_space<vmem>>
    %dma_start3A_1940 = tpu.memref_squeeze %dma_start3A_1939 : memref<1x4x4096xf32, #tpu.memory_space<vmem>> -> memref<4x4096xf32, #tpu.memory_space<vmem>>
    %dma_start3A_1941 = arith.constant 0 : i32
    %dma_start3A_1942 = tpu.memref_slice %arg2[%add3A_1926, %dma_start3A_1941] : memref<4096x4096xf32, #tpu.memory_space<hbm>> -> memref<4x4096xf32, #tpu.memory_space<hbm>>
    tpu.enqueue_dma source(%dma_start3A_1942 : memref<4x4096xf32, #tpu.memory_space<hbm>>) target(%dma_start3A_1940 : memref<4x4096xf32, #tpu.memory_space<vmem>>) target_semaphore(%dma_start3A_1936 : memref<!tpu.dma_semaphore, #tpu.memory_space<semaphore_mem>>)
    %dma_wait3A_1943 = arith.constant 0 : i32
    %dma_wait3A_1944 = arith.constant 0 : i32
    %dma_wait3A_1945 = arith.constant 0 : i32
    %dma_wait3A_1946 = arith.constant 0 : i32
    %dma_wait3A_1947 = tpu.memref_slice %arg4[%dma_wait3A_1943, %dma_wait3A_1945, %dma_wait3A_1946] : memref<4x4x4096xf32, #tpu.memory_space<vmem>> -> memref<1x4x4096xf32, #tpu.memory_space<vmem>>
    %dma_wait3A_1948 = tpu.memref_squeeze %dma_wait3A_1947 : memref<1x4x4096xf32, #tpu.memory_space<vmem>> -> memref<4x4096xf32, #tpu.memory_space<vmem>>
    %dma_wait3A_1949 = arith.constant 0 : i32
    %dma_wait3A_1950 = tpu.memref_slice %arg2[%add3A_1790, %dma_wait3A_1949] : memref<4096x4096xf32, #tpu.memory_space<hbm>> -> memref<4x4096xf32, #tpu.memory_space<hbm>>
    %dma_wait3A_1951 = tpu.memref_slice %arg5[%dma_wait3A_1944] : memref<4x!tpu.dma_semaphore, #tpu.memory_space<semaphore_mem>> -> memref<1x!tpu.dma_semaphore, #tpu.memory_space<semaphore_mem>>
    %dma_wait3A_1952 = tpu.memref_squeeze %dma_wait3A_1951 : memref<1x!tpu.dma_semaphore, #tpu.memory_space<semaphore_mem>> -> memref<!tpu.dma_semaphore, #tpu.memory_space<semaphore_mem>>
    %dma_wait3A_1953 = arith.constant 0 : i32
    %dma_wait3A_1954 = arith.constant 0 : i32
    %dma_wait3A_1955 = tpu.memref_slice %arg4[%dma_wait3A_1943, %dma_wait3A_1953, %dma_wait3A_1954] : memref<4x4x4096xf32, #tpu.memory_space<vmem>> -> memref<1x4x4096xf32, #tpu.memory_space<vmem>>
    %dma_wait3A_1956 = tpu.memref_squeeze %dma_wait3A_1955 : memref<1x4x4096xf32, #tpu.memory_space<vmem>> -> memref<4x4096xf32, #tpu.memory_space<vmem>>
    %dma_wait3A_1957 = arith.constant 0 : i32
    %dma_wait3A_1958 = tpu.memref_slice %arg2[%add3A_1790, %dma_wait3A_1957] : memref<4096x4096xf32, #tpu.memory_space<hbm>> -> memref<4x4096xf32, #tpu.memory_space<hbm>>
    tpu.wait_dma2 semaphore(%dma_wait3A_1952 : memref<!tpu.dma_semaphore, #tpu.memory_space<semaphore_mem>>) src(%dma_wait3A_1958 : memref<4x4096xf32, #tpu.memory_space<hbm>>) dst(%dma_wait3A_1956 : memref<4x4096xf32, #tpu.memory_space<vmem>>)
    %add3A_1959 = arith.constant 112 : i32
    %add3A_1960 = arith.addi %mul3A_2, %add3A_1959 : i32
    %dma_start3A_1961 = arith.constant 0 : i32
    %dma_start3A_1962 = arith.constant 0 : i32
    %dma_start3A_1963 = arith.constant 0 : i32
    %dma_start3A_1964 = arith.constant 0 : i32
    %dma_start3A_1965 = tpu.memref_slice %arg4[%dma_start3A_1961, %dma_start3A_1963, %dma_start3A_1964] : memref<4x4x4096xf32, #tpu.memory_space<vmem>> -> memref<1x4x4096xf32, #tpu.memory_space<vmem>>
    %dma_start3A_1966 = tpu.memref_squeeze %dma_start3A_1965 : memref<1x4x4096xf32, #tpu.memory_space<vmem>> -> memref<4x4096xf32, #tpu.memory_space<vmem>>
    %dma_start3A_1967 = arith.constant 0 : i32
    %dma_start3A_1968 = tpu.memref_slice %arg3[%add3A_1960, %dma_start3A_1967] : memref<4096x4096xf32, #tpu.memory_space<hbm>> -> memref<4x4096xf32, #tpu.memory_space<hbm>>
    %dma_start3A_1969 = tpu.memref_slice %arg6[%dma_start3A_1962] : memref<4x!tpu.dma_semaphore, #tpu.memory_space<semaphore_mem>> -> memref<1x!tpu.dma_semaphore, #tpu.memory_space<semaphore_mem>>
    %dma_start3A_1970 = tpu.memref_squeeze %dma_start3A_1969 : memref<1x!tpu.dma_semaphore, #tpu.memory_space<semaphore_mem>> -> memref<!tpu.dma_semaphore, #tpu.memory_space<semaphore_mem>>
    %dma_start3A_1971 = arith.constant 0 : i32
    %dma_start3A_1972 = tpu.memref_slice %arg3[%add3A_1960, %dma_start3A_1971] : memref<4096x4096xf32, #tpu.memory_space<hbm>> -> memref<4x4096xf32, #tpu.memory_space<hbm>>
    %dma_start3A_1973 = arith.constant 0 : i32
    %dma_start3A_1974 = arith.constant 0 : i32
    %dma_start3A_1975 = tpu.memref_slice %arg4[%dma_start3A_1961, %dma_start3A_1973, %dma_start3A_1974] : memref<4x4x4096xf32, #tpu.memory_space<vmem>> -> memref<1x4x4096xf32, #tpu.memory_space<vmem>>
    %dma_start3A_1976 = tpu.memref_squeeze %dma_start3A_1975 : memref<1x4x4096xf32, #tpu.memory_space<vmem>> -> memref<4x4096xf32, #tpu.memory_space<vmem>>
    tpu.enqueue_dma source(%dma_start3A_1976 : memref<4x4096xf32, #tpu.memory_space<vmem>>) target(%dma_start3A_1972 : memref<4x4096xf32, #tpu.memory_space<hbm>>) target_semaphore(%dma_start3A_1970 : memref<!tpu.dma_semaphore, #tpu.memory_space<semaphore_mem>>)
    %dma_wait3A_1977 = arith.constant 3 : i32
    %dma_wait3A_1978 = arith.constant 3 : i32
    %dma_wait3A_1979 = arith.constant 0 : i32
    %dma_wait3A_1980 = arith.constant 0 : i32
    %dma_wait3A_1981 = tpu.memref_slice %arg4[%dma_wait3A_1977, %dma_wait3A_1979, %dma_wait3A_1980] : memref<4x4x4096xf32, #tpu.memory_space<vmem>> -> memref<1x4x4096xf32, #tpu.memory_space<vmem>>
    %dma_wait3A_1982 = tpu.memref_squeeze %dma_wait3A_1981 : memref<1x4x4096xf32, #tpu.memory_space<vmem>> -> memref<4x4096xf32, #tpu.memory_space<vmem>>
    %dma_wait3A_1983 = arith.constant 0 : i32
    %dma_wait3A_1984 = tpu.memref_slice %arg3[%add3A_1892, %dma_wait3A_1983] : memref<4096x4096xf32, #tpu.memory_space<hbm>> -> memref<4x4096xf32, #tpu.memory_space<hbm>>
    %dma_wait3A_1985 = tpu.memref_slice %arg6[%dma_wait3A_1978] : memref<4x!tpu.dma_semaphore, #tpu.memory_space<semaphore_mem>> -> memref<1x!tpu.dma_semaphore, #tpu.memory_space<semaphore_mem>>
    %dma_wait3A_1986 = tpu.memref_squeeze %dma_wait3A_1985 : memref<1x!tpu.dma_semaphore, #tpu.memory_space<semaphore_mem>> -> memref<!tpu.dma_semaphore, #tpu.memory_space<semaphore_mem>>
    %dma_wait3A_1987 = arith.constant 0 : i32
    %dma_wait3A_1988 = tpu.memref_slice %arg3[%add3A_1892, %dma_wait3A_1987] : memref<4096x4096xf32, #tpu.memory_space<hbm>> -> memref<4x4096xf32, #tpu.memory_space<hbm>>
    %dma_wait3A_1989 = arith.constant 0 : i32
    %dma_wait3A_1990 = arith.constant 0 : i32
    %dma_wait3A_1991 = tpu.memref_slice %arg4[%dma_wait3A_1977, %dma_wait3A_1989, %dma_wait3A_1990] : memref<4x4x4096xf32, #tpu.memory_space<vmem>> -> memref<1x4x4096xf32, #tpu.memory_space<vmem>>
    %dma_wait3A_1992 = tpu.memref_squeeze %dma_wait3A_1991 : memref<1x4x4096xf32, #tpu.memory_space<vmem>> -> memref<4x4096xf32, #tpu.memory_space<vmem>>
    tpu.wait_dma2 semaphore(%dma_wait3A_1986 : memref<!tpu.dma_semaphore, #tpu.memory_space<semaphore_mem>>) src(%dma_wait3A_1992 : memref<4x4096xf32, #tpu.memory_space<vmem>>) dst(%dma_wait3A_1988 : memref<4x4096xf32, #tpu.memory_space<hbm>>)
    %add3A_1993 = arith.constant 124 : i32
    %add3A_1994 = arith.addi %mul3A_2, %add3A_1993 : i32
    %dma_start3A_1995 = arith.constant 3 : i32
    %dma_start3A_1996 = arith.constant 3 : i32
    %dma_start3A_1997 = arith.constant 0 : i32
    %dma_start3A_1998 = arith.constant 0 : i32
    %dma_start3A_1999 = tpu.memref_slice %arg4[%dma_start3A_1995, %dma_start3A_1997, %dma_start3A_1998] : memref<4x4x4096xf32, #tpu.memory_space<vmem>> -> memref<1x4x4096xf32, #tpu.memory_space<vmem>>
    %dma_start3A_2000 = tpu.memref_squeeze %dma_start3A_1999 : memref<1x4x4096xf32, #tpu.memory_space<vmem>> -> memref<4x4096xf32, #tpu.memory_space<vmem>>
    %dma_start3A_2001 = arith.constant 0 : i32
    %dma_start3A_2002 = tpu.memref_slice %arg2[%add3A_1994, %dma_start3A_2001] : memref<4096x4096xf32, #tpu.memory_space<hbm>> -> memref<4x4096xf32, #tpu.memory_space<hbm>>
    %dma_start3A_2003 = tpu.memref_slice %arg5[%dma_start3A_1996] : memref<4x!tpu.dma_semaphore, #tpu.memory_space<semaphore_mem>> -> memref<1x!tpu.dma_semaphore, #tpu.memory_space<semaphore_mem>>
    %dma_start3A_2004 = tpu.memref_squeeze %dma_start3A_2003 : memref<1x!tpu.dma_semaphore, #tpu.memory_space<semaphore_mem>> -> memref<!tpu.dma_semaphore, #tpu.memory_space<semaphore_mem>>
    %dma_start3A_2005 = arith.constant 0 : i32
    %dma_start3A_2006 = arith.constant 0 : i32
    %dma_start3A_2007 = tpu.memref_slice %arg4[%dma_start3A_1995, %dma_start3A_2005, %dma_start3A_2006] : memref<4x4x4096xf32, #tpu.memory_space<vmem>> -> memref<1x4x4096xf32, #tpu.memory_space<vmem>>
    %dma_start3A_2008 = tpu.memref_squeeze %dma_start3A_2007 : memref<1x4x4096xf32, #tpu.memory_space<vmem>> -> memref<4x4096xf32, #tpu.memory_space<vmem>>
    %dma_start3A_2009 = arith.constant 0 : i32
    %dma_start3A_2010 = tpu.memref_slice %arg2[%add3A_1994, %dma_start3A_2009] : memref<4096x4096xf32, #tpu.memory_space<hbm>> -> memref<4x4096xf32, #tpu.memory_space<hbm>>
    tpu.enqueue_dma source(%dma_start3A_2010 : memref<4x4096xf32, #tpu.memory_space<hbm>>) target(%dma_start3A_2008 : memref<4x4096xf32, #tpu.memory_space<vmem>>) target_semaphore(%dma_start3A_2004 : memref<!tpu.dma_semaphore, #tpu.memory_space<semaphore_mem>>)
    %dma_wait3A_2011 = arith.constant 1 : i32
    %dma_wait3A_2012 = arith.constant 1 : i32
    %dma_wait3A_2013 = arith.constant 0 : i32
    %dma_wait3A_2014 = arith.constant 0 : i32
    %dma_wait3A_2015 = tpu.memref_slice %arg4[%dma_wait3A_2011, %dma_wait3A_2013, %dma_wait3A_2014] : memref<4x4x4096xf32, #tpu.memory_space<vmem>> -> memref<1x4x4096xf32, #tpu.memory_space<vmem>>
    %dma_wait3A_2016 = tpu.memref_squeeze %dma_wait3A_2015 : memref<1x4x4096xf32, #tpu.memory_space<vmem>> -> memref<4x4096xf32, #tpu.memory_space<vmem>>
    %dma_wait3A_2017 = arith.constant 0 : i32
    %dma_wait3A_2018 = tpu.memref_slice %arg2[%add3A_1858, %dma_wait3A_2017] : memref<4096x4096xf32, #tpu.memory_space<hbm>> -> memref<4x4096xf32, #tpu.memory_space<hbm>>
    %dma_wait3A_2019 = tpu.memref_slice %arg5[%dma_wait3A_2012] : memref<4x!tpu.dma_semaphore, #tpu.memory_space<semaphore_mem>> -> memref<1x!tpu.dma_semaphore, #tpu.memory_space<semaphore_mem>>
    %dma_wait3A_2020 = tpu.memref_squeeze %dma_wait3A_2019 : memref<1x!tpu.dma_semaphore, #tpu.memory_space<semaphore_mem>> -> memref<!tpu.dma_semaphore, #tpu.memory_space<semaphore_mem>>
    %dma_wait3A_2021 = arith.constant 0 : i32
    %dma_wait3A_2022 = arith.constant 0 : i32
    %dma_wait3A_2023 = tpu.memref_slice %arg4[%dma_wait3A_2011, %dma_wait3A_2021, %dma_wait3A_2022] : memref<4x4x4096xf32, #tpu.memory_space<vmem>> -> memref<1x4x4096xf32, #tpu.memory_space<vmem>>
    %dma_wait3A_2024 = tpu.memref_squeeze %dma_wait3A_2023 : memref<1x4x4096xf32, #tpu.memory_space<vmem>> -> memref<4x4096xf32, #tpu.memory_space<vmem>>
    %dma_wait3A_2025 = arith.constant 0 : i32
    %dma_wait3A_2026 = tpu.memref_slice %arg2[%add3A_1858, %dma_wait3A_2025] : memref<4096x4096xf32, #tpu.memory_space<hbm>> -> memref<4x4096xf32, #tpu.memory_space<hbm>>
    tpu.wait_dma2 semaphore(%dma_wait3A_2020 : memref<!tpu.dma_semaphore, #tpu.memory_space<semaphore_mem>>) src(%dma_wait3A_2026 : memref<4x4096xf32, #tpu.memory_space<hbm>>) dst(%dma_wait3A_2024 : memref<4x4096xf32, #tpu.memory_space<vmem>>)
    %add3A_2027 = arith.constant 116 : i32
    %add3A_2028 = arith.addi %mul3A_2, %add3A_2027 : i32
    %dma_start3A_2029 = arith.constant 1 : i32
    %dma_start3A_2030 = arith.constant 1 : i32
    %dma_start3A_2031 = arith.constant 0 : i32
    %dma_start3A_2032 = arith.constant 0 : i32
    %dma_start3A_2033 = tpu.memref_slice %arg4[%dma_start3A_2029, %dma_start3A_2031, %dma_start3A_2032] : memref<4x4x4096xf32, #tpu.memory_space<vmem>> -> memref<1x4x4096xf32, #tpu.memory_space<vmem>>
    %dma_start3A_2034 = tpu.memref_squeeze %dma_start3A_2033 : memref<1x4x4096xf32, #tpu.memory_space<vmem>> -> memref<4x4096xf32, #tpu.memory_space<vmem>>
    %dma_start3A_2035 = arith.constant 0 : i32
    %dma_start3A_2036 = tpu.memref_slice %arg3[%add3A_2028, %dma_start3A_2035] : memref<4096x4096xf32, #tpu.memory_space<hbm>> -> memref<4x4096xf32, #tpu.memory_space<hbm>>
    %dma_start3A_2037 = tpu.memref_slice %arg6[%dma_start3A_2030] : memref<4x!tpu.dma_semaphore, #tpu.memory_space<semaphore_mem>> -> memref<1x!tpu.dma_semaphore, #tpu.memory_space<semaphore_mem>>
    %dma_start3A_2038 = tpu.memref_squeeze %dma_start3A_2037 : memref<1x!tpu.dma_semaphore, #tpu.memory_space<semaphore_mem>> -> memref<!tpu.dma_semaphore, #tpu.memory_space<semaphore_mem>>
    %dma_start3A_2039 = arith.constant 0 : i32
    %dma_start3A_2040 = tpu.memref_slice %arg3[%add3A_2028, %dma_start3A_2039] : memref<4096x4096xf32, #tpu.memory_space<hbm>> -> memref<4x4096xf32, #tpu.memory_space<hbm>>
    %dma_start3A_2041 = arith.constant 0 : i32
    %dma_start3A_2042 = arith.constant 0 : i32
    %dma_start3A_2043 = tpu.memref_slice %arg4[%dma_start3A_2029, %dma_start3A_2041, %dma_start3A_2042] : memref<4x4x4096xf32, #tpu.memory_space<vmem>> -> memref<1x4x4096xf32, #tpu.memory_space<vmem>>
    %dma_start3A_2044 = tpu.memref_squeeze %dma_start3A_2043 : memref<1x4x4096xf32, #tpu.memory_space<vmem>> -> memref<4x4096xf32, #tpu.memory_space<vmem>>
    tpu.enqueue_dma source(%dma_start3A_2044 : memref<4x4096xf32, #tpu.memory_space<vmem>>) target(%dma_start3A_2040 : memref<4x4096xf32, #tpu.memory_space<hbm>>) target_semaphore(%dma_start3A_2038 : memref<!tpu.dma_semaphore, #tpu.memory_space<semaphore_mem>>)
    %dma_wait3A_2045 = arith.constant 2 : i32
    %dma_wait3A_2046 = arith.constant 2 : i32
    %dma_wait3A_2047 = arith.constant 0 : i32
    %dma_wait3A_2048 = arith.constant 0 : i32
    %dma_wait3A_2049 = tpu.memref_slice %arg4[%dma_wait3A_2045, %dma_wait3A_2047, %dma_wait3A_2048] : memref<4x4x4096xf32, #tpu.memory_space<vmem>> -> memref<1x4x4096xf32, #tpu.memory_space<vmem>>
    %dma_wait3A_2050 = tpu.memref_squeeze %dma_wait3A_2049 : memref<1x4x4096xf32, #tpu.memory_space<vmem>> -> memref<4x4096xf32, #tpu.memory_space<vmem>>
    %dma_wait3A_2051 = arith.constant 0 : i32
    %dma_wait3A_2052 = tpu.memref_slice %arg2[%add3A_1926, %dma_wait3A_2051] : memref<4096x4096xf32, #tpu.memory_space<hbm>> -> memref<4x4096xf32, #tpu.memory_space<hbm>>
    %dma_wait3A_2053 = tpu.memref_slice %arg5[%dma_wait3A_2046] : memref<4x!tpu.dma_semaphore, #tpu.memory_space<semaphore_mem>> -> memref<1x!tpu.dma_semaphore, #tpu.memory_space<semaphore_mem>>
    %dma_wait3A_2054 = tpu.memref_squeeze %dma_wait3A_2053 : memref<1x!tpu.dma_semaphore, #tpu.memory_space<semaphore_mem>> -> memref<!tpu.dma_semaphore, #tpu.memory_space<semaphore_mem>>
    %dma_wait3A_2055 = arith.constant 0 : i32
    %dma_wait3A_2056 = arith.constant 0 : i32
    %dma_wait3A_2057 = tpu.memref_slice %arg4[%dma_wait3A_2045, %dma_wait3A_2055, %dma_wait3A_2056] : memref<4x4x4096xf32, #tpu.memory_space<vmem>> -> memref<1x4x4096xf32, #tpu.memory_space<vmem>>
    %dma_wait3A_2058 = tpu.memref_squeeze %dma_wait3A_2057 : memref<1x4x4096xf32, #tpu.memory_space<vmem>> -> memref<4x4096xf32, #tpu.memory_space<vmem>>
    %dma_wait3A_2059 = arith.constant 0 : i32
    %dma_wait3A_2060 = tpu.memref_slice %arg2[%add3A_1926, %dma_wait3A_2059] : memref<4096x4096xf32, #tpu.memory_space<hbm>> -> memref<4x4096xf32, #tpu.memory_space<hbm>>
    tpu.wait_dma2 semaphore(%dma_wait3A_2054 : memref<!tpu.dma_semaphore, #tpu.memory_space<semaphore_mem>>) src(%dma_wait3A_2060 : memref<4x4096xf32, #tpu.memory_space<hbm>>) dst(%dma_wait3A_2058 : memref<4x4096xf32, #tpu.memory_space<vmem>>)
    %add3A_2061 = arith.constant 120 : i32
    %add3A_2062 = arith.addi %mul3A_2, %add3A_2061 : i32
    %dma_start3A_2063 = arith.constant 2 : i32
    %dma_start3A_2064 = arith.constant 2 : i32
    %dma_start3A_2065 = arith.constant 0 : i32
    %dma_start3A_2066 = arith.constant 0 : i32
    %dma_start3A_2067 = tpu.memref_slice %arg4[%dma_start3A_2063, %dma_start3A_2065, %dma_start3A_2066] : memref<4x4x4096xf32, #tpu.memory_space<vmem>> -> memref<1x4x4096xf32, #tpu.memory_space<vmem>>
    %dma_start3A_2068 = tpu.memref_squeeze %dma_start3A_2067 : memref<1x4x4096xf32, #tpu.memory_space<vmem>> -> memref<4x4096xf32, #tpu.memory_space<vmem>>
    %dma_start3A_2069 = arith.constant 0 : i32
    %dma_start3A_2070 = tpu.memref_slice %arg3[%add3A_2062, %dma_start3A_2069] : memref<4096x4096xf32, #tpu.memory_space<hbm>> -> memref<4x4096xf32, #tpu.memory_space<hbm>>
    %dma_start3A_2071 = tpu.memref_slice %arg6[%dma_start3A_2064] : memref<4x!tpu.dma_semaphore, #tpu.memory_space<semaphore_mem>> -> memref<1x!tpu.dma_semaphore, #tpu.memory_space<semaphore_mem>>
    %dma_start3A_2072 = tpu.memref_squeeze %dma_start3A_2071 : memref<1x!tpu.dma_semaphore, #tpu.memory_space<semaphore_mem>> -> memref<!tpu.dma_semaphore, #tpu.memory_space<semaphore_mem>>
    %dma_start3A_2073 = arith.constant 0 : i32
    %dma_start3A_2074 = tpu.memref_slice %arg3[%add3A_2062, %dma_start3A_2073] : memref<4096x4096xf32, #tpu.memory_space<hbm>> -> memref<4x4096xf32, #tpu.memory_space<hbm>>
    %dma_start3A_2075 = arith.constant 0 : i32
    %dma_start3A_2076 = arith.constant 0 : i32
    %dma_start3A_2077 = tpu.memref_slice %arg4[%dma_start3A_2063, %dma_start3A_2075, %dma_start3A_2076] : memref<4x4x4096xf32, #tpu.memory_space<vmem>> -> memref<1x4x4096xf32, #tpu.memory_space<vmem>>
    %dma_start3A_2078 = tpu.memref_squeeze %dma_start3A_2077 : memref<1x4x4096xf32, #tpu.memory_space<vmem>> -> memref<4x4096xf32, #tpu.memory_space<vmem>>
    tpu.enqueue_dma source(%dma_start3A_2078 : memref<4x4096xf32, #tpu.memory_space<vmem>>) target(%dma_start3A_2074 : memref<4x4096xf32, #tpu.memory_space<hbm>>) target_semaphore(%dma_start3A_2072 : memref<!tpu.dma_semaphore, #tpu.memory_space<semaphore_mem>>)
    %dma_wait3A_2079 = arith.constant 3 : i32
    %dma_wait3A_2080 = arith.constant 3 : i32
    %dma_wait3A_2081 = arith.constant 0 : i32
    %dma_wait3A_2082 = arith.constant 0 : i32
    %dma_wait3A_2083 = tpu.memref_slice %arg4[%dma_wait3A_2079, %dma_wait3A_2081, %dma_wait3A_2082] : memref<4x4x4096xf32, #tpu.memory_space<vmem>> -> memref<1x4x4096xf32, #tpu.memory_space<vmem>>
    %dma_wait3A_2084 = tpu.memref_squeeze %dma_wait3A_2083 : memref<1x4x4096xf32, #tpu.memory_space<vmem>> -> memref<4x4096xf32, #tpu.memory_space<vmem>>
    %dma_wait3A_2085 = arith.constant 0 : i32
    %dma_wait3A_2086 = tpu.memref_slice %arg2[%add3A_1994, %dma_wait3A_2085] : memref<4096x4096xf32, #tpu.memory_space<hbm>> -> memref<4x4096xf32, #tpu.memory_space<hbm>>
    %dma_wait3A_2087 = tpu.memref_slice %arg5[%dma_wait3A_2080] : memref<4x!tpu.dma_semaphore, #tpu.memory_space<semaphore_mem>> -> memref<1x!tpu.dma_semaphore, #tpu.memory_space<semaphore_mem>>
    %dma_wait3A_2088 = tpu.memref_squeeze %dma_wait3A_2087 : memref<1x!tpu.dma_semaphore, #tpu.memory_space<semaphore_mem>> -> memref<!tpu.dma_semaphore, #tpu.memory_space<semaphore_mem>>
    %dma_wait3A_2089 = arith.constant 0 : i32
    %dma_wait3A_2090 = arith.constant 0 : i32
    %dma_wait3A_2091 = tpu.memref_slice %arg4[%dma_wait3A_2079, %dma_wait3A_2089, %dma_wait3A_2090] : memref<4x4x4096xf32, #tpu.memory_space<vmem>> -> memref<1x4x4096xf32, #tpu.memory_space<vmem>>
    %dma_wait3A_2092 = tpu.memref_squeeze %dma_wait3A_2091 : memref<1x4x4096xf32, #tpu.memory_space<vmem>> -> memref<4x4096xf32, #tpu.memory_space<vmem>>
    %dma_wait3A_2093 = arith.constant 0 : i32
    %dma_wait3A_2094 = tpu.memref_slice %arg2[%add3A_1994, %dma_wait3A_2093] : memref<4096x4096xf32, #tpu.memory_space<hbm>> -> memref<4x4096xf32, #tpu.memory_space<hbm>>
    tpu.wait_dma2 semaphore(%dma_wait3A_2088 : memref<!tpu.dma_semaphore, #tpu.memory_space<semaphore_mem>>) src(%dma_wait3A_2094 : memref<4x4096xf32, #tpu.memory_space<hbm>>) dst(%dma_wait3A_2092 : memref<4x4096xf32, #tpu.memory_space<vmem>>)
    %add3A_2095 = arith.constant 124 : i32
    %add3A_2096 = arith.addi %mul3A_2, %add3A_2095 : i32
    %dma_start3A_2097 = arith.constant 3 : i32
    %dma_start3A_2098 = arith.constant 3 : i32
    %dma_start3A_2099 = arith.constant 0 : i32
    %dma_start3A_2100 = arith.constant 0 : i32
    %dma_start3A_2101 = tpu.memref_slice %arg4[%dma_start3A_2097, %dma_start3A_2099, %dma_start3A_2100] : memref<4x4x4096xf32, #tpu.memory_space<vmem>> -> memref<1x4x4096xf32, #tpu.memory_space<vmem>>
    %dma_start3A_2102 = tpu.memref_squeeze %dma_start3A_2101 : memref<1x4x4096xf32, #tpu.memory_space<vmem>> -> memref<4x4096xf32, #tpu.memory_space<vmem>>
    %dma_start3A_2103 = arith.constant 0 : i32
    %dma_start3A_2104 = tpu.memref_slice %arg3[%add3A_2096, %dma_start3A_2103] : memref<4096x4096xf32, #tpu.memory_space<hbm>> -> memref<4x4096xf32, #tpu.memory_space<hbm>>
    %dma_start3A_2105 = tpu.memref_slice %arg6[%dma_start3A_2098] : memref<4x!tpu.dma_semaphore, #tpu.memory_space<semaphore_mem>> -> memref<1x!tpu.dma_semaphore, #tpu.memory_space<semaphore_mem>>
    %dma_start3A_2106 = tpu.memref_squeeze %dma_start3A_2105 : memref<1x!tpu.dma_semaphore, #tpu.memory_space<semaphore_mem>> -> memref<!tpu.dma_semaphore, #tpu.memory_space<semaphore_mem>>
    %dma_start3A_2107 = arith.constant 0 : i32
    %dma_start3A_2108 = tpu.memref_slice %arg3[%add3A_2096, %dma_start3A_2107] : memref<4096x4096xf32, #tpu.memory_space<hbm>> -> memref<4x4096xf32, #tpu.memory_space<hbm>>
    %dma_start3A_2109 = arith.constant 0 : i32
    %dma_start3A_2110 = arith.constant 0 : i32
    %dma_start3A_2111 = tpu.memref_slice %arg4[%dma_start3A_2097, %dma_start3A_2109, %dma_start3A_2110] : memref<4x4x4096xf32, #tpu.memory_space<vmem>> -> memref<1x4x4096xf32, #tpu.memory_space<vmem>>
    %dma_start3A_2112 = tpu.memref_squeeze %dma_start3A_2111 : memref<1x4x4096xf32, #tpu.memory_space<vmem>> -> memref<4x4096xf32, #tpu.memory_space<vmem>>
    tpu.enqueue_dma source(%dma_start3A_2112 : memref<4x4096xf32, #tpu.memory_space<vmem>>) target(%dma_start3A_2108 : memref<4x4096xf32, #tpu.memory_space<hbm>>) target_semaphore(%dma_start3A_2106 : memref<!tpu.dma_semaphore, #tpu.memory_space<semaphore_mem>>)
    %dma_wait3A_2113 = arith.constant 2 : i32
    %dma_wait3A_2114 = arith.constant 2 : i32
    %dma_wait3A_2115 = arith.constant 0 : i32
    %dma_wait3A_2116 = arith.constant 0 : i32
    %dma_wait3A_2117 = tpu.memref_slice %arg4[%dma_wait3A_2113, %dma_wait3A_2115, %dma_wait3A_2116] : memref<4x4x4096xf32, #tpu.memory_space<vmem>> -> memref<1x4x4096xf32, #tpu.memory_space<vmem>>
    %dma_wait3A_2118 = tpu.memref_squeeze %dma_wait3A_2117 : memref<1x4x4096xf32, #tpu.memory_space<vmem>> -> memref<4x4096xf32, #tpu.memory_space<vmem>>
    %dma_wait3A_2119 = arith.constant 0 : i32
    %dma_wait3A_2120 = tpu.memref_slice %arg3[%add3A_2062, %dma_wait3A_2119] : memref<4096x4096xf32, #tpu.memory_space<hbm>> -> memref<4x4096xf32, #tpu.memory_space<hbm>>
    %dma_wait3A_2121 = tpu.memref_slice %arg6[%dma_wait3A_2114] : memref<4x!tpu.dma_semaphore, #tpu.memory_space<semaphore_mem>> -> memref<1x!tpu.dma_semaphore, #tpu.memory_space<semaphore_mem>>
    %dma_wait3A_2122 = tpu.memref_squeeze %dma_wait3A_2121 : memref<1x!tpu.dma_semaphore, #tpu.memory_space<semaphore_mem>> -> memref<!tpu.dma_semaphore, #tpu.memory_space<semaphore_mem>>
    %dma_wait3A_2123 = arith.constant 0 : i32
    %dma_wait3A_2124 = tpu.memref_slice %arg3[%add3A_2062, %dma_wait3A_2123] : memref<4096x4096xf32, #tpu.memory_space<hbm>> -> memref<4x4096xf32, #tpu.memory_space<hbm>>
    %dma_wait3A_2125 = arith.constant 0 : i32
    %dma_wait3A_2126 = arith.constant 0 : i32
    %dma_wait3A_2127 = tpu.memref_slice %arg4[%dma_wait3A_2113, %dma_wait3A_2125, %dma_wait3A_2126] : memref<4x4x4096xf32, #tpu.memory_space<vmem>> -> memref<1x4x4096xf32, #tpu.memory_space<vmem>>
    %dma_wait3A_2128 = tpu.memref_squeeze %dma_wait3A_2127 : memref<1x4x4096xf32, #tpu.memory_space<vmem>> -> memref<4x4096xf32, #tpu.memory_space<vmem>>
    tpu.wait_dma2 semaphore(%dma_wait3A_2122 : memref<!tpu.dma_semaphore, #tpu.memory_space<semaphore_mem>>) src(%dma_wait3A_2128 : memref<4x4096xf32, #tpu.memory_space<vmem>>) dst(%dma_wait3A_2124 : memref<4x4096xf32, #tpu.memory_space<hbm>>)
    %dma_wait3A_2129 = arith.constant 3 : i32
    %dma_wait3A_2130 = arith.constant 3 : i32
    %dma_wait3A_2131 = arith.constant 0 : i32
    %dma_wait3A_2132 = arith.constant 0 : i32
    %dma_wait3A_2133 = tpu.memref_slice %arg4[%dma_wait3A_2129, %dma_wait3A_2131, %dma_wait3A_2132] : memref<4x4x4096xf32, #tpu.memory_space<vmem>> -> memref<1x4x4096xf32, #tpu.memory_space<vmem>>
    %dma_wait3A_2134 = tpu.memref_squeeze %dma_wait3A_2133 : memref<1x4x4096xf32, #tpu.memory_space<vmem>> -> memref<4x4096xf32, #tpu.memory_space<vmem>>
    %dma_wait3A_2135 = arith.constant 0 : i32
    %dma_wait3A_2136 = tpu.memref_slice %arg3[%add3A_2096, %dma_wait3A_2135] : memref<4096x4096xf32, #tpu.memory_space<hbm>> -> memref<4x4096xf32, #tpu.memory_space<hbm>>
    %dma_wait3A_2137 = tpu.memref_slice %arg6[%dma_wait3A_2130] : memref<4x!tpu.dma_semaphore, #tpu.memory_space<semaphore_mem>> -> memref<1x!tpu.dma_semaphore, #tpu.memory_space<semaphore_mem>>
    %dma_wait3A_2138 = tpu.memref_squeeze %dma_wait3A_2137 : memref<1x!tpu.dma_semaphore, #tpu.memory_space<semaphore_mem>> -> memref<!tpu.dma_semaphore, #tpu.memory_space<semaphore_mem>>
    %dma_wait3A_2139 = arith.constant 0 : i32
    %dma_wait3A_2140 = tpu.memref_slice %arg3[%add3A_2096, %dma_wait3A_2139] : memref<4096x4096xf32, #tpu.memory_space<hbm>> -> memref<4x4096xf32, #tpu.memory_space<hbm>>
    %dma_wait3A_2141 = arith.constant 0 : i32
    %dma_wait3A_2142 = arith.constant 0 : i32
    %dma_wait3A_2143 = tpu.memref_slice %arg4[%dma_wait3A_2129, %dma_wait3A_2141, %dma_wait3A_2142] : memref<4x4x4096xf32, #tpu.memory_space<vmem>> -> memref<1x4x4096xf32, #tpu.memory_space<vmem>>
    %dma_wait3A_2144 = tpu.memref_squeeze %dma_wait3A_2143 : memref<1x4x4096xf32, #tpu.memory_space<vmem>> -> memref<4x4096xf32, #tpu.memory_space<vmem>>
    tpu.wait_dma2 semaphore(%dma_wait3A_2138 : memref<!tpu.dma_semaphore, #tpu.memory_space<semaphore_mem>>) src(%dma_wait3A_2144 : memref<4x4096xf32, #tpu.memory_space<vmem>>) dst(%dma_wait3A_2140 : memref<4x4096xf32, #tpu.memory_space<hbm>>)
    return
  }
}

</mosaic_0001>

<sc_bundles>
// kernel: kernel.3.cloned.1.call-start
scs
__scs_entry_jumppad:
0x0: {  	(pc) =	sbr.rel $0x88, $3  }
0x1: {  	(tag) =	ssettag $0x0;
	lr =	simm.s32 $0x1  }
0x2: {  	[smem:$0x3FA0] =	sst lr;
	_ =	strace $0xD0000000  }
0x3: {  	_ = 	snop  }
0x4: {  	_ = 	snop  }
0x5: {  	_ = 	snop  }
0x6: {  	_ = 	snop  }
0x7: {  	_ = 	snop  }
__scs_overlays_trampoline_lowered:
0x8: {  	[smem:$0x3FAF] =	sst s0  }
0x9: {  	[smem:$0x3FB0] =	sst s1  }
0xa: {  	[smem:$0x3FB1] =	sst s2  }
0xb: {  	[smem:$0x3FB2] =	sst s3  }
0xc: {  	[smem:$0x3FB3] =	sst s4  }
0xd: {  	[smem:$0x3FB4] =	sst s5  }
0xe: {  	[smem:$0x3FB5] =	sst s6  }
0xf: {  	[smem:$0x3FB6] =	sst s7  }
0x10: {  	[smem:$0x3FB7] =	sst s8  }
0x11: {  	[smem:$0x3FB8] =	sst s9;
	s0 =	simm.s32 @!p0 $0x0  }
0x12: {  	s1 =	sld [smem:$0x3F9E];
	s0 =	simm.s32 @p0 $0x1  }
0x13: {  	[smem:$0x3FB9] =	sst s0;
	s0 =	simm.s32 @!p1 $0x0  }
0x14: {  	s2 =	sld [smem:$0x3F9D];
	s0 =	simm.s32 @p1 $0x1  }
0x15: {  	[smem:$0x3FBA] =	sst s0;
	s0 =	simm.s32 @!p2 $0x0  }
0x16: {  	s3 =	sld [smem:$0x3FDB];
	s0 =	simm.s32 @p2 $0x1  }
0x17: {  	s4 =	simm.s32 $0x1BF5;
	[smem:$0x3FBC] =	sst s0  }
0x18: {  	s0 =	sld [smem:$0x3F9F];
	_ =	swait.ge [sflag:s4], $0x0  }
0x19: {  	s7 =	sld [smem:$0x3FA0]  }
0x1a: {  	s8 =	sadd.s32 $0xFFFFE003, lr  }
0x1b: {  	s9 =	sadd.s32 $0xFFFFFEF7, lr;
	s5 =	simm.s32 $0xFFFFFFFF;
	p2 =	slt.u32 s8, $0xFFFFF086  }
0x1c: {  	p1 =	slt.u32 s9, $0xF7A;
	s5 =	simm.s32 @!p2 $0x0  }
0x1d: {  	s5 =	simm.s32 @p1 $0x1;
	p0 =	seq.s32 s7, s2  }
0x1e: {  	s7 =	smul.u32 @!p0 $0xF7A, s2;
	p2 =	seq.s32 @!p0 s5, $0x0  }
0x1f: {  	s9 =	smul.u32 $0xF7A, s1;
	s8 =	simm.s32 @!p0 $0x1BF5;
	p2 =	por !p2, p0  }
0x20: {  	[sflag:s8] =	ssyncset.s32 @!p0 $0xFFFFF086;
	s6 =	sadd.s32 @!p0 s3, s7;
	s7 =	simm.s32 @!p0 $0x108  }
0x21: {  	s3 =	sadd.s32 s3, s9;
	s6 =	sadd.s32 @!p0 $0x88, s6;
	s7 =	simm.s32 @p2 $0x1082  }
0x22: {  	[simem:s7], [sflag:s8] =	dma.local @!p0 [hbm:s6], $0xF7A  }
0x23: {  	s9 =	sor.u32 $0xD0000000, s2;
	s6 =	simm.s32 $0x108;
	_ =	swait.ge @!p0 [sflag:s8], $0x0  }
0x24: {  	s3 =	sadd.s32 $0x88, s3;
	s6 =	simm.s32 @!p1 $0x1082;
	[sflag:s4] =	ssyncset.s32 $0xFFFFF086  }
0x25: {  	[simem:s6], [sflag:s4] =	dma.local [hbm:s3], $0xF7A  }
0x26: {  	[smem:$0x3FA0] =	sst s1;
	(tag) =	ssettag s2;
	_ =	strace s9  }
0x27: {  	s1 =	sld [smem:$0x3FB0]  }
0x28: {  	s2 =	sld [smem:$0x3FB1]  }
0x29: {  	s4 =	sld [smem:$0x3FB3]  }
0x2a: {  	p0 =	seq.s32 s5, $0x0;
	s5 =	sld [smem:$0x3FB4]  }
0x2b: {  	s6 =	sld [smem:$0x3FB5]  }
0x2c: {  	s7 =	sld [smem:$0x3FB6]  }
0x2d: {  	s3 =	simm.s32 $0x108;
	s8 =	sld [smem:$0x3FB7]  }
0x2e: {  	s3 =	simm.s32 @!p0 $0x1082;
	s9 =	sld [smem:$0x3FB8]  }
0x2f: {  	lr =	sadd.s32 s0, s3;
	s0 =	sld [smem:$0x3FAF]  }
0x30: {  	s3 =	sld [smem:$0x3FB2]  }
0x31: {  	[smem:$0x3FBB] =	sst s10  }
0x32: {  	s10 =	sld [smem:$0x3FB9];
	_ =	sdelay $0x3  }
0x33: {  	p0 =	seq.s32 s10, $0x1;
	s10 =	sld [smem:$0x3FBB];
	_ =	sdelay $0x3  }
0x34: {  	[smem:$0x3FBB] =	sst s10  }
0x35: {  	s10 =	sld [smem:$0x3FBA];
	_ =	sdelay $0x3  }
0x36: {  	p1 =	seq.s32 s10, $0x1;
	s10 =	sld [smem:$0x3FBB];
	_ =	sdelay $0x3  }
0x37: {  	[smem:$0x3FBB] =	sst s10  }
0x38: {  	s10 =	sld [smem:$0x3FBC]  }
0x39: {  	_ = 	snop;
	(pc) =	sbr.ind lr, $3  }
0x3a: {  	_ = 	snop  }
0x3b: {  	_ = 	snop  }
0x3c: {  	p2 =	seq.s32 s10, $0x1;
	s10 =	sld [smem:$0x3FBB]  }
0x3d: {  	_ =	shalt  }
0x3e: {  	_ =	shalt  }
0x3f: {  	_ =	shalt  }
0x40: {  	_ =	shalt  }
0x41: {  	_ =	shalt  }
0x42: {  	_ =	shalt  }
0x43: {  	_ =	shalt  }
0x44: {  	_ =	shalt  }
0x45: {  	_ =	shalt  }
0x46: {  	_ =	shalt  }
0x47: {  	_ =	shalt  }
0x48: {  	_ =	shalt  }
0x49: {  	_ =	shalt  }
0x4a: {  	_ =	shalt  }
0x4b: {  	_ =	shalt  }
0x4c: {  	_ =	shalt  }
0x4d: {  	_ =	shalt  }
0x4e: {  	_ =	shalt  }
0x4f: {  	_ =	shalt  }
0x50: {  	_ =	shalt  }
0x51: {  	_ =	shalt  }
0x52: {  	_ =	shalt  }
0x53: {  	_ =	shalt  }
0x54: {  	_ =	shalt  }
0x55: {  	_ =	shalt  }
0x56: {  	_ =	shalt  }
0x57: {  	_ =	shalt  }
0x58: {  	_ =	shalt  }
0x59: {  	_ =	shalt  }
0x5a: {  	_ =	shalt  }
0x5b: {  	_ =	shalt  }
0x5c: {  	_ =	shalt  }
0x5d: {  	_ =	shalt  }
0x5e: {  	_ =	shalt  }
0x5f: {  	_ =	shalt  }
0x60: {  	_ =	shalt  }
0x61: {  	_ =	shalt  }
0x62: {  	_ =	shalt  }
0x63: {  	_ =	shalt  }
0x64: {  	_ =	shalt  }
0x65: {  	_ =	shalt  }
0x66: {  	_ =	shalt  }
0x67: {  	_ =	shalt  }
0x68: {  	_ =	shalt  }
0x69: {  	_ =	shalt  }
0x6a: {  	_ =	shalt  }
0x6b: {  	_ =	shalt  }
0x6c: {  	_ =	shalt  }
0x6d: {  	_ =	shalt  }
0x6e: {  	_ =	shalt  }
0x6f: {  	_ =	shalt  }
0x70: {  	_ =	shalt  }
0x71: {  	_ =	shalt  }
0x72: {  	_ =	shalt  }
0x73: {  	_ =	shalt  }
0x74: {  	_ =	shalt  }
0x75: {  	_ =	shalt  }
0x76: {  	_ =	shalt  }
0x77: {  	_ =	shalt  }
0x78: {  	_ =	shalt  }
0x79: {  	_ =	shalt  }
0x7a: {  	_ =	shalt  }
0x7b: {  	_ =	shalt  }
0x7c: {  	_ =	shalt  }
0x7d: {  	_ =	shalt  }
0x7e: {  	_ =	shalt  }
0x7f: {  	_ =	shalt  }
0x80: {  	_ =	shalt  }
0x81: {  	_ =	shalt  }
0x82: {  	_ =	shalt  }
0x83: {  	_ =	shalt  }
0x84: {  	_ =	shalt  }
0x85: {  	_ =	shalt  }
0x86: {  	_ =	shalt  }
0x87: {  	_ =	shalt  }
.Lfunc_end0:
.L_simem_size_0:
called_computation_lowered:
.L_overlay_start_0:
0x88: {  	s2 =	sld [smem:$0x3FD9]  }
0x89: {  	s3 =	sld [smem:$0x3FFE];
	_ =	sdelay $0x1  }
0x8a: {  	s1 =	srdreg.scid  }
0x8b: {  	s0 =	sand.u32 $0x1, s1  }
0x8c: {  	s18 =	sshll.u32 s0, $0xA;
	s2 =	sadd.s32 s3, s2  }
0x8d: {  	s2 =	sadd.s32 s2, s18  }
0x8e: {  	[smem:$0x3FC7] =	sst s2  }
0x8f: {  	_ = 	snop  }
0x90: {  	s2 =	sld [smem:$0x3FC9]  }
0x91: {  	s19 =	sld [smem:$0x3FD0];
	(tm) =	ssettm $0x1  }
0x92: {  	s4 =	sld [smem:$0x3FFB];
	_ =	sdelay $0x3  }
0x93: {  	_ =	strace s4  }
0x94: {  	s4 =	sld [smem:$0x3FFC];
	_ =	sdelay $0x3  }
0x95: {  	_ =	strace s4  }
0x96: {  	s4 =	sld [smem:$0x3FFD];
	_ =	sdelay $0x3  }
0x97: {  	_ =	strace s4  }
0x98: {  	_ =	strace $0x8FFFFFFF  }
0x99: {  	s20 =	sld [smem:$0x3FDB];
	_ =	sdelay $0x1  }
0x9a: {  	s5 =	simm.s32 $_scs_section_size  }
0x9b: {  	s6 =	simm.s32 $_size__tile_overlayer_lowered;
	s7 =	simm.s32 $_tile_overlayer_lowered  }
0x9c: {  	s23 =	simm.s32 $0x1BFF;
	s22 =	sshll.u32 s7, $0x1;
	s4 =	sadd.s32 s5, s20  }
0x9d: {  	s8 =	simm.s32 $0x0;
	s21 =	sshll.u32 s6, $0x1;
	s6 =	sadd.s32 s22, s4  }
0x9e: {  	[timem:s8], [sflag:s23] =	dma.local [hbm:s6], s21  }
0x9f: {  	_ =	swait.ge [sflag:s23], s21  }
0xa0: {  	s5 =	ssub.s32 $0x0, s21;
	[sflag:s23] =	ssyncset.done $0x0  }
0xa1: {  	[sflag:s23] =	ssyncadd.s32 s5;
	_ =	sdelay $0x1  }
0xa2: {  	s24 =	simm.s32 $0x1B8B  }
0xa3: {  	_ =	swait.ge [sflag:s24], $0x1  }
0xa4: {  	[sflag:s24] =	ssyncset.done $0x0  }
0xa5: {  	s25 =	simm.s32 $0x1B8E;
	[sflag:s24] =	ssyncadd.s32 $0xFFFFFFFF  }
0xa6: {  	s26 =	simm.s32 $execute0_lowered;
	[smem:$0x3FD2] =	sst s25  }
0xa7: {  	s5 =	sshll.u32 s26, $0x1;
	_ =	strace $0x80000046;
	[dreg:$0x1] =	wrdreg $0xFFFFFFFF  }
0xa8: {  	s28 =	simm.s32 $_size_execute0_lowered;
	s4 =	sadd.s32 s4, s5;
	[dreg:$0x0] =	wrdreg $0x0  }
0xa9: {  	s5 =	sshll.u32 s28, $0x1;
	[dreg:$0x2] =	wrdreg s4  }
0xaa: {  	[dreg:$0x3] =	wrdreg s5  }
0xab: {  	[dreg:$0x4] =	wrdreg $0xC0  }
0xac: {  	_ =	task [dreg:s8], $0x5FFFF  }
0xad: {  	[dreg:$0x1] =	wrdreg $0xFFFFFFFF  }
0xae: {  	[dreg:$0x0] =	wrdreg $0x60  }
0xaf: {  	[dreg:$0x2] =	wrdreg s2  }
0xb0: {  	[dreg:$0x3] =	wrdreg s19  }
0xb1: {  	[dreg:$0x4] =	wrdreg $0x9  }
0xb2: {  	_ =	task.clear_ibuf [dreg:s8], $0x5FFFF;
	_ =	strace $0x90000046  }
0xb3: {  	s29 =	simm.s32 $0x9;
	_ =	strace $0x80000048  }
0xb4: {  	_ =	swait.ge [sflag:s29], $0x1  }
0xb5: {  	[sflag:s29] =	ssyncadd.s32 $0xFFFFFFFF  }
0xb6: {  	_ =	strace $0x90000048  }
0xb7: {  	_ =	sfence  }
0xb8: {  	s30 =	sld [smem:$0x0];
	_ =	sdelay $0x2  }
0xb9: {  	s31 =	sshll.u32 s1, $0xD;
	s1 =	sshrl.u32 s1, $0x2  }
0xba: {  	s3 =	sand.u32 $0x4000, s31;
	s1 =	sadd.s32 s1, s30  }
0xbb: {  	s0 =	sor.u32 s3, s0;
	s1 =	sshll.u32 s1, $0x11  }
0xbc: {  	s0 =	sor.u32 s1, s0  }
0xbd: {  	s0 =	sadd.s32 $0x8F2B, s0  }
0xbe: {  	[sflag:s0] =	ssyncadd.remote.s32 $0x1  }
0xbf: {  	_ =	sfence.sel $0xFFFF  }
0xc0: {  	[dreg:$0x0] =	wrdreg $0xFFFFFFFF;
	(pc) =	sbr.abs _section_cstart, $3  }
0xc1: {  	[dreg:$0x1] =	wrdreg $0xFFFFFFFF  }
0xc2: {  	_ =	task.clear_ibuf [dreg:s8], $0x2FFFF;
	_ =	strace $0x9FFFFFFF  }
0xc3: {  	(tm) =	ssettm $0x7FFFFFFF  }
tec
execute0_lowered:
.L_overlay_start_1:
0x0: {  	(tag) =	ssettag $0x1  }
0x1: {  	s1 =	srdreg.scid  }
0x2: {  	s3 =	rddreg [dreg:$0x0];
	s4 =	stileid.u32;
	s5 =	sand.u32 $0x1, s1  }
0x3: {  	s2 =	simm.s32 $0x0;
	s9 =	sshll.u32 s4, $0x11;
	s10 =	sshll.u32 s5, $0x10  }
0x4: {  	[smem:$0x7FF] =	sst s2;
	s4 =	sor.u32 s10, s9  }
0x5: {  	s0 =	rddreg [dreg:$0x1];
	_ =	strace $0x80000047;
	s1 =	sadd.s32 s3, s4  }
0x6: {  	s6 =	sor.u32 $0x40, s4;
	s13 =	sadd.s32 s0, s4;
	[dreg:$0x3] =	wrdreg s1  }
0x7: {  	s7 =	sor.u32 $0x1000, s4;
	s11 =	sadd.s32 s3, s6;
	[dreg:$0x6] =	wrdreg s13  }
0x8: {  	s8 =	sor.u32 $0x1040, s4;
	s12 =	sadd.s32 s3, s7;
	[dreg:$0x4] =	wrdreg s11  }
0x9: {  	s14 =	sadd.s32 s3, s8;
	[dreg:$0x5] =	wrdreg s12  }
0xa: {  	s16 =	sor.u32 $0x2000, s4;
	s15 =	sadd.s32 s0, s6;
	[dreg:$0x7] =	wrdreg s14  }
0xb: {  	s17 =	sadd.s32 s3, s16;
	[dreg:$0x8] =	wrdreg s15  }
0xc: {  	s19 =	sor.u32 $0x2040, s4;
	s18 =	sadd.s32 s0, s7;
	[dreg:$0x9] =	wrdreg s17  }
0xd: {  	s20 =	sadd.s32 s3, s19;
	[dreg:$0xa] =	wrdreg s18  }
0xe: {  	s22 =	sor.u32 $0x3000, s4;
	s21 =	sadd.s32 s0, s8;
	[dreg:$0xb] =	wrdreg s20  }
0xf: {  	s23 =	sadd.s32 s3, s22;
	[dreg:$0xc] =	wrdreg s21  }
0x10: {  	s25 =	sor.u32 $0x3040, s4;
	s24 =	sadd.s32 s0, s16;
	[dreg:$0xd] =	wrdreg s23  }
0x11: {  	s26 =	sadd.s32 s3, s25;
	[dreg:$0xe] =	wrdreg s24  }
0x12: {  	s9 =	sadd.s32 s0, s19;
	[dreg:$0xf] =	wrdreg s26  }
0x13: {  	s10 =	sor.u32 $0x4000, s4;
	[dreg:$0x10] =	wrdreg s9  }
0x14: {  	s11 =	sadd.s32 s3, s10;
	s1 =	rddreg [dreg:$0x3]  }
0x15: {  	s13 =	sor.u32 $0x4040, s4;
	s12 =	sadd.s32 s0, s22;
	[dreg:$0x11] =	wrdreg s11  }
0x16: {  	s14 =	sadd.s32 s3, s13;
	[dreg:$0x12] =	wrdreg s12  }
0x17: {  	s16 =	sor.u32 $0x5000, s4;
	s15 =	sadd.s32 s0, s25;
	[dreg:$0x13] =	wrdreg s14  }
0x18: {  	s17 =	sadd.s32 s3, s16;
	[dreg:$0x14] =	wrdreg s15  }
0x19: {  	s19 =	sor.u32 $0x5040, s4;
	s18 =	sadd.s32 s0, s10;
	[dreg:$0x15] =	wrdreg s17  }
0x1a: {  	s20 =	sadd.s32 s3, s19;
	[dreg:$0x16] =	wrdreg s18  }
0x1b: {  	s21 =	sadd.s32 s0, s13;
	[dreg:$0x17] =	wrdreg s20  }
0x1c: {  	p0 =	por $0x0, $0x0;
	s24 =	sadd.s32 s0, s16;
	[dreg:$0x18] =	wrdreg s21  }
0x1d: {  	s22 =	sor.u32 $0x6000, s4;
	s9 =	sadd.s32 s0, s19;
	[dreg:$0x1a] =	wrdreg s24  }
0x1e: {  	s25 =	sor.u32 $0x6040, s4;
	s23 =	sadd.s32 s3, s22;
	[dreg:$0x1c] =	wrdreg s9  }
0x1f: {  	s10 =	sor.u32 $0x7000, s4;
	s26 =	sadd.s32 s3, s25;
	[dreg:$0x19] =	wrdreg s23  }
0x20: {  	s31 =	simm.s32 $0x5;
	s11 =	sadd.s32 s3, s10;
	[dreg:$0x1b] =	wrdreg s26  }
0x21: {  	s13 =	sor.u32 $0x7040, s4;
	s12 =	sadd.s32 s0, s22;
	[dreg:$0x1d] =	wrdreg s11  }
0x22: {  	s30 =	simm.s32 $0x6;
	s14 =	sadd.s32 s3, s13;
	[dreg:$0x1e] =	wrdreg s12  }
0x23: {  	s16 =	sor.u32 $0x8000, s4;
	s15 =	sadd.s32 s0, s25;
	[dreg:$0x1f] =	wrdreg s14  }
0x24: {  	s5 =	ssub.s32 $0x2, s5;
	s17 =	sadd.s32 s3, s16;
	[smem:$0x7EA] =	sst s15  }
0x25: {  	s19 =	sor.u32 $0x8040, s4;
	s18 =	sadd.s32 s0, s10;
	[smem:$0x7EB] =	sst s17  }
0x26: {  	s6 =	simm.s32 $0x400;
	s20 =	sadd.s32 s3, s19;
	[smem:$0x7EC] =	sst s18  }
0x27: {  	s8 =	simm.s32 $0xC000;
	s21 =	sadd.s32 s0, s13;
	[smem:$0x7ED] =	sst s20  }
0x28: {  	s22 =	sor.u32 $0x9000, s4;
	s24 =	sadd.s32 s0, s16;
	[smem:$0x7EE] =	sst s21  }
0x29: {  	s25 =	sor.u32 $0x9040, s4;
	s7 =	sadd.s32 s0, s19;
	[smem:$0x7F0] =	sst s24  }
0x2a: {  	s9 =	sor.u32 $0xA000, s4;
	s23 =	sadd.s32 s3, s22;
	[smem:$0x7F2] =	sst s7  }
0x2b: {  	s26 =	sadd.s32 s3, s25;
	s10 =	sadd.s32 s3, s9;
	[smem:$0x7EF] =	sst s23  }
0x2c: {  	s11 =	sadd.s32 s0, s22;
	s12 =	sor.u32 $0xA040, s4;
	[smem:$0x7F1] =	sst s26  }
0x2d: {  	s14 =	sadd.s32 s0, s25;
	s15 =	sor.u32 $0xB000, s4;
	[smem:$0x7F3] =	sst s10  }
0x2e: {  	s17 =	sadd.s32 s0, s9;
	s18 =	sor.u32 $0xB040, s4;
	[smem:$0x7F4] =	sst s11  }
0x2f: {  	s21 =	sor.u32 $0xC000, s4;
	s24 =	sor.u32 $0xC040, s4;
	[smem:$0x7F6] =	sst s14  }
0x30: {  	s9 =	sshrl.u32 s5, $0x1;
	s13 =	sadd.s32 s3, s12;
	[smem:$0x7F8] =	sst s17  }
0x31: {  	s16 =	sadd.s32 s3, s15;
	s19 =	sadd.s32 s3, s18;
	[smem:$0x7F5] =	sst s13  }
0x32: {  	s20 =	sadd.s32 s0, s12;
	s22 =	sadd.s32 s3, s21;
	[smem:$0x7F7] =	sst s16  }
0x33: {  	s23 =	sadd.s32 s0, s15;
	s11 =	sadd.s32 s3, s24;
	[smem:$0x7F9] =	sst s19  }
0x34: {  	s10 =	ssub.s32 s5, s9;
	s29 =	sadd.s32 s0, s18;
	[smem:$0x7FA] =	sst s20  }
0x35: {  	s12 =	sor.u32 $0xD000, s4;
	s26 =	sadd.s32 s0, s21;
	[smem:$0x7FB] =	sst s22  }
0x36: {  	s24 =	sadd.s32 s0, s24;
	s14 =	sor.u32 $0xE000, s4;
	[smem:$0x7FC] =	sst s23  }
0x37: {  	s17 =	sor.u32 $0xE040, s4;
	s18 =	sor.u32 $0xF000, s4;
	[smem:$0x7FD] =	sst s11  }
0x38: {  	s13 =	sor.u32 $0xD040, s4;
	s28 =	sadd.s32 s3, s12;
	s23 =	sadd.s32 s3, s14  }
0x39: {  	s21 =	sadd.s32 s0, s12;
	s20 =	sadd.s32 s3, s17;
	s4 =	sor.u32 $0xF040, s4  }
0x3a: {  	s15 =	sadd.s32 s3, s18;
	s12 =	sadd.s32 s0, s14;
	s19 =	smax.u32 s10, $0x1  }
0x3b: {  	s7 =	sadd.s32 s0, s17;
	s5 =	sadd.s32 s0, s18;
	p1 =	sne.s32 s19, $0x1  }
.Ltmp0:
0x3c: {  	s10 =	simm.s32 $0x8000;
	s22 =	simm.s32 $0x1;
	(pc) =	sbr.rel @!p1 .LBB2_3-.Ltmp0, $4  }
0x3d: {  	s18 =	simm.s32 $0x2;
	s17 =	simm.s32 $0x4;
	s14 =	simm.s32 $0x7  }
0x3e: {  	s11 =	simm.s32 $0x8;
	s25 =	sadd.s32 s3, s13;
	s16 =	sadd.s32 s0, s13  }
0x3f: {  	s9 =	sadd.s32 s3, s4;
	s3 =	sadd.s32 s0, s4;
	s4 =	simm.s32 $0x200  }
0x40: {  	s13 =	simm.s32 $0x4000;
	s0 =	sadd.s32 $0xFFFFFFFF, s19;
	s19 =	simm.s32 $0x3  }
0x41: {  	[smem:$0x7E9] =	sst s0  }
0x42: {  	[tilespmem:s2], [sflag:$0x1] =	stream.strided.gather [hbm4b:s1+s4], $0x4000, s6, s4, $0x38;
	[tilespmem:$0x10000] =	vst v63  }
0x43: {  	s0 =	rddreg [dreg:$0x4]  }
0x44: {  	[tilespmem:s13], [sflag:$0x2] =	stream.strided.gather [hbm4b:s0+s4], $0x4000, s6, s4, $0x38;
	[tilespmem:$0x10000] =	vst v63  }
0x45: {  	s1 =	rddreg [dreg:$0x5]  }
0x46: {  	[tilespmem:s10], [sflag:$0x3] =	stream.strided.gather [hbm4b:s1+s4], $0x4000, s6, s4, $0x38;
	[tilespmem:$0x10000] =	vst v63  }
0x47: {  	_ =	swait.ge [sflag:s22], $0x4000  }
0x48: {  	[sflag:s22] =	ssyncset.done $0x0  }
0x49: {  	s0 =	rddreg [dreg:$0x6];
	[sflag:s22] =	ssyncadd.s32 $0xFFFFC000  }
0x4a: {  	[hbm4b:s0+s4] =	stream.strided.scatter [tilespmem:s2], [sflag:$0x5], $0x4000, s6, s4, $0x38;
	[tilespmem:$0x10000] =	vst v63  }
0x4b: {  	s1 =	rddreg [dreg:$0x7]  }
0x4c: {  	[tilespmem:s8], [sflag:$0x4] =	stream.strided.gather [hbm4b:s1+s4], $0x4000, s6, s4, $0x38;
	[tilespmem:$0x10000] =	vst v63  }
0x4d: {  	_ =	swait.ge [sflag:s18], $0x4000  }
0x4e: {  	[sflag:s18] =	ssyncset.done $0x0  }
0x4f: {  	s1 =	rddreg [dreg:$0x8];
	[sflag:s18] =	ssyncadd.s32 $0xFFFFC000  }
0x50: {  	[hbm4b:s1+s4] =	stream.strided.scatter [tilespmem:s13], [sflag:$0x6], $0x4000, s6, s4, $0x38;
	[tilespmem:$0x10000] =	vst v63  }
0x51: {  	_ =	swait.ge [sflag:s31], $0x4000  }
0x52: {  	[sflag:s31] =	ssyncset.done $0x0  }
0x53: {  	s1 =	rddreg [dreg:$0x9];
	[sflag:s31] =	ssyncadd.s32 $0xFFFFC000  }
0x54: {  	[tilespmem:s2], [sflag:$0x1] =	stream.strided.gather [hbm4b:s1+s4], $0x4000, s6, s4, $0x38;
	[tilespmem:$0x10000] =	vst v63  }
0x55: {  	_ =	swait.ge [sflag:s19], $0x4000  }
0x56: {  	[sflag:s19] =	ssyncset.done $0x0  }
0x57: {  	s1 =	rddreg [dreg:$0xa];
	[sflag:s19] =	ssyncadd.s32 $0xFFFFC000  }
0x58: {  	[hbm4b:s1+s4] =	stream.strided.scatter [tilespmem:s10], [sflag:$0x7], $0x4000, s6, s4, $0x38;
	[tilespmem:$0x10000] =	vst v63  }
0x59: {  	_ =	swait.ge [sflag:s30], $0x4000  }
0x5a: {  	[sflag:s30] =	ssyncset.done $0x0  }
0x5b: {  	s1 =	rddreg [dreg:$0xb];
	[sflag:s30] =	ssyncadd.s32 $0xFFFFC000  }
0x5c: {  	[tilespmem:s13], [sflag:$0x2] =	stream.strided.gather [hbm4b:s1+s4], $0x4000, s6, s4, $0x38;
	[tilespmem:$0x10000] =	vst v63  }
0x5d: {  	_ =	swait.ge [sflag:s17], $0x4000  }
0x5e: {  	[sflag:s17] =	ssyncset.done $0x0  }
0x5f: {  	s1 =	rddreg [dreg:$0xc];
	[sflag:s17] =	ssyncadd.s32 $0xFFFFC000  }
0x60: {  	[hbm4b:s1+s4] =	stream.strided.scatter [tilespmem:s8], [sflag:$0x8], $0x4000, s6, s4, $0x38;
	[tilespmem:$0x10000] =	vst v63  }
0x61: {  	_ =	swait.ge [sflag:s14], $0x4000  }
0x62: {  	[sflag:s14] =	ssyncset.done $0x0  }
0x63: {  	s1 =	rddreg [dreg:$0xd];
	[sflag:s14] =	ssyncadd.s32 $0xFFFFC000  }
0x64: {  	[tilespmem:s10], [sflag:$0x3] =	stream.strided.gather [hbm4b:s1+s4], $0x4000, s6, s4, $0x38;
	[tilespmem:$0x10000] =	vst v63  }
0x65: {  	_ =	swait.ge [sflag:s22], $0x4000  }
0x66: {  	[sflag:s22] =	ssyncset.done $0x0  }
0x67: {  	s1 =	rddreg [dreg:$0xe];
	[sflag:s22] =	ssyncadd.s32 $0xFFFFC000  }
0x68: {  	[hbm4b:s1+s4] =	stream.strided.scatter [tilespmem:s2], [sflag:$0x5], $0x4000, s6, s4, $0x38;
	[tilespmem:$0x10000] =	vst v63  }
0x69: {  	_ =	swait.ge [sflag:s11], $0x4000  }
0x6a: {  	[sflag:s11] =	ssyncset.done $0x0  }
0x6b: {  	s1 =	rddreg [dreg:$0xf];
	[sflag:s11] =	ssyncadd.s32 $0xFFFFC000  }
0x6c: {  	[tilespmem:s8], [sflag:$0x4] =	stream.strided.gather [hbm4b:s1+s4], $0x4000, s6, s4, $0x38;
	[tilespmem:$0x10000] =	vst v63  }
0x6d: {  	_ =	swait.ge [sflag:s18], $0x4000  }
0x6e: {  	[sflag:s18] =	ssyncset.done $0x0  }
0x6f: {  	s1 =	rddreg [dreg:$0x10];
	[sflag:s18] =	ssyncadd.s32 $0xFFFFC000  }
0x70: {  	[hbm4b:s1+s4] =	stream.strided.scatter [tilespmem:s13], [sflag:$0x6], $0x4000, s6, s4, $0x38;
	[tilespmem:$0x10000] =	vst v63  }
0x71: {  	_ =	swait.ge [sflag:s31], $0x4000  }
0x72: {  	[sflag:s31] =	ssyncset.done $0x0  }
0x73: {  	s1 =	rddreg [dreg:$0x11];
	[sflag:s31] =	ssyncadd.s32 $0xFFFFC000  }
0x74: {  	[tilespmem:s2], [sflag:$0x1] =	stream.strided.gather [hbm4b:s1+s4], $0x4000, s6, s4, $0x38;
	[tilespmem:$0x10000] =	vst v63  }
0x75: {  	_ =	swait.ge [sflag:s19], $0x4000  }
0x76: {  	[sflag:s19] =	ssyncset.done $0x0  }
0x77: {  	s1 =	rddreg [dreg:$0x12];
	[sflag:s19] =	ssyncadd.s32 $0xFFFFC000  }
0x78: {  	[hbm4b:s1+s4] =	stream.strided.scatter [tilespmem:s10], [sflag:$0x7], $0x4000, s6, s4, $0x38;
	[tilespmem:$0x10000] =	vst v63  }
0x79: {  	_ =	swait.ge [sflag:s30], $0x4000  }
0x7a: {  	[sflag:s30] =	ssyncset.done $0x0  }
0x7b: {  	s1 =	rddreg [dreg:$0x13];
	[sflag:s30] =	ssyncadd.s32 $0xFFFFC000  }
0x7c: {  	[tilespmem:s13], [sflag:$0x2] =	stream.strided.gather [hbm4b:s1+s4], $0x4000, s6, s4, $0x38;
	[tilespmem:$0x10000] =	vst v63  }
0x7d: {  	_ =	swait.ge [sflag:s17], $0x4000  }
0x7e: {  	[sflag:s17] =	ssyncset.done $0x0  }
0x7f: {  	s1 =	rddreg [dreg:$0x14];
	[sflag:s17] =	ssyncadd.s32 $0xFFFFC000  }
0x80: {  	[hbm4b:s1+s4] =	stream.strided.scatter [tilespmem:s8], [sflag:$0x8], $0x4000, s6, s4, $0x38;
	[tilespmem:$0x10000] =	vst v63  }
0x81: {  	_ =	swait.ge [sflag:s14], $0x4000  }
0x82: {  	[sflag:s14] =	ssyncset.done $0x0  }
0x83: {  	s1 =	rddreg [dreg:$0x15];
	[sflag:s14] =	ssyncadd.s32 $0xFFFFC000  }
0x84: {  	[tilespmem:s10], [sflag:$0x3] =	stream.strided.gather [hbm4b:s1+s4], $0x4000, s6, s4, $0x38;
	[tilespmem:$0x10000] =	vst v63  }
0x85: {  	_ =	swait.ge [sflag:s22], $0x4000  }
0x86: {  	[sflag:s22] =	ssyncset.done $0x0  }
0x87: {  	s1 =	rddreg [dreg:$0x16];
	[sflag:s22] =	ssyncadd.s32 $0xFFFFC000  }
0x88: {  	[hbm4b:s1+s4] =	stream.strided.scatter [tilespmem:s2], [sflag:$0x5], $0x4000, s6, s4, $0x38;
	[tilespmem:$0x10000] =	vst v63  }
0x89: {  	_ =	swait.ge [sflag:s11], $0x4000  }
0x8a: {  	[sflag:s11] =	ssyncset.done $0x0  }
0x8b: {  	s1 =	rddreg [dreg:$0x17];
	[sflag:s11] =	ssyncadd.s32 $0xFFFFC000  }
0x8c: {  	[tilespmem:s8], [sflag:$0x4] =	stream.strided.gather [hbm4b:s1+s4], $0x4000, s6, s4, $0x38;
	[tilespmem:$0x10000] =	vst v63  }
0x8d: {  	_ =	swait.ge [sflag:s18], $0x4000  }
0x8e: {  	[sflag:s18] =	ssyncset.done $0x0  }
0x8f: {  	s1 =	rddreg [dreg:$0x18];
	[sflag:s18] =	ssyncadd.s32 $0xFFFFC000  }
0x90: {  	[hbm4b:s1+s4] =	stream.strided.scatter [tilespmem:s13], [sflag:$0x6], $0x4000, s6, s4, $0x38;
	[tilespmem:$0x10000] =	vst v63  }
0x91: {  	_ =	swait.ge [sflag:s31], $0x4000  }
0x92: {  	[sflag:s31] =	ssyncset.done $0x0  }
0x93: {  	s1 =	rddreg [dreg:$0x19];
	[sflag:s31] =	ssyncadd.s32 $0xFFFFC000  }
0x94: {  	[tilespmem:s2], [sflag:$0x1] =	stream.strided.gather [hbm4b:s1+s4], $0x4000, s6, s4, $0x38;
	[tilespmem:$0x10000] =	vst v63  }
0x95: {  	_ =	swait.ge [sflag:s19], $0x4000  }
0x96: {  	[sflag:s19] =	ssyncset.done $0x0  }
0x97: {  	s1 =	rddreg [dreg:$0x1a];
	[sflag:s19] =	ssyncadd.s32 $0xFFFFC000  }
0x98: {  	[hbm4b:s1+s4] =	stream.strided.scatter [tilespmem:s10], [sflag:$0x7], $0x4000, s6, s4, $0x38;
	[tilespmem:$0x10000] =	vst v63  }
0x99: {  	_ =	swait.ge [sflag:s30], $0x4000  }
0x9a: {  	[sflag:s30] =	ssyncset.done $0x0  }
0x9b: {  	s1 =	rddreg [dreg:$0x1b];
	[sflag:s30] =	ssyncadd.s32 $0xFFFFC000  }
0x9c: {  	[tilespmem:s13], [sflag:$0x2] =	stream.strided.gather [hbm4b:s1+s4], $0x4000, s6, s4, $0x38;
	[tilespmem:$0x10000] =	vst v63  }
0x9d: {  	_ =	swait.ge [sflag:s17], $0x4000  }
0x9e: {  	[sflag:s17] =	ssyncset.done $0x0  }
0x9f: {  	s1 =	rddreg [dreg:$0x1c];
	[sflag:s17] =	ssyncadd.s32 $0xFFFFC000  }
0xa0: {  	[hbm4b:s1+s4] =	stream.strided.scatter [tilespmem:s8], [sflag:$0x8], $0x4000, s6, s4, $0x38;
	[tilespmem:$0x10000] =	vst v63  }
0xa1: {  	_ =	swait.ge [sflag:s14], $0x4000  }
0xa2: {  	[sflag:s14] =	ssyncset.done $0x0  }
0xa3: {  	s1 =	rddreg [dreg:$0x1d];
	[sflag:s14] =	ssyncadd.s32 $0xFFFFC000  }
0xa4: {  	[tilespmem:s10], [sflag:$0x3] =	stream.strided.gather [hbm4b:s1+s4], $0x4000, s6, s4, $0x38;
	[tilespmem:$0x10000] =	vst v63  }
0xa5: {  	_ =	swait.ge [sflag:s22], $0x4000  }
0xa6: {  	[sflag:s22] =	ssyncset.done $0x0  }
0xa7: {  	s1 =	rddreg [dreg:$0x1e];
	[sflag:s22] =	ssyncadd.s32 $0xFFFFC000  }
0xa8: {  	[hbm4b:s1+s4] =	stream.strided.scatter [tilespmem:s2], [sflag:$0x5], $0x4000, s6, s4, $0x38;
	[tilespmem:$0x10000] =	vst v63  }
0xa9: {  	_ =	swait.ge [sflag:s11], $0x4000  }
0xaa: {  	[sflag:s11] =	ssyncset.done $0x0  }
0xab: {  	s1 =	rddreg [dreg:$0x1f];
	[sflag:s11] =	ssyncadd.s32 $0xFFFFC000  }
0xac: {  	[tilespmem:s8], [sflag:$0x4] =	stream.strided.gather [hbm4b:s1+s4], $0x4000, s6, s4, $0x38;
	[tilespmem:$0x10000] =	vst v63  }
0xad: {  	_ =	swait.ge [sflag:s18], $0x4000  }
0xae: {  	s1 =	sld [smem:$0x7EA]  }
0xaf: {  	[sflag:s18] =	ssyncset.done $0x0  }
0xb0: {  	[sflag:s18] =	ssyncadd.s32 $0xFFFFC000  }
0xb1: {  	[hbm4b:s1+s4] =	stream.strided.scatter [tilespmem:s13], [sflag:$0x6], $0x4000, s6, s4, $0x38;
	[tilespmem:$0x10000] =	vst v63  }
0xb2: {  	_ =	swait.ge [sflag:s31], $0x4000  }
0xb3: {  	s1 =	sld [smem:$0x7EB]  }
0xb4: {  	[sflag:s31] =	ssyncset.done $0x0  }
0xb5: {  	[sflag:s31] =	ssyncadd.s32 $0xFFFFC000  }
0xb6: {  	[tilespmem:s2], [sflag:$0x1] =	stream.strided.gather [hbm4b:s1+s4], $0x4000, s6, s4, $0x38;
	[tilespmem:$0x10000] =	vst v63  }
0xb7: {  	_ =	swait.ge [sflag:s19], $0x4000  }
0xb8: {  	s1 =	sld [smem:$0x7EC]  }
0xb9: {  	[sflag:s19] =	ssyncset.done $0x0  }
0xba: {  	[sflag:s19] =	ssyncadd.s32 $0xFFFFC000  }
0xbb: {  	[hbm4b:s1+s4] =	stream.strided.scatter [tilespmem:s10], [sflag:$0x7], $0x4000, s6, s4, $0x38;
	[tilespmem:$0x10000] =	vst v63  }
0xbc: {  	_ =	swait.ge [sflag:s30], $0x4000  }
0xbd: {  	s1 =	sld [smem:$0x7ED]  }
0xbe: {  	[sflag:s30] =	ssyncset.done $0x0  }
0xbf: {  	[sflag:s30] =	ssyncadd.s32 $0xFFFFC000  }
0xc0: {  	[tilespmem:s13], [sflag:$0x2] =	stream.strided.gather [hbm4b:s1+s4], $0x4000, s6, s4, $0x38;
	[tilespmem:$0x10000] =	vst v63  }
0xc1: {  	_ =	swait.ge [sflag:s17], $0x4000  }
0xc2: {  	s1 =	sld [smem:$0x7EE]  }
0xc3: {  	[sflag:s17] =	ssyncset.done $0x0  }
0xc4: {  	[sflag:s17] =	ssyncadd.s32 $0xFFFFC000  }
0xc5: {  	[hbm4b:s1+s4] =	stream.strided.scatter [tilespmem:s8], [sflag:$0x8], $0x4000, s6, s4, $0x38;
	[tilespmem:$0x10000] =	vst v63  }
0xc6: {  	_ =	swait.ge [sflag:s14], $0x4000  }
0xc7: {  	s1 =	sld [smem:$0x7EF]  }
0xc8: {  	[sflag:s14] =	ssyncset.done $0x0  }
0xc9: {  	[sflag:s14] =	ssyncadd.s32 $0xFFFFC000  }
0xca: {  	[tilespmem:s10], [sflag:$0x3] =	stream.strided.gather [hbm4b:s1+s4], $0x4000, s6, s4, $0x38;
	[tilespmem:$0x10000] =	vst v63  }
0xcb: {  	_ =	swait.ge [sflag:s22], $0x4000  }
0xcc: {  	s1 =	sld [smem:$0x7F0]  }
0xcd: {  	[sflag:s22] =	ssyncset.done $0x0  }
0xce: {  	[sflag:s22] =	ssyncadd.s32 $0xFFFFC000  }
0xcf: {  	[hbm4b:s1+s4] =	stream.strided.scatter [tilespmem:s2], [sflag:$0x5], $0x4000, s6, s4, $0x38;
	[tilespmem:$0x10000] =	vst v63  }
0xd0: {  	_ =	swait.ge [sflag:s11], $0x4000  }
0xd1: {  	s1 =	sld [smem:$0x7F1]  }
0xd2: {  	[sflag:s11] =	ssyncset.done $0x0  }
0xd3: {  	[sflag:s11] =	ssyncadd.s32 $0xFFFFC000  }
0xd4: {  	[tilespmem:s8], [sflag:$0x4] =	stream.strided.gather [hbm4b:s1+s4], $0x4000, s6, s4, $0x38;
	[tilespmem:$0x10000] =	vst v63  }
0xd5: {  	_ =	swait.ge [sflag:s18], $0x4000  }
0xd6: {  	s1 =	sld [smem:$0x7F2]  }
0xd7: {  	[sflag:s18] =	ssyncset.done $0x0  }
0xd8: {  	[sflag:s18] =	ssyncadd.s32 $0xFFFFC000  }
0xd9: {  	[hbm4b:s1+s4] =	stream.strided.scatter [tilespmem:s13], [sflag:$0x6], $0x4000, s6, s4, $0x38;
	[tilespmem:$0x10000] =	vst v63  }
0xda: {  	_ =	swait.ge [sflag:s31], $0x4000  }
0xdb: {  	s1 =	sld [smem:$0x7F3]  }
0xdc: {  	[sflag:s31] =	ssyncset.done $0x0  }
0xdd: {  	[sflag:s31] =	ssyncadd.s32 $0xFFFFC000  }
0xde: {  	[tilespmem:s2], [sflag:$0x1] =	stream.strided.gather [hbm4b:s1+s4], $0x4000, s6, s4, $0x38;
	[tilespmem:$0x10000] =	vst v63  }
0xdf: {  	_ =	swait.ge [sflag:s19], $0x4000  }
0xe0: {  	s1 =	sld [smem:$0x7F4]  }
0xe1: {  	[sflag:s19] =	ssyncset.done $0x0  }
0xe2: {  	[sflag:s19] =	ssyncadd.s32 $0xFFFFC000  }
0xe3: {  	[hbm4b:s1+s4] =	stream.strided.scatter [tilespmem:s10], [sflag:$0x7], $0x4000, s6, s4, $0x38;
	[tilespmem:$0x10000] =	vst v63  }
0xe4: {  	_ =	swait.ge [sflag:s30], $0x4000  }
0xe5: {  	s1 =	sld [smem:$0x7F5]  }
0xe6: {  	[sflag:s30] =	ssyncset.done $0x0  }
0xe7: {  	[sflag:s30] =	ssyncadd.s32 $0xFFFFC000  }
0xe8: {  	[tilespmem:s13], [sflag:$0x2] =	stream.strided.gather [hbm4b:s1+s4], $0x4000, s6, s4, $0x38;
	[tilespmem:$0x10000] =	vst v63  }
0xe9: {  	_ =	swait.ge [sflag:s17], $0x4000  }
0xea: {  	s1 =	sld [smem:$0x7F6]  }
0xeb: {  	[sflag:s17] =	ssyncset.done $0x0  }
0xec: {  	[sflag:s17] =	ssyncadd.s32 $0xFFFFC000  }
0xed: {  	[hbm4b:s1+s4] =	stream.strided.scatter [tilespmem:s8], [sflag:$0x8], $0x4000, s6, s4, $0x38;
	[tilespmem:$0x10000] =	vst v63  }
0xee: {  	_ =	swait.ge [sflag:s14], $0x4000  }
0xef: {  	s1 =	sld [smem:$0x7F7]  }
0xf0: {  	[sflag:s14] =	ssyncset.done $0x0  }
0xf1: {  	[sflag:s14] =	ssyncadd.s32 $0xFFFFC000  }
0xf2: {  	[tilespmem:s10], [sflag:$0x3] =	stream.strided.gather [hbm4b:s1+s4], $0x4000, s6, s4, $0x38;
	[tilespmem:$0x10000] =	vst v63  }
0xf3: {  	_ =	swait.ge [sflag:s22], $0x4000  }
0xf4: {  	s1 =	sld [smem:$0x7F8]  }
0xf5: {  	[sflag:s22] =	ssyncset.done $0x0  }
0xf6: {  	[sflag:s22] =	ssyncadd.s32 $0xFFFFC000  }
0xf7: {  	[hbm4b:s1+s4] =	stream.strided.scatter [tilespmem:s2], [sflag:$0x5], $0x4000, s6, s4, $0x38;
	[tilespmem:$0x10000] =	vst v63  }
0xf8: {  	_ =	swait.ge [sflag:s11], $0x4000  }
0xf9: {  	s1 =	sld [smem:$0x7F9]  }
0xfa: {  	[sflag:s11] =	ssyncset.done $0x0  }
0xfb: {  	[sflag:s11] =	ssyncadd.s32 $0xFFFFC000  }
0xfc: {  	[tilespmem:s8], [sflag:$0x4] =	stream.strided.gather [hbm4b:s1+s4], $0x4000, s6, s4, $0x38;
	[tilespmem:$0x10000] =	vst v63  }
0xfd: {  	_ =	swait.ge [sflag:s18], $0x4000  }
0xfe: {  	s1 =	sld [smem:$0x7FA]  }
0xff: {  	[sflag:s18] =	ssyncset.done $0x0  }
0x100: {  	[sflag:s18] =	ssyncadd.s32 $0xFFFFC000  }
0x101: {  	[hbm4b:s1+s4] =	stream.strided.scatter [tilespmem:s13], [sflag:$0x6], $0x4000, s6, s4, $0x38;
	[tilespmem:$0x10000] =	vst v63  }
0x102: {  	_ =	swait.ge [sflag:s31], $0x4000  }
0x103: {  	s1 =	sld [smem:$0x7FB]  }
0x104: {  	[sflag:s31] =	ssyncset.done $0x0  }
0x105: {  	[sflag:s31] =	ssyncadd.s32 $0xFFFFC000  }
0x106: {  	[tilespmem:s2], [sflag:$0x1] =	stream.strided.gather [hbm4b:s1+s4], $0x4000, s6, s4, $0x38;
	[tilespmem:$0x10000] =	vst v63  }
0x107: {  	_ =	swait.ge [sflag:s19], $0x4000  }
0x108: {  	s1 =	sld [smem:$0x7FC]  }
0x109: {  	[sflag:s19] =	ssyncset.done $0x0  }
0x10a: {  	[sflag:s19] =	ssyncadd.s32 $0xFFFFC000  }
0x10b: {  	[hbm4b:s1+s4] =	stream.strided.scatter [tilespmem:s10], [sflag:$0x7], $0x4000, s6, s4, $0x38;
	[tilespmem:$0x10000] =	vst v63  }
0x10c: {  	_ =	swait.ge [sflag:s30], $0x4000  }
0x10d: {  	s1 =	sld [smem:$0x7FD]  }
0x10e: {  	[sflag:s30] =	ssyncset.done $0x0  }
0x10f: {  	[sflag:s30] =	ssyncadd.s32 $0xFFFFC000  }
0x110: {  	[tilespmem:s13], [sflag:$0x2] =	stream.strided.gather [hbm4b:s1+s4], $0x4000, s6, s4, $0x38;
	[tilespmem:$0x10000] =	vst v63  }
0x111: {  	_ =	swait.ge [sflag:s17], $0x4000  }
0x112: {  	[sflag:s17] =	ssyncset.done $0x0  }
0x113: {  	[sflag:s17] =	ssyncadd.s32 $0xFFFFC000  }
0x114: {  	[hbm4b:s29+s4] =	stream.strided.scatter [tilespmem:s8], [sflag:$0x8], $0x4000, s6, s4, $0x38;
	[tilespmem:$0x10000] =	vst v63  }
0x115: {  	_ =	swait.ge [sflag:s14], $0x4000  }
0x116: {  	[sflag:s14] =	ssyncset.done $0x0  }
0x117: {  	[sflag:s14] =	ssyncadd.s32 $0xFFFFC000  }
0x118: {  	[tilespmem:s10], [sflag:$0x3] =	stream.strided.gather [hbm4b:s28+s4], $0x4000, s6, s4, $0x38;
	[tilespmem:$0x10000] =	vst v63  }
0x119: {  	_ =	swait.ge [sflag:s22], $0x4000  }
0x11a: {  	[sflag:s22] =	ssyncset.done $0x0  }
0x11b: {  	[sflag:s22] =	ssyncadd.s32 $0xFFFFC000  }
0x11c: {  	[hbm4b:s26+s4] =	stream.strided.scatter [tilespmem:s2], [sflag:$0x5], $0x4000, s6, s4, $0x38;
	[tilespmem:$0x10000] =	vst v63  }
0x11d: {  	_ =	swait.ge [sflag:s11], $0x4000  }
0x11e: {  	[sflag:s11] =	ssyncset.done $0x0  }
0x11f: {  	[sflag:s11] =	ssyncadd.s32 $0xFFFFC000  }
0x120: {  	[tilespmem:s8], [sflag:$0x4] =	stream.strided.gather [hbm4b:s25+s4], $0x4000, s6, s4, $0x38;
	[tilespmem:$0x10000] =	vst v63  }
0x121: {  	_ =	swait.ge [sflag:s18], $0x4000  }
0x122: {  	[sflag:s18] =	ssyncset.done $0x0  }
0x123: {  	[sflag:s18] =	ssyncadd.s32 $0xFFFFC000  }
0x124: {  	[hbm4b:s24+s4] =	stream.strided.scatter [tilespmem:s13], [sflag:$0x6], $0x4000, s6, s4, $0x38;
	[tilespmem:$0x10000] =	vst v63  }
0x125: {  	_ =	swait.ge [sflag:s31], $0x4000  }
0x126: {  	[sflag:s31] =	ssyncset.done $0x0  }
0x127: {  	[sflag:s31] =	ssyncadd.s32 $0xFFFFC000  }
0x128: {  	[tilespmem:s2], [sflag:$0x1] =	stream.strided.gather [hbm4b:s23+s4], $0x4000, s6, s4, $0x38;
	[tilespmem:$0x10000] =	vst v63  }
0x129: {  	_ =	swait.ge [sflag:s19], $0x4000  }
0x12a: {  	[sflag:s19] =	ssyncset.done $0x0  }
0x12b: {  	[sflag:s19] =	ssyncadd.s32 $0xFFFFC000  }
0x12c: {  	[hbm4b:s21+s4] =	stream.strided.scatter [tilespmem:s10], [sflag:$0x7], $0x4000, s6, s4, $0x38;
	[tilespmem:$0x10000] =	vst v63  }
0x12d: {  	_ =	swait.ge [sflag:s30], $0x4000  }
0x12e: {  	[sflag:s30] =	ssyncset.done $0x0  }
0x12f: {  	[sflag:s30] =	ssyncadd.s32 $0xFFFFC000  }
0x130: {  	[tilespmem:s13], [sflag:$0x2] =	stream.strided.gather [hbm4b:s20+s4], $0x4000, s6, s4, $0x38;
	[tilespmem:$0x10000] =	vst v63  }
0x131: {  	_ =	swait.ge [sflag:s17], $0x4000  }
0x132: {  	[sflag:s17] =	ssyncset.done $0x0  }
0x133: {  	[sflag:s17] =	ssyncadd.s32 $0xFFFFC000  }
0x134: {  	[hbm4b:s16+s4] =	stream.strided.scatter [tilespmem:s8], [sflag:$0x8], $0x4000, s6, s4, $0x38;
	[tilespmem:$0x10000] =	vst v63  }
0x135: {  	_ =	swait.ge [sflag:s14], $0x4000  }
0x136: {  	[sflag:s14] =	ssyncset.done $0x0  }
0x137: {  	[sflag:s14] =	ssyncadd.s32 $0xFFFFC000  }
0x138: {  	[tilespmem:s10], [sflag:$0x3] =	stream.strided.gather [hbm4b:s15+s4], $0x4000, s6, s4, $0x38;
	[tilespmem:$0x10000] =	vst v63  }
0x139: {  	_ =	swait.ge [sflag:s22], $0x4000  }
0x13a: {  	[sflag:s22] =	ssyncset.done $0x0  }
0x13b: {  	[sflag:s22] =	ssyncadd.s32 $0xFFFFC000  }
0x13c: {  	[hbm4b:s12+s4] =	stream.strided.scatter [tilespmem:s2], [sflag:$0x5], $0x4000, s6, s4, $0x38;
	[tilespmem:$0x10000] =	vst v63  }
0x13d: {  	_ =	swait.ge [sflag:s11], $0x4000  }
0x13e: {  	[sflag:s11] =	ssyncset.done $0x0  }
0x13f: {  	[sflag:s11] =	ssyncadd.s32 $0xFFFFC000  }
0x140: {  	[tilespmem:s8], [sflag:$0x4] =	stream.strided.gather [hbm4b:s9+s4], $0x4000, s6, s4, $0x38;
	[tilespmem:$0x10000] =	vst v63  }
0x141: {  	_ =	swait.ge [sflag:s18], $0x4000  }
0x142: {  	[sflag:s18] =	ssyncset.done $0x0  }
0x143: {  	[sflag:s18] =	ssyncadd.s32 $0xFFFFC000  }
0x144: {  	[hbm4b:s7+s4] =	stream.strided.scatter [tilespmem:s13], [sflag:$0x6], $0x4000, s6, s4, $0x38;
	[tilespmem:$0x10000] =	vst v63  }
0x145: {  	_ =	swait.ge [sflag:s19], $0x4000  }
0x146: {  	[sflag:s19] =	ssyncset.done $0x0  }
0x147: {  	[sflag:s19] =	ssyncadd.s32 $0xFFFFC000  }
0x148: {  	[hbm4b:s5+s4] =	stream.strided.scatter [tilespmem:s10], [sflag:$0x7], $0x4000, s6, s4, $0x38;
	[tilespmem:$0x10000] =	vst v63  }
0x149: {  	_ =	swait.ge [sflag:s17], $0x4000  }
0x14a: {  	[sflag:s17] =	ssyncset.done $0x0  }
0x14b: {  	[sflag:s17] =	ssyncadd.s32 $0xFFFFC000  }
0x14c: {  	[hbm4b:s3+s4] =	stream.strided.scatter [tilespmem:s8], [sflag:$0x8], $0x4000, s6, s4, $0x38;
	[tilespmem:$0x10000] =	vst v63  }
0x14d: {  	_ =	swait.ge [sflag:s14], $0x4000  }
0x14e: {  	s1 =	sld [smem:$0x7E9];
	_ =	sdelay $0x2  }
0x14f: {  	p1 =	sne.s32 s1, $0x1  }
.Ltmp1:
0x150: {  	_ = 	snop;
	(pc) =	sbr.rel @!p1 .LBB2_3-.Ltmp1, $4  }
0x151: {  	[sflag:s14] =	ssyncset.done $0x0  }
0x152: {  	[sflag:s14] =	ssyncadd.s32 $0xFFFFC000  }
0x153: {  	p0 =	por $0x1, $0x1;
	_ =	swait.ge [sflag:s11], $0x4000  }
0x154: {  	s0 =	sadd.s32 $0xFFFFFFFF, s1;
	s1 =	rddreg [dreg:$0x3];
	[sflag:s11] =	ssyncset.done $0x0  }
.LBB2_2:
0x155: {  	[sflag:s11] =	ssyncadd.s32 $0xFFFFC000;
	s8 =	simm.s32 $0x0;
	s2 =	smov.u32 s29  }
0x156: {  	s29 =	smov.u32 s28;
	s28 =	smov.u32 s26;
	s26 =	smov.u32 s25  }
0x157: {  	s25 =	smov.u32 s24;
	s24 =	smov.u32 s23;
	s23 =	smov.u32 s21  }
0x158: {  	s21 =	smov.u32 s20;
	s20 =	smov.u32 s16;
	s16 =	smov.u32 s15  }
0x159: {  	s15 =	smov.u32 s12;
	s12 =	smov.u32 s9;
	s9 =	smov.u32 s7  }
0x15a: {  	[tilespmem:s8], [sflag:$0x1] =	stream.strided.gather [hbm4b:s1+s4], $0x4000, s6, s4, $0x38;
	[tilespmem:$0x10000] =	vst v63  }
0x15b: {  	s7 =	smov.u32 s5;
	s5 =	smov.u32 s3;
	s3 =	rddreg [dreg:$0x4]  }
0x15c: {  	[tilespmem:s13], [sflag:$0x2] =	stream.strided.gather [hbm4b:s3+s4], $0x4000, s6, s4, $0x38;
	[tilespmem:$0x10000] =	vst v63  }
0x15d: {  	s1 =	rddreg [dreg:$0x5]  }
0x15e: {  	[tilespmem:s10], [sflag:$0x3] =	stream.strided.gather [hbm4b:s1+s4], $0x4000, s6, s4, $0x38;
	[tilespmem:$0x10000] =	vst v63  }
0x15f: {  	_ =	swait.ge [sflag:s22], $0x4000  }
0x160: {  	[sflag:s22] =	ssyncset.done $0x0  }
0x161: {  	s1 =	rddreg [dreg:$0x6];
	[sflag:s22] =	ssyncadd.s32 $0xFFFFC000  }
0x162: {  	[hbm4b:s1+s4] =	stream.strided.scatter [tilespmem:s8], [sflag:$0x5], $0x4000, s6, s4, $0x38;
	[tilespmem:$0x10000] =	vst v63  }
0x163: {  	s3 =	rddreg [dreg:$0x7];
	s8 =	simm.s32 $0xC000  }
0x164: {  	[tilespmem:s8], [sflag:$0x4] =	stream.strided.gather [hbm4b:s3+s4], $0x4000, s6, s4, $0x38;
	[tilespmem:$0x10000] =	vst v63  }
0x165: {  	s3 =	smov.u32 s5;
	s5 =	smov.u32 s7;
	s7 =	smov.u32 s9  }
0x166: {  	s9 =	smov.u32 s12;
	s12 =	smov.u32 s15;
	s15 =	smov.u32 s16  }
0x167: {  	s16 =	smov.u32 s20;
	s20 =	smov.u32 s21;
	_ =	swait.ge [sflag:s18], $0x4000  }
0x168: {  	s21 =	smov.u32 s23;
	s23 =	smov.u32 s24;
	[sflag:s18] =	ssyncset.done $0x0  }
0x169: {  	s24 =	smov.u32 s25;
	s1 =	rddreg [dreg:$0x8];
	[sflag:s18] =	ssyncadd.s32 $0xFFFFC000  }
0x16a: {  	[hbm4b:s1+s4] =	stream.strided.scatter [tilespmem:s13], [sflag:$0x6], $0x4000, s6, s4, $0x38;
	[tilespmem:$0x10000] =	vst v63  }
0x16b: {  	s25 =	smov.u32 s26;
	s26 =	smov.u32 s28;
	_ =	swait.ge [sflag:s31], $0x4000  }
0x16c: {  	s28 =	smov.u32 s29;
	s29 =	smov.u32 s2;
	[sflag:s31] =	ssyncset.done $0x0  }
0x16d: {  	s2 =	simm.s32 $0x0;
	s1 =	rddreg [dreg:$0x9];
	[sflag:s31] =	ssyncadd.s32 $0xFFFFC000  }
0x16e: {  	[tilespmem:s2], [sflag:$0x1] =	stream.strided.gather [hbm4b:s1+s4], $0x4000, s6, s4, $0x38;
	[tilespmem:$0x10000] =	vst v63  }
0x16f: {  	_ =	swait.ge [sflag:s19], $0x4000  }
0x170: {  	[sflag:s19] =	ssyncset.done $0x0  }
0x171: {  	s1 =	rddreg [dreg:$0xa];
	[sflag:s19] =	ssyncadd.s32 $0xFFFFC000  }
0x172: {  	[hbm4b:s1+s4] =	stream.strided.scatter [tilespmem:s10], [sflag:$0x7], $0x4000, s6, s4, $0x38;
	[tilespmem:$0x10000] =	vst v63  }
0x173: {  	_ =	swait.ge [sflag:s30], $0x4000  }
0x174: {  	[sflag:s30] =	ssyncset.done $0x0  }
0x175: {  	s1 =	rddreg [dreg:$0xb];
	[sflag:s30] =	ssyncadd.s32 $0xFFFFC000  }
0x176: {  	[tilespmem:s13], [sflag:$0x2] =	stream.strided.gather [hbm4b:s1+s4], $0x4000, s6, s4, $0x38;
	[tilespmem:$0x10000] =	vst v63  }
0x177: {  	_ =	swait.ge [sflag:s17], $0x4000  }
0x178: {  	[sflag:s17] =	ssyncset.done $0x0  }
0x179: {  	s1 =	rddreg [dreg:$0xc];
	[sflag:s17] =	ssyncadd.s32 $0xFFFFC000  }
0x17a: {  	[hbm4b:s1+s4] =	stream.strided.scatter [tilespmem:s8], [sflag:$0x8], $0x4000, s6, s4, $0x38;
	[tilespmem:$0x10000] =	vst v63  }
0x17b: {  	_ =	swait.ge [sflag:s14], $0x4000  }
0x17c: {  	[sflag:s14] =	ssyncset.done $0x0  }
0x17d: {  	s1 =	rddreg [dreg:$0xd];
	[sflag:s14] =	ssyncadd.s32 $0xFFFFC000  }
0x17e: {  	[tilespmem:s10], [sflag:$0x3] =	stream.strided.gather [hbm4b:s1+s4], $0x4000, s6, s4, $0x38;
	[tilespmem:$0x10000] =	vst v63  }
0x17f: {  	_ =	swait.ge [sflag:s22], $0x4000  }
0x180: {  	[sflag:s22] =	ssyncset.done $0x0  }
0x181: {  	s1 =	rddreg [dreg:$0xe];
	[sflag:s22] =	ssyncadd.s32 $0xFFFFC000  }
0x182: {  	[hbm4b:s1+s4] =	stream.strided.scatter [tilespmem:s2], [sflag:$0x5], $0x4000, s6, s4, $0x38;
	[tilespmem:$0x10000] =	vst v63  }
0x183: {  	_ =	swait.ge [sflag:s11], $0x4000  }
0x184: {  	[sflag:s11] =	ssyncset.done $0x0  }
0x185: {  	s1 =	rddreg [dreg:$0xf];
	[sflag:s11] =	ssyncadd.s32 $0xFFFFC000  }
0x186: {  	[tilespmem:s8], [sflag:$0x4] =	stream.strided.gather [hbm4b:s1+s4], $0x4000, s6, s4, $0x38;
	[tilespmem:$0x10000] =	vst v63  }
0x187: {  	_ =	swait.ge [sflag:s18], $0x4000  }
0x188: {  	[sflag:s18] =	ssyncset.done $0x0  }
0x189: {  	s1 =	rddreg [dreg:$0x10];
	[sflag:s18] =	ssyncadd.s32 $0xFFFFC000  }
0x18a: {  	[hbm4b:s1+s4] =	stream.strided.scatter [tilespmem:s13], [sflag:$0x6], $0x4000, s6, s4, $0x38;
	[tilespmem:$0x10000] =	vst v63  }
0x18b: {  	_ =	swait.ge [sflag:s31], $0x4000  }
0x18c: {  	[sflag:s31] =	ssyncset.done $0x0  }
0x18d: {  	s1 =	rddreg [dreg:$0x11];
	[sflag:s31] =	ssyncadd.s32 $0xFFFFC000  }
0x18e: {  	[tilespmem:s2], [sflag:$0x1] =	stream.strided.gather [hbm4b:s1+s4], $0x4000, s6, s4, $0x38;
	[tilespmem:$0x10000] =	vst v63  }
0x18f: {  	_ =	swait.ge [sflag:s19], $0x4000  }
0x190: {  	[sflag:s19] =	ssyncset.done $0x0  }
0x191: {  	s1 =	rddreg [dreg:$0x12];
	[sflag:s19] =	ssyncadd.s32 $0xFFFFC000  }
0x192: {  	[hbm4b:s1+s4] =	stream.strided.scatter [tilespmem:s10], [sflag:$0x7], $0x4000, s6, s4, $0x38;
	[tilespmem:$0x10000] =	vst v63  }
0x193: {  	_ =	swait.ge [sflag:s30], $0x4000  }
0x194: {  	[sflag:s30] =	ssyncset.done $0x0  }
0x195: {  	s1 =	rddreg [dreg:$0x13];
	[sflag:s30] =	ssyncadd.s32 $0xFFFFC000  }
0x196: {  	[tilespmem:s13], [sflag:$0x2] =	stream.strided.gather [hbm4b:s1+s4], $0x4000, s6, s4, $0x38;
	[tilespmem:$0x10000] =	vst v63  }
0x197: {  	_ =	swait.ge [sflag:s17], $0x4000  }
0x198: {  	[sflag:s17] =	ssyncset.done $0x0  }
0x199: {  	s1 =	rddreg [dreg:$0x14];
	[sflag:s17] =	ssyncadd.s32 $0xFFFFC000  }
0x19a: {  	[hbm4b:s1+s4] =	stream.strided.scatter [tilespmem:s8], [sflag:$0x8], $0x4000, s6, s4, $0x38;
	[tilespmem:$0x10000] =	vst v63  }
0x19b: {  	_ =	swait.ge [sflag:s14], $0x4000  }
0x19c: {  	[sflag:s14] =	ssyncset.done $0x0  }
0x19d: {  	s1 =	rddreg [dreg:$0x15];
	[sflag:s14] =	ssyncadd.s32 $0xFFFFC000  }
0x19e: {  	[tilespmem:s10], [sflag:$0x3] =	stream.strided.gather [hbm4b:s1+s4], $0x4000, s6, s4, $0x38;
	[tilespmem:$0x10000] =	vst v63  }
0x19f: {  	_ =	swait.ge [sflag:s22], $0x4000  }
0x1a0: {  	[sflag:s22] =	ssyncset.done $0x0  }
0x1a1: {  	s1 =	rddreg [dreg:$0x16];
	[sflag:s22] =	ssyncadd.s32 $0xFFFFC000  }
0x1a2: {  	[hbm4b:s1+s4] =	stream.strided.scatter [tilespmem:s2], [sflag:$0x5], $0x4000, s6, s4, $0x38;
	[tilespmem:$0x10000] =	vst v63  }
0x1a3: {  	_ =	swait.ge [sflag:s11], $0x4000  }
0x1a4: {  	[sflag:s11] =	ssyncset.done $0x0  }
0x1a5: {  	s1 =	rddreg [dreg:$0x17];
	[sflag:s11] =	ssyncadd.s32 $0xFFFFC000  }
0x1a6: {  	[tilespmem:s8], [sflag:$0x4] =	stream.strided.gather [hbm4b:s1+s4], $0x4000, s6, s4, $0x38;
	[tilespmem:$0x10000] =	vst v63  }
0x1a7: {  	_ =	swait.ge [sflag:s18], $0x4000  }
0x1a8: {  	[sflag:s18] =	ssyncset.done $0x0  }
0x1a9: {  	s1 =	rddreg [dreg:$0x18];
	[sflag:s18] =	ssyncadd.s32 $0xFFFFC000  }
0x1aa: {  	[hbm4b:s1+s4] =	stream.strided.scatter [tilespmem:s13], [sflag:$0x6], $0x4000, s6, s4, $0x38;
	[tilespmem:$0x10000] =	vst v63  }
0x1ab: {  	_ =	swait.ge [sflag:s31], $0x4000  }
0x1ac: {  	[sflag:s31] =	ssyncset.done $0x0  }
0x1ad: {  	s1 =	rddreg [dreg:$0x19];
	[sflag:s31] =	ssyncadd.s32 $0xFFFFC000  }
0x1ae: {  	[tilespmem:s2], [sflag:$0x1] =	stream.strided.gather [hbm4b:s1+s4], $0x4000, s6, s4, $0x38;
	[tilespmem:$0x10000] =	vst v63  }
0x1af: {  	_ =	swait.ge [sflag:s19], $0x4000  }
0x1b0: {  	[sflag:s19] =	ssyncset.done $0x0  }
0x1b1: {  	s1 =	rddreg [dreg:$0x1a];
	[sflag:s19] =	ssyncadd.s32 $0xFFFFC000  }
0x1b2: {  	[hbm4b:s1+s4] =	stream.strided.scatter [tilespmem:s10], [sflag:$0x7], $0x4000, s6, s4, $0x38;
	[tilespmem:$0x10000] =	vst v63  }
0x1b3: {  	_ =	swait.ge [sflag:s30], $0x4000  }
0x1b4: {  	[sflag:s30] =	ssyncset.done $0x0  }
0x1b5: {  	s1 =	rddreg [dreg:$0x1b];
	[sflag:s30] =	ssyncadd.s32 $0xFFFFC000  }
0x1b6: {  	[tilespmem:s13], [sflag:$0x2] =	stream.strided.gather [hbm4b:s1+s4], $0x4000, s6, s4, $0x38;
	[tilespmem:$0x10000] =	vst v63  }
0x1b7: {  	_ =	swait.ge [sflag:s17], $0x4000  }
0x1b8: {  	[sflag:s17] =	ssyncset.done $0x0  }
0x1b9: {  	s1 =	rddreg [dreg:$0x1c];
	[sflag:s17] =	ssyncadd.s32 $0xFFFFC000  }
0x1ba: {  	[hbm4b:s1+s4] =	stream.strided.scatter [tilespmem:s8], [sflag:$0x8], $0x4000, s6, s4, $0x38;
	[tilespmem:$0x10000] =	vst v63  }
0x1bb: {  	_ =	swait.ge [sflag:s14], $0x4000  }
0x1bc: {  	[sflag:s14] =	ssyncset.done $0x0  }
0x1bd: {  	s1 =	rddreg [dreg:$0x1d];
	[sflag:s14] =	ssyncadd.s32 $0xFFFFC000  }
0x1be: {  	[tilespmem:s10], [sflag:$0x3] =	stream.strided.gather [hbm4b:s1+s4], $0x4000, s6, s4, $0x38;
	[tilespmem:$0x10000] =	vst v63  }
0x1bf: {  	_ =	swait.ge [sflag:s22], $0x4000  }
0x1c0: {  	[sflag:s22] =	ssyncset.done $0x0  }
0x1c1: {  	s1 =	rddreg [dreg:$0x1e];
	[sflag:s22] =	ssyncadd.s32 $0xFFFFC000  }
0x1c2: {  	[hbm4b:s1+s4] =	stream.strided.scatter [tilespmem:s2], [sflag:$0x5], $0x4000, s6, s4, $0x38;
	[tilespmem:$0x10000] =	vst v63  }
0x1c3: {  	_ =	swait.ge [sflag:s11], $0x4000  }
0x1c4: {  	[sflag:s11] =	ssyncset.done $0x0  }
0x1c5: {  	s1 =	rddreg [dreg:$0x1f];
	[sflag:s11] =	ssyncadd.s32 $0xFFFFC000  }
0x1c6: {  	[tilespmem:s8], [sflag:$0x4] =	stream.strided.gather [hbm4b:s1+s4], $0x4000, s6, s4, $0x38;
	[tilespmem:$0x10000] =	vst v63  }
0x1c7: {  	_ =	swait.ge [sflag:s18], $0x4000  }
0x1c8: {  	s1 =	sld [smem:$0x7EA]  }
0x1c9: {  	[sflag:s18] =	ssyncset.done $0x0  }
0x1ca: {  	[sflag:s18] =	ssyncadd.s32 $0xFFFFC000  }
0x1cb: {  	[hbm4b:s1+s4] =	stream.strided.scatter [tilespmem:s13], [sflag:$0x6], $0x4000, s6, s4, $0x38;
	[tilespmem:$0x10000] =	vst v63  }
0x1cc: {  	_ =	swait.ge [sflag:s31], $0x4000  }
0x1cd: {  	s1 =	sld [smem:$0x7EB]  }
0x1ce: {  	[sflag:s31] =	ssyncset.done $0x0  }
0x1cf: {  	[sflag:s31] =	ssyncadd.s32 $0xFFFFC000  }
0x1d0: {  	[tilespmem:s2], [sflag:$0x1] =	stream.strided.gather [hbm4b:s1+s4], $0x4000, s6, s4, $0x38;
	[tilespmem:$0x10000] =	vst v63  }
0x1d1: {  	_ =	swait.ge [sflag:s19], $0x4000  }
0x1d2: {  	s1 =	sld [smem:$0x7EC]  }
0x1d3: {  	[sflag:s19] =	ssyncset.done $0x0  }
0x1d4: {  	[sflag:s19] =	ssyncadd.s32 $0xFFFFC000  }
0x1d5: {  	[hbm4b:s1+s4] =	stream.strided.scatter [tilespmem:s10], [sflag:$0x7], $0x4000, s6, s4, $0x38;
	[tilespmem:$0x10000] =	vst v63  }
0x1d6: {  	_ =	swait.ge [sflag:s30], $0x4000  }
0x1d7: {  	s1 =	sld [smem:$0x7ED]  }
0x1d8: {  	[sflag:s30] =	ssyncset.done $0x0  }
0x1d9: {  	[sflag:s30] =	ssyncadd.s32 $0xFFFFC000  }
0x1da: {  	[tilespmem:s13], [sflag:$0x2] =	stream.strided.gather [hbm4b:s1+s4], $0x4000, s6, s4, $0x38;
	[tilespmem:$0x10000] =	vst v63  }
0x1db: {  	_ =	swait.ge [sflag:s17], $0x4000  }
0x1dc: {  	s1 =	sld [smem:$0x7EE]  }
0x1dd: {  	[sflag:s17] =	ssyncset.done $0x0  }
0x1de: {  	[sflag:s17] =	ssyncadd.s32 $0xFFFFC000  }
0x1df: {  	[hbm4b:s1+s4] =	stream.strided.scatter [tilespmem:s8], [sflag:$0x8], $0x4000, s6, s4, $0x38;
	[tilespmem:$0x10000] =	vst v63  }
0x1e0: {  	_ =	swait.ge [sflag:s14], $0x4000  }
0x1e1: {  	s1 =	sld [smem:$0x7EF]  }
0x1e2: {  	[sflag:s14] =	ssyncset.done $0x0  }
0x1e3: {  	[sflag:s14] =	ssyncadd.s32 $0xFFFFC000  }
0x1e4: {  	[tilespmem:s10], [sflag:$0x3] =	stream.strided.gather [hbm4b:s1+s4], $0x4000, s6, s4, $0x38;
	[tilespmem:$0x10000] =	vst v63  }
0x1e5: {  	_ =	swait.ge [sflag:s22], $0x4000  }
0x1e6: {  	s1 =	sld [smem:$0x7F0]  }
0x1e7: {  	[sflag:s22] =	ssyncset.done $0x0  }
0x1e8: {  	[sflag:s22] =	ssyncadd.s32 $0xFFFFC000  }
0x1e9: {  	[hbm4b:s1+s4] =	stream.strided.scatter [tilespmem:s2], [sflag:$0x5], $0x4000, s6, s4, $0x38;
	[tilespmem:$0x10000] =	vst v63  }
0x1ea: {  	_ =	swait.ge [sflag:s11], $0x4000  }
0x1eb: {  	s1 =	sld [smem:$0x7F1]  }
0x1ec: {  	[sflag:s11] =	ssyncset.done $0x0  }
0x1ed: {  	[sflag:s11] =	ssyncadd.s32 $0xFFFFC000  }
0x1ee: {  	[tilespmem:s8], [sflag:$0x4] =	stream.strided.gather [hbm4b:s1+s4], $0x4000, s6, s4, $0x38;
	[tilespmem:$0x10000] =	vst v63  }
0x1ef: {  	_ =	swait.ge [sflag:s18], $0x4000  }
0x1f0: {  	s1 =	sld [smem:$0x7F2]  }
0x1f1: {  	[sflag:s18] =	ssyncset.done $0x0  }
0x1f2: {  	[sflag:s18] =	ssyncadd.s32 $0xFFFFC000  }
0x1f3: {  	[hbm4b:s1+s4] =	stream.strided.scatter [tilespmem:s13], [sflag:$0x6], $0x4000, s6, s4, $0x38;
	[tilespmem:$0x10000] =	vst v63  }
0x1f4: {  	_ =	swait.ge [sflag:s31], $0x4000  }
0x1f5: {  	s1 =	sld [smem:$0x7F3]  }
0x1f6: {  	[sflag:s31] =	ssyncset.done $0x0  }
0x1f7: {  	[sflag:s31] =	ssyncadd.s32 $0xFFFFC000  }
0x1f8: {  	[tilespmem:s2], [sflag:$0x1] =	stream.strided.gather [hbm4b:s1+s4], $0x4000, s6, s4, $0x38;
	[tilespmem:$0x10000] =	vst v63  }
0x1f9: {  	_ =	swait.ge [sflag:s19], $0x4000  }
0x1fa: {  	s1 =	sld [smem:$0x7F4]  }
0x1fb: {  	[sflag:s19] =	ssyncset.done $0x0  }
0x1fc: {  	[sflag:s19] =	ssyncadd.s32 $0xFFFFC000  }
0x1fd: {  	[hbm4b:s1+s4] =	stream.strided.scatter [tilespmem:s10], [sflag:$0x7], $0x4000, s6, s4, $0x38;
	[tilespmem:$0x10000] =	vst v63  }
0x1fe: {  	_ =	swait.ge [sflag:s30], $0x4000  }
0x1ff: {  	s1 =	sld [smem:$0x7F5]  }
0x200: {  	[sflag:s30] =	ssyncset.done $0x0  }
0x201: {  	[sflag:s30] =	ssyncadd.s32 $0xFFFFC000  }
0x202: {  	[tilespmem:s13], [sflag:$0x2] =	stream.strided.gather [hbm4b:s1+s4], $0x4000, s6, s4, $0x38;
	[tilespmem:$0x10000] =	vst v63  }
0x203: {  	_ =	swait.ge [sflag:s17], $0x4000  }
0x204: {  	s1 =	sld [smem:$0x7F6]  }
0x205: {  	[sflag:s17] =	ssyncset.done $0x0  }
0x206: {  	[sflag:s17] =	ssyncadd.s32 $0xFFFFC000  }
0x207: {  	[hbm4b:s1+s4] =	stream.strided.scatter [tilespmem:s8], [sflag:$0x8], $0x4000, s6, s4, $0x38;
	[tilespmem:$0x10000] =	vst v63  }
0x208: {  	_ =	swait.ge [sflag:s14], $0x4000  }
0x209: {  	s1 =	sld [smem:$0x7F7]  }
0x20a: {  	[sflag:s14] =	ssyncset.done $0x0  }
0x20b: {  	[sflag:s14] =	ssyncadd.s32 $0xFFFFC000  }
0x20c: {  	[tilespmem:s10], [sflag:$0x3] =	stream.strided.gather [hbm4b:s1+s4], $0x4000, s6, s4, $0x38;
	[tilespmem:$0x10000] =	vst v63  }
0x20d: {  	_ =	swait.ge [sflag:s22], $0x4000  }
0x20e: {  	s1 =	sld [smem:$0x7F8]  }
0x20f: {  	[sflag:s22] =	ssyncset.done $0x0  }
0x210: {  	[sflag:s22] =	ssyncadd.s32 $0xFFFFC000  }
0x211: {  	[hbm4b:s1+s4] =	stream.strided.scatter [tilespmem:s2], [sflag:$0x5], $0x4000, s6, s4, $0x38;
	[tilespmem:$0x10000] =	vst v63  }
0x212: {  	_ =	swait.ge [sflag:s11], $0x4000  }
0x213: {  	s1 =	sld [smem:$0x7F9]  }
0x214: {  	[sflag:s11] =	ssyncset.done $0x0  }
0x215: {  	[sflag:s11] =	ssyncadd.s32 $0xFFFFC000  }
0x216: {  	[tilespmem:s8], [sflag:$0x4] =	stream.strided.gather [hbm4b:s1+s4], $0x4000, s6, s4, $0x38;
	[tilespmem:$0x10000] =	vst v63  }
0x217: {  	_ =	swait.ge [sflag:s18], $0x4000  }
0x218: {  	s1 =	sld [smem:$0x7FA]  }
0x219: {  	[sflag:s18] =	ssyncset.done $0x0  }
0x21a: {  	[sflag:s18] =	ssyncadd.s32 $0xFFFFC000  }
0x21b: {  	[hbm4b:s1+s4] =	stream.strided.scatter [tilespmem:s13], [sflag:$0x6], $0x4000, s6, s4, $0x38;
	[tilespmem:$0x10000] =	vst v63  }
0x21c: {  	_ =	swait.ge [sflag:s31], $0x4000  }
0x21d: {  	s1 =	sld [smem:$0x7FB]  }
0x21e: {  	[sflag:s31] =	ssyncset.done $0x0  }
0x21f: {  	[sflag:s31] =	ssyncadd.s32 $0xFFFFC000  }
0x220: {  	[tilespmem:s2], [sflag:$0x1] =	stream.strided.gather [hbm4b:s1+s4], $0x4000, s6, s4, $0x38;
	[tilespmem:$0x10000] =	vst v63  }
0x221: {  	_ =	swait.ge [sflag:s19], $0x4000  }
0x222: {  	s1 =	sld [smem:$0x7FC]  }
0x223: {  	[sflag:s19] =	ssyncset.done $0x0  }
0x224: {  	[sflag:s19] =	ssyncadd.s32 $0xFFFFC000  }
0x225: {  	[hbm4b:s1+s4] =	stream.strided.scatter [tilespmem:s10], [sflag:$0x7], $0x4000, s6, s4, $0x38;
	[tilespmem:$0x10000] =	vst v63  }
0x226: {  	_ =	swait.ge [sflag:s30], $0x4000  }
0x227: {  	s1 =	sld [smem:$0x7FD]  }
0x228: {  	[sflag:s30] =	ssyncset.done $0x0  }
0x229: {  	[sflag:s30] =	ssyncadd.s32 $0xFFFFC000  }
0x22a: {  	[tilespmem:s13], [sflag:$0x2] =	stream.strided.gather [hbm4b:s1+s4], $0x4000, s6, s4, $0x38;
	[tilespmem:$0x10000] =	vst v63  }
0x22b: {  	_ =	swait.ge [sflag:s17], $0x4000  }
0x22c: {  	[sflag:s17] =	ssyncset.done $0x0  }
0x22d: {  	[sflag:s17] =	ssyncadd.s32 $0xFFFFC000  }
0x22e: {  	[hbm4b:s29+s4] =	stream.strided.scatter [tilespmem:s8], [sflag:$0x8], $0x4000, s6, s4, $0x38;
	[tilespmem:$0x10000] =	vst v63  }
0x22f: {  	_ =	swait.ge [sflag:s14], $0x4000  }
0x230: {  	[sflag:s14] =	ssyncset.done $0x0  }
0x231: {  	[sflag:s14] =	ssyncadd.s32 $0xFFFFC000  }
0x232: {  	[tilespmem:s10], [sflag:$0x3] =	stream.strided.gather [hbm4b:s28+s4], $0x4000, s6, s4, $0x38;
	[tilespmem:$0x10000] =	vst v63  }
0x233: {  	_ =	swait.ge [sflag:s22], $0x4000  }
0x234: {  	[sflag:s22] =	ssyncset.done $0x0  }
0x235: {  	[sflag:s22] =	ssyncadd.s32 $0xFFFFC000  }
0x236: {  	[hbm4b:s26+s4] =	stream.strided.scatter [tilespmem:s2], [sflag:$0x5], $0x4000, s6, s4, $0x38;
	[tilespmem:$0x10000] =	vst v63  }
0x237: {  	_ =	swait.ge [sflag:s11], $0x4000  }
0x238: {  	[sflag:s11] =	ssyncset.done $0x0  }
0x239: {  	[sflag:s11] =	ssyncadd.s32 $0xFFFFC000  }
0x23a: {  	[tilespmem:s8], [sflag:$0x4] =	stream.strided.gather [hbm4b:s25+s4], $0x4000, s6, s4, $0x38;
	[tilespmem:$0x10000] =	vst v63  }
0x23b: {  	_ =	swait.ge [sflag:s18], $0x4000  }
0x23c: {  	[sflag:s18] =	ssyncset.done $0x0  }
0x23d: {  	[sflag:s18] =	ssyncadd.s32 $0xFFFFC000  }
0x23e: {  	[hbm4b:s24+s4] =	stream.strided.scatter [tilespmem:s13], [sflag:$0x6], $0x4000, s6, s4, $0x38;
	[tilespmem:$0x10000] =	vst v63  }
0x23f: {  	_ =	swait.ge [sflag:s31], $0x4000  }
0x240: {  	[sflag:s31] =	ssyncset.done $0x0  }
0x241: {  	[sflag:s31] =	ssyncadd.s32 $0xFFFFC000  }
0x242: {  	[tilespmem:s2], [sflag:$0x1] =	stream.strided.gather [hbm4b:s23+s4], $0x4000, s6, s4, $0x38;
	[tilespmem:$0x10000] =	vst v63  }
0x243: {  	_ =	swait.ge [sflag:s19], $0x4000  }
0x244: {  	[sflag:s19] =	ssyncset.done $0x0  }
0x245: {  	[sflag:s19] =	ssyncadd.s32 $0xFFFFC000  }
0x246: {  	[hbm4b:s21+s4] =	stream.strided.scatter [tilespmem:s10], [sflag:$0x7], $0x4000, s6, s4, $0x38;
	[tilespmem:$0x10000] =	vst v63  }
0x247: {  	_ =	swait.ge [sflag:s30], $0x4000  }
0x248: {  	[sflag:s30] =	ssyncset.done $0x0  }
0x249: {  	[sflag:s30] =	ssyncadd.s32 $0xFFFFC000  }
0x24a: {  	[tilespmem:s13], [sflag:$0x2] =	stream.strided.gather [hbm4b:s20+s4], $0x4000, s6, s4, $0x38;
	[tilespmem:$0x10000] =	vst v63  }
0x24b: {  	_ =	swait.ge [sflag:s17], $0x4000  }
0x24c: {  	[sflag:s17] =	ssyncset.done $0x0  }
0x24d: {  	[sflag:s17] =	ssyncadd.s32 $0xFFFFC000  }
0x24e: {  	[hbm4b:s16+s4] =	stream.strided.scatter [tilespmem:s8], [sflag:$0x8], $0x4000, s6, s4, $0x38;
	[tilespmem:$0x10000] =	vst v63  }
0x24f: {  	_ =	swait.ge [sflag:s14], $0x4000  }
0x250: {  	[sflag:s14] =	ssyncset.done $0x0  }
0x251: {  	[sflag:s14] =	ssyncadd.s32 $0xFFFFC000  }
0x252: {  	[tilespmem:s10], [sflag:$0x3] =	stream.strided.gather [hbm4b:s15+s4], $0x4000, s6, s4, $0x38;
	[tilespmem:$0x10000] =	vst v63  }
0x253: {  	_ =	swait.ge [sflag:s22], $0x4000  }
0x254: {  	[sflag:s22] =	ssyncset.done $0x0  }
0x255: {  	[sflag:s22] =	ssyncadd.s32 $0xFFFFC000  }
0x256: {  	[hbm4b:s12+s4] =	stream.strided.scatter [tilespmem:s2], [sflag:$0x5], $0x4000, s6, s4, $0x38;
	[tilespmem:$0x10000] =	vst v63  }
0x257: {  	_ =	swait.ge [sflag:s11], $0x4000  }
0x258: {  	[sflag:s11] =	ssyncset.done $0x0  }
0x259: {  	[sflag:s11] =	ssyncadd.s32 $0xFFFFC000  }
0x25a: {  	[tilespmem:s8], [sflag:$0x4] =	stream.strided.gather [hbm4b:s9+s4], $0x4000, s6, s4, $0x38;
	[tilespmem:$0x10000] =	vst v63  }
0x25b: {  	_ =	swait.ge [sflag:s18], $0x4000  }
0x25c: {  	[sflag:s18] =	ssyncset.done $0x0  }
0x25d: {  	[sflag:s18] =	ssyncadd.s32 $0xFFFFC000  }
0x25e: {  	[hbm4b:s7+s4] =	stream.strided.scatter [tilespmem:s13], [sflag:$0x6], $0x4000, s6, s4, $0x38;
	[tilespmem:$0x10000] =	vst v63  }
0x25f: {  	_ =	swait.ge [sflag:s19], $0x4000  }
0x260: {  	[sflag:s19] =	ssyncset.done $0x0  }
0x261: {  	[sflag:s19] =	ssyncadd.s32 $0xFFFFC000  }
0x262: {  	[hbm4b:s5+s4] =	stream.strided.scatter [tilespmem:s10], [sflag:$0x7], $0x4000, s6, s4, $0x38;
	[tilespmem:$0x10000] =	vst v63  }
0x263: {  	_ =	swait.ge [sflag:s17], $0x4000  }
0x264: {  	[sflag:s17] =	ssyncset.done $0x0  }
0x265: {  	p1 =	sne.s32 s0, $0x1;
	[sflag:s17] =	ssyncadd.s32 $0xFFFFC000  }
0x266: {  	[hbm4b:s3+s4] =	stream.strided.scatter [tilespmem:s8], [sflag:$0x8], $0x4000, s6, s4, $0x38;
	[tilespmem:$0x10000] =	vst v63  }
.Ltmp2:
0x267: {  	_ =	swait.ge [sflag:s14], $0x4000;
	(pc) =	sbr.rel @p1 .LBB2_2-.Ltmp2, $4  }
0x268: {  	[sflag:s14] =	ssyncset.done $0x0  }
0x269: {  	[sflag:s14] =	ssyncadd.s32 $0xFFFFC000  }
0x26a: {  	_ =	swait.ge [sflag:s11], $0x4000  }
0x26b: {  	s0 =	sadd.s32 $0xFFFFFFFF, s0;
	s1 =	rddreg [dreg:$0x3];
	[sflag:s11] =	ssyncset.done $0x0  }
.LBB2_3:
0x26c: {  	[sflag:s11] =	ssyncadd.s32 @p0 $0xFFFFC000  }
0x26d: {  	[tilespmem:s2], [sflag:$0x1] =	stream.strided.gather [hbm4b:s1+s4], $0x4000, s6, s4, $0x38;
	[tilespmem:$0x10000] =	vst v63  }
0x26e: {  	s0 =	rddreg [dreg:$0x4]  }
0x26f: {  	[tilespmem:s13], [sflag:$0x2] =	stream.strided.gather [hbm4b:s0+s4], $0x4000, s6, s4, $0x38;
	[tilespmem:$0x10000] =	vst v63  }
0x270: {  	s1 =	rddreg [dreg:$0x5]  }
0x271: {  	[tilespmem:s10], [sflag:$0x3] =	stream.strided.gather [hbm4b:s1+s4], $0x4000, s6, s4, $0x38;
	[tilespmem:$0x10000] =	vst v63  }
0x272: {  	_ =	swait.ge [sflag:s22], $0x4000  }
0x273: {  	[sflag:s22] =	ssyncset.done $0x0  }
0x274: {  	s0 =	rddreg [dreg:$0x6];
	[sflag:s22] =	ssyncadd.s32 $0xFFFFC000  }
0x275: {  	[hbm4b:s0+s4] =	stream.strided.scatter [tilespmem:s2], [sflag:$0x5], $0x4000, s6, s4, $0x38;
	[tilespmem:$0x10000] =	vst v63  }
0x276: {  	s1 =	rddreg [dreg:$0x7]  }
0x277: {  	[tilespmem:s8], [sflag:$0x4] =	stream.strided.gather [hbm4b:s1+s4], $0x4000, s6, s4, $0x38;
	[tilespmem:$0x10000] =	vst v63  }
0x278: {  	_ =	swait.ge [sflag:s18], $0x4000  }
0x279: {  	[sflag:s18] =	ssyncset.done $0x0  }
0x27a: {  	s1 =	rddreg [dreg:$0x8];
	[sflag:s18] =	ssyncadd.s32 $0xFFFFC000  }
0x27b: {  	[hbm4b:s1+s4] =	stream.strided.scatter [tilespmem:s13], [sflag:$0x6], $0x4000, s6, s4, $0x38;
	[tilespmem:$0x10000] =	vst v63  }
0x27c: {  	_ =	swait.ge [sflag:s31], $0x4000  }
0x27d: {  	[sflag:s31] =	ssyncset.done $0x0  }
0x27e: {  	s1 =	rddreg [dreg:$0x9];
	[sflag:s31] =	ssyncadd.s32 $0xFFFFC000  }
0x27f: {  	[tilespmem:s2], [sflag:$0x1] =	stream.strided.gather [hbm4b:s1+s4], $0x4000, s6, s4, $0x38;
	[tilespmem:$0x10000] =	vst v63  }
0x280: {  	_ =	swait.ge [sflag:s19], $0x4000  }
0x281: {  	[sflag:s19] =	ssyncset.done $0x0  }
0x282: {  	s1 =	rddreg [dreg:$0xa];
	[sflag:s19] =	ssyncadd.s32 $0xFFFFC000  }
0x283: {  	[hbm4b:s1+s4] =	stream.strided.scatter [tilespmem:s10], [sflag:$0x7], $0x4000, s6, s4, $0x38;
	[tilespmem:$0x10000] =	vst v63  }
0x284: {  	_ =	swait.ge [sflag:s30], $0x4000  }
0x285: {  	[sflag:s30] =	ssyncset.done $0x0  }
0x286: {  	s1 =	rddreg [dreg:$0xb];
	[sflag:s30] =	ssyncadd.s32 $0xFFFFC000  }
0x287: {  	[tilespmem:s13], [sflag:$0x2] =	stream.strided.gather [hbm4b:s1+s4], $0x4000, s6, s4, $0x38;
	[tilespmem:$0x10000] =	vst v63  }
0x288: {  	_ =	swait.ge [sflag:s17], $0x4000  }
0x289: {  	[sflag:s17] =	ssyncset.done $0x0  }
0x28a: {  	s1 =	rddreg [dreg:$0xc];
	[sflag:s17] =	ssyncadd.s32 $0xFFFFC000  }
0x28b: {  	[hbm4b:s1+s4] =	stream.strided.scatter [tilespmem:s8], [sflag:$0x8], $0x4000, s6, s4, $0x38;
	[tilespmem:$0x10000] =	vst v63  }
0x28c: {  	_ =	swait.ge [sflag:s14], $0x4000  }
0x28d: {  	[sflag:s14] =	ssyncset.done $0x0  }
0x28e: {  	s1 =	rddreg [dreg:$0xd];
	[sflag:s14] =	ssyncadd.s32 $0xFFFFC000  }
0x28f: {  	[tilespmem:s10], [sflag:$0x3] =	stream.strided.gather [hbm4b:s1+s4], $0x4000, s6, s4, $0x38;
	[tilespmem:$0x10000] =	vst v63  }
0x290: {  	_ =	swait.ge [sflag:s22], $0x4000  }
0x291: {  	[sflag:s22] =	ssyncset.done $0x0  }
0x292: {  	s1 =	rddreg [dreg:$0xe];
	[sflag:s22] =	ssyncadd.s32 $0xFFFFC000  }
0x293: {  	[hbm4b:s1+s4] =	stream.strided.scatter [tilespmem:s2], [sflag:$0x5], $0x4000, s6, s4, $0x38;
	[tilespmem:$0x10000] =	vst v63  }
0x294: {  	_ =	swait.ge [sflag:s11], $0x4000  }
0x295: {  	[sflag:s11] =	ssyncset.done $0x0  }
0x296: {  	s1 =	rddreg [dreg:$0xf];
	[sflag:s11] =	ssyncadd.s32 $0xFFFFC000  }
0x297: {  	[tilespmem:s8], [sflag:$0x4] =	stream.strided.gather [hbm4b:s1+s4], $0x4000, s6, s4, $0x38;
	[tilespmem:$0x10000] =	vst v63  }
0x298: {  	_ =	swait.ge [sflag:s18], $0x4000  }
0x299: {  	[sflag:s18] =	ssyncset.done $0x0  }
0x29a: {  	s1 =	rddreg [dreg:$0x10];
	[sflag:s18] =	ssyncadd.s32 $0xFFFFC000  }
0x29b: {  	[hbm4b:s1+s4] =	stream.strided.scatter [tilespmem:s13], [sflag:$0x6], $0x4000, s6, s4, $0x38;
	[tilespmem:$0x10000] =	vst v63  }
0x29c: {  	_ =	swait.ge [sflag:s31], $0x4000  }
0x29d: {  	[sflag:s31] =	ssyncset.done $0x0  }
0x29e: {  	s1 =	rddreg [dreg:$0x11];
	[sflag:s31] =	ssyncadd.s32 $0xFFFFC000  }
0x29f: {  	[tilespmem:s2], [sflag:$0x1] =	stream.strided.gather [hbm4b:s1+s4], $0x4000, s6, s4, $0x38;
	[tilespmem:$0x10000] =	vst v63  }
0x2a0: {  	_ =	swait.ge [sflag:s19], $0x4000  }
0x2a1: {  	[sflag:s19] =	ssyncset.done $0x0  }
0x2a2: {  	s1 =	rddreg [dreg:$0x12];
	[sflag:s19] =	ssyncadd.s32 $0xFFFFC000  }
0x2a3: {  	[hbm4b:s1+s4] =	stream.strided.scatter [tilespmem:s10], [sflag:$0x7], $0x4000, s6, s4, $0x38;
	[tilespmem:$0x10000] =	vst v63  }
0x2a4: {  	_ =	swait.ge [sflag:s30], $0x4000  }
0x2a5: {  	[sflag:s30] =	ssyncset.done $0x0  }
0x2a6: {  	s1 =	rddreg [dreg:$0x13];
	[sflag:s30] =	ssyncadd.s32 $0xFFFFC000  }
0x2a7: {  	[tilespmem:s13], [sflag:$0x2] =	stream.strided.gather [hbm4b:s1+s4], $0x4000, s6, s4, $0x38;
	[tilespmem:$0x10000] =	vst v63  }
0x2a8: {  	_ =	swait.ge [sflag:s17], $0x4000  }
0x2a9: {  	[sflag:s17] =	ssyncset.done $0x0  }
0x2aa: {  	s1 =	rddreg [dreg:$0x14];
	[sflag:s17] =	ssyncadd.s32 $0xFFFFC000  }
0x2ab: {  	[hbm4b:s1+s4] =	stream.strided.scatter [tilespmem:s8], [sflag:$0x8], $0x4000, s6, s4, $0x38;
	[tilespmem:$0x10000] =	vst v63  }
0x2ac: {  	_ =	swait.ge [sflag:s14], $0x4000  }
0x2ad: {  	[sflag:s14] =	ssyncset.done $0x0  }
0x2ae: {  	s1 =	rddreg [dreg:$0x15];
	[sflag:s14] =	ssyncadd.s32 $0xFFFFC000  }
0x2af: {  	[tilespmem:s10], [sflag:$0x3] =	stream.strided.gather [hbm4b:s1+s4], $0x4000, s6, s4, $0x38;
	[tilespmem:$0x10000] =	vst v63  }
0x2b0: {  	_ =	swait.ge [sflag:s22], $0x4000  }
0x2b1: {  	[sflag:s22] =	ssyncset.done $0x0  }
0x2b2: {  	s1 =	rddreg [dreg:$0x16];
	[sflag:s22] =	ssyncadd.s32 $0xFFFFC000  }
0x2b3: {  	[hbm4b:s1+s4] =	stream.strided.scatter [tilespmem:s2], [sflag:$0x5], $0x4000, s6, s4, $0x38;
	[tilespmem:$0x10000] =	vst v63  }
0x2b4: {  	_ =	swait.ge [sflag:s11], $0x4000  }
0x2b5: {  	[sflag:s11] =	ssyncset.done $0x0  }
0x2b6: {  	s1 =	rddreg [dreg:$0x17];
	[sflag:s11] =	ssyncadd.s32 $0xFFFFC000  }
0x2b7: {  	[tilespmem:s8], [sflag:$0x4] =	stream.strided.gather [hbm4b:s1+s4], $0x4000, s6, s4, $0x38;
	[tilespmem:$0x10000] =	vst v63  }
0x2b8: {  	_ =	swait.ge [sflag:s18], $0x4000  }
0x2b9: {  	[sflag:s18] =	ssyncset.done $0x0  }
0x2ba: {  	s1 =	rddreg [dreg:$0x18];
	[sflag:s18] =	ssyncadd.s32 $0xFFFFC000  }
0x2bb: {  	[hbm4b:s1+s4] =	stream.strided.scatter [tilespmem:s13], [sflag:$0x6], $0x4000, s6, s4, $0x38;
	[tilespmem:$0x10000] =	vst v63  }
0x2bc: {  	_ =	swait.ge [sflag:s31], $0x4000  }
0x2bd: {  	[sflag:s31] =	ssyncset.done $0x0  }
0x2be: {  	s1 =	rddreg [dreg:$0x19];
	[sflag:s31] =	ssyncadd.s32 $0xFFFFC000  }
0x2bf: {  	[tilespmem:s2], [sflag:$0x1] =	stream.strided.gather [hbm4b:s1+s4], $0x4000, s6, s4, $0x38;
	[tilespmem:$0x10000] =	vst v63  }
0x2c0: {  	_ =	swait.ge [sflag:s19], $0x4000  }
0x2c1: {  	[sflag:s19] =	ssyncset.done $0x0  }
0x2c2: {  	s1 =	rddreg [dreg:$0x1a];
	[sflag:s19] =	ssyncadd.s32 $0xFFFFC000  }
0x2c3: {  	[hbm4b:s1+s4] =	stream.strided.scatter [tilespmem:s10], [sflag:$0x7], $0x4000, s6, s4, $0x38;
	[tilespmem:$0x10000] =	vst v63  }
0x2c4: {  	_ =	swait.ge [sflag:s30], $0x4000  }
0x2c5: {  	[sflag:s30] =	ssyncset.done $0x0  }
0x2c6: {  	s1 =	rddreg [dreg:$0x1b];
	[sflag:s30] =	ssyncadd.s32 $0xFFFFC000  }
0x2c7: {  	[tilespmem:s13], [sflag:$0x2] =	stream.strided.gather [hbm4b:s1+s4], $0x4000, s6, s4, $0x38;
	[tilespmem:$0x10000] =	vst v63  }
0x2c8: {  	_ =	swait.ge [sflag:s17], $0x4000  }
0x2c9: {  	[sflag:s17] =	ssyncset.done $0x0  }
0x2ca: {  	s1 =	rddreg [dreg:$0x1c];
	[sflag:s17] =	ssyncadd.s32 $0xFFFFC000  }
0x2cb: {  	[hbm4b:s1+s4] =	stream.strided.scatter [tilespmem:s8], [sflag:$0x8], $0x4000, s6, s4, $0x38;
	[tilespmem:$0x10000] =	vst v63  }
0x2cc: {  	_ =	swait.ge [sflag:s14], $0x4000  }
0x2cd: {  	[sflag:s14] =	ssyncset.done $0x0  }
0x2ce: {  	s1 =	rddreg [dreg:$0x1d];
	[sflag:s14] =	ssyncadd.s32 $0xFFFFC000  }
0x2cf: {  	[tilespmem:s10], [sflag:$0x3] =	stream.strided.gather [hbm4b:s1+s4], $0x4000, s6, s4, $0x38;
	[tilespmem:$0x10000] =	vst v63  }
0x2d0: {  	_ =	swait.ge [sflag:s22], $0x4000  }
0x2d1: {  	[sflag:s22] =	ssyncset.done $0x0  }
0x2d2: {  	s1 =	rddreg [dreg:$0x1e];
	[sflag:s22] =	ssyncadd.s32 $0xFFFFC000  }
0x2d3: {  	[hbm4b:s1+s4] =	stream.strided.scatter [tilespmem:s2], [sflag:$0x5], $0x4000, s6, s4, $0x38;
	[tilespmem:$0x10000] =	vst v63  }
0x2d4: {  	_ =	swait.ge [sflag:s11], $0x4000  }
0x2d5: {  	[sflag:s11] =	ssyncset.done $0x0  }
0x2d6: {  	s1 =	rddreg [dreg:$0x1f];
	[sflag:s11] =	ssyncadd.s32 $0xFFFFC000  }
0x2d7: {  	[tilespmem:s8], [sflag:$0x4] =	stream.strided.gather [hbm4b:s1+s4], $0x4000, s6, s4, $0x38;
	[tilespmem:$0x10000] =	vst v63  }
0x2d8: {  	_ =	swait.ge [sflag:s18], $0x4000  }
0x2d9: {  	s1 =	sld [smem:$0x7EA]  }
0x2da: {  	[sflag:s18] =	ssyncset.done $0x0  }
0x2db: {  	[sflag:s18] =	ssyncadd.s32 $0xFFFFC000  }
0x2dc: {  	[hbm4b:s1+s4] =	stream.strided.scatter [tilespmem:s13], [sflag:$0x6], $0x4000, s6, s4, $0x38;
	[tilespmem:$0x10000] =	vst v63  }
0x2dd: {  	_ =	swait.ge [sflag:s31], $0x4000  }
0x2de: {  	s1 =	sld [smem:$0x7EB]  }
0x2df: {  	[sflag:s31] =	ssyncset.done $0x0  }
0x2e0: {  	[sflag:s31] =	ssyncadd.s32 $0xFFFFC000  }
0x2e1: {  	[tilespmem:s2], [sflag:$0x1] =	stream.strided.gather [hbm4b:s1+s4], $0x4000, s6, s4, $0x38;
	[tilespmem:$0x10000] =	vst v63  }
0x2e2: {  	_ =	swait.ge [sflag:s19], $0x4000  }
0x2e3: {  	s1 =	sld [smem:$0x7EC]  }
0x2e4: {  	[sflag:s19] =	ssyncset.done $0x0  }
0x2e5: {  	[sflag:s19] =	ssyncadd.s32 $0xFFFFC000  }
0x2e6: {  	[hbm4b:s1+s4] =	stream.strided.scatter [tilespmem:s10], [sflag:$0x7], $0x4000, s6, s4, $0x38;
	[tilespmem:$0x10000] =	vst v63  }
0x2e7: {  	_ =	swait.ge [sflag:s30], $0x4000  }
0x2e8: {  	s1 =	sld [smem:$0x7ED]  }
0x2e9: {  	[sflag:s30] =	ssyncset.done $0x0  }
0x2ea: {  	[sflag:s30] =	ssyncadd.s32 $0xFFFFC000  }
0x2eb: {  	[tilespmem:s13], [sflag:$0x2] =	stream.strided.gather [hbm4b:s1+s4], $0x4000, s6, s4, $0x38;
	[tilespmem:$0x10000] =	vst v63  }
0x2ec: {  	_ =	swait.ge [sflag:s17], $0x4000  }
0x2ed: {  	s1 =	sld [smem:$0x7EE]  }
0x2ee: {  	[sflag:s17] =	ssyncset.done $0x0  }
0x2ef: {  	[sflag:s17] =	ssyncadd.s32 $0xFFFFC000  }
0x2f0: {  	[hbm4b:s1+s4] =	stream.strided.scatter [tilespmem:s8], [sflag:$0x8], $0x4000, s6, s4, $0x38;
	[tilespmem:$0x10000] =	vst v63  }
0x2f1: {  	_ =	swait.ge [sflag:s14], $0x4000  }
0x2f2: {  	s1 =	sld [smem:$0x7EF]  }
0x2f3: {  	[sflag:s14] =	ssyncset.done $0x0  }
0x2f4: {  	[sflag:s14] =	ssyncadd.s32 $0xFFFFC000  }
0x2f5: {  	[tilespmem:s10], [sflag:$0x3] =	stream.strided.gather [hbm4b:s1+s4], $0x4000, s6, s4, $0x38;
	[tilespmem:$0x10000] =	vst v63  }
0x2f6: {  	_ =	swait.ge [sflag:s22], $0x4000  }
0x2f7: {  	s1 =	sld [smem:$0x7F0]  }
0x2f8: {  	[sflag:s22] =	ssyncset.done $0x0  }
0x2f9: {  	[sflag:s22] =	ssyncadd.s32 $0xFFFFC000  }
0x2fa: {  	[hbm4b:s1+s4] =	stream.strided.scatter [tilespmem:s2], [sflag:$0x5], $0x4000, s6, s4, $0x38;
	[tilespmem:$0x10000] =	vst v63  }
0x2fb: {  	_ =	swait.ge [sflag:s11], $0x4000  }
0x2fc: {  	s1 =	sld [smem:$0x7F1]  }
0x2fd: {  	[sflag:s11] =	ssyncset.done $0x0  }
0x2fe: {  	[sflag:s11] =	ssyncadd.s32 $0xFFFFC000  }
0x2ff: {  	[tilespmem:s8], [sflag:$0x4] =	stream.strided.gather [hbm4b:s1+s4], $0x4000, s6, s4, $0x38;
	[tilespmem:$0x10000] =	vst v63  }
0x300: {  	_ =	swait.ge [sflag:s18], $0x4000  }
0x301: {  	s1 =	sld [smem:$0x7F2]  }
0x302: {  	[sflag:s18] =	ssyncset.done $0x0  }
0x303: {  	[sflag:s18] =	ssyncadd.s32 $0xFFFFC000  }
0x304: {  	[hbm4b:s1+s4] =	stream.strided.scatter [tilespmem:s13], [sflag:$0x6], $0x4000, s6, s4, $0x38;
	[tilespmem:$0x10000] =	vst v63  }
0x305: {  	_ =	swait.ge [sflag:s31], $0x4000  }
0x306: {  	s1 =	sld [smem:$0x7F3]  }
0x307: {  	[sflag:s31] =	ssyncset.done $0x0  }
0x308: {  	[sflag:s31] =	ssyncadd.s32 $0xFFFFC000  }
0x309: {  	[tilespmem:s2], [sflag:$0x1] =	stream.strided.gather [hbm4b:s1+s4], $0x4000, s6, s4, $0x38;
	[tilespmem:$0x10000] =	vst v63  }
0x30a: {  	_ =	swait.ge [sflag:s19], $0x4000  }
0x30b: {  	s1 =	sld [smem:$0x7F4]  }
0x30c: {  	[sflag:s19] =	ssyncset.done $0x0  }
0x30d: {  	[sflag:s19] =	ssyncadd.s32 $0xFFFFC000  }
0x30e: {  	[hbm4b:s1+s4] =	stream.strided.scatter [tilespmem:s10], [sflag:$0x7], $0x4000, s6, s4, $0x38;
	[tilespmem:$0x10000] =	vst v63  }
0x30f: {  	_ =	swait.ge [sflag:s30], $0x4000  }
0x310: {  	s1 =	sld [smem:$0x7F5]  }
0x311: {  	[sflag:s30] =	ssyncset.done $0x0  }
0x312: {  	[sflag:s30] =	ssyncadd.s32 $0xFFFFC000  }
0x313: {  	[tilespmem:s13], [sflag:$0x2] =	stream.strided.gather [hbm4b:s1+s4], $0x4000, s6, s4, $0x38;
	[tilespmem:$0x10000] =	vst v63  }
0x314: {  	_ =	swait.ge [sflag:s17], $0x4000  }
0x315: {  	s1 =	sld [smem:$0x7F6]  }
0x316: {  	[sflag:s17] =	ssyncset.done $0x0  }
0x317: {  	[sflag:s17] =	ssyncadd.s32 $0xFFFFC000  }
0x318: {  	[hbm4b:s1+s4] =	stream.strided.scatter [tilespmem:s8], [sflag:$0x8], $0x4000, s6, s4, $0x38;
	[tilespmem:$0x10000] =	vst v63  }
0x319: {  	_ =	swait.ge [sflag:s14], $0x4000  }
0x31a: {  	s1 =	sld [smem:$0x7F7]  }
0x31b: {  	[sflag:s14] =	ssyncset.done $0x0  }
0x31c: {  	[sflag:s14] =	ssyncadd.s32 $0xFFFFC000  }
0x31d: {  	[tilespmem:s10], [sflag:$0x3] =	stream.strided.gather [hbm4b:s1+s4], $0x4000, s6, s4, $0x38;
	[tilespmem:$0x10000] =	vst v63  }
0x31e: {  	_ =	swait.ge [sflag:s22], $0x4000  }
0x31f: {  	s1 =	sld [smem:$0x7F8]  }
0x320: {  	[sflag:s22] =	ssyncset.done $0x0  }
0x321: {  	[sflag:s22] =	ssyncadd.s32 $0xFFFFC000  }
0x322: {  	[hbm4b:s1+s4] =	stream.strided.scatter [tilespmem:s2], [sflag:$0x5], $0x4000, s6, s4, $0x38;
	[tilespmem:$0x10000] =	vst v63  }
0x323: {  	_ =	swait.ge [sflag:s11], $0x4000  }
0x324: {  	s1 =	sld [smem:$0x7F9]  }
0x325: {  	[sflag:s11] =	ssyncset.done $0x0  }
0x326: {  	[sflag:s11] =	ssyncadd.s32 $0xFFFFC000  }
0x327: {  	[tilespmem:s8], [sflag:$0x4] =	stream.strided.gather [hbm4b:s1+s4], $0x4000, s6, s4, $0x38;
	[tilespmem:$0x10000] =	vst v63  }
0x328: {  	_ =	swait.ge [sflag:s18], $0x4000  }
0x329: {  	s1 =	sld [smem:$0x7FA]  }
0x32a: {  	[sflag:s18] =	ssyncset.done $0x0  }
0x32b: {  	[sflag:s18] =	ssyncadd.s32 $0xFFFFC000  }
0x32c: {  	[hbm4b:s1+s4] =	stream.strided.scatter [tilespmem:s13], [sflag:$0x6], $0x4000, s6, s4, $0x38;
	[tilespmem:$0x10000] =	vst v63  }
0x32d: {  	_ =	swait.ge [sflag:s31], $0x4000  }
0x32e: {  	s1 =	sld [smem:$0x7FB]  }
0x32f: {  	[sflag:s31] =	ssyncset.done $0x0  }
0x330: {  	[sflag:s31] =	ssyncadd.s32 $0xFFFFC000  }
0x331: {  	[tilespmem:s2], [sflag:$0x1] =	stream.strided.gather [hbm4b:s1+s4], $0x4000, s6, s4, $0x38;
	[tilespmem:$0x10000] =	vst v63  }
0x332: {  	_ =	swait.ge [sflag:s19], $0x4000  }
0x333: {  	s1 =	sld [smem:$0x7FC]  }
0x334: {  	[sflag:s19] =	ssyncset.done $0x0  }
0x335: {  	[sflag:s19] =	ssyncadd.s32 $0xFFFFC000  }
0x336: {  	[hbm4b:s1+s4] =	stream.strided.scatter [tilespmem:s10], [sflag:$0x7], $0x4000, s6, s4, $0x38;
	[tilespmem:$0x10000] =	vst v63  }
0x337: {  	_ =	swait.ge [sflag:s30], $0x4000  }
0x338: {  	s1 =	sld [smem:$0x7FD]  }
0x339: {  	[sflag:s30] =	ssyncset.done $0x0  }
0x33a: {  	[sflag:s30] =	ssyncadd.s32 $0xFFFFC000  }
0x33b: {  	[tilespmem:s13], [sflag:$0x2] =	stream.strided.gather [hbm4b:s1+s4], $0x4000, s6, s4, $0x38;
	[tilespmem:$0x10000] =	vst v63  }
0x33c: {  	_ =	swait.ge [sflag:s17], $0x4000  }
0x33d: {  	[sflag:s17] =	ssyncset.done $0x0  }
0x33e: {  	[sflag:s17] =	ssyncadd.s32 $0xFFFFC000  }
0x33f: {  	[hbm4b:s29+s4] =	stream.strided.scatter [tilespmem:s8], [sflag:$0x8], $0x4000, s6, s4, $0x38;
	[tilespmem:$0x10000] =	vst v63  }
0x340: {  	_ =	swait.ge [sflag:s14], $0x4000  }
0x341: {  	[sflag:s14] =	ssyncset.done $0x0  }
0x342: {  	[sflag:s14] =	ssyncadd.s32 $0xFFFFC000  }
0x343: {  	[tilespmem:s10], [sflag:$0x3] =	stream.strided.gather [hbm4b:s28+s4], $0x4000, s6, s4, $0x38;
	[tilespmem:$0x10000] =	vst v63  }
0x344: {  	_ =	swait.ge [sflag:s22], $0x4000  }
0x345: {  	[sflag:s22] =	ssyncset.done $0x0  }
0x346: {  	[sflag:s22] =	ssyncadd.s32 $0xFFFFC000  }
0x347: {  	[hbm4b:s26+s4] =	stream.strided.scatter [tilespmem:s2], [sflag:$0x5], $0x4000, s6, s4, $0x38;
	[tilespmem:$0x10000] =	vst v63  }
0x348: {  	_ =	swait.ge [sflag:s11], $0x4000  }
0x349: {  	[sflag:s11] =	ssyncset.done $0x0  }
0x34a: {  	[sflag:s11] =	ssyncadd.s32 $0xFFFFC000  }
0x34b: {  	[tilespmem:s8], [sflag:$0x4] =	stream.strided.gather [hbm4b:s25+s4], $0x4000, s6, s4, $0x38;
	[tilespmem:$0x10000] =	vst v63  }
0x34c: {  	_ =	swait.ge [sflag:s18], $0x4000  }
0x34d: {  	[sflag:s18] =	ssyncset.done $0x0  }
0x34e: {  	[sflag:s18] =	ssyncadd.s32 $0xFFFFC000  }
0x34f: {  	[hbm4b:s24+s4] =	stream.strided.scatter [tilespmem:s13], [sflag:$0x6], $0x4000, s6, s4, $0x38;
	[tilespmem:$0x10000] =	vst v63  }
0x350: {  	_ =	swait.ge [sflag:s31], $0x4000  }
0x351: {  	[sflag:s31] =	ssyncset.done $0x0  }
0x352: {  	[sflag:s31] =	ssyncadd.s32 $0xFFFFC000  }
0x353: {  	[tilespmem:s2], [sflag:$0x1] =	stream.strided.gather [hbm4b:s23+s4], $0x4000, s6, s4, $0x38;
	[tilespmem:$0x10000] =	vst v63  }
0x354: {  	_ =	swait.ge [sflag:s19], $0x4000  }
0x355: {  	[sflag:s19] =	ssyncset.done $0x0  }
0x356: {  	[sflag:s19] =	ssyncadd.s32 $0xFFFFC000  }
0x357: {  	[hbm4b:s21+s4] =	stream.strided.scatter [tilespmem:s10], [sflag:$0x7], $0x4000, s6, s4, $0x38;
	[tilespmem:$0x10000] =	vst v63  }
0x358: {  	_ =	swait.ge [sflag:s30], $0x4000  }
0x359: {  	[sflag:s30] =	ssyncset.done $0x0  }
0x35a: {  	[sflag:s30] =	ssyncadd.s32 $0xFFFFC000  }
0x35b: {  	[tilespmem:s13], [sflag:$0x2] =	stream.strided.gather [hbm4b:s20+s4], $0x4000, s6, s4, $0x38;
	[tilespmem:$0x10000] =	vst v63  }
0x35c: {  	_ =	swait.ge [sflag:s17], $0x4000  }
0x35d: {  	[sflag:s17] =	ssyncset.done $0x0  }
0x35e: {  	[sflag:s17] =	ssyncadd.s32 $0xFFFFC000  }
0x35f: {  	[hbm4b:s16+s4] =	stream.strided.scatter [tilespmem:s8], [sflag:$0x8], $0x4000, s6, s4, $0x38;
	[tilespmem:$0x10000] =	vst v63  }
0x360: {  	_ =	swait.ge [sflag:s14], $0x4000  }
0x361: {  	[sflag:s14] =	ssyncset.done $0x0  }
0x362: {  	[sflag:s14] =	ssyncadd.s32 $0xFFFFC000  }
0x363: {  	[tilespmem:s10], [sflag:$0x3] =	stream.strided.gather [hbm4b:s15+s4], $0x4000, s6, s4, $0x38;
	[tilespmem:$0x10000] =	vst v63  }
0x364: {  	_ =	swait.ge [sflag:s22], $0x4000  }
0x365: {  	[sflag:s22] =	ssyncset.done $0x0  }
0x366: {  	[sflag:s22] =	ssyncadd.s32 $0xFFFFC000  }
0x367: {  	[hbm4b:s12+s4] =	stream.strided.scatter [tilespmem:s2], [sflag:$0x5], $0x4000, s6, s4, $0x38;
	[tilespmem:$0x10000] =	vst v63  }
0x368: {  	_ =	swait.ge [sflag:s11], $0x4000  }
0x369: {  	[sflag:s11] =	ssyncset.done $0x0  }
0x36a: {  	[sflag:s11] =	ssyncadd.s32 $0xFFFFC000  }
0x36b: {  	[tilespmem:s8], [sflag:$0x4] =	stream.strided.gather [hbm4b:s9+s4], $0x4000, s6, s4, $0x38;
	[tilespmem:$0x10000] =	vst v63  }
0x36c: {  	_ =	swait.ge [sflag:s18], $0x4000  }
0x36d: {  	[sflag:s18] =	ssyncset.done $0x0  }
0x36e: {  	[sflag:s18] =	ssyncadd.s32 $0xFFFFC000  }
0x36f: {  	[hbm4b:s7+s4] =	stream.strided.scatter [tilespmem:s13], [sflag:$0x6], $0x4000, s6, s4, $0x38;
	[tilespmem:$0x10000] =	vst v63  }
0x370: {  	_ =	swait.ge [sflag:s19], $0x4000  }
0x371: {  	[sflag:s19] =	ssyncset.done $0x0  }
0x372: {  	[sflag:s19] =	ssyncadd.s32 $0xFFFFC000  }
0x373: {  	[hbm4b:s5+s4] =	stream.strided.scatter [tilespmem:s10], [sflag:$0x7], $0x4000, s6, s4, $0x38;
	[tilespmem:$0x10000] =	vst v63  }
0x374: {  	_ =	swait.ge [sflag:s17], $0x4000  }
0x375: {  	[sflag:s17] =	ssyncset.done $0x0  }
0x376: {  	[sflag:s17] =	ssyncadd.s32 $0xFFFFC000  }
0x377: {  	[hbm4b:s3+s4] =	stream.strided.scatter [tilespmem:s8], [sflag:$0x8], $0x4000, s6, s4, $0x38;
	[tilespmem:$0x10000] =	vst v63  }
0x378: {  	_ =	swait.ge [sflag:s14], $0x4000  }
0x379: {  	[sflag:s14] =	ssyncset.done $0x0  }
0x37a: {  	[sflag:s14] =	ssyncadd.s32 $0xFFFFC000  }
0x37b: {  	_ =	swait.ge [sflag:s11], $0x4000  }
0x37c: {  	[sflag:s11] =	ssyncset.done $0x0  }
0x37d: {  	[sflag:s11] =	ssyncadd.s32 $0xFFFFC000  }
0x37e: {  	_ =	sfence.sel $0x180000  }
0x37f: {  	[bflag:$0x0] =	sbarrier.arrive $0xFFFF  }
0x380: {  	_ =	strace $0x90000047  }
0x381: {  	s31 =	stileid.u32;
	[bflag:$0x2] =	sbarrier.arrive $0xFFFF  }
0x382: {  	p0 =	sne.s32 s31, $0x0;
	s0 =	rddreg [dreg:$0x2]  }
0x383: {  	s0 =	sadd.s32 @!p0 $0x100000, s0  }
0x384: {  	[sflag:s0] =	ssyncadd.tile.s32 @!p0 $0x1;
	_ =	shalt  }
.Lfunc_end2:
_tile_overlayer_lowered:
.L_overlay_start_2:
0x385: {  	(tag) =	ssettag $0x2  }
0x386: {  	s0 =	rddreg [dreg:$0x0];
	s2 =	stileid.u32  }
0x387: {  	s1 =	rddreg [dreg:$0x1];
	p0 =	sne.s32 s2, $0x0  }
0x388: {  	s3 =	rddreg [dreg:$0x2];
	[bflag:$0x3] =	sbarrier.arrive $0xFFFF;
	s2 =	simm.s32 @!p0 $0x1C09  }
0x389: {  	[timem:s3], [sflag:s2] =	dma.local @!p0 [hbm:s0], s1  }
0x38a: {  	s0 =	simm.s32 @!p0 $0x9  }
0x38b: {  	_ =	swait.ge @!p0 [sflag:s0], s1  }
0x38c: {  	s1 =	ssub.s32 @!p0 $0x0, s1;
	[sflag:s0] =	ssyncset.done @!p0 $0x0  }
0x38d: {  	[sflag:s0] =	ssyncadd.s32 @!p0 s1  }
0x38e: {  	[bflag:$0x3] =	sbarrier.arrive $0xFFFF  }
0x38f: {  	_ =	shalt  }

</sc_bundles>
